<compile_context>
chip_gen: v7x
topology: tpu7x:2x2x1
jax: 0.10.2.dev20260603
libtpu: 0.0.44.dev20260713+nightly
codegen_flags: <defaults>
</compile_context>

<pallas_src>
import numpy as np

import jax
import jax.numpy as jnp
from jax import lax
from jax.experimental import pallas as pl
from jax.experimental.pallas import tpu as pltpu
from jax.experimental.pallas import tpu_sc as plsc

N = 10000
NP = 10240
E = 320000
EP = 327680
NWORK = 32
CHUNKS = 80
CW = 128
RPT = NP // 16
DH = 16
DI = 128
DO = 128
RB = 2048

_PAD_EDGES = np.stack([
    (N + (np.arange(EP - E) * 7 + 3) % (NP - N)).astype(np.int32),
    (N + np.arange(EP - E) % (NP - N)).astype(np.int32),
])


def _mesh():
    return plsc.VectorSubcoreMesh(
        core_axis_name="c", subcore_axis_name="s", num_cores=2, num_subcores=16
    )


_SC_PARAMS = pltpu.CompilerParams(use_tc_tiling_on_sc=False)


def _rsqrt16(x):
    xi = lax.bitcast_convert_type(x, jnp.int32)
    yi = jnp.int32(0x5F3759DF) - (xi >> 1)
    y = lax.bitcast_convert_type(yi, jnp.float32)
    for _ in range(3):
        y = y * (1.5 - 0.5 * x * y * y)
    return y


def _edge_pipeline(srcv, dstv, bufs, gsh, accum, sg, ss):
    nb = len(bufs)
    ah = nb // 2
    for k in range(ah):
        pltpu.async_copy(gsh.at[srcv.at[k]], bufs[k], sg[k])

    @pl.loop(0, CHUNKS, step=nb)
    def _pipe(j0):
        for b in range(nb):
            j = j0 + b
            bn = (b + ah) % nb

            @pl.when(jnp.logical_and(j + ah < CHUNKS, j >= ah))
            def _():
                pltpu.make_async_copy(bufs[bn], accum.at[dstv.at[0]], ss[bn]).wait()

            @pl.when(j + ah < CHUNKS)
            def _():
                pltpu.async_copy(gsh.at[srcv.at[j + ah]], bufs[bn], sg[bn])

            pltpu.make_async_copy(gsh.at[srcv.at[0]], bufs[b], sg[b]).wait()
            pltpu.async_copy(bufs[b], accum.at[dstv.at[j]], ss[b], add=True)

    for b in range(nb):
        pltpu.make_async_copy(bufs[b], accum.at[dstv.at[0]], ss[b]).wait()


_NB = 4
_ROW_BUFS = [pltpu.VMEM((CW, DH), jnp.float32)] * _NB
_PIPE_SEMS = [pltpu.SemaphoreType.DMA] * (2 * _NB)


def _deg_body(er_hbm, ones_hbm, zeros_hbm, out_hbm, dstv, ones_rows, accum, sem, sem2):
    cid = lax.axis_index("c")
    sid = lax.axis_index("s")
    wid = cid * 16 + sid
    sl = pl.ds(sid * RPT, RPT)

    pltpu.async_copy(ones_hbm, ones_rows, sem2)
    pltpu.sync_copy(zeros_hbm, accum.at[sl])
    pltpu.sync_copy(er_hbm.at[1, wid], dstv)
    pltpu.make_async_copy(ones_hbm, ones_rows, sem2).wait()
    plsc.subcore_barrier()

    def ch(j, _):
        pltpu.async_copy(ones_rows, accum.at[dstv.at[j]], sem, add=True)
        return 0

    lax.fori_loop(0, CHUNKS, ch, 0)

    def dr(j, _):
        pltpu.make_async_copy(ones_rows, accum.at[dstv.at[0]], sem).wait()
        return 0

    lax.fori_loop(0, CHUNKS, dr, 0)
    plsc.subcore_barrier()

    pltpu.sync_copy(accum.at[sl], out_hbm.at[cid, sl])


_sc_deg = pl.kernel(
    _deg_body,
    out_type=jax.ShapeDtypeStruct((2, NP, DH), jnp.float32),
    mesh=_mesh(),
    scratch_types=[
        pltpu.VMEM((CHUNKS, CW), jnp.int32),
        pltpu.VMEM((CW, DH), jnp.float32),
        pltpu.VMEM_SHARED((NP, DH), jnp.float32),
        pltpu.SemaphoreType.DMA,
        pltpu.SemaphoreType.DMA,
    ],
    compiler_params=_SC_PARAMS,
)


def _agg1_body(
    h_hbm, d_hbm, er_hbm, zeros_hbm,
    s1_hbm, g1_hbm, dv_hbm,
    srcv, dstv, vh, vd0, vd1, gsh, accum,
    *bufs_sems,
):
    bufs = bufs_sems[:_NB]
    sg = bufs_sems[_NB:2 * _NB]
    ss = bufs_sems[2 * _NB:]
    g0, g1s, g2s = sg[0], sg[1], sg[2]
    s3 = ss[_NB - 1]
    cid = lax.axis_index("c")
    sid = lax.axis_index("s")
    wid = cid * 16 + sid
    sl = pl.ds(sid * RPT, RPT)

    pltpu.async_copy(h_hbm.at[sl], vh, g0)
    pltpu.async_copy(d_hbm.at[0, sl], vd0, g1s)
    pltpu.async_copy(d_hbm.at[1, sl], vd1, g2s)
    pltpu.sync_copy(zeros_hbm, accum.at[sl])
    pltpu.sync_copy(er_hbm.at[0, wid], srcv)
    pltpu.sync_copy(er_hbm.at[1, wid], dstv)
    pltpu.make_async_copy(h_hbm.at[sl], vh, g0).wait()
    pltpu.make_async_copy(d_hbm.at[0, sl], vd0, g1s).wait()
    pltpu.make_async_copy(d_hbm.at[1, sl], vd1, g2s).wait()

    def cb(i, _):
        deg = 1.0 + vd0[i, :] + vd1[i, :]
        dv = _rsqrt16(deg)
        vh[i, :] = vh[i, :] * dv
        vd1[i, :] = dv
        return 0

    lax.fori_loop(0, RPT, cb, 0, unroll=8)

    pltpu.async_copy(vh, g1_hbm.at[sl], s3)
    pltpu.async_copy(vd1, dv_hbm.at[sl], s3)
    pltpu.sync_copy(vh, gsh.at[sl])
    plsc.subcore_barrier()
    pltpu.make_async_copy(vh, g1_hbm.at[sl], s3).wait()
    pltpu.make_async_copy(vd1, dv_hbm.at[sl], s3).wait()
    _edge_pipeline(srcv, dstv, bufs, gsh, accum, sg, ss)
    plsc.subcore_barrier()
    pltpu.sync_copy(accum.at[sl], s1_hbm.at[cid, sl])


_sc_agg1 = pl.kernel(
    _agg1_body,
    out_type=[
        jax.ShapeDtypeStruct((2, NP, DH), jnp.float32),
        jax.ShapeDtypeStruct((NP, DH), jnp.float32),
        jax.ShapeDtypeStruct((NP, DH), jnp.float32),
    ],
    mesh=_mesh(),
    scratch_types=[
        pltpu.VMEM((CHUNKS, CW), jnp.int32),
        pltpu.VMEM((CHUNKS, CW), jnp.int32),
        pltpu.VMEM((RPT, DH), jnp.float32),
        pltpu.VMEM((RPT, DH), jnp.float32),
        pltpu.VMEM((RPT, DH), jnp.float32),
        pltpu.VMEM_SHARED((NP, DH), jnp.float32),
        pltpu.VMEM_SHARED((NP, DH), jnp.float32),
        *_ROW_BUFS,
        *_PIPE_SEMS,
    ],
    compiler_params=_SC_PARAMS,
)


def _agg2_body(
    s1_hbm, g1_hbm, dv_hbm, b1_hbm, er_hbm, zeros_hbm,
    s2_hbm, g2_hbm,
    srcv, dstv, vg, vs0, vs1, vdv, b1v, gsh, accum,
    *bufs_sems,
):
    bufs = bufs_sems[:_NB]
    sg = bufs_sems[_NB:2 * _NB]
    ss = bufs_sems[2 * _NB:]
    g0, g1s, g2s, g3 = sg[0], sg[1], sg[2], sg[3]
    s3 = ss[_NB - 1]
    cid = lax.axis_index("c")
    sid = lax.axis_index("s")
    wid = cid * 16 + sid
    sl = pl.ds(sid * RPT, RPT)

    pltpu.async_copy(g1_hbm.at[sl], vg, g0)
    pltpu.async_copy(s1_hbm.at[0, sl], vs0, g1s)
    pltpu.async_copy(s1_hbm.at[1, sl], vs1, g2s)
    pltpu.async_copy(dv_hbm.at[sl], vdv, g3)
    pltpu.sync_copy(zeros_hbm, accum.at[sl])
    pltpu.sync_copy(er_hbm.at[0, wid], srcv)
    pltpu.sync_copy(er_hbm.at[1, wid], dstv)
    pltpu.sync_copy(b1_hbm, b1v)
    b1 = b1v[...]
    pltpu.make_async_copy(g1_hbm.at[sl], vg, g0).wait()
    pltpu.make_async_copy(s1_hbm.at[0, sl], vs0, g1s).wait()
    pltpu.make_async_copy(s1_hbm.at[1, sl], vs1, g2s).wait()
    pltpu.make_async_copy(dv_hbm.at[sl], vdv, g3).wait()

    def cb(i, _):
        dv = vdv[i, :]
        o1 = dv * (vs0[i, :] + vs1[i, :] + vg[i, :]) + b1
        vg[i, :] = jnp.maximum(o1, 0.0) * dv
        return 0

    lax.fori_loop(0, RPT, cb, 0, unroll=8)

    pltpu.async_copy(vg, g2_hbm.at[sl], s3)
    pltpu.sync_copy(vg, gsh.at[sl])
    plsc.subcore_barrier()
    pltpu.make_async_copy(vg, g2_hbm.at[sl], s3).wait()
    _edge_pipeline(srcv, dstv, bufs, gsh, accum, sg, ss)
    plsc.subcore_barrier()
    pltpu.sync_copy(accum.at[sl], s2_hbm.at[cid, sl])


_sc_agg2 = pl.kernel(
    _agg2_body,
    out_type=[
        jax.ShapeDtypeStruct((2, NP, DH), jnp.float32),
        jax.ShapeDtypeStruct((NP, DH), jnp.float32),
    ],
    mesh=_mesh(),
    scratch_types=[
        pltpu.VMEM((CHUNKS, CW), jnp.int32),
        pltpu.VMEM((CHUNKS, CW), jnp.int32),
        pltpu.VMEM((RPT, DH), jnp.float32),
        pltpu.VMEM((RPT, DH), jnp.float32),
        pltpu.VMEM((RPT, DH), jnp.float32),
        pltpu.VMEM((RPT, DH), jnp.float32),
        pltpu.VMEM((DH,), jnp.float32),
        pltpu.VMEM_SHARED((NP, DH), jnp.float32),
        pltpu.VMEM_SHARED((NP, DH), jnp.float32),
        *_ROW_BUFS,
        *_PIPE_SEMS,
    ],
    compiler_params=_SC_PARAMS,
)


def _fin_body(s2_hbm, g2_hbm, dv_hbm, aggf_hbm, vs0, vs1, vg, vdv, g0, g1s, g2s, g3):
    sid = lax.axis_index("s")
    cid = lax.axis_index("c")
    w = sid * 2 + cid
    sl = pl.ds(w * (RPT // 2), RPT // 2)

    pltpu.async_copy(s2_hbm.at[0, sl], vs0, g0)
    pltpu.async_copy(s2_hbm.at[1, sl], vs1, g1s)
    pltpu.async_copy(g2_hbm.at[sl], vg, g2s)
    pltpu.async_copy(dv_hbm.at[sl], vdv, g3)
    pltpu.make_async_copy(s2_hbm.at[0, sl], vs0, g0).wait()
    pltpu.make_async_copy(s2_hbm.at[1, sl], vs1, g1s).wait()
    pltpu.make_async_copy(g2_hbm.at[sl], vg, g2s).wait()
    pltpu.make_async_copy(dv_hbm.at[sl], vdv, g3).wait()

    def cb(i, _):
        vg[i, :] = vdv[i, :] * (vs0[i, :] + vs1[i, :] + vg[i, :])
        return 0

    lax.fori_loop(0, RPT // 2, cb, 0, unroll=8)
    pltpu.sync_copy(vg, aggf_hbm.at[sl])


_sc_fin = pl.kernel(
    _fin_body,
    out_type=jax.ShapeDtypeStruct((NP, DH), jnp.float32),
    mesh=_mesh(),
    scratch_types=[
        pltpu.VMEM((RPT // 2, DH), jnp.float32),
        pltpu.VMEM((RPT // 2, DH), jnp.float32),
        pltpu.VMEM((RPT // 2, DH), jnp.float32),
        pltpu.VMEM((RPT // 2, DH), jnp.float32),
        pltpu.SemaphoreType.DMA,
        pltpu.SemaphoreType.DMA,
        pltpu.SemaphoreType.DMA,
        pltpu.SemaphoreType.DMA,
    ],
    compiler_params=_SC_PARAMS,
)


def _tc_a_body(x_ref, w_ref, h_ref):
    h_ref[...] = jnp.dot(x_ref[...], w_ref[...], preferred_element_type=jnp.float32)


def _tc_a(x, W1):
    return pl.pallas_call(
        _tc_a_body,
        grid=(NP // RB,),
        in_specs=[
            pl.BlockSpec((RB, DI), lambda i: (i, 0)),
            pl.BlockSpec((DI, DH), lambda i: (0, 0)),
        ],
        out_specs=pl.BlockSpec((RB, DH), lambda i: (i, 0)),
        out_shape=jax.ShapeDtypeStruct((NP, DH), jnp.float32),
    )(x, W1)


def _tc_c_body(a_ref, w_ref, b_ref, o_ref):
    o_ref[...] = (
        jnp.dot(a_ref[...], w_ref[...], preferred_element_type=jnp.float32)
        + b_ref[...]
    )


def _tc_c(aggf, W2, b2):
    return pl.pallas_call(
        _tc_c_body,
        grid=(NP // RB,),
        in_specs=[
            pl.BlockSpec((RB, DH), lambda i: (i, 0)),
            pl.BlockSpec((DH, DO), lambda i: (0, 0)),
            pl.BlockSpec((1, DO), lambda i: (0, 0)),
        ],
        out_specs=pl.BlockSpec((RB, DO), lambda i: (i, 0)),
        out_shape=jax.ShapeDtypeStruct((N, DO), jnp.float32),
    )(aggf, W2, b2)


def kernel(x, edge_index, W1, b1, W2, b2):
    er = jnp.concatenate(
        [edge_index, jnp.asarray(_PAD_EDGES)], axis=1
    ).reshape(2, NWORK, CHUNKS, CW)
    zeros_c = jnp.zeros((RPT, DH), jnp.float32)
    ones_c = jnp.ones((CW, DH), jnp.float32)

    h = _tc_a(x, W1)
    degp = _sc_deg(er, ones_c, zeros_c)
    s1, g1, dv = _sc_agg1(h, degp, er, zeros_c)
    s2, g2 = _sc_agg2(s1, g1, dv, b1, er, zeros_c)
    aggf = _sc_fin(s2, g2, dv)
    return _tc_c(aggf, W2, b2.reshape(1, DO))

# --- scband reference (transcript-rebuilt; emitter-appended) ---
"""Pipeline reference for scband-gcn-33114197852237 (READ-ONLY COPY).

The authoritative reference and input builder live on the scoring server;
editing this copy changes nothing except your own understanding.
"""

import jax, jax.numpy as jnp
import numpy as np

N = 10000
E = 320000
D_IN = 128
D_HID = 16
D_OUT = 128


def setup_inputs(seed: int = 0) -> dict:
    key = jax.random.key(seed)
    ks = jax.random.split(key, 6)
    x = jax.random.normal(ks[0], (N, D_IN), dtype=jnp.float32)
    # int32 used for portability on CPU jax (x64 disabled by default); values < N
    edge_index = jax.random.randint(ks[1], (2, E), 0, N, dtype=jnp.int32)
    W1 = jax.random.normal(ks[2], (D_IN, D_HID), dtype=jnp.float32) * (1.0 / np.sqrt(D_IN))
    b1 = jnp.zeros((D_HID,), dtype=jnp.float32)
    W2 = jax.random.normal(ks[3], (D_HID, D_OUT), dtype=jnp.float32) * (1.0 / np.sqrt(D_HID))
    b2 = jnp.zeros((D_OUT,), dtype=jnp.float32)
    return {"x": x, "edge_index": edge_index, "W1": W1, "b1": b1, "W2": W2, "b2": b2}


def gcn_conv(x, edge_index, W, b):
    # GCNConv: out = D^{-1/2} (A + I) D^{-1/2} X W + b  (symmetric norm, self loops)
    h = x @ W
    src = edge_index[0]
    dst = edge_index[1]
    loop = jnp.arange(N, dtype=edge_index.dtype)
    src = jnp.concatenate([src, loop])
    dst = jnp.concatenate([dst, loop])
    deg = jnp.zeros((N,), dtype=h.dtype).at[dst].add(1.0)
    dinv = jnp.where(deg > 0, jax.lax.rsqrt(deg), 0.0)
    norm = dinv[src] * dinv[dst]
    msgs = h[src] * norm[:, None]
    out = jax.ops.segment_sum(msgs, dst, num_segments=N)
    return out + b


def reference(x, edge_index, W1, b1, W2, b2):
    h = jax.nn.relu(gcn_conv(x, edge_index, W1, b1))
    # F.dropout(p=0.5) is identity in eval mode
    return gcn_conv(h, edge_index, W2, b2)

if __name__ == "__main__":
    import jax
    _d = setup_inputs()
    print(jax.jit(kernel)(*tuple(_d.values())))

</pallas_src>

<mosaic_0001>
#map = affine_map<(d0, d1) -> (0, 0, 0)>
#map1 = affine_map<(d0, d1) -> (0, 0)>
module attributes {stable_mosaic.version = 14 : i64} {
  func.func @_fin_body(%arg0: i32, %arg1: i32, %arg2: memref<2x10240x16xf32, #tpu.memory_space<hbm>>, %arg3: memref<10240x16xf32, #tpu.memory_space<hbm>>, %arg4: memref<10240x16xf32, #tpu.memory_space<hbm>>, %arg5: memref<10240x16xf32, #tpu.memory_space<hbm>>, %arg6: memref<320x16xf32, #tpu.memory_space<vmem>>, %arg7: memref<320x16xf32, #tpu.memory_space<vmem>>, %arg8: memref<320x16xf32, #tpu.memory_space<vmem>>, %arg9: memref<320x16xf32, #tpu.memory_space<vmem>>, %arg10: memref<!tpu.dma_semaphore, #tpu.memory_space<semaphore_mem>>, %arg11: memref<!tpu.dma_semaphore, #tpu.memory_space<semaphore_mem>>, %arg12: memref<!tpu.dma_semaphore, #tpu.memory_space<semaphore_mem>>, %arg13: memref<!tpu.dma_semaphore, #tpu.memory_space<semaphore_mem>>) attributes {dimension_semantics = [#tpu.dimension_semantics<core_parallel>, #tpu.dimension_semantics<subcore_parallel>], iteration_bounds = array<i64: 2, 16>, scalar_prefetch = 0 : i64, scratch_operands = 8 : i64, tpu.core_type = #tpu.core_type<sc_vector_subcore>, window_params = [{transform_indices = #map}, {transform_indices = #map1}, {transform_indices = #map1}, {transform_indices = #map1}]} {
    %mul3A = arith.constant 2 : i32
    %mul3A_0 = arith.muli %arg1, %mul3A : i32
    %add3A = arith.addi %mul3A_0, %arg0 : i32
    %mul3A_1 = arith.constant 320 : i32
    %mul3A_2 = arith.muli %add3A, %mul3A_1 : i32
    %dma_start3A = arith.constant 0 : i32
    %dma_start3A_3 = arith.constant 0 : i32
    %dma_start3A_4 = tpu.memref_slice %arg2[%dma_start3A, %mul3A_2, %dma_start3A_3] : memref<2x10240x16xf32, #tpu.memory_space<hbm>> -> memref<1x320x16xf32, #tpu.memory_space<hbm>>
    %dma_start3A_5 = tpu.memref_squeeze %dma_start3A_4 : memref<1x320x16xf32, #tpu.memory_space<hbm>> -> memref<320x16xf32, #tpu.memory_space<hbm>>
    %dma_start3A_6 = arith.constant 0 : i32
    %dma_start3A_7 = tpu.memref_slice %arg2[%dma_start3A, %mul3A_2, %dma_start3A_6] : memref<2x10240x16xf32, #tpu.memory_space<hbm>> -> memref<1x320x16xf32, #tpu.memory_space<hbm>>
    %dma_start3A_8 = tpu.memref_squeeze %dma_start3A_7 : memref<1x320x16xf32, #tpu.memory_space<hbm>> -> memref<320x16xf32, #tpu.memory_space<hbm>>
    tpu.enqueue_dma source(%dma_start3A_8 : memref<320x16xf32, #tpu.memory_space<hbm>>) target(%arg6 : memref<320x16xf32, #tpu.memory_space<vmem>>) target_semaphore(%arg10 : memref<!tpu.dma_semaphore, #tpu.memory_space<semaphore_mem>>)
    %dma_start3A_9 = arith.constant 1 : i32
    %dma_start3A_10 = arith.constant 0 : i32
    %dma_start3A_11 = tpu.memref_slice %arg2[%dma_start3A_9, %mul3A_2, %dma_start3A_10] : memref<2x10240x16xf32, #tpu.memory_space<hbm>> -> memref<1x320x16xf32, #tpu.memory_space<hbm>>
    %dma_start3A_12 = tpu.memref_squeeze %dma_start3A_11 : memref<1x320x16xf32, #tpu.memory_space<hbm>> -> memref<320x16xf32, #tpu.memory_space<hbm>>
    %dma_start3A_13 = arith.constant 0 : i32
    %dma_start3A_14 = tpu.memref_slice %arg2[%dma_start3A_9, %mul3A_2, %dma_start3A_13] : memref<2x10240x16xf32, #tpu.memory_space<hbm>> -> memref<1x320x16xf32, #tpu.memory_space<hbm>>
    %dma_start3A_15 = tpu.memref_squeeze %dma_start3A_14 : memref<1x320x16xf32, #tpu.memory_space<hbm>> -> memref<320x16xf32, #tpu.memory_space<hbm>>
    tpu.enqueue_dma source(%dma_start3A_15 : memref<320x16xf32, #tpu.memory_space<hbm>>) target(%arg7 : memref<320x16xf32, #tpu.memory_space<vmem>>) target_semaphore(%arg11 : memref<!tpu.dma_semaphore, #tpu.memory_space<semaphore_mem>>)
    %dma_start3A_16 = arith.constant 0 : i32
    %dma_start3A_17 = tpu.memref_slice %arg3[%mul3A_2, %dma_start3A_16] : memref<10240x16xf32, #tpu.memory_space<hbm>> -> memref<320x16xf32, #tpu.memory_space<hbm>>
    %dma_start3A_18 = arith.constant 0 : i32
    %dma_start3A_19 = tpu.memref_slice %arg3[%mul3A_2, %dma_start3A_18] : memref<10240x16xf32, #tpu.memory_space<hbm>> -> memref<320x16xf32, #tpu.memory_space<hbm>>
    tpu.enqueue_dma source(%dma_start3A_19 : memref<320x16xf32, #tpu.memory_space<hbm>>) target(%arg8 : memref<320x16xf32, #tpu.memory_space<vmem>>) target_semaphore(%arg12 : memref<!tpu.dma_semaphore, #tpu.memory_space<semaphore_mem>>)
    %dma_start3A_20 = arith.constant 0 : i32
    %dma_start3A_21 = tpu.memref_slice %arg4[%mul3A_2, %dma_start3A_20] : memref<10240x16xf32, #tpu.memory_space<hbm>> -> memref<320x16xf32, #tpu.memory_space<hbm>>
    %dma_start3A_22 = arith.constant 0 : i32
    %dma_start3A_23 = tpu.memref_slice %arg4[%mul3A_2, %dma_start3A_22] : memref<10240x16xf32, #tpu.memory_space<hbm>> -> memref<320x16xf32, #tpu.memory_space<hbm>>
    tpu.enqueue_dma source(%dma_start3A_23 : memref<320x16xf32, #tpu.memory_space<hbm>>) target(%arg9 : memref<320x16xf32, #tpu.memory_space<vmem>>) target_semaphore(%arg13 : memref<!tpu.dma_semaphore, #tpu.memory_space<semaphore_mem>>)
    %dma_wait3A = arith.constant 0 : i32
    %dma_wait3A_24 = arith.constant 0 : i32
    %dma_wait3A_25 = tpu.memref_slice %arg2[%dma_wait3A, %mul3A_2, %dma_wait3A_24] : memref<2x10240x16xf32, #tpu.memory_space<hbm>> -> memref<1x320x16xf32, #tpu.memory_space<hbm>>
    %dma_wait3A_26 = tpu.memref_squeeze %dma_wait3A_25 : memref<1x320x16xf32, #tpu.memory_space<hbm>> -> memref<320x16xf32, #tpu.memory_space<hbm>>
    %dma_wait3A_27 = arith.constant 0 : i32
    %dma_wait3A_28 = tpu.memref_slice %arg2[%dma_wait3A, %mul3A_2, %dma_wait3A_27] : memref<2x10240x16xf32, #tpu.memory_space<hbm>> -> memref<1x320x16xf32, #tpu.memory_space<hbm>>
    %dma_wait3A_29 = tpu.memref_squeeze %dma_wait3A_28 : memref<1x320x16xf32, #tpu.memory_space<hbm>> -> memref<320x16xf32, #tpu.memory_space<hbm>>
    tpu.wait_dma2 semaphore(%arg10 : memref<!tpu.dma_semaphore, #tpu.memory_space<semaphore_mem>>) src(%dma_wait3A_29 : memref<320x16xf32, #tpu.memory_space<hbm>>) dst(%arg6 : memref<320x16xf32, #tpu.memory_space<vmem>>)
    %dma_wait3A_30 = arith.constant 1 : i32
    %dma_wait3A_31 = arith.constant 0 : i32
    %dma_wait3A_32 = tpu.memref_slice %arg2[%dma_wait3A_30, %mul3A_2, %dma_wait3A_31] : memref<2x10240x16xf32, #tpu.memory_space<hbm>> -> memref<1x320x16xf32, #tpu.memory_space<hbm>>
    %dma_wait3A_33 = tpu.memref_squeeze %dma_wait3A_32 : memref<1x320x16xf32, #tpu.memory_space<hbm>> -> memref<320x16xf32, #tpu.memory_space<hbm>>
    %dma_wait3A_34 = arith.constant 0 : i32
    %dma_wait3A_35 = tpu.memref_slice %arg2[%dma_wait3A_30, %mul3A_2, %dma_wait3A_34] : memref<2x10240x16xf32, #tpu.memory_space<hbm>> -> memref<1x320x16xf32, #tpu.memory_space<hbm>>
    %dma_wait3A_36 = tpu.memref_squeeze %dma_wait3A_35 : memref<1x320x16xf32, #tpu.memory_space<hbm>> -> memref<320x16xf32, #tpu.memory_space<hbm>>
    tpu.wait_dma2 semaphore(%arg11 : memref<!tpu.dma_semaphore, #tpu.memory_space<semaphore_mem>>) src(%dma_wait3A_36 : memref<320x16xf32, #tpu.memory_space<hbm>>) dst(%arg7 : memref<320x16xf32, #tpu.memory_space<vmem>>)
    %dma_wait3A_37 = arith.constant 0 : i32
    %dma_wait3A_38 = tpu.memref_slice %arg3[%mul3A_2, %dma_wait3A_37] : memref<10240x16xf32, #tpu.memory_space<hbm>> -> memref<320x16xf32, #tpu.memory_space<hbm>>
    %dma_wait3A_39 = arith.constant 0 : i32
    %dma_wait3A_40 = tpu.memref_slice %arg3[%mul3A_2, %dma_wait3A_39] : memref<10240x16xf32, #tpu.memory_space<hbm>> -> memref<320x16xf32, #tpu.memory_space<hbm>>
    tpu.wait_dma2 semaphore(%arg12 : memref<!tpu.dma_semaphore, #tpu.memory_space<semaphore_mem>>) src(%dma_wait3A_40 : memref<320x16xf32, #tpu.memory_space<hbm>>) dst(%arg8 : memref<320x16xf32, #tpu.memory_space<vmem>>)
    %dma_wait3A_41 = arith.constant 0 : i32
    %dma_wait3A_42 = tpu.memref_slice %arg4[%mul3A_2, %dma_wait3A_41] : memref<10240x16xf32, #tpu.memory_space<hbm>> -> memref<320x16xf32, #tpu.memory_space<hbm>>
    %dma_wait3A_43 = arith.constant 0 : i32
    %dma_wait3A_44 = tpu.memref_slice %arg4[%mul3A_2, %dma_wait3A_43] : memref<10240x16xf32, #tpu.memory_space<hbm>> -> memref<320x16xf32, #tpu.memory_space<hbm>>
    tpu.wait_dma2 semaphore(%arg13 : memref<!tpu.dma_semaphore, #tpu.memory_space<semaphore_mem>>) src(%dma_wait3A_44 : memref<320x16xf32, #tpu.memory_space<hbm>>) dst(%arg9 : memref<320x16xf32, #tpu.memory_space<vmem>>)
    %scan3A = arith.constant 0 : i32
    %scan3A_45 = arith.constant 0 : i32
    %scan3A_46 = arith.constant 320 : i32
    %scan3A_47 = arith.addi %scan3A_45, %scan3A_46 : i32
    %scan3A_48 = arith.constant 8 : i32
    %scan3A_49 = scf.for %scan3A_51 = %scan3A_45 to %scan3A_47 step %scan3A_48 iter_args(%scan3A_52 = %scan3A) -> (i32)  : i32 {
      %get3A = arith.index_cast %scan3A_51 : i32 to index
      %get3A_53 = arith.constant 0 : index
      %get3A_54 = tpu.vector_load %arg9[%get3A, %get3A_53] {strides = array<i32>} : memref<320x16xf32, #tpu.memory_space<vmem>>, vector<1x16xf32>,
      %get3A_55 = vector.shape_cast %get3A_54 : vector<1x16xf32> to vector<16xf32>
      %get3A_56 = arith.index_cast %scan3A_51 : i32 to index
      %get3A_57 = arith.constant 0 : index
      %get3A_58 = tpu.vector_load %arg6[%get3A_56, %get3A_57] {strides = array<i32>} : memref<320x16xf32, #tpu.memory_space<vmem>>, vector<1x16xf32>,
      %get3A_59 = vector.shape_cast %get3A_58 : vector<1x16xf32> to vector<16xf32>
      %get3A_60 = arith.index_cast %scan3A_51 : i32 to index
      %get3A_61 = arith.constant 0 : index
      %get3A_62 = tpu.vector_load %arg7[%get3A_60, %get3A_61] {strides = array<i32>} : memref<320x16xf32, #tpu.memory_space<vmem>>, vector<1x16xf32>,
      %get3A_63 = vector.shape_cast %get3A_62 : vector<1x16xf32> to vector<16xf32>
      %add3A_64 = arith.addf %get3A_59, %get3A_63 : vector<16xf32>
      %get3A_65 = arith.index_cast %scan3A_51 : i32 to index
      %get3A_66 = arith.constant 0 : index
      %get3A_67 = tpu.vector_load %arg8[%get3A_65, %get3A_66] {strides = array<i32>} : memref<320x16xf32, #tpu.memory_space<vmem>>, vector<1x16xf32>,
      %get3A_68 = vector.shape_cast %get3A_67 : vector<1x16xf32> to vector<16xf32>
      %add3A_69 = arith.addf %add3A_64, %get3A_68 : vector<16xf32>
      %mul3A_70 = arith.mulf %get3A_55, %add3A_69 : vector<16xf32>
      %swap3A = arith.index_cast %scan3A_51 : i32 to index
      %swap3A_71 = arith.constant 0 : index
      %swap3A_72 = tpu.vector_load %arg8[%swap3A, %swap3A_71] {strides = array<i32>} : memref<320x16xf32, #tpu.memory_space<vmem>>, vector<1x16xf32>,
      %swap3A_73 = vector.shape_cast %swap3A_72 : vector<1x16xf32> to vector<16xf32>
      %swap3A_74 = vector.shape_cast %mul3A_70 : vector<16xf32> to vector<1x16xf32>
      tpu.vector_store %arg8[%swap3A, %swap3A_71], %swap3A_74 {strides = array<i32>} : memref<320x16xf32, #tpu.memory_space<vmem>>, vector<1x16xf32>,
      %scan3A_75 = arith.constant 0 : i32
      %scan3A_76 = arith.constant 1 : i32
      %scan3A_77 = arith.addi %scan3A_51, %scan3A_76 : i32
      %get3A_78 = arith.index_cast %scan3A_77 : i32 to index
      %get3A_79 = arith.constant 0 : index
      %get3A_80 = tpu.vector_load %arg9[%get3A_78, %get3A_79] {strides = array<i32>} : memref<320x16xf32, #tpu.memory_space<vmem>>, vector<1x16xf32>,
      %get3A_81 = vector.shape_cast %get3A_80 : vector<1x16xf32> to vector<16xf32>
      %get3A_82 = arith.index_cast %scan3A_77 : i32 to index
      %get3A_83 = arith.constant 0 : index
      %get3A_84 = tpu.vector_load %arg6[%get3A_82, %get3A_83] {strides = array<i32>} : memref<320x16xf32, #tpu.memory_space<vmem>>, vector<1x16xf32>,
      %get3A_85 = vector.shape_cast %get3A_84 : vector<1x16xf32> to vector<16xf32>
      %get3A_86 = arith.index_cast %scan3A_77 : i32 to index
      %get3A_87 = arith.constant 0 : index
      %get3A_88 = tpu.vector_load %arg7[%get3A_86, %get3A_87] {strides = array<i32>} : memref<320x16xf32, #tpu.memory_space<vmem>>, vector<1x16xf32>,
      %get3A_89 = vector.shape_cast %get3A_88 : vector<1x16xf32> to vector<16xf32>
      %add3A_90 = arith.addf %get3A_85, %get3A_89 : vector<16xf32>
      %get3A_91 = arith.index_cast %scan3A_77 : i32 to index
      %get3A_92 = arith.constant 0 : index
      %get3A_93 = tpu.vector_load %arg8[%get3A_91, %get3A_92] {strides = array<i32>} : memref<320x16xf32, #tpu.memory_space<vmem>>, vector<1x16xf32>,
      %get3A_94 = vector.shape_cast %get3A_93 : vector<1x16xf32> to vector<16xf32>
      %add3A_95 = arith.addf %add3A_90, %get3A_94 : vector<16xf32>
      %mul3A_96 = arith.mulf %get3A_81, %add3A_95 : vector<16xf32>
      %swap3A_97 = arith.index_cast %scan3A_77 : i32 to index
      %swap3A_98 = arith.constant 0 : index
      %swap3A_99 = tpu.vector_load %arg8[%swap3A_97, %swap3A_98] {strides = array<i32>} : memref<320x16xf32, #tpu.memory_space<vmem>>, vector<1x16xf32>,
      %swap3A_100 = vector.shape_cast %swap3A_99 : vector<1x16xf32> to vector<16xf32>
      %swap3A_101 = vector.shape_cast %mul3A_96 : vector<16xf32> to vector<1x16xf32>
      tpu.vector_store %arg8[%swap3A_97, %swap3A_98], %swap3A_101 {strides = array<i32>} : memref<320x16xf32, #tpu.memory_space<vmem>>, vector<1x16xf32>,
      %scan3A_102 = arith.constant 0 : i32
      %scan3A_103 = arith.constant 2 : i32
      %scan3A_104 = arith.addi %scan3A_51, %scan3A_103 : i32
      %get3A_105 = arith.index_cast %scan3A_104 : i32 to index
      %get3A_106 = arith.constant 0 : index
      %get3A_107 = tpu.vector_load %arg9[%get3A_105, %get3A_106] {strides = array<i32>} : memref<320x16xf32, #tpu.memory_space<vmem>>, vector<1x16xf32>,
      %get3A_108 = vector.shape_cast %get3A_107 : vector<1x16xf32> to vector<16xf32>
      %get3A_109 = arith.index_cast %scan3A_104 : i32 to index
      %get3A_110 = arith.constant 0 : index
      %get3A_111 = tpu.vector_load %arg6[%get3A_109, %get3A_110] {strides = array<i32>} : memref<320x16xf32, #tpu.memory_space<vmem>>, vector<1x16xf32>,
      %get3A_112 = vector.shape_cast %get3A_111 : vector<1x16xf32> to vector<16xf32>
      %get3A_113 = arith.index_cast %scan3A_104 : i32 to index
      %get3A_114 = arith.constant 0 : index
      %get3A_115 = tpu.vector_load %arg7[%get3A_113, %get3A_114] {strides = array<i32>} : memref<320x16xf32, #tpu.memory_space<vmem>>, vector<1x16xf32>,
      %get3A_116 = vector.shape_cast %get3A_115 : vector<1x16xf32> to vector<16xf32>
      %add3A_117 = arith.addf %get3A_112, %get3A_116 : vector<16xf32>
      %get3A_118 = arith.index_cast %scan3A_104 : i32 to index
      %get3A_119 = arith.constant 0 : index
      %get3A_120 = tpu.vector_load %arg8[%get3A_118, %get3A_119] {strides = array<i32>} : memref<320x16xf32, #tpu.memory_space<vmem>>, vector<1x16xf32>,
      %get3A_121 = vector.shape_cast %get3A_120 : vector<1x16xf32> to vector<16xf32>
      %add3A_122 = arith.addf %add3A_117, %get3A_121 : vector<16xf32>
      %mul3A_123 = arith.mulf %get3A_108, %add3A_122 : vector<16xf32>
      %swap3A_124 = arith.index_cast %scan3A_104 : i32 to index
      %swap3A_125 = arith.constant 0 : index
      %swap3A_126 = tpu.vector_load %arg8[%swap3A_124, %swap3A_125] {strides = array<i32>} : memref<320x16xf32, #tpu.memory_space<vmem>>, vector<1x16xf32>,
      %swap3A_127 = vector.shape_cast %swap3A_126 : vector<1x16xf32> to vector<16xf32>
      %swap3A_128 = vector.shape_cast %mul3A_123 : vector<16xf32> to vector<1x16xf32>
      tpu.vector_store %arg8[%swap3A_124, %swap3A_125], %swap3A_128 {strides = array<i32>} : memref<320x16xf32, #tpu.memory_space<vmem>>, vector<1x16xf32>,
      %scan3A_129 = arith.constant 0 : i32
      %scan3A_130 = arith.constant 3 : i32
      %scan3A_131 = arith.addi %scan3A_51, %scan3A_130 : i32
      %get3A_132 = arith.index_cast %scan3A_131 : i32 to index
      %get3A_133 = arith.constant 0 : index
      %get3A_134 = tpu.vector_load %arg9[%get3A_132, %get3A_133] {strides = array<i32>} : memref<320x16xf32, #tpu.memory_space<vmem>>, vector<1x16xf32>,
      %get3A_135 = vector.shape_cast %get3A_134 : vector<1x16xf32> to vector<16xf32>
      %get3A_136 = arith.index_cast %scan3A_131 : i32 to index
      %get3A_137 = arith.constant 0 : index
      %get3A_138 = tpu.vector_load %arg6[%get3A_136, %get3A_137] {strides = array<i32>} : memref<320x16xf32, #tpu.memory_space<vmem>>, vector<1x16xf32>,
      %get3A_139 = vector.shape_cast %get3A_138 : vector<1x16xf32> to vector<16xf32>
      %get3A_140 = arith.index_cast %scan3A_131 : i32 to index
      %get3A_141 = arith.constant 0 : index
      %get3A_142 = tpu.vector_load %arg7[%get3A_140, %get3A_141] {strides = array<i32>} : memref<320x16xf32, #tpu.memory_space<vmem>>, vector<1x16xf32>,
      %get3A_143 = vector.shape_cast %get3A_142 : vector<1x16xf32> to vector<16xf32>
      %add3A_144 = arith.addf %get3A_139, %get3A_143 : vector<16xf32>
      %get3A_145 = arith.index_cast %scan3A_131 : i32 to index
      %get3A_146 = arith.constant 0 : index
      %get3A_147 = tpu.vector_load %arg8[%get3A_145, %get3A_146] {strides = array<i32>} : memref<320x16xf32, #tpu.memory_space<vmem>>, vector<1x16xf32>,
      %get3A_148 = vector.shape_cast %get3A_147 : vector<1x16xf32> to vector<16xf32>
      %add3A_149 = arith.addf %add3A_144, %get3A_148 : vector<16xf32>
      %mul3A_150 = arith.mulf %get3A_135, %add3A_149 : vector<16xf32>
      %swap3A_151 = arith.index_cast %scan3A_131 : i32 to index
      %swap3A_152 = arith.constant 0 : index
      %swap3A_153 = tpu.vector_load %arg8[%swap3A_151, %swap3A_152] {strides = array<i32>} : memref<320x16xf32, #tpu.memory_space<vmem>>, vector<1x16xf32>,
      %swap3A_154 = vector.shape_cast %swap3A_153 : vector<1x16xf32> to vector<16xf32>
      %swap3A_155 = vector.shape_cast %mul3A_150 : vector<16xf32> to vector<1x16xf32>
      tpu.vector_store %arg8[%swap3A_151, %swap3A_152], %swap3A_155 {strides = array<i32>} : memref<320x16xf32, #tpu.memory_space<vmem>>, vector<1x16xf32>,
      %scan3A_156 = arith.constant 0 : i32
      %scan3A_157 = arith.constant 4 : i32
      %scan3A_158 = arith.addi %scan3A_51, %scan3A_157 : i32
      %get3A_159 = arith.index_cast %scan3A_158 : i32 to index
      %get3A_160 = arith.constant 0 : index
      %get3A_161 = tpu.vector_load %arg9[%get3A_159, %get3A_160] {strides = array<i32>} : memref<320x16xf32, #tpu.memory_space<vmem>>, vector<1x16xf32>,
      %get3A_162 = vector.shape_cast %get3A_161 : vector<1x16xf32> to vector<16xf32>
      %get3A_163 = arith.index_cast %scan3A_158 : i32 to index
      %get3A_164 = arith.constant 0 : index
      %get3A_165 = tpu.vector_load %arg6[%get3A_163, %get3A_164] {strides = array<i32>} : memref<320x16xf32, #tpu.memory_space<vmem>>, vector<1x16xf32>,
      %get3A_166 = vector.shape_cast %get3A_165 : vector<1x16xf32> to vector<16xf32>
      %get3A_167 = arith.index_cast %scan3A_158 : i32 to index
      %get3A_168 = arith.constant 0 : index
      %get3A_169 = tpu.vector_load %arg7[%get3A_167, %get3A_168] {strides = array<i32>} : memref<320x16xf32, #tpu.memory_space<vmem>>, vector<1x16xf32>,
      %get3A_170 = vector.shape_cast %get3A_169 : vector<1x16xf32> to vector<16xf32>
      %add3A_171 = arith.addf %get3A_166, %get3A_170 : vector<16xf32>
      %get3A_172 = arith.index_cast %scan3A_158 : i32 to index
      %get3A_173 = arith.constant 0 : index
      %get3A_174 = tpu.vector_load %arg8[%get3A_172, %get3A_173] {strides = array<i32>} : memref<320x16xf32, #tpu.memory_space<vmem>>, vector<1x16xf32>,
      %get3A_175 = vector.shape_cast %get3A_174 : vector<1x16xf32> to vector<16xf32>
      %add3A_176 = arith.addf %add3A_171, %get3A_175 : vector<16xf32>
      %mul3A_177 = arith.mulf %get3A_162, %add3A_176 : vector<16xf32>
      %swap3A_178 = arith.index_cast %scan3A_158 : i32 to index
      %swap3A_179 = arith.constant 0 : index
      %swap3A_180 = tpu.vector_load %arg8[%swap3A_178, %swap3A_179] {strides = array<i32>} : memref<320x16xf32, #tpu.memory_space<vmem>>, vector<1x16xf32>,
      %swap3A_181 = vector.shape_cast %swap3A_180 : vector<1x16xf32> to vector<16xf32>
      %swap3A_182 = vector.shape_cast %mul3A_177 : vector<16xf32> to vector<1x16xf32>
      tpu.vector_store %arg8[%swap3A_178, %swap3A_179], %swap3A_182 {strides = array<i32>} : memref<320x16xf32, #tpu.memory_space<vmem>>, vector<1x16xf32>,
      %scan3A_183 = arith.constant 0 : i32
      %scan3A_184 = arith.constant 5 : i32
      %scan3A_185 = arith.addi %scan3A_51, %scan3A_184 : i32
      %get3A_186 = arith.index_cast %scan3A_185 : i32 to index
      %get3A_187 = arith.constant 0 : index
      %get3A_188 = tpu.vector_load %arg9[%get3A_186, %get3A_187] {strides = array<i32>} : memref<320x16xf32, #tpu.memory_space<vmem>>, vector<1x16xf32>,
      %get3A_189 = vector.shape_cast %get3A_188 : vector<1x16xf32> to vector<16xf32>
      %get3A_190 = arith.index_cast %scan3A_185 : i32 to index
      %get3A_191 = arith.constant 0 : index
      %get3A_192 = tpu.vector_load %arg6[%get3A_190, %get3A_191] {strides = array<i32>} : memref<320x16xf32, #tpu.memory_space<vmem>>, vector<1x16xf32>,
      %get3A_193 = vector.shape_cast %get3A_192 : vector<1x16xf32> to vector<16xf32>
      %get3A_194 = arith.index_cast %scan3A_185 : i32 to index
      %get3A_195 = arith.constant 0 : index
      %get3A_196 = tpu.vector_load %arg7[%get3A_194, %get3A_195] {strides = array<i32>} : memref<320x16xf32, #tpu.memory_space<vmem>>, vector<1x16xf32>,
      %get3A_197 = vector.shape_cast %get3A_196 : vector<1x16xf32> to vector<16xf32>
      %add3A_198 = arith.addf %get3A_193, %get3A_197 : vector<16xf32>
      %get3A_199 = arith.index_cast %scan3A_185 : i32 to index
      %get3A_200 = arith.constant 0 : index
      %get3A_201 = tpu.vector_load %arg8[%get3A_199, %get3A_200] {strides = array<i32>} : memref<320x16xf32, #tpu.memory_space<vmem>>, vector<1x16xf32>,
      %get3A_202 = vector.shape_cast %get3A_201 : vector<1x16xf32> to vector<16xf32>
      %add3A_203 = arith.addf %add3A_198, %get3A_202 : vector<16xf32>
      %mul3A_204 = arith.mulf %get3A_189, %add3A_203 : vector<16xf32>
      %swap3A_205 = arith.index_cast %scan3A_185 : i32 to index
      %swap3A_206 = arith.constant 0 : index
      %swap3A_207 = tpu.vector_load %arg8[%swap3A_205, %swap3A_206] {strides = array<i32>} : memref<320x16xf32, #tpu.memory_space<vmem>>, vector<1x16xf32>,
      %swap3A_208 = vector.shape_cast %swap3A_207 : vector<1x16xf32> to vector<16xf32>
      %swap3A_209 = vector.shape_cast %mul3A_204 : vector<16xf32> to vector<1x16xf32>
      tpu.vector_store %arg8[%swap3A_205, %swap3A_206], %swap3A_209 {strides = array<i32>} : memref<320x16xf32, #tpu.memory_space<vmem>>, vector<1x16xf32>,
      %scan3A_210 = arith.constant 0 : i32
      %scan3A_211 = arith.constant 6 : i32
      %scan3A_212 = arith.addi %scan3A_51, %scan3A_211 : i32
      %get3A_213 = arith.index_cast %scan3A_212 : i32 to index
      %get3A_214 = arith.constant 0 : index
      %get3A_215 = tpu.vector_load %arg9[%get3A_213, %get3A_214] {strides = array<i32>} : memref<320x16xf32, #tpu.memory_space<vmem>>, vector<1x16xf32>,
      %get3A_216 = vector.shape_cast %get3A_215 : vector<1x16xf32> to vector<16xf32>
      %get3A_217 = arith.index_cast %scan3A_212 : i32 to index
      %get3A_218 = arith.constant 0 : index
      %get3A_219 = tpu.vector_load %arg6[%get3A_217, %get3A_218] {strides = array<i32>} : memref<320x16xf32, #tpu.memory_space<vmem>>, vector<1x16xf32>,
      %get3A_220 = vector.shape_cast %get3A_219 : vector<1x16xf32> to vector<16xf32>
      %get3A_221 = arith.index_cast %scan3A_212 : i32 to index
      %get3A_222 = arith.constant 0 : index
      %get3A_223 = tpu.vector_load %arg7[%get3A_221, %get3A_222] {strides = array<i32>} : memref<320x16xf32, #tpu.memory_space<vmem>>, vector<1x16xf32>,
      %get3A_224 = vector.shape_cast %get3A_223 : vector<1x16xf32> to vector<16xf32>
      %add3A_225 = arith.addf %get3A_220, %get3A_224 : vector<16xf32>
      %get3A_226 = arith.index_cast %scan3A_212 : i32 to index
      %get3A_227 = arith.constant 0 : index
      %get3A_228 = tpu.vector_load %arg8[%get3A_226, %get3A_227] {strides = array<i32>} : memref<320x16xf32, #tpu.memory_space<vmem>>, vector<1x16xf32>,
      %get3A_229 = vector.shape_cast %get3A_228 : vector<1x16xf32> to vector<16xf32>
      %add3A_230 = arith.addf %add3A_225, %get3A_229 : vector<16xf32>
      %mul3A_231 = arith.mulf %get3A_216, %add3A_230 : vector<16xf32>
      %swap3A_232 = arith.index_cast %scan3A_212 : i32 to index
      %swap3A_233 = arith.constant 0 : index
      %swap3A_234 = tpu.vector_load %arg8[%swap3A_232, %swap3A_233] {strides = array<i32>} : memref<320x16xf32, #tpu.memory_space<vmem>>, vector<1x16xf32>,
      %swap3A_235 = vector.shape_cast %swap3A_234 : vector<1x16xf32> to vector<16xf32>
      %swap3A_236 = vector.shape_cast %mul3A_231 : vector<16xf32> to vector<1x16xf32>
      tpu.vector_store %arg8[%swap3A_232, %swap3A_233], %swap3A_236 {strides = array<i32>} : memref<320x16xf32, #tpu.memory_space<vmem>>, vector<1x16xf32>,
      %scan3A_237 = arith.constant 0 : i32
      %scan3A_238 = arith.constant 7 : i32
      %scan3A_239 = arith.addi %scan3A_51, %scan3A_238 : i32
      %get3A_240 = arith.index_cast %scan3A_239 : i32 to index
      %get3A_241 = arith.constant 0 : index
      %get3A_242 = tpu.vector_load %arg9[%get3A_240, %get3A_241] {strides = array<i32>} : memref<320x16xf32, #tpu.memory_space<vmem>>, vector<1x16xf32>,
      %get3A_243 = vector.shape_cast %get3A_242 : vector<1x16xf32> to vector<16xf32>
      %get3A_244 = arith.index_cast %scan3A_239 : i32 to index
      %get3A_245 = arith.constant 0 : index
      %get3A_246 = tpu.vector_load %arg6[%get3A_244, %get3A_245] {strides = array<i32>} : memref<320x16xf32, #tpu.memory_space<vmem>>, vector<1x16xf32>,
      %get3A_247 = vector.shape_cast %get3A_246 : vector<1x16xf32> to vector<16xf32>
      %get3A_248 = arith.index_cast %scan3A_239 : i32 to index
      %get3A_249 = arith.constant 0 : index
      %get3A_250 = tpu.vector_load %arg7[%get3A_248, %get3A_249] {strides = array<i32>} : memref<320x16xf32, #tpu.memory_space<vmem>>, vector<1x16xf32>,
      %get3A_251 = vector.shape_cast %get3A_250 : vector<1x16xf32> to vector<16xf32>
      %add3A_252 = arith.addf %get3A_247, %get3A_251 : vector<16xf32>
      %get3A_253 = arith.index_cast %scan3A_239 : i32 to index
      %get3A_254 = arith.constant 0 : index
      %get3A_255 = tpu.vector_load %arg8[%get3A_253, %get3A_254] {strides = array<i32>} : memref<320x16xf32, #tpu.memory_space<vmem>>, vector<1x16xf32>,
      %get3A_256 = vector.shape_cast %get3A_255 : vector<1x16xf32> to vector<16xf32>
      %add3A_257 = arith.addf %add3A_252, %get3A_256 : vector<16xf32>
      %mul3A_258 = arith.mulf %get3A_243, %add3A_257 : vector<16xf32>
      %swap3A_259 = arith.index_cast %scan3A_239 : i32 to index
      %swap3A_260 = arith.constant 0 : index
      %swap3A_261 = tpu.vector_load %arg8[%swap3A_259, %swap3A_260] {strides = array<i32>} : memref<320x16xf32, #tpu.memory_space<vmem>>, vector<1x16xf32>,
      %swap3A_262 = vector.shape_cast %swap3A_261 : vector<1x16xf32> to vector<16xf32>
      %swap3A_263 = vector.shape_cast %mul3A_258 : vector<16xf32> to vector<1x16xf32>
      tpu.vector_store %arg8[%swap3A_259, %swap3A_260], %swap3A_263 {strides = array<i32>} : memref<320x16xf32, #tpu.memory_space<vmem>>, vector<1x16xf32>,
      %scan3A_264 = arith.constant 0 : i32
      scf.yield %scan3A_264 : i32
    }
    %scan3A_50 = arith.constant 320 : i32
    "tpu.region"() ({
      %run_scoped3A = tpu.sem_alloc : memref<!tpu.dma_semaphore, #tpu.memory_space<semaphore_mem>>
      %dma_start3A_51 = arith.constant 0 : i32
      %dma_start3A_52 = tpu.memref_slice %arg5[%mul3A_2, %dma_start3A_51] : memref<10240x16xf32, #tpu.memory_space<hbm>> -> memref<320x16xf32, #tpu.memory_space<hbm>>
      %dma_start3A_53 = arith.constant 0 : i32
      %dma_start3A_54 = tpu.memref_slice %arg5[%mul3A_2, %dma_start3A_53] : memref<10240x16xf32, #tpu.memory_space<hbm>> -> memref<320x16xf32, #tpu.memory_space<hbm>>
      tpu.enqueue_dma source(%arg8 : memref<320x16xf32, #tpu.memory_space<vmem>>) target(%dma_start3A_54 : memref<320x16xf32, #tpu.memory_space<hbm>>) target_semaphore(%run_scoped3A : memref<!tpu.dma_semaphore, #tpu.memory_space<semaphore_mem>>)
      %dma_wait3A_55 = arith.constant 0 : i32
      %dma_wait3A_56 = tpu.memref_slice %arg5[%mul3A_2, %dma_wait3A_55] : memref<10240x16xf32, #tpu.memory_space<hbm>> -> memref<320x16xf32, #tpu.memory_space<hbm>>
      %dma_wait3A_57 = arith.constant 0 : i32
      %dma_wait3A_58 = tpu.memref_slice %arg5[%mul3A_2, %dma_wait3A_57] : memref<10240x16xf32, #tpu.memory_space<hbm>> -> memref<320x16xf32, #tpu.memory_space<hbm>>
      tpu.wait_dma2 semaphore(%run_scoped3A : memref<!tpu.dma_semaphore, #tpu.memory_space<semaphore_mem>>) src(%arg8 : memref<320x16xf32, #tpu.memory_space<vmem>>) dst(%dma_wait3A_58 : memref<320x16xf32, #tpu.memory_space<hbm>>)
      tpu.yield
    }) : () -> ()
    return
  }
}

#map = affine_map<(d0, d1) -> (0, 0, 0, 0)>
#map1 = affine_map<(d0, d1) -> (0, 0)>
#map2 = affine_map<(d0, d1) -> (0, 0, 0)>
module attributes {stable_mosaic.version = 14 : i64} {
  func.func @_deg_body(%arg0: i32, %arg1: i32, %arg2: memref<2x32x80x128xi32, #tpu.memory_space<hbm>>, %arg3: memref<128x16xf32, #tpu.memory_space<hbm>>, %arg4: memref<640x16xf32, #tpu.memory_space<hbm>>, %arg5: memref<2x10240x16xf32, #tpu.memory_space<hbm>>, %arg6: memref<80x128xi32, #tpu.memory_space<vmem>>, %arg7: memref<128x16xf32, #tpu.memory_space<vmem>>, %arg8: memref<10240x16xf32, #tpu.memory_space<vmem_shared>>, %arg9: memref<!tpu.dma_semaphore, #tpu.memory_space<semaphore_mem>>, %arg10: memref<!tpu.dma_semaphore, #tpu.memory_space<semaphore_mem>>) attributes {dimension_semantics = [#tpu.dimension_semantics<core_parallel>, #tpu.dimension_semantics<subcore_parallel>], iteration_bounds = array<i64: 2, 16>, scalar_prefetch = 0 : i64, scratch_operands = 5 : i64, tpu.core_type = #tpu.core_type<sc_vector_subcore>, window_params = [{transform_indices = #map}, {transform_indices = #map1}, {transform_indices = #map1}, {transform_indices = #map2}]} {
    %mul3A = arith.constant 16 : i32
    %mul3A_0 = arith.muli %arg0, %mul3A : i32
    %add3A = arith.addi %mul3A_0, %arg1 : i32
    %mul3A_1 = arith.constant 640 : i32
    %mul3A_2 = arith.muli %arg1, %mul3A_1 : i32
    tpu.enqueue_dma source(%arg3 : memref<128x16xf32, #tpu.memory_space<hbm>>) target(%arg7 : memref<128x16xf32, #tpu.memory_space<vmem>>) target_semaphore(%arg10 : memref<!tpu.dma_semaphore, #tpu.memory_space<semaphore_mem>>)
    "tpu.region"() ({
      %run_scoped3A_17 = tpu.sem_alloc : memref<!tpu.dma_semaphore, #tpu.memory_space<semaphore_mem>>
      %dma_start3A = arith.constant 0 : i32
      %dma_start3A_18 = tpu.memref_slice %arg8[%mul3A_2, %dma_start3A] : memref<10240x16xf32, #tpu.memory_space<vmem_shared>> -> memref<640x16xf32, #tpu.memory_space<vmem_shared>>
      tpu.enqueue_dma source(%arg4 : memref<640x16xf32, #tpu.memory_space<hbm>>) target(%dma_start3A_18 : memref<640x16xf32, #tpu.memory_space<vmem_shared>>) target_semaphore(%run_scoped3A_17 : memref<!tpu.dma_semaphore, #tpu.memory_space<semaphore_mem>>)
      %dma_wait3A = arith.constant 0 : i32
      %dma_wait3A_19 = tpu.memref_slice %arg8[%mul3A_2, %dma_wait3A] : memref<10240x16xf32, #tpu.memory_space<vmem_shared>> -> memref<640x16xf32, #tpu.memory_space<vmem_shared>>
      tpu.wait_dma2 semaphore(%run_scoped3A_17 : memref<!tpu.dma_semaphore, #tpu.memory_space<semaphore_mem>>) src(%arg4 : memref<640x16xf32, #tpu.memory_space<hbm>>) dst(%dma_wait3A_19 : memref<640x16xf32, #tpu.memory_space<vmem_shared>>)
      tpu.yield
    }) : () -> ()
    %run_scoped3A = arith.constant 1 : i32
    "tpu.region"() ({
      %run_scoped3A_17 = tpu.sem_alloc : memref<!tpu.dma_semaphore, #tpu.memory_space<semaphore_mem>>
      %dma_start3A = arith.constant 0 : i32
      %dma_start3A_18 = arith.constant 0 : i32
      %dma_start3A_19 = tpu.memref_slice %arg2[%run_scoped3A, %add3A, %dma_start3A, %dma_start3A_18] : memref<2x32x80x128xi32, #tpu.memory_space<hbm>> -> memref<1x1x80x128xi32, #tpu.memory_space<hbm>>
      %dma_start3A_20 = tpu.memref_squeeze %dma_start3A_19 : memref<1x1x80x128xi32, #tpu.memory_space<hbm>> -> memref<80x128xi32, #tpu.memory_space<hbm>>
      %dma_start3A_21 = arith.constant 0 : i32
      %dma_start3A_22 = arith.constant 0 : i32
      %dma_start3A_23 = tpu.memref_slice %arg2[%run_scoped3A, %add3A, %dma_start3A_21, %dma_start3A_22] : memref<2x32x80x128xi32, #tpu.memory_space<hbm>> -> memref<1x1x80x128xi32, #tpu.memory_space<hbm>>
      %dma_start3A_24 = tpu.memref_squeeze %dma_start3A_23 : memref<1x1x80x128xi32, #tpu.memory_space<hbm>> -> memref<80x128xi32, #tpu.memory_space<hbm>>
      tpu.enqueue_dma source(%dma_start3A_24 : memref<80x128xi32, #tpu.memory_space<hbm>>) target(%arg6 : memref<80x128xi32, #tpu.memory_space<vmem>>) target_semaphore(%run_scoped3A_17 : memref<!tpu.dma_semaphore, #tpu.memory_space<semaphore_mem>>)
      %dma_wait3A = arith.constant 0 : i32
      %dma_wait3A_25 = arith.constant 0 : i32
      %dma_wait3A_26 = tpu.memref_slice %arg2[%run_scoped3A, %add3A, %dma_wait3A, %dma_wait3A_25] : memref<2x32x80x128xi32, #tpu.memory_space<hbm>> -> memref<1x1x80x128xi32, #tpu.memory_space<hbm>>
      %dma_wait3A_27 = tpu.memref_squeeze %dma_wait3A_26 : memref<1x1x80x128xi32, #tpu.memory_space<hbm>> -> memref<80x128xi32, #tpu.memory_space<hbm>>
      %dma_wait3A_28 = arith.constant 0 : i32
      %dma_wait3A_29 = arith.constant 0 : i32
      %dma_wait3A_30 = tpu.memref_slice %arg2[%run_scoped3A, %add3A, %dma_wait3A_28, %dma_wait3A_29] : memref<2x32x80x128xi32, #tpu.memory_space<hbm>> -> memref<1x1x80x128xi32, #tpu.memory_space<hbm>>
      %dma_wait3A_31 = tpu.memref_squeeze %dma_wait3A_30 : memref<1x1x80x128xi32, #tpu.memory_space<hbm>> -> memref<80x128xi32, #tpu.memory_space<hbm>>
      tpu.wait_dma2 semaphore(%run_scoped3A_17 : memref<!tpu.dma_semaphore, #tpu.memory_space<semaphore_mem>>) src(%dma_wait3A_31 : memref<80x128xi32, #tpu.memory_space<hbm>>) dst(%arg6 : memref<80x128xi32, #tpu.memory_space<vmem>>)
      tpu.yield
    }) : () -> ()
    tpu.wait_dma2 semaphore(%arg10 : memref<!tpu.dma_semaphore, #tpu.memory_space<semaphore_mem>>) src(%arg3 : memref<128x16xf32, #tpu.memory_space<hbm>>) dst(%arg7 : memref<128x16xf32, #tpu.memory_space<vmem>>)
    %barrier3A = arith.constant 0 : index
    tpu.barrier barrier_id(%barrier3A)
    %scan3A = arith.constant 0 : i32
    %scan3A_3 = arith.constant 0 : i32
    %scan3A_4 = arith.constant 80 : i32
    %scan3A_5 = arith.addi %scan3A_3, %scan3A_4 : i32
    %scan3A_6 = arith.constant 1 : i32
    %scan3A_7 = scf.for %scan3A_17 = %scan3A_3 to %scan3A_5 step %scan3A_6 iter_args(%scan3A_18 = %scan3A) -> (i32)  : i32 {
      %dma_start3A = arith.constant 0 : i32
      %dma_start3A_19 = tpu.memref_slice %arg6[%scan3A_17, %dma_start3A] : memref<80x128xi32, #tpu.memory_space<vmem>> -> memref<1x128xi32, #tpu.memory_space<vmem>>
      %dma_start3A_20 = tpu.memref_squeeze %dma_start3A_19 : memref<1x128xi32, #tpu.memory_space<vmem>> -> memref<128xi32, #tpu.memory_space<vmem>>
      %dma_start3A_21 = arith.constant 0 : i32
      %dma_start3A_22 = arith.constant 0 : i32
      %dma_start3A_23 = tpu.memref_slice %arg8[%dma_start3A_21, %dma_start3A_22] : memref<10240x16xf32, #tpu.memory_space<vmem_shared>> -> memref<10240x16xf32, #tpu.memory_space<vmem_shared>>
      tpu.enqueue_indirect_dma source(%arg7 : memref<128x16xf32, #tpu.memory_space<vmem>>) target(%dma_start3A_23 : memref<10240x16xf32, #tpu.memory_space<vmem_shared>>) offsets(%dma_start3A_20 : memref<128xi32, #tpu.memory_space<vmem>>) semaphore(%arg9 : memref<!tpu.dma_semaphore, #tpu.memory_space<semaphore_mem>>) {add = true}
      %scan3A_24 = arith.constant 0 : i32
      scf.yield %scan3A_24 : i32
    }
    %scan3A_8 = arith.constant 80 : i32
    %scan3A_9 = arith.constant 0 : i32
    %scan3A_10 = arith.constant 0 : i32
    %scan3A_11 = arith.constant 80 : i32
    %scan3A_12 = arith.addi %scan3A_10, %scan3A_11 : i32
    %scan3A_13 = arith.constant 1 : i32
    %scan3A_14 = scf.for %scan3A_17 = %scan3A_10 to %scan3A_12 step %scan3A_13 iter_args(%scan3A_18 = %scan3A_9) -> (i32)  : i32 {
      %dma_wait3A = arith.constant 0 : i32
      %dma_wait3A_19 = arith.constant 0 : i32
      %dma_wait3A_20 = tpu.memref_slice %arg6[%dma_wait3A, %dma_wait3A_19] : memref<80x128xi32, #tpu.memory_space<vmem>> -> memref<1x128xi32, #tpu.memory_space<vmem>>
      %dma_wait3A_21 = tpu.memref_squeeze %dma_wait3A_20 : memref<1x128xi32, #tpu.memory_space<vmem>> -> memref<128xi32, #tpu.memory_space<vmem>>
      %dma_wait3A_22 = arith.constant 0 : i32
      %dma_wait3A_23 = arith.constant 0 : i32
      %dma_wait3A_24 = tpu.memref_slice %arg8[%dma_wait3A_22, %dma_wait3A_23] : memref<10240x16xf32, #tpu.memory_space<vmem_shared>> -> memref<10240x16xf32, #tpu.memory_space<vmem_shared>>
      tpu.wait_indirect_dma semaphore(%arg9 : memref<!tpu.dma_semaphore, #tpu.memory_space<semaphore_mem>>) src(%arg7 : memref<128x16xf32, #tpu.memory_space<vmem>>) dst(%dma_wait3A_24 : memref<10240x16xf32, #tpu.memory_space<vmem_shared>>)
      %scan3A_25 = arith.constant 0 : i32
      scf.yield %scan3A_25 : i32
    }
    %scan3A_15 = arith.constant 80 : i32
    %barrier3A_16 = arith.constant 0 : index
    tpu.barrier barrier_id(%barrier3A_16)
    "tpu.region"() ({
      %run_scoped3A_17 = tpu.sem_alloc : memref<!tpu.dma_semaphore, #tpu.memory_space<semaphore_mem>>
      %dma_start3A = arith.constant 0 : i32
      %dma_start3A_18 = tpu.memref_slice %arg5[%arg0, %mul3A_2, %dma_start3A] : memref<2x10240x16xf32, #tpu.memory_space<hbm>> -> memref<1x640x16xf32, #tpu.memory_space<hbm>>
      %dma_start3A_19 = tpu.memref_squeeze %dma_start3A_18 : memref<1x640x16xf32, #tpu.memory_space<hbm>> -> memref<640x16xf32, #tpu.memory_space<hbm>>
      %dma_start3A_20 = arith.constant 0 : i32
      %dma_start3A_21 = tpu.memref_slice %arg8[%mul3A_2, %dma_start3A_20] : memref<10240x16xf32, #tpu.memory_space<vmem_shared>> -> memref<640x16xf32, #tpu.memory_space<vmem_shared>>
      tpu.enqueue_dma source(%dma_start3A_21 : memref<640x16xf32, #tpu.memory_space<vmem_shared>>) target(%dma_start3A_19 : memref<640x16xf32, #tpu.memory_space<hbm>>) target_semaphore(%run_scoped3A_17 : memref<!tpu.dma_semaphore, #tpu.memory_space<semaphore_mem>>)
      %dma_wait3A = arith.constant 0 : i32
      %dma_wait3A_22 = tpu.memref_slice %arg5[%arg0, %mul3A_2, %dma_wait3A] : memref<2x10240x16xf32, #tpu.memory_space<hbm>> -> memref<1x640x16xf32, #tpu.memory_space<hbm>>
      %dma_wait3A_23 = tpu.memref_squeeze %dma_wait3A_22 : memref<1x640x16xf32, #tpu.memory_space<hbm>> -> memref<640x16xf32, #tpu.memory_space<hbm>>
      %dma_wait3A_24 = arith.constant 0 : i32
      %dma_wait3A_25 = tpu.memref_slice %arg8[%mul3A_2, %dma_wait3A_24] : memref<10240x16xf32, #tpu.memory_space<vmem_shared>> -> memref<640x16xf32, #tpu.memory_space<vmem_shared>>
      tpu.wait_dma2 semaphore(%run_scoped3A_17 : memref<!tpu.dma_semaphore, #tpu.memory_space<semaphore_mem>>) src(%dma_wait3A_25 : memref<640x16xf32, #tpu.memory_space<vmem_shared>>) dst(%dma_wait3A_23 : memref<640x16xf32, #tpu.memory_space<hbm>>)
      tpu.yield
    }) : () -> ()
    return
  }
}

#map = affine_map<(d0, d1) -> (0, 0, 0)>
#map1 = affine_map<(d0, d1) -> (0, 0)>
#map2 = affine_map<(d0, d1) -> (0)>
#map3 = affine_map<(d0, d1) -> (0, 0, 0, 0)>
module attributes {stable_mosaic.version = 14 : i64} {
  func.func @_agg2_body(%arg0: i32, %arg1: i32, %arg2: memref<2x10240x16xf32, #tpu.memory_space<hbm>>, %arg3: memref<10240x16xf32, #tpu.memory_space<hbm>>, %arg4: memref<10240x16xf32, #tpu.memory_space<hbm>>, %arg5: memref<16xf32, #tpu.memory_space<hbm>>, %arg6: memref<2x32x80x128xi32, #tpu.memory_space<hbm>>, %arg7: memref<640x16xf32, #tpu.memory_space<hbm>>, %arg8: memref<2x10240x16xf32, #tpu.memory_space<hbm>>, %arg9: memref<10240x16xf32, #tpu.memory_space<hbm>>, %arg10: memref<80x128xi32, #tpu.memory_space<vmem>>, %arg11: memref<80x128xi32, #tpu.memory_space<vmem>>, %arg12: memref<640x16xf32, #tpu.memory_space<vmem>>, %arg13: memref<640x16xf32, #tpu.memory_space<vmem>>, %arg14: memref<640x16xf32, #tpu.memory_space<vmem>>, %arg15: memref<640x16xf32, #tpu.memory_space<vmem>>, %arg16: memref<16xf32, #tpu.memory_space<vmem>>, %arg17: memref<10240x16xf32, #tpu.memory_space<vmem_shared>>, %arg18: memref<10240x16xf32, #tpu.memory_space<vmem_shared>>, %arg19: memref<128x16xf32, #tpu.memory_space<vmem>>, %arg20: memref<128x16xf32, #tpu.memory_space<vmem>>, %arg21: memref<128x16xf32, #tpu.memory_space<vmem>>, %arg22: memref<128x16xf32, #tpu.memory_space<vmem>>, %arg23: memref<!tpu.dma_semaphore, #tpu.memory_space<semaphore_mem>>, %arg24: memref<!tpu.dma_semaphore, #tpu.memory_space<semaphore_mem>>, %arg25: memref<!tpu.dma_semaphore, #tpu.memory_space<semaphore_mem>>, %arg26: memref<!tpu.dma_semaphore, #tpu.memory_space<semaphore_mem>>, %arg27: memref<!tpu.dma_semaphore, #tpu.memory_space<semaphore_mem>>, %arg28: memref<!tpu.dma_semaphore, #tpu.memory_space<semaphore_mem>>, %arg29: memref<!tpu.dma_semaphore, #tpu.memory_space<semaphore_mem>>, %arg30: memref<!tpu.dma_semaphore, #tpu.memory_space<semaphore_mem>>) attributes {dimension_semantics = [#tpu.dimension_semantics<core_parallel>, #tpu.dimension_semantics<subcore_parallel>], iteration_bounds = array<i64: 2, 16>, scalar_prefetch = 0 : i64, scratch_operands = 21 : i64, tpu.core_type = #tpu.core_type<sc_vector_subcore>, window_params = [{transform_indices = #map}, {transform_indices = #map1}, {transform_indices = #map1}, {transform_indices = #map2}, {transform_indices = #map3}, {transform_indices = #map1}, {transform_indices = #map}, {transform_indices = #map1}]} {
    %mul3A = arith.constant 16 : i32
    %mul3A_0 = arith.muli %arg0, %mul3A : i32
    %add3A = arith.addi %mul3A_0, %arg1 : i32
    %mul3A_1 = arith.constant 640 : i32
    %mul3A_2 = arith.muli %arg1, %mul3A_1 : i32
    %dma_start3A = arith.constant 0 : i32
    %dma_start3A_3 = tpu.memref_slice %arg3[%mul3A_2, %dma_start3A] : memref<10240x16xf32, #tpu.memory_space<hbm>> -> memref<640x16xf32, #tpu.memory_space<hbm>>
    %dma_start3A_4 = arith.constant 0 : i32
    %dma_start3A_5 = tpu.memref_slice %arg3[%mul3A_2, %dma_start3A_4] : memref<10240x16xf32, #tpu.memory_space<hbm>> -> memref<640x16xf32, #tpu.memory_space<hbm>>
    tpu.enqueue_dma source(%dma_start3A_5 : memref<640x16xf32, #tpu.memory_space<hbm>>) target(%arg12 : memref<640x16xf32, #tpu.memory_space<vmem>>) target_semaphore(%arg23 : memref<!tpu.dma_semaphore, #tpu.memory_space<semaphore_mem>>)
    %dma_start3A_6 = arith.constant 0 : i32
    %dma_start3A_7 = arith.constant 0 : i32
    %dma_start3A_8 = tpu.memref_slice %arg2[%dma_start3A_6, %mul3A_2, %dma_start3A_7] : memref<2x10240x16xf32, #tpu.memory_space<hbm>> -> memref<1x640x16xf32, #tpu.memory_space<hbm>>
    %dma_start3A_9 = tpu.memref_squeeze %dma_start3A_8 : memref<1x640x16xf32, #tpu.memory_space<hbm>> -> memref<640x16xf32, #tpu.memory_space<hbm>>
    %dma_start3A_10 = arith.constant 0 : i32
    %dma_start3A_11 = tpu.memref_slice %arg2[%dma_start3A_6, %mul3A_2, %dma_start3A_10] : memref<2x10240x16xf32, #tpu.memory_space<hbm>> -> memref<1x640x16xf32, #tpu.memory_space<hbm>>
    %dma_start3A_12 = tpu.memref_squeeze %dma_start3A_11 : memref<1x640x16xf32, #tpu.memory_space<hbm>> -> memref<640x16xf32, #tpu.memory_space<hbm>>
    tpu.enqueue_dma source(%dma_start3A_12 : memref<640x16xf32, #tpu.memory_space<hbm>>) target(%arg13 : memref<640x16xf32, #tpu.memory_space<vmem>>) target_semaphore(%arg24 : memref<!tpu.dma_semaphore, #tpu.memory_space<semaphore_mem>>)
    %dma_start3A_13 = arith.constant 1 : i32
    %dma_start3A_14 = arith.constant 0 : i32
    %dma_start3A_15 = tpu.memref_slice %arg2[%dma_start3A_13, %mul3A_2, %dma_start3A_14] : memref<2x10240x16xf32, #tpu.memory_space<hbm>> -> memref<1x640x16xf32, #tpu.memory_space<hbm>>
    %dma_start3A_16 = tpu.memref_squeeze %dma_start3A_15 : memref<1x640x16xf32, #tpu.memory_space<hbm>> -> memref<640x16xf32, #tpu.memory_space<hbm>>
    %dma_start3A_17 = arith.constant 0 : i32
    %dma_start3A_18 = tpu.memref_slice %arg2[%dma_start3A_13, %mul3A_2, %dma_start3A_17] : memref<2x10240x16xf32, #tpu.memory_space<hbm>> -> memref<1x640x16xf32, #tpu.memory_space<hbm>>
    %dma_start3A_19 = tpu.memref_squeeze %dma_start3A_18 : memref<1x640x16xf32, #tpu.memory_space<hbm>> -> memref<640x16xf32, #tpu.memory_space<hbm>>
    tpu.enqueue_dma source(%dma_start3A_19 : memref<640x16xf32, #tpu.memory_space<hbm>>) target(%arg14 : memref<640x16xf32, #tpu.memory_space<vmem>>) target_semaphore(%arg25 : memref<!tpu.dma_semaphore, #tpu.memory_space<semaphore_mem>>)
    %dma_start3A_20 = arith.constant 0 : i32
    %dma_start3A_21 = tpu.memref_slice %arg4[%mul3A_2, %dma_start3A_20] : memref<10240x16xf32, #tpu.memory_space<hbm>> -> memref<640x16xf32, #tpu.memory_space<hbm>>
    %dma_start3A_22 = arith.constant 0 : i32
    %dma_start3A_23 = tpu.memref_slice %arg4[%mul3A_2, %dma_start3A_22] : memref<10240x16xf32, #tpu.memory_space<hbm>> -> memref<640x16xf32, #tpu.memory_space<hbm>>
    tpu.enqueue_dma source(%dma_start3A_23 : memref<640x16xf32, #tpu.memory_space<hbm>>) target(%arg15 : memref<640x16xf32, #tpu.memory_space<vmem>>) target_semaphore(%arg26 : memref<!tpu.dma_semaphore, #tpu.memory_space<semaphore_mem>>)
    "tpu.region"() ({
      %run_scoped3A_110 = tpu.sem_alloc : memref<!tpu.dma_semaphore, #tpu.memory_space<semaphore_mem>>
      %dma_start3A_111 = arith.constant 0 : i32
      %dma_start3A_112 = tpu.memref_slice %arg18[%mul3A_2, %dma_start3A_111] : memref<10240x16xf32, #tpu.memory_space<vmem_shared>> -> memref<640x16xf32, #tpu.memory_space<vmem_shared>>
      tpu.enqueue_dma source(%arg7 : memref<640x16xf32, #tpu.memory_space<hbm>>) target(%dma_start3A_112 : memref<640x16xf32, #tpu.memory_space<vmem_shared>>) target_semaphore(%run_scoped3A_110 : memref<!tpu.dma_semaphore, #tpu.memory_space<semaphore_mem>>)
      %dma_wait3A_113 = arith.constant 0 : i32
      %dma_wait3A_114 = tpu.memref_slice %arg18[%mul3A_2, %dma_wait3A_113] : memref<10240x16xf32, #tpu.memory_space<vmem_shared>> -> memref<640x16xf32, #tpu.memory_space<vmem_shared>>
      tpu.wait_dma2 semaphore(%run_scoped3A_110 : memref<!tpu.dma_semaphore, #tpu.memory_space<semaphore_mem>>) src(%arg7 : memref<640x16xf32, #tpu.memory_space<hbm>>) dst(%dma_wait3A_114 : memref<640x16xf32, #tpu.memory_space<vmem_shared>>)
      tpu.yield
    }) : () -> ()
    %run_scoped3A = arith.constant 0 : i32
    "tpu.region"() ({
      %run_scoped3A_110 = tpu.sem_alloc : memref<!tpu.dma_semaphore, #tpu.memory_space<semaphore_mem>>
      %dma_start3A_111 = arith.constant 0 : i32
      %dma_start3A_112 = arith.constant 0 : i32
      %dma_start3A_113 = tpu.memref_slice %arg6[%run_scoped3A, %add3A, %dma_start3A_111, %dma_start3A_112] : memref<2x32x80x128xi32, #tpu.memory_space<hbm>> -> memref<1x1x80x128xi32, #tpu.memory_space<hbm>>
      %dma_start3A_114 = tpu.memref_squeeze %dma_start3A_113 : memref<1x1x80x128xi32, #tpu.memory_space<hbm>> -> memref<80x128xi32, #tpu.memory_space<hbm>>
      %dma_start3A_115 = arith.constant 0 : i32
      %dma_start3A_116 = arith.constant 0 : i32
      %dma_start3A_117 = tpu.memref_slice %arg6[%run_scoped3A, %add3A, %dma_start3A_115, %dma_start3A_116] : memref<2x32x80x128xi32, #tpu.memory_space<hbm>> -> memref<1x1x80x128xi32, #tpu.memory_space<hbm>>
      %dma_start3A_118 = tpu.memref_squeeze %dma_start3A_117 : memref<1x1x80x128xi32, #tpu.memory_space<hbm>> -> memref<80x128xi32, #tpu.memory_space<hbm>>
      tpu.enqueue_dma source(%dma_start3A_118 : memref<80x128xi32, #tpu.memory_space<hbm>>) target(%arg10 : memref<80x128xi32, #tpu.memory_space<vmem>>) target_semaphore(%run_scoped3A_110 : memref<!tpu.dma_semaphore, #tpu.memory_space<semaphore_mem>>)
      %dma_wait3A_119 = arith.constant 0 : i32
      %dma_wait3A_120 = arith.constant 0 : i32
      %dma_wait3A_121 = tpu.memref_slice %arg6[%run_scoped3A, %add3A, %dma_wait3A_119, %dma_wait3A_120] : memref<2x32x80x128xi32, #tpu.memory_space<hbm>> -> memref<1x1x80x128xi32, #tpu.memory_space<hbm>>
      %dma_wait3A_122 = tpu.memref_squeeze %dma_wait3A_121 : memref<1x1x80x128xi32, #tpu.memory_space<hbm>> -> memref<80x128xi32, #tpu.memory_space<hbm>>
      %dma_wait3A_123 = arith.constant 0 : i32
      %dma_wait3A_124 = arith.constant 0 : i32
      %dma_wait3A_125 = tpu.memref_slice %arg6[%run_scoped3A, %add3A, %dma_wait3A_123, %dma_wait3A_124] : memref<2x32x80x128xi32, #tpu.memory_space<hbm>> -> memref<1x1x80x128xi32, #tpu.memory_space<hbm>>
      %dma_wait3A_126 = tpu.memref_squeeze %dma_wait3A_125 : memref<1x1x80x128xi32, #tpu.memory_space<hbm>> -> memref<80x128xi32, #tpu.memory_space<hbm>>
      tpu.wait_dma2 semaphore(%run_scoped3A_110 : memref<!tpu.dma_semaphore, #tpu.memory_space<semaphore_mem>>) src(%dma_wait3A_126 : memref<80x128xi32, #tpu.memory_space<hbm>>) dst(%arg10 : memref<80x128xi32, #tpu.memory_space<vmem>>)
      tpu.yield
    }) : () -> ()
    %run_scoped3A_24 = arith.constant 1 : i32
    "tpu.region"() ({
      %run_scoped3A_110 = tpu.sem_alloc : memref<!tpu.dma_semaphore, #tpu.memory_space<semaphore_mem>>
      %dma_start3A_111 = arith.constant 0 : i32
      %dma_start3A_112 = arith.constant 0 : i32
      %dma_start3A_113 = tpu.memref_slice %arg6[%run_scoped3A_24, %add3A, %dma_start3A_111, %dma_start3A_112] : memref<2x32x80x128xi32, #tpu.memory_space<hbm>> -> memref<1x1x80x128xi32, #tpu.memory_space<hbm>>
      %dma_start3A_114 = tpu.memref_squeeze %dma_start3A_113 : memref<1x1x80x128xi32, #tpu.memory_space<hbm>> -> memref<80x128xi32, #tpu.memory_space<hbm>>
      %dma_start3A_115 = arith.constant 0 : i32
      %dma_start3A_116 = arith.constant 0 : i32
      %dma_start3A_117 = tpu.memref_slice %arg6[%run_scoped3A_24, %add3A, %dma_start3A_115, %dma_start3A_116] : memref<2x32x80x128xi32, #tpu.memory_space<hbm>> -> memref<1x1x80x128xi32, #tpu.memory_space<hbm>>
      %dma_start3A_118 = tpu.memref_squeeze %dma_start3A_117 : memref<1x1x80x128xi32, #tpu.memory_space<hbm>> -> memref<80x128xi32, #tpu.memory_space<hbm>>
      tpu.enqueue_dma source(%dma_start3A_118 : memref<80x128xi32, #tpu.memory_space<hbm>>) target(%arg11 : memref<80x128xi32, #tpu.memory_space<vmem>>) target_semaphore(%run_scoped3A_110 : memref<!tpu.dma_semaphore, #tpu.memory_space<semaphore_mem>>)
      %dma_wait3A_119 = arith.constant 0 : i32
      %dma_wait3A_120 = arith.constant 0 : i32
      %dma_wait3A_121 = tpu.memref_slice %arg6[%run_scoped3A_24, %add3A, %dma_wait3A_119, %dma_wait3A_120] : memref<2x32x80x128xi32, #tpu.memory_space<hbm>> -> memref<1x1x80x128xi32, #tpu.memory_space<hbm>>
      %dma_wait3A_122 = tpu.memref_squeeze %dma_wait3A_121 : memref<1x1x80x128xi32, #tpu.memory_space<hbm>> -> memref<80x128xi32, #tpu.memory_space<hbm>>
      %dma_wait3A_123 = arith.constant 0 : i32
      %dma_wait3A_124 = arith.constant 0 : i32
      %dma_wait3A_125 = tpu.memref_slice %arg6[%run_scoped3A_24, %add3A, %dma_wait3A_123, %dma_wait3A_124] : memref<2x32x80x128xi32, #tpu.memory_space<hbm>> -> memref<1x1x80x128xi32, #tpu.memory_space<hbm>>
      %dma_wait3A_126 = tpu.memref_squeeze %dma_wait3A_125 : memref<1x1x80x128xi32, #tpu.memory_space<hbm>> -> memref<80x128xi32, #tpu.memory_space<hbm>>
      tpu.wait_dma2 semaphore(%run_scoped3A_110 : memref<!tpu.dma_semaphore, #tpu.memory_space<semaphore_mem>>) src(%dma_wait3A_126 : memref<80x128xi32, #tpu.memory_space<hbm>>) dst(%arg11 : memref<80x128xi32, #tpu.memory_space<vmem>>)
      tpu.yield
    }) : () -> ()
    "tpu.region"() ({
      %run_scoped3A_110 = tpu.sem_alloc : memref<!tpu.dma_semaphore, #tpu.memory_space<semaphore_mem>>
      tpu.enqueue_dma source(%arg5 : memref<16xf32, #tpu.memory_space<hbm>>) target(%arg16 : memref<16xf32, #tpu.memory_space<vmem>>) target_semaphore(%run_scoped3A_110 : memref<!tpu.dma_semaphore, #tpu.memory_space<semaphore_mem>>)
      tpu.wait_dma2 semaphore(%run_scoped3A_110 : memref<!tpu.dma_semaphore, #tpu.memory_space<semaphore_mem>>) src(%arg5 : memref<16xf32, #tpu.memory_space<hbm>>) dst(%arg16 : memref<16xf32, #tpu.memory_space<vmem>>)
      tpu.yield
    }) : () -> ()
    %get3A = arith.constant 0 : index
    %get3A_25 = tpu.vector_load %arg16[%get3A] {strides = array<i32>} : memref<16xf32, #tpu.memory_space<vmem>>, vector<16xf32>,
    %get3A_26 = vector.shape_cast %get3A_25 : vector<16xf32> to vector<16xf32>
    %dma_wait3A = arith.constant 0 : i32
    %dma_wait3A_27 = tpu.memref_slice %arg3[%mul3A_2, %dma_wait3A] : memref<10240x16xf32, #tpu.memory_space<hbm>> -> memref<640x16xf32, #tpu.memory_space<hbm>>
    %dma_wait3A_28 = arith.constant 0 : i32
    %dma_wait3A_29 = tpu.memref_slice %arg3[%mul3A_2, %dma_wait3A_28] : memref<10240x16xf32, #tpu.memory_space<hbm>> -> memref<640x16xf32, #tpu.memory_space<hbm>>
    tpu.wait_dma2 semaphore(%arg23 : memref<!tpu.dma_semaphore, #tpu.memory_space<semaphore_mem>>) src(%dma_wait3A_29 : memref<640x16xf32, #tpu.memory_space<hbm>>) dst(%arg12 : memref<640x16xf32, #tpu.memory_space<vmem>>)
    %dma_wait3A_30 = arith.constant 0 : i32
    %dma_wait3A_31 = arith.constant 0 : i32
    %dma_wait3A_32 = tpu.memref_slice %arg2[%dma_wait3A_30, %mul3A_2, %dma_wait3A_31] : memref<2x10240x16xf32, #tpu.memory_space<hbm>> -> memref<1x640x16xf32, #tpu.memory_space<hbm>>
    %dma_wait3A_33 = tpu.memref_squeeze %dma_wait3A_32 : memref<1x640x16xf32, #tpu.memory_space<hbm>> -> memref<640x16xf32, #tpu.memory_space<hbm>>
    %dma_wait3A_34 = arith.constant 0 : i32
    %dma_wait3A_35 = tpu.memref_slice %arg2[%dma_wait3A_30, %mul3A_2, %dma_wait3A_34] : memref<2x10240x16xf32, #tpu.memory_space<hbm>> -> memref<1x640x16xf32, #tpu.memory_space<hbm>>
    %dma_wait3A_36 = tpu.memref_squeeze %dma_wait3A_35 : memref<1x640x16xf32, #tpu.memory_space<hbm>> -> memref<640x16xf32, #tpu.memory_space<hbm>>
    tpu.wait_dma2 semaphore(%arg24 : memref<!tpu.dma_semaphore, #tpu.memory_space<semaphore_mem>>) src(%dma_wait3A_36 : memref<640x16xf32, #tpu.memory_space<hbm>>) dst(%arg13 : memref<640x16xf32, #tpu.memory_space<vmem>>)
    %dma_wait3A_37 = arith.constant 1 : i32
    %dma_wait3A_38 = arith.constant 0 : i32
    %dma_wait3A_39 = tpu.memref_slice %arg2[%dma_wait3A_37, %mul3A_2, %dma_wait3A_38] : memref<2x10240x16xf32, #tpu.memory_space<hbm>> -> memref<1x640x16xf32, #tpu.memory_space<hbm>>
    %dma_wait3A_40 = tpu.memref_squeeze %dma_wait3A_39 : memref<1x640x16xf32, #tpu.memory_space<hbm>> -> memref<640x16xf32, #tpu.memory_space<hbm>>
    %dma_wait3A_41 = arith.constant 0 : i32
    %dma_wait3A_42 = tpu.memref_slice %arg2[%dma_wait3A_37, %mul3A_2, %dma_wait3A_41] : memref<2x10240x16xf32, #tpu.memory_space<hbm>> -> memref<1x640x16xf32, #tpu.memory_space<hbm>>
    %dma_wait3A_43 = tpu.memref_squeeze %dma_wait3A_42 : memref<1x640x16xf32, #tpu.memory_space<hbm>> -> memref<640x16xf32, #tpu.memory_space<hbm>>
    tpu.wait_dma2 semaphore(%arg25 : memref<!tpu.dma_semaphore, #tpu.memory_space<semaphore_mem>>) src(%dma_wait3A_43 : memref<640x16xf32, #tpu.memory_space<hbm>>) dst(%arg14 : memref<640x16xf32, #tpu.memory_space<vmem>>)
    %dma_wait3A_44 = arith.constant 0 : i32
    %dma_wait3A_45 = tpu.memref_slice %arg4[%mul3A_2, %dma_wait3A_44] : memref<10240x16xf32, #tpu.memory_space<hbm>> -> memref<640x16xf32, #tpu.memory_space<hbm>>
    %dma_wait3A_46 = arith.constant 0 : i32
    %dma_wait3A_47 = tpu.memref_slice %arg4[%mul3A_2, %dma_wait3A_46] : memref<10240x16xf32, #tpu.memory_space<hbm>> -> memref<640x16xf32, #tpu.memory_space<hbm>>
    tpu.wait_dma2 semaphore(%arg26 : memref<!tpu.dma_semaphore, #tpu.memory_space<semaphore_mem>>) src(%dma_wait3A_47 : memref<640x16xf32, #tpu.memory_space<hbm>>) dst(%arg15 : memref<640x16xf32, #tpu.memory_space<vmem>>)
    %scan3A = arith.constant 0 : i32
    %scan3A_48 = arith.constant 0 : i32
    %scan3A_49 = arith.constant 640 : i32
    %scan3A_50 = arith.addi %scan3A_48, %scan3A_49 : i32
    %scan3A_51 = arith.constant 8 : i32
    %scan3A_52 = scf.for %scan3A_110 = %scan3A_48 to %scan3A_50 step %scan3A_51 iter_args(%scan3A_111 = %scan3A) -> (i32)  : i32 {
      %get3A_112 = arith.index_cast %scan3A_110 : i32 to index
      %get3A_113 = arith.constant 0 : index
      %get3A_114 = tpu.vector_load %arg15[%get3A_112, %get3A_113] {strides = array<i32>} : memref<640x16xf32, #tpu.memory_space<vmem>>, vector<1x16xf32>,
      %get3A_115 = vector.shape_cast %get3A_114 : vector<1x16xf32> to vector<16xf32>
      %get3A_116 = arith.index_cast %scan3A_110 : i32 to index
      %get3A_117 = arith.constant 0 : index
      %get3A_118 = tpu.vector_load %arg13[%get3A_116, %get3A_117] {strides = array<i32>} : memref<640x16xf32, #tpu.memory_space<vmem>>, vector<1x16xf32>,
      %get3A_119 = vector.shape_cast %get3A_118 : vector<1x16xf32> to vector<16xf32>
      %get3A_120 = arith.index_cast %scan3A_110 : i32 to index
      %get3A_121 = arith.constant 0 : index
      %get3A_122 = tpu.vector_load %arg14[%get3A_120, %get3A_121] {strides = array<i32>} : memref<640x16xf32, #tpu.memory_space<vmem>>, vector<1x16xf32>,
      %get3A_123 = vector.shape_cast %get3A_122 : vector<1x16xf32> to vector<16xf32>
      %add3A_124 = arith.addf %get3A_119, %get3A_123 : vector<16xf32>
      %get3A_125 = arith.index_cast %scan3A_110 : i32 to index
      %get3A_126 = arith.constant 0 : index
      %get3A_127 = tpu.vector_load %arg12[%get3A_125, %get3A_126] {strides = array<i32>} : memref<640x16xf32, #tpu.memory_space<vmem>>, vector<1x16xf32>,
      %get3A_128 = vector.shape_cast %get3A_127 : vector<1x16xf32> to vector<16xf32>
      %add3A_129 = arith.addf %add3A_124, %get3A_128 : vector<16xf32>
      %mul3A_130 = arith.mulf %get3A_115, %add3A_129 : vector<16xf32>
      %add3A_131 = arith.addf %mul3A_130, %get3A_26 : vector<16xf32>
      %max3A = arith.constant 0.000000e+00 : f32
      %max3A_132 = vector.broadcast %max3A : f32 to vector<16xf32>
      %max3A_133 = arith.maximumf %add3A_131, %max3A_132 : vector<16xf32>
      %mul3A_134 = arith.mulf %max3A_133, %get3A_115 : vector<16xf32>
      %swap3A = arith.index_cast %scan3A_110 : i32 to index
      %swap3A_135 = arith.constant 0 : index
      %swap3A_136 = tpu.vector_load %arg12[%swap3A, %swap3A_135] {strides = array<i32>} : memref<640x16xf32, #tpu.memory_space<vmem>>, vector<1x16xf32>,
      %swap3A_137 = vector.shape_cast %swap3A_136 : vector<1x16xf32> to vector<16xf32>
      %swap3A_138 = vector.shape_cast %mul3A_134 : vector<16xf32> to vector<1x16xf32>
      tpu.vector_store %arg12[%swap3A, %swap3A_135], %swap3A_138 {strides = array<i32>} : memref<640x16xf32, #tpu.memory_space<vmem>>, vector<1x16xf32>,
      %scan3A_139 = arith.constant 0 : i32
      %scan3A_140 = arith.constant 1 : i32
      %scan3A_141 = arith.addi %scan3A_110, %scan3A_140 : i32
      %get3A_142 = arith.index_cast %scan3A_141 : i32 to index
      %get3A_143 = arith.constant 0 : index
      %get3A_144 = tpu.vector_load %arg15[%get3A_142, %get3A_143] {strides = array<i32>} : memref<640x16xf32, #tpu.memory_space<vmem>>, vector<1x16xf32>,
      %get3A_145 = vector.shape_cast %get3A_144 : vector<1x16xf32> to vector<16xf32>
      %get3A_146 = arith.index_cast %scan3A_141 : i32 to index
      %get3A_147 = arith.constant 0 : index
      %get3A_148 = tpu.vector_load %arg13[%get3A_146, %get3A_147] {strides = array<i32>} : memref<640x16xf32, #tpu.memory_space<vmem>>, vector<1x16xf32>,
      %get3A_149 = vector.shape_cast %get3A_148 : vector<1x16xf32> to vector<16xf32>
      %get3A_150 = arith.index_cast %scan3A_141 : i32 to index
      %get3A_151 = arith.constant 0 : index
      %get3A_152 = tpu.vector_load %arg14[%get3A_150, %get3A_151] {strides = array<i32>} : memref<640x16xf32, #tpu.memory_space<vmem>>, vector<1x16xf32>,
      %get3A_153 = vector.shape_cast %get3A_152 : vector<1x16xf32> to vector<16xf32>
      %add3A_154 = arith.addf %get3A_149, %get3A_153 : vector<16xf32>
      %get3A_155 = arith.index_cast %scan3A_141 : i32 to index
      %get3A_156 = arith.constant 0 : index
      %get3A_157 = tpu.vector_load %arg12[%get3A_155, %get3A_156] {strides = array<i32>} : memref<640x16xf32, #tpu.memory_space<vmem>>, vector<1x16xf32>,
      %get3A_158 = vector.shape_cast %get3A_157 : vector<1x16xf32> to vector<16xf32>
      %add3A_159 = arith.addf %add3A_154, %get3A_158 : vector<16xf32>
      %mul3A_160 = arith.mulf %get3A_145, %add3A_159 : vector<16xf32>
      %add3A_161 = arith.addf %mul3A_160, %get3A_26 : vector<16xf32>
      %max3A_162 = arith.constant 0.000000e+00 : f32
      %max3A_163 = vector.broadcast %max3A_162 : f32 to vector<16xf32>
      %max3A_164 = arith.maximumf %add3A_161, %max3A_163 : vector<16xf32>
      %mul3A_165 = arith.mulf %max3A_164, %get3A_145 : vector<16xf32>
      %swap3A_166 = arith.index_cast %scan3A_141 : i32 to index
      %swap3A_167 = arith.constant 0 : index
      %swap3A_168 = tpu.vector_load %arg12[%swap3A_166, %swap3A_167] {strides = array<i32>} : memref<640x16xf32, #tpu.memory_space<vmem>>, vector<1x16xf32>,
      %swap3A_169 = vector.shape_cast %swap3A_168 : vector<1x16xf32> to vector<16xf32>
      %swap3A_170 = vector.shape_cast %mul3A_165 : vector<16xf32> to vector<1x16xf32>
      tpu.vector_store %arg12[%swap3A_166, %swap3A_167], %swap3A_170 {strides = array<i32>} : memref<640x16xf32, #tpu.memory_space<vmem>>, vector<1x16xf32>,
      %scan3A_171 = arith.constant 0 : i32
      %scan3A_172 = arith.constant 2 : i32
      %scan3A_173 = arith.addi %scan3A_110, %scan3A_172 : i32
      %get3A_174 = arith.index_cast %scan3A_173 : i32 to index
      %get3A_175 = arith.constant 0 : index
      %get3A_176 = tpu.vector_load %arg15[%get3A_174, %get3A_175] {strides = array<i32>} : memref<640x16xf32, #tpu.memory_space<vmem>>, vector<1x16xf32>,
      %get3A_177 = vector.shape_cast %get3A_176 : vector<1x16xf32> to vector<16xf32>
      %get3A_178 = arith.index_cast %scan3A_173 : i32 to index
      %get3A_179 = arith.constant 0 : index
      %get3A_180 = tpu.vector_load %arg13[%get3A_178, %get3A_179] {strides = array<i32>} : memref<640x16xf32, #tpu.memory_space<vmem>>, vector<1x16xf32>,
      %get3A_181 = vector.shape_cast %get3A_180 : vector<1x16xf32> to vector<16xf32>
      %get3A_182 = arith.index_cast %scan3A_173 : i32 to index
      %get3A_183 = arith.constant 0 : index
      %get3A_184 = tpu.vector_load %arg14[%get3A_182, %get3A_183] {strides = array<i32>} : memref<640x16xf32, #tpu.memory_space<vmem>>, vector<1x16xf32>,
      %get3A_185 = vector.shape_cast %get3A_184 : vector<1x16xf32> to vector<16xf32>
      %add3A_186 = arith.addf %get3A_181, %get3A_185 : vector<16xf32>
      %get3A_187 = arith.index_cast %scan3A_173 : i32 to index
      %get3A_188 = arith.constant 0 : index
      %get3A_189 = tpu.vector_load %arg12[%get3A_187, %get3A_188] {strides = array<i32>} : memref<640x16xf32, #tpu.memory_space<vmem>>, vector<1x16xf32>,
      %get3A_190 = vector.shape_cast %get3A_189 : vector<1x16xf32> to vector<16xf32>
      %add3A_191 = arith.addf %add3A_186, %get3A_190 : vector<16xf32>
      %mul3A_192 = arith.mulf %get3A_177, %add3A_191 : vector<16xf32>
      %add3A_193 = arith.addf %mul3A_192, %get3A_26 : vector<16xf32>
      %max3A_194 = arith.constant 0.000000e+00 : f32
      %max3A_195 = vector.broadcast %max3A_194 : f32 to vector<16xf32>
      %max3A_196 = arith.maximumf %add3A_193, %max3A_195 : vector<16xf32>
      %mul3A_197 = arith.mulf %max3A_196, %get3A_177 : vector<16xf32>
      %swap3A_198 = arith.index_cast %scan3A_173 : i32 to index
      %swap3A_199 = arith.constant 0 : index
      %swap3A_200 = tpu.vector_load %arg12[%swap3A_198, %swap3A_199] {strides = array<i32>} : memref<640x16xf32, #tpu.memory_space<vmem>>, vector<1x16xf32>,
      %swap3A_201 = vector.shape_cast %swap3A_200 : vector<1x16xf32> to vector<16xf32>
      %swap3A_202 = vector.shape_cast %mul3A_197 : vector<16xf32> to vector<1x16xf32>
      tpu.vector_store %arg12[%swap3A_198, %swap3A_199], %swap3A_202 {strides = array<i32>} : memref<640x16xf32, #tpu.memory_space<vmem>>, vector<1x16xf32>,
      %scan3A_203 = arith.constant 0 : i32
      %scan3A_204 = arith.constant 3 : i32
      %scan3A_205 = arith.addi %scan3A_110, %scan3A_204 : i32
      %get3A_206 = arith.index_cast %scan3A_205 : i32 to index
      %get3A_207 = arith.constant 0 : index
      %get3A_208 = tpu.vector_load %arg15[%get3A_206, %get3A_207] {strides = array<i32>} : memref<640x16xf32, #tpu.memory_space<vmem>>, vector<1x16xf32>,
      %get3A_209 = vector.shape_cast %get3A_208 : vector<1x16xf32> to vector<16xf32>
      %get3A_210 = arith.index_cast %scan3A_205 : i32 to index
      %get3A_211 = arith.constant 0 : index
      %get3A_212 = tpu.vector_load %arg13[%get3A_210, %get3A_211] {strides = array<i32>} : memref<640x16xf32, #tpu.memory_space<vmem>>, vector<1x16xf32>,
      %get3A_213 = vector.shape_cast %get3A_212 : vector<1x16xf32> to vector<16xf32>
      %get3A_214 = arith.index_cast %scan3A_205 : i32 to index
      %get3A_215 = arith.constant 0 : index
      %get3A_216 = tpu.vector_load %arg14[%get3A_214, %get3A_215] {strides = array<i32>} : memref<640x16xf32, #tpu.memory_space<vmem>>, vector<1x16xf32>,
      %get3A_217 = vector.shape_cast %get3A_216 : vector<1x16xf32> to vector<16xf32>
      %add3A_218 = arith.addf %get3A_213, %get3A_217 : vector<16xf32>
      %get3A_219 = arith.index_cast %scan3A_205 : i32 to index
      %get3A_220 = arith.constant 0 : index
      %get3A_221 = tpu.vector_load %arg12[%get3A_219, %get3A_220] {strides = array<i32>} : memref<640x16xf32, #tpu.memory_space<vmem>>, vector<1x16xf32>,
      %get3A_222 = vector.shape_cast %get3A_221 : vector<1x16xf32> to vector<16xf32>
      %add3A_223 = arith.addf %add3A_218, %get3A_222 : vector<16xf32>
      %mul3A_224 = arith.mulf %get3A_209, %add3A_223 : vector<16xf32>
      %add3A_225 = arith.addf %mul3A_224, %get3A_26 : vector<16xf32>
      %max3A_226 = arith.constant 0.000000e+00 : f32
      %max3A_227 = vector.broadcast %max3A_226 : f32 to vector<16xf32>
      %max3A_228 = arith.maximumf %add3A_225, %max3A_227 : vector<16xf32>
      %mul3A_229 = arith.mulf %max3A_228, %get3A_209 : vector<16xf32>
      %swap3A_230 = arith.index_cast %scan3A_205 : i32 to index
      %swap3A_231 = arith.constant 0 : index
      %swap3A_232 = tpu.vector_load %arg12[%swap3A_230, %swap3A_231] {strides = array<i32>} : memref<640x16xf32, #tpu.memory_space<vmem>>, vector<1x16xf32>,
      %swap3A_233 = vector.shape_cast %swap3A_232 : vector<1x16xf32> to vector<16xf32>
      %swap3A_234 = vector.shape_cast %mul3A_229 : vector<16xf32> to vector<1x16xf32>
      tpu.vector_store %arg12[%swap3A_230, %swap3A_231], %swap3A_234 {strides = array<i32>} : memref<640x16xf32, #tpu.memory_space<vmem>>, vector<1x16xf32>,
      %scan3A_235 = arith.constant 0 : i32
      %scan3A_236 = arith.constant 4 : i32
      %scan3A_237 = arith.addi %scan3A_110, %scan3A_236 : i32
      %get3A_238 = arith.index_cast %scan3A_237 : i32 to index
      %get3A_239 = arith.constant 0 : index
      %get3A_240 = tpu.vector_load %arg15[%get3A_238, %get3A_239] {strides = array<i32>} : memref<640x16xf32, #tpu.memory_space<vmem>>, vector<1x16xf32>,
      %get3A_241 = vector.shape_cast %get3A_240 : vector<1x16xf32> to vector<16xf32>
      %get3A_242 = arith.index_cast %scan3A_237 : i32 to index
      %get3A_243 = arith.constant 0 : index
      %get3A_244 = tpu.vector_load %arg13[%get3A_242, %get3A_243] {strides = array<i32>} : memref<640x16xf32, #tpu.memory_space<vmem>>, vector<1x16xf32>,
      %get3A_245 = vector.shape_cast %get3A_244 : vector<1x16xf32> to vector<16xf32>
      %get3A_246 = arith.index_cast %scan3A_237 : i32 to index
      %get3A_247 = arith.constant 0 : index
      %get3A_248 = tpu.vector_load %arg14[%get3A_246, %get3A_247] {strides = array<i32>} : memref<640x16xf32, #tpu.memory_space<vmem>>, vector<1x16xf32>,
      %get3A_249 = vector.shape_cast %get3A_248 : vector<1x16xf32> to vector<16xf32>
      %add3A_250 = arith.addf %get3A_245, %get3A_249 : vector<16xf32>
      %get3A_251 = arith.index_cast %scan3A_237 : i32 to index
      %get3A_252 = arith.constant 0 : index
      %get3A_253 = tpu.vector_load %arg12[%get3A_251, %get3A_252] {strides = array<i32>} : memref<640x16xf32, #tpu.memory_space<vmem>>, vector<1x16xf32>,
      %get3A_254 = vector.shape_cast %get3A_253 : vector<1x16xf32> to vector<16xf32>
      %add3A_255 = arith.addf %add3A_250, %get3A_254 : vector<16xf32>
      %mul3A_256 = arith.mulf %get3A_241, %add3A_255 : vector<16xf32>
      %add3A_257 = arith.addf %mul3A_256, %get3A_26 : vector<16xf32>
      %max3A_258 = arith.constant 0.000000e+00 : f32
      %max3A_259 = vector.broadcast %max3A_258 : f32 to vector<16xf32>
      %max3A_260 = arith.maximumf %add3A_257, %max3A_259 : vector<16xf32>
      %mul3A_261 = arith.mulf %max3A_260, %get3A_241 : vector<16xf32>
      %swap3A_262 = arith.index_cast %scan3A_237 : i32 to index
      %swap3A_263 = arith.constant 0 : index
      %swap3A_264 = tpu.vector_load %arg12[%swap3A_262, %swap3A_263] {strides = array<i32>} : memref<640x16xf32, #tpu.memory_space<vmem>>, vector<1x16xf32>,
      %swap3A_265 = vector.shape_cast %swap3A_264 : vector<1x16xf32> to vector<16xf32>
      %swap3A_266 = vector.shape_cast %mul3A_261 : vector<16xf32> to vector<1x16xf32>
      tpu.vector_store %arg12[%swap3A_262, %swap3A_263], %swap3A_266 {strides = array<i32>} : memref<640x16xf32, #tpu.memory_space<vmem>>, vector<1x16xf32>,
      %scan3A_267 = arith.constant 0 : i32
      %scan3A_268 = arith.constant 5 : i32
      %scan3A_269 = arith.addi %scan3A_110, %scan3A_268 : i32
      %get3A_270 = arith.index_cast %scan3A_269 : i32 to index
      %get3A_271 = arith.constant 0 : index
      %get3A_272 = tpu.vector_load %arg15[%get3A_270, %get3A_271] {strides = array<i32>} : memref<640x16xf32, #tpu.memory_space<vmem>>, vector<1x16xf32>,
      %get3A_273 = vector.shape_cast %get3A_272 : vector<1x16xf32> to vector<16xf32>
      %get3A_274 = arith.index_cast %scan3A_269 : i32 to index
      %get3A_275 = arith.constant 0 : index
      %get3A_276 = tpu.vector_load %arg13[%get3A_274, %get3A_275] {strides = array<i32>} : memref<640x16xf32, #tpu.memory_space<vmem>>, vector<1x16xf32>,
      %get3A_277 = vector.shape_cast %get3A_276 : vector<1x16xf32> to vector<16xf32>
      %get3A_278 = arith.index_cast %scan3A_269 : i32 to index
      %get3A_279 = arith.constant 0 : index
      %get3A_280 = tpu.vector_load %arg14[%get3A_278, %get3A_279] {strides = array<i32>} : memref<640x16xf32, #tpu.memory_space<vmem>>, vector<1x16xf32>,
      %get3A_281 = vector.shape_cast %get3A_280 : vector<1x16xf32> to vector<16xf32>
      %add3A_282 = arith.addf %get3A_277, %get3A_281 : vector<16xf32>
      %get3A_283 = arith.index_cast %scan3A_269 : i32 to index
      %get3A_284 = arith.constant 0 : index
      %get3A_285 = tpu.vector_load %arg12[%get3A_283, %get3A_284] {strides = array<i32>} : memref<640x16xf32, #tpu.memory_space<vmem>>, vector<1x16xf32>,
      %get3A_286 = vector.shape_cast %get3A_285 : vector<1x16xf32> to vector<16xf32>
      %add3A_287 = arith.addf %add3A_282, %get3A_286 : vector<16xf32>
      %mul3A_288 = arith.mulf %get3A_273, %add3A_287 : vector<16xf32>
      %add3A_289 = arith.addf %mul3A_288, %get3A_26 : vector<16xf32>
      %max3A_290 = arith.constant 0.000000e+00 : f32
      %max3A_291 = vector.broadcast %max3A_290 : f32 to vector<16xf32>
      %max3A_292 = arith.maximumf %add3A_289, %max3A_291 : vector<16xf32>
      %mul3A_293 = arith.mulf %max3A_292, %get3A_273 : vector<16xf32>
      %swap3A_294 = arith.index_cast %scan3A_269 : i32 to index
      %swap3A_295 = arith.constant 0 : index
      %swap3A_296 = tpu.vector_load %arg12[%swap3A_294, %swap3A_295] {strides = array<i32>} : memref<640x16xf32, #tpu.memory_space<vmem>>, vector<1x16xf32>,
      %swap3A_297 = vector.shape_cast %swap3A_296 : vector<1x16xf32> to vector<16xf32>
      %swap3A_298 = vector.shape_cast %mul3A_293 : vector<16xf32> to vector<1x16xf32>
      tpu.vector_store %arg12[%swap3A_294, %swap3A_295], %swap3A_298 {strides = array<i32>} : memref<640x16xf32, #tpu.memory_space<vmem>>, vector<1x16xf32>,
      %scan3A_299 = arith.constant 0 : i32
      %scan3A_300 = arith.constant 6 : i32
      %scan3A_301 = arith.addi %scan3A_110, %scan3A_300 : i32
      %get3A_302 = arith.index_cast %scan3A_301 : i32 to index
      %get3A_303 = arith.constant 0 : index
      %get3A_304 = tpu.vector_load %arg15[%get3A_302, %get3A_303] {strides = array<i32>} : memref<640x16xf32, #tpu.memory_space<vmem>>, vector<1x16xf32>,
      %get3A_305 = vector.shape_cast %get3A_304 : vector<1x16xf32> to vector<16xf32>
      %get3A_306 = arith.index_cast %scan3A_301 : i32 to index
      %get3A_307 = arith.constant 0 : index
      %get3A_308 = tpu.vector_load %arg13[%get3A_306, %get3A_307] {strides = array<i32>} : memref<640x16xf32, #tpu.memory_space<vmem>>, vector<1x16xf32>,
      %get3A_309 = vector.shape_cast %get3A_308 : vector<1x16xf32> to vector<16xf32>
      %get3A_310 = arith.index_cast %scan3A_301 : i32 to index
      %get3A_311 = arith.constant 0 : index
      %get3A_312 = tpu.vector_load %arg14[%get3A_310, %get3A_311] {strides = array<i32>} : memref<640x16xf32, #tpu.memory_space<vmem>>, vector<1x16xf32>,
      %get3A_313 = vector.shape_cast %get3A_312 : vector<1x16xf32> to vector<16xf32>
      %add3A_314 = arith.addf %get3A_309, %get3A_313 : vector<16xf32>
      %get3A_315 = arith.index_cast %scan3A_301 : i32 to index
      %get3A_316 = arith.constant 0 : index
      %get3A_317 = tpu.vector_load %arg12[%get3A_315, %get3A_316] {strides = array<i32>} : memref<640x16xf32, #tpu.memory_space<vmem>>, vector<1x16xf32>,
      %get3A_318 = vector.shape_cast %get3A_317 : vector<1x16xf32> to vector<16xf32>
      %add3A_319 = arith.addf %add3A_314, %get3A_318 : vector<16xf32>
      %mul3A_320 = arith.mulf %get3A_305, %add3A_319 : vector<16xf32>
      %add3A_321 = arith.addf %mul3A_320, %get3A_26 : vector<16xf32>
      %max3A_322 = arith.constant 0.000000e+00 : f32
      %max3A_323 = vector.broadcast %max3A_322 : f32 to vector<16xf32>
      %max3A_324 = arith.maximumf %add3A_321, %max3A_323 : vector<16xf32>
      %mul3A_325 = arith.mulf %max3A_324, %get3A_305 : vector<16xf32>
      %swap3A_326 = arith.index_cast %scan3A_301 : i32 to index
      %swap3A_327 = arith.constant 0 : index
      %swap3A_328 = tpu.vector_load %arg12[%swap3A_326, %swap3A_327] {strides = array<i32>} : memref<640x16xf32, #tpu.memory_space<vmem>>, vector<1x16xf32>,
      %swap3A_329 = vector.shape_cast %swap3A_328 : vector<1x16xf32> to vector<16xf32>
      %swap3A_330 = vector.shape_cast %mul3A_325 : vector<16xf32> to vector<1x16xf32>
      tpu.vector_store %arg12[%swap3A_326, %swap3A_327], %swap3A_330 {strides = array<i32>} : memref<640x16xf32, #tpu.memory_space<vmem>>, vector<1x16xf32>,
      %scan3A_331 = arith.constant 0 : i32
      %scan3A_332 = arith.constant 7 : i32
      %scan3A_333 = arith.addi %scan3A_110, %scan3A_332 : i32
      %get3A_334 = arith.index_cast %scan3A_333 : i32 to index
      %get3A_335 = arith.constant 0 : index
      %get3A_336 = tpu.vector_load %arg15[%get3A_334, %get3A_335] {strides = array<i32>} : memref<640x16xf32, #tpu.memory_space<vmem>>, vector<1x16xf32>,
      %get3A_337 = vector.shape_cast %get3A_336 : vector<1x16xf32> to vector<16xf32>
      %get3A_338 = arith.index_cast %scan3A_333 : i32 to index
      %get3A_339 = arith.constant 0 : index
      %get3A_340 = tpu.vector_load %arg13[%get3A_338, %get3A_339] {strides = array<i32>} : memref<640x16xf32, #tpu.memory_space<vmem>>, vector<1x16xf32>,
      %get3A_341 = vector.shape_cast %get3A_340 : vector<1x16xf32> to vector<16xf32>
      %get3A_342 = arith.index_cast %scan3A_333 : i32 to index
      %get3A_343 = arith.constant 0 : index
      %get3A_344 = tpu.vector_load %arg14[%get3A_342, %get3A_343] {strides = array<i32>} : memref<640x16xf32, #tpu.memory_space<vmem>>, vector<1x16xf32>,
      %get3A_345 = vector.shape_cast %get3A_344 : vector<1x16xf32> to vector<16xf32>
      %add3A_346 = arith.addf %get3A_341, %get3A_345 : vector<16xf32>
      %get3A_347 = arith.index_cast %scan3A_333 : i32 to index
      %get3A_348 = arith.constant 0 : index
      %get3A_349 = tpu.vector_load %arg12[%get3A_347, %get3A_348] {strides = array<i32>} : memref<640x16xf32, #tpu.memory_space<vmem>>, vector<1x16xf32>,
      %get3A_350 = vector.shape_cast %get3A_349 : vector<1x16xf32> to vector<16xf32>
      %add3A_351 = arith.addf %add3A_346, %get3A_350 : vector<16xf32>
      %mul3A_352 = arith.mulf %get3A_337, %add3A_351 : vector<16xf32>
      %add3A_353 = arith.addf %mul3A_352, %get3A_26 : vector<16xf32>
      %max3A_354 = arith.constant 0.000000e+00 : f32
      %max3A_355 = vector.broadcast %max3A_354 : f32 to vector<16xf32>
      %max3A_356 = arith.maximumf %add3A_353, %max3A_355 : vector<16xf32>
      %mul3A_357 = arith.mulf %max3A_356, %get3A_337 : vector<16xf32>
      %swap3A_358 = arith.index_cast %scan3A_333 : i32 to index
      %swap3A_359 = arith.constant 0 : index
      %swap3A_360 = tpu.vector_load %arg12[%swap3A_358, %swap3A_359] {strides = array<i32>} : memref<640x16xf32, #tpu.memory_space<vmem>>, vector<1x16xf32>,
      %swap3A_361 = vector.shape_cast %swap3A_360 : vector<1x16xf32> to vector<16xf32>
      %swap3A_362 = vector.shape_cast %mul3A_357 : vector<16xf32> to vector<1x16xf32>
      tpu.vector_store %arg12[%swap3A_358, %swap3A_359], %swap3A_362 {strides = array<i32>} : memref<640x16xf32, #tpu.memory_space<vmem>>, vector<1x16xf32>,
      %scan3A_363 = arith.constant 0 : i32
      scf.yield %scan3A_363 : i32
    }
    %scan3A_53 = arith.constant 640 : i32
    %dma_start3A_54 = arith.constant 0 : i32
    %dma_start3A_55 = tpu.memref_slice %arg9[%mul3A_2, %dma_start3A_54] : memref<10240x16xf32, #tpu.memory_space<hbm>> -> memref<640x16xf32, #tpu.memory_space<hbm>>
    %dma_start3A_56 = arith.constant 0 : i32
    %dma_start3A_57 = tpu.memref_slice %arg9[%mul3A_2, %dma_start3A_56] : memref<10240x16xf32, #tpu.memory_space<hbm>> -> memref<640x16xf32, #tpu.memory_space<hbm>>
    tpu.enqueue_dma source(%arg12 : memref<640x16xf32, #tpu.memory_space<vmem>>) target(%dma_start3A_57 : memref<640x16xf32, #tpu.memory_space<hbm>>) target_semaphore(%arg30 : memref<!tpu.dma_semaphore, #tpu.memory_space<semaphore_mem>>)
    "tpu.region"() ({
      %run_scoped3A_110 = tpu.sem_alloc : memref<!tpu.dma_semaphore, #tpu.memory_space<semaphore_mem>>
      %dma_start3A_111 = arith.constant 0 : i32
      %dma_start3A_112 = tpu.memref_slice %arg17[%mul3A_2, %dma_start3A_111] : memref<10240x16xf32, #tpu.memory_space<vmem_shared>> -> memref<640x16xf32, #tpu.memory_space<vmem_shared>>
      %dma_start3A_113 = arith.constant 0 : i32
      %dma_start3A_114 = tpu.memref_slice %arg17[%mul3A_2, %dma_start3A_113] : memref<10240x16xf32, #tpu.memory_space<vmem_shared>> -> memref<640x16xf32, #tpu.memory_space<vmem_shared>>
      tpu.enqueue_dma source(%arg12 : memref<640x16xf32, #tpu.memory_space<vmem>>) target(%dma_start3A_114 : memref<640x16xf32, #tpu.memory_space<vmem_shared>>) target_semaphore(%run_scoped3A_110 : memref<!tpu.dma_semaphore, #tpu.memory_space<semaphore_mem>>)
      %dma_wait3A_115 = arith.constant 0 : i32
      %dma_wait3A_116 = tpu.memref_slice %arg17[%mul3A_2, %dma_wait3A_115] : memref<10240x16xf32, #tpu.memory_space<vmem_shared>> -> memref<640x16xf32, #tpu.memory_space<vmem_shared>>
      %dma_wait3A_117 = arith.constant 0 : i32
      %dma_wait3A_118 = tpu.memref_slice %arg17[%mul3A_2, %dma_wait3A_117] : memref<10240x16xf32, #tpu.memory_space<vmem_shared>> -> memref<640x16xf32, #tpu.memory_space<vmem_shared>>
      tpu.wait_dma2 semaphore(%run_scoped3A_110 : memref<!tpu.dma_semaphore, #tpu.memory_space<semaphore_mem>>) src(%arg12 : memref<640x16xf32, #tpu.memory_space<vmem>>) dst(%dma_wait3A_118 : memref<640x16xf32, #tpu.memory_space<vmem_shared>>)
      tpu.yield
    }) : () -> ()
    %barrier3A = arith.constant 0 : index
    tpu.barrier barrier_id(%barrier3A)
    %dma_wait3A_58 = arith.constant 0 : i32
    %dma_wait3A_59 = tpu.memref_slice %arg9[%mul3A_2, %dma_wait3A_58] : memref<10240x16xf32, #tpu.memory_space<hbm>> -> memref<640x16xf32, #tpu.memory_space<hbm>>
    %dma_wait3A_60 = arith.constant 0 : i32
    %dma_wait3A_61 = tpu.memref_slice %arg9[%mul3A_2, %dma_wait3A_60] : memref<10240x16xf32, #tpu.memory_space<hbm>> -> memref<640x16xf32, #tpu.memory_space<hbm>>
    tpu.wait_dma2 semaphore(%arg30 : memref<!tpu.dma_semaphore, #tpu.memory_space<semaphore_mem>>) src(%arg12 : memref<640x16xf32, #tpu.memory_space<vmem>>) dst(%dma_wait3A_61 : memref<640x16xf32, #tpu.memory_space<hbm>>)
    %dma_start3A_62 = arith.constant 0 : i32
    %dma_start3A_63 = arith.constant 0 : i32
    %dma_start3A_64 = tpu.memref_slice %arg10[%dma_start3A_62, %dma_start3A_63] : memref<80x128xi32, #tpu.memory_space<vmem>> -> memref<1x128xi32, #tpu.memory_space<vmem>>
    %dma_start3A_65 = tpu.memref_squeeze %dma_start3A_64 : memref<1x128xi32, #tpu.memory_space<vmem>> -> memref<128xi32, #tpu.memory_space<vmem>>
    %dma_start3A_66 = arith.constant 0 : i32
    %dma_start3A_67 = arith.constant 0 : i32
    %dma_start3A_68 = tpu.memref_slice %arg17[%dma_start3A_66, %dma_start3A_67] : memref<10240x16xf32, #tpu.memory_space<vmem_shared>> -> memref<10240x16xf32, #tpu.memory_space<vmem_shared>>
    tpu.enqueue_indirect_dma source(%dma_start3A_68 : memref<10240x16xf32, #tpu.memory_space<vmem_shared>>) target(%arg19 : memref<128x16xf32, #tpu.memory_space<vmem>>) offsets(%dma_start3A_65 : memref<128xi32, #tpu.memory_space<vmem>>) semaphore(%arg23 : memref<!tpu.dma_semaphore, #tpu.memory_space<semaphore_mem>>)
    %dma_start3A_69 = arith.constant 1 : i32
    %dma_start3A_70 = arith.constant 0 : i32
    %dma_start3A_71 = tpu.memref_slice %arg10[%dma_start3A_69, %dma_start3A_70] : memref<80x128xi32, #tpu.memory_space<vmem>> -> memref<1x128xi32, #tpu.memory_space<vmem>>
    %dma_start3A_72 = tpu.memref_squeeze %dma_start3A_71 : memref<1x128xi32, #tpu.memory_space<vmem>> -> memref<128xi32, #tpu.memory_space<vmem>>
    %dma_start3A_73 = arith.constant 0 : i32
    %dma_start3A_74 = arith.constant 0 : i32
    %dma_start3A_75 = tpu.memref_slice %arg17[%dma_start3A_73, %dma_start3A_74] : memref<10240x16xf32, #tpu.memory_space<vmem_shared>> -> memref<10240x16xf32, #tpu.memory_space<vmem_shared>>
    tpu.enqueue_indirect_dma source(%dma_start3A_75 : memref<10240x16xf32, #tpu.memory_space<vmem_shared>>) target(%arg20 : memref<128x16xf32, #tpu.memory_space<vmem>>) offsets(%dma_start3A_72 : memref<128xi32, #tpu.memory_space<vmem>>) semaphore(%arg24 : memref<!tpu.dma_semaphore, #tpu.memory_space<semaphore_mem>>)
    %scan3A_76 = arith.constant 0 : i32
    %scan3A_77 = arith.constant 20 : i32
    %scan3A_78 = arith.addi %scan3A_76, %scan3A_77 : i32
    %scan3A_79 = arith.constant 1 : i32
    scf.for %scan3A_110 = %scan3A_76 to %scan3A_78 step %scan3A_79  : i32 {
      %mul3A_111 = arith.constant 4 : i32
      %mul3A_112 = arith.muli %scan3A_110, %mul3A_111 : i32
      %add3A_113 = arith.constant 0 : i32
      %add3A_114 = arith.addi %add3A_113, %mul3A_112 : i32
      %add3A_115 = arith.constant 0 : i32
      %add3A_116 = arith.addi %add3A_114, %add3A_115 : i32
      %add3A_117 = arith.constant 2 : i32
      %add3A_118 = arith.addi %add3A_116, %add3A_117 : i32
      %lt3A = arith.constant 80 : i32
      %lt3A_119 = arith.cmpi slt, %add3A_118, %lt3A : i32
      %ge3A = arith.constant 2 : i32
      %ge3A_120 = arith.cmpi sge, %add3A_116, %ge3A : i32
      %and3A = arith.andi %lt3A_119, %ge3A_120 : i1
      %convert_element_type3A = arith.extui %and3A : i1 to i32
      %cond3A = arith.constant 0 : i32
      %cond3A_121 = arith.cmpi ne, %convert_element_type3A, %cond3A : i32
      scf.if %cond3A_121 {
        %dma_wait3A_238 = arith.constant 0 : i32
        %dma_wait3A_239 = arith.constant 0 : i32
        %dma_wait3A_240 = tpu.memref_slice %arg11[%dma_wait3A_238, %dma_wait3A_239] : memref<80x128xi32, #tpu.memory_space<vmem>> -> memref<1x128xi32, #tpu.memory_space<vmem>>
        %dma_wait3A_241 = tpu.memref_squeeze %dma_wait3A_240 : memref<1x128xi32, #tpu.memory_space<vmem>> -> memref<128xi32, #tpu.memory_space<vmem>>
        %dma_wait3A_242 = arith.constant 0 : i32
        %dma_wait3A_243 = arith.constant 0 : i32
        %dma_wait3A_244 = tpu.memref_slice %arg18[%dma_wait3A_242, %dma_wait3A_243] : memref<10240x16xf32, #tpu.memory_space<vmem_shared>> -> memref<10240x16xf32, #tpu.memory_space<vmem_shared>>
        tpu.wait_indirect_dma semaphore(%arg29 : memref<!tpu.dma_semaphore, #tpu.memory_space<semaphore_mem>>) src(%arg21 : memref<128x16xf32, #tpu.memory_space<vmem>>) dst(%dma_wait3A_244 : memref<10240x16xf32, #tpu.memory_space<vmem_shared>>)
      } else {
      }
      %add3A_122 = arith.constant 2 : i32
      %add3A_123 = arith.addi %add3A_116, %add3A_122 : i32
      %lt3A_124 = arith.constant 80 : i32
      %lt3A_125 = arith.cmpi slt, %add3A_123, %lt3A_124 : i32
      %convert_element_type3A_126 = arith.extui %lt3A_125 : i1 to i32
      %cond3A_127 = arith.constant 0 : i32
      %cond3A_128 = arith.cmpi ne, %convert_element_type3A_126, %cond3A_127 : i32
      scf.if %cond3A_128 {
        %add3A_238 = arith.constant 2 : i32
        %add3A_239 = arith.addi %add3A_116, %add3A_238 : i32
        %dma_start3A_240 = arith.constant 0 : i32
        %dma_start3A_241 = tpu.memref_slice %arg10[%add3A_239, %dma_start3A_240] : memref<80x128xi32, #tpu.memory_space<vmem>> -> memref<1x128xi32, #tpu.memory_space<vmem>>
        %dma_start3A_242 = tpu.memref_squeeze %dma_start3A_241 : memref<1x128xi32, #tpu.memory_space<vmem>> -> memref<128xi32, #tpu.memory_space<vmem>>
        %dma_start3A_243 = arith.constant 0 : i32
        %dma_start3A_244 = arith.constant 0 : i32
        %dma_start3A_245 = tpu.memref_slice %arg17[%dma_start3A_243, %dma_start3A_244] : memref<10240x16xf32, #tpu.memory_space<vmem_shared>> -> memref<10240x16xf32, #tpu.memory_space<vmem_shared>>
        tpu.enqueue_indirect_dma source(%dma_start3A_245 : memref<10240x16xf32, #tpu.memory_space<vmem_shared>>) target(%arg21 : memref<128x16xf32, #tpu.memory_space<vmem>>) offsets(%dma_start3A_242 : memref<128xi32, #tpu.memory_space<vmem>>) semaphore(%arg25 : memref<!tpu.dma_semaphore, #tpu.memory_space<semaphore_mem>>)
      } else {
      }
      %dma_wait3A_129 = arith.constant 0 : i32
      %dma_wait3A_130 = arith.constant 0 : i32
      %dma_wait3A_131 = tpu.memref_slice %arg10[%dma_wait3A_129, %dma_wait3A_130] : memref<80x128xi32, #tpu.memory_space<vmem>> -> memref<1x128xi32, #tpu.memory_space<vmem>>
      %dma_wait3A_132 = tpu.memref_squeeze %dma_wait3A_131 : memref<1x128xi32, #tpu.memory_space<vmem>> -> memref<128xi32, #tpu.memory_space<vmem>>
      %dma_wait3A_133 = arith.constant 0 : i32
      %dma_wait3A_134 = arith.constant 0 : i32
      %dma_wait3A_135 = tpu.memref_slice %arg17[%dma_wait3A_133, %dma_wait3A_134] : memref<10240x16xf32, #tpu.memory_space<vmem_shared>> -> memref<10240x16xf32, #tpu.memory_space<vmem_shared>>
      tpu.wait_indirect_dma semaphore(%arg23 : memref<!tpu.dma_semaphore, #tpu.memory_space<semaphore_mem>>) src(%dma_wait3A_135 : memref<10240x16xf32, #tpu.memory_space<vmem_shared>>) dst(%arg19 : memref<128x16xf32, #tpu.memory_space<vmem>>)
      %dma_start3A_136 = arith.constant 0 : i32
      %dma_start3A_137 = tpu.memref_slice %arg11[%add3A_116, %dma_start3A_136] : memref<80x128xi32, #tpu.memory_space<vmem>> -> memref<1x128xi32, #tpu.memory_space<vmem>>
      %dma_start3A_138 = tpu.memref_squeeze %dma_start3A_137 : memref<1x128xi32, #tpu.memory_space<vmem>> -> memref<128xi32, #tpu.memory_space<vmem>>
      %dma_start3A_139 = arith.constant 0 : i32
      %dma_start3A_140 = arith.constant 0 : i32
      %dma_start3A_141 = tpu.memref_slice %arg18[%dma_start3A_139, %dma_start3A_140] : memref<10240x16xf32, #tpu.memory_space<vmem_shared>> -> memref<10240x16xf32, #tpu.memory_space<vmem_shared>>
      tpu.enqueue_indirect_dma source(%arg19 : memref<128x16xf32, #tpu.memory_space<vmem>>) target(%dma_start3A_141 : memref<10240x16xf32, #tpu.memory_space<vmem_shared>>) offsets(%dma_start3A_138 : memref<128xi32, #tpu.memory_space<vmem>>) semaphore(%arg27 : memref<!tpu.dma_semaphore, #tpu.memory_space<semaphore_mem>>) {add = true}
      %add3A_142 = arith.constant 1 : i32
      %add3A_143 = arith.addi %add3A_114, %add3A_142 : i32
      %add3A_144 = arith.constant 2 : i32
      %add3A_145 = arith.addi %add3A_143, %add3A_144 : i32
      %lt3A_146 = arith.constant 80 : i32
      %lt3A_147 = arith.cmpi slt, %add3A_145, %lt3A_146 : i32
      %ge3A_148 = arith.constant 2 : i32
      %ge3A_149 = arith.cmpi sge, %add3A_143, %ge3A_148 : i32
      %and3A_150 = arith.andi %lt3A_147, %ge3A_149 : i1
      %convert_element_type3A_151 = arith.extui %and3A_150 : i1 to i32
      %cond3A_152 = arith.constant 0 : i32
      %cond3A_153 = arith.cmpi ne, %convert_element_type3A_151, %cond3A_152 : i32
      scf.if %cond3A_153 {
        %dma_wait3A_238 = arith.constant 0 : i32
        %dma_wait3A_239 = arith.constant 0 : i32
        %dma_wait3A_240 = tpu.memref_slice %arg11[%dma_wait3A_238, %dma_wait3A_239] : memref<80x128xi32, #tpu.memory_space<vmem>> -> memref<1x128xi32, #tpu.memory_space<vmem>>
        %dma_wait3A_241 = tpu.memref_squeeze %dma_wait3A_240 : memref<1x128xi32, #tpu.memory_space<vmem>> -> memref<128xi32, #tpu.memory_space<vmem>>
        %dma_wait3A_242 = arith.constant 0 : i32
        %dma_wait3A_243 = arith.constant 0 : i32
        %dma_wait3A_244 = tpu.memref_slice %arg18[%dma_wait3A_242, %dma_wait3A_243] : memref<10240x16xf32, #tpu.memory_space<vmem_shared>> -> memref<10240x16xf32, #tpu.memory_space<vmem_shared>>
        tpu.wait_indirect_dma semaphore(%arg30 : memref<!tpu.dma_semaphore, #tpu.memory_space<semaphore_mem>>) src(%arg22 : memref<128x16xf32, #tpu.memory_space<vmem>>) dst(%dma_wait3A_244 : memref<10240x16xf32, #tpu.memory_space<vmem_shared>>)
      } else {
      }
      %add3A_154 = arith.constant 2 : i32
      %add3A_155 = arith.addi %add3A_143, %add3A_154 : i32
      %lt3A_156 = arith.constant 80 : i32
      %lt3A_157 = arith.cmpi slt, %add3A_155, %lt3A_156 : i32
      %convert_element_type3A_158 = arith.extui %lt3A_157 : i1 to i32
      %cond3A_159 = arith.constant 0 : i32
      %cond3A_160 = arith.cmpi ne, %convert_element_type3A_158, %cond3A_159 : i32
      scf.if %cond3A_160 {
        %add3A_238 = arith.constant 2 : i32
        %add3A_239 = arith.addi %add3A_143, %add3A_238 : i32
        %dma_start3A_240 = arith.constant 0 : i32
        %dma_start3A_241 = tpu.memref_slice %arg10[%add3A_239, %dma_start3A_240] : memref<80x128xi32, #tpu.memory_space<vmem>> -> memref<1x128xi32, #tpu.memory_space<vmem>>
        %dma_start3A_242 = tpu.memref_squeeze %dma_start3A_241 : memref<1x128xi32, #tpu.memory_space<vmem>> -> memref<128xi32, #tpu.memory_space<vmem>>
        %dma_start3A_243 = arith.constant 0 : i32
        %dma_start3A_244 = arith.constant 0 : i32
        %dma_start3A_245 = tpu.memref_slice %arg17[%dma_start3A_243, %dma_start3A_244] : memref<10240x16xf32, #tpu.memory_space<vmem_shared>> -> memref<10240x16xf32, #tpu.memory_space<vmem_shared>>
        tpu.enqueue_indirect_dma source(%dma_start3A_245 : memref<10240x16xf32, #tpu.memory_space<vmem_shared>>) target(%arg22 : memref<128x16xf32, #tpu.memory_space<vmem>>) offsets(%dma_start3A_242 : memref<128xi32, #tpu.memory_space<vmem>>) semaphore(%arg26 : memref<!tpu.dma_semaphore, #tpu.memory_space<semaphore_mem>>)
      } else {
      }
      %dma_wait3A_161 = arith.constant 0 : i32
      %dma_wait3A_162 = arith.constant 0 : i32
      %dma_wait3A_163 = tpu.memref_slice %arg10[%dma_wait3A_161, %dma_wait3A_162] : memref<80x128xi32, #tpu.memory_space<vmem>> -> memref<1x128xi32, #tpu.memory_space<vmem>>
      %dma_wait3A_164 = tpu.memref_squeeze %dma_wait3A_163 : memref<1x128xi32, #tpu.memory_space<vmem>> -> memref<128xi32, #tpu.memory_space<vmem>>
      %dma_wait3A_165 = arith.constant 0 : i32
      %dma_wait3A_166 = arith.constant 0 : i32
      %dma_wait3A_167 = tpu.memref_slice %arg17[%dma_wait3A_165, %dma_wait3A_166] : memref<10240x16xf32, #tpu.memory_space<vmem_shared>> -> memref<10240x16xf32, #tpu.memory_space<vmem_shared>>
      tpu.wait_indirect_dma semaphore(%arg24 : memref<!tpu.dma_semaphore, #tpu.memory_space<semaphore_mem>>) src(%dma_wait3A_167 : memref<10240x16xf32, #tpu.memory_space<vmem_shared>>) dst(%arg20 : memref<128x16xf32, #tpu.memory_space<vmem>>)
      %dma_start3A_168 = arith.constant 0 : i32
      %dma_start3A_169 = tpu.memref_slice %arg11[%add3A_143, %dma_start3A_168] : memref<80x128xi32, #tpu.memory_space<vmem>> -> memref<1x128xi32, #tpu.memory_space<vmem>>
      %dma_start3A_170 = tpu.memref_squeeze %dma_start3A_169 : memref<1x128xi32, #tpu.memory_space<vmem>> -> memref<128xi32, #tpu.memory_space<vmem>>
      %dma_start3A_171 = arith.constant 0 : i32
      %dma_start3A_172 = arith.constant 0 : i32
      %dma_start3A_173 = tpu.memref_slice %arg18[%dma_start3A_171, %dma_start3A_172] : memref<10240x16xf32, #tpu.memory_space<vmem_shared>> -> memref<10240x16xf32, #tpu.memory_space<vmem_shared>>
      tpu.enqueue_indirect_dma source(%arg20 : memref<128x16xf32, #tpu.memory_space<vmem>>) target(%dma_start3A_173 : memref<10240x16xf32, #tpu.memory_space<vmem_shared>>) offsets(%dma_start3A_170 : memref<128xi32, #tpu.memory_space<vmem>>) semaphore(%arg28 : memref<!tpu.dma_semaphore, #tpu.memory_space<semaphore_mem>>) {add = true}
      %add3A_174 = arith.constant 2 : i32
      %add3A_175 = arith.addi %add3A_114, %add3A_174 : i32
      %add3A_176 = arith.constant 2 : i32
      %add3A_177 = arith.addi %add3A_175, %add3A_176 : i32
      %lt3A_178 = arith.constant 80 : i32
      %lt3A_179 = arith.cmpi slt, %add3A_177, %lt3A_178 : i32
      %ge3A_180 = arith.constant 2 : i32
      %ge3A_181 = arith.cmpi sge, %add3A_175, %ge3A_180 : i32
      %and3A_182 = arith.andi %lt3A_179, %ge3A_181 : i1
      %convert_element_type3A_183 = arith.extui %and3A_182 : i1 to i32
      %cond3A_184 = arith.constant 0 : i32
      %cond3A_185 = arith.cmpi ne, %convert_element_type3A_183, %cond3A_184 : i32
      scf.if %cond3A_185 {
        %dma_wait3A_238 = arith.constant 0 : i32
        %dma_wait3A_239 = arith.constant 0 : i32
        %dma_wait3A_240 = tpu.memref_slice %arg11[%dma_wait3A_238, %dma_wait3A_239] : memref<80x128xi32, #tpu.memory_space<vmem>> -> memref<1x128xi32, #tpu.memory_space<vmem>>
        %dma_wait3A_241 = tpu.memref_squeeze %dma_wait3A_240 : memref<1x128xi32, #tpu.memory_space<vmem>> -> memref<128xi32, #tpu.memory_space<vmem>>
        %dma_wait3A_242 = arith.constant 0 : i32
        %dma_wait3A_243 = arith.constant 0 : i32
        %dma_wait3A_244 = tpu.memref_slice %arg18[%dma_wait3A_242, %dma_wait3A_243] : memref<10240x16xf32, #tpu.memory_space<vmem_shared>> -> memref<10240x16xf32, #tpu.memory_space<vmem_shared>>
        tpu.wait_indirect_dma semaphore(%arg27 : memref<!tpu.dma_semaphore, #tpu.memory_space<semaphore_mem>>) src(%arg19 : memref<128x16xf32, #tpu.memory_space<vmem>>) dst(%dma_wait3A_244 : memref<10240x16xf32, #tpu.memory_space<vmem_shared>>)
      } else {
      }
      %add3A_186 = arith.constant 2 : i32
      %add3A_187 = arith.addi %add3A_175, %add3A_186 : i32
      %lt3A_188 = arith.constant 80 : i32
      %lt3A_189 = arith.cmpi slt, %add3A_187, %lt3A_188 : i32
      %convert_element_type3A_190 = arith.extui %lt3A_189 : i1 to i32
      %cond3A_191 = arith.constant 0 : i32
      %cond3A_192 = arith.cmpi ne, %convert_element_type3A_190, %cond3A_191 : i32
      scf.if %cond3A_192 {
        %add3A_238 = arith.constant 2 : i32
        %add3A_239 = arith.addi %add3A_175, %add3A_238 : i32
        %dma_start3A_240 = arith.constant 0 : i32
        %dma_start3A_241 = tpu.memref_slice %arg10[%add3A_239, %dma_start3A_240] : memref<80x128xi32, #tpu.memory_space<vmem>> -> memref<1x128xi32, #tpu.memory_space<vmem>>
        %dma_start3A_242 = tpu.memref_squeeze %dma_start3A_241 : memref<1x128xi32, #tpu.memory_space<vmem>> -> memref<128xi32, #tpu.memory_space<vmem>>
        %dma_start3A_243 = arith.constant 0 : i32
        %dma_start3A_244 = arith.constant 0 : i32
        %dma_start3A_245 = tpu.memref_slice %arg17[%dma_start3A_243, %dma_start3A_244] : memref<10240x16xf32, #tpu.memory_space<vmem_shared>> -> memref<10240x16xf32, #tpu.memory_space<vmem_shared>>
        tpu.enqueue_indirect_dma source(%dma_start3A_245 : memref<10240x16xf32, #tpu.memory_space<vmem_shared>>) target(%arg19 : memref<128x16xf32, #tpu.memory_space<vmem>>) offsets(%dma_start3A_242 : memref<128xi32, #tpu.memory_space<vmem>>) semaphore(%arg23 : memref<!tpu.dma_semaphore, #tpu.memory_space<semaphore_mem>>)
      } else {
      }
      %dma_wait3A_193 = arith.constant 0 : i32
      %dma_wait3A_194 = arith.constant 0 : i32
      %dma_wait3A_195 = tpu.memref_slice %arg10[%dma_wait3A_193, %dma_wait3A_194] : memref<80x128xi32, #tpu.memory_space<vmem>> -> memref<1x128xi32, #tpu.memory_space<vmem>>
      %dma_wait3A_196 = tpu.memref_squeeze %dma_wait3A_195 : memref<1x128xi32, #tpu.memory_space<vmem>> -> memref<128xi32, #tpu.memory_space<vmem>>
      %dma_wait3A_197 = arith.constant 0 : i32
      %dma_wait3A_198 = arith.constant 0 : i32
      %dma_wait3A_199 = tpu.memref_slice %arg17[%dma_wait3A_197, %dma_wait3A_198] : memref<10240x16xf32, #tpu.memory_space<vmem_shared>> -> memref<10240x16xf32, #tpu.memory_space<vmem_shared>>
      tpu.wait_indirect_dma semaphore(%arg25 : memref<!tpu.dma_semaphore, #tpu.memory_space<semaphore_mem>>) src(%dma_wait3A_199 : memref<10240x16xf32, #tpu.memory_space<vmem_shared>>) dst(%arg21 : memref<128x16xf32, #tpu.memory_space<vmem>>)
      %dma_start3A_200 = arith.constant 0 : i32
      %dma_start3A_201 = tpu.memref_slice %arg11[%add3A_175, %dma_start3A_200] : memref<80x128xi32, #tpu.memory_space<vmem>> -> memref<1x128xi32, #tpu.memory_space<vmem>>
      %dma_start3A_202 = tpu.memref_squeeze %dma_start3A_201 : memref<1x128xi32, #tpu.memory_space<vmem>> -> memref<128xi32, #tpu.memory_space<vmem>>
      %dma_start3A_203 = arith.constant 0 : i32
      %dma_start3A_204 = arith.constant 0 : i32
      %dma_start3A_205 = tpu.memref_slice %arg18[%dma_start3A_203, %dma_start3A_204] : memref<10240x16xf32, #tpu.memory_space<vmem_shared>> -> memref<10240x16xf32, #tpu.memory_space<vmem_shared>>
      tpu.enqueue_indirect_dma source(%arg21 : memref<128x16xf32, #tpu.memory_space<vmem>>) target(%dma_start3A_205 : memref<10240x16xf32, #tpu.memory_space<vmem_shared>>) offsets(%dma_start3A_202 : memref<128xi32, #tpu.memory_space<vmem>>) semaphore(%arg29 : memref<!tpu.dma_semaphore, #tpu.memory_space<semaphore_mem>>) {add = true}
      %add3A_206 = arith.constant 3 : i32
      %add3A_207 = arith.addi %add3A_114, %add3A_206 : i32
      %add3A_208 = arith.constant 2 : i32
      %add3A_209 = arith.addi %add3A_207, %add3A_208 : i32
      %lt3A_210 = arith.constant 80 : i32
      %lt3A_211 = arith.cmpi slt, %add3A_209, %lt3A_210 : i32
      %ge3A_212 = arith.constant 2 : i32
      %ge3A_213 = arith.cmpi sge, %add3A_207, %ge3A_212 : i32
      %and3A_214 = arith.andi %lt3A_211, %ge3A_213 : i1
      %convert_element_type3A_215 = arith.extui %and3A_214 : i1 to i32
      %cond3A_216 = arith.constant 0 : i32
      %cond3A_217 = arith.cmpi ne, %convert_element_type3A_215, %cond3A_216 : i32
      scf.if %cond3A_217 {
        %dma_wait3A_238 = arith.constant 0 : i32
        %dma_wait3A_239 = arith.constant 0 : i32
        %dma_wait3A_240 = tpu.memref_slice %arg11[%dma_wait3A_238, %dma_wait3A_239] : memref<80x128xi32, #tpu.memory_space<vmem>> -> memref<1x128xi32, #tpu.memory_space<vmem>>
        %dma_wait3A_241 = tpu.memref_squeeze %dma_wait3A_240 : memref<1x128xi32, #tpu.memory_space<vmem>> -> memref<128xi32, #tpu.memory_space<vmem>>
        %dma_wait3A_242 = arith.constant 0 : i32
        %dma_wait3A_243 = arith.constant 0 : i32
        %dma_wait3A_244 = tpu.memref_slice %arg18[%dma_wait3A_242, %dma_wait3A_243] : memref<10240x16xf32, #tpu.memory_space<vmem_shared>> -> memref<10240x16xf32, #tpu.memory_space<vmem_shared>>
        tpu.wait_indirect_dma semaphore(%arg28 : memref<!tpu.dma_semaphore, #tpu.memory_space<semaphore_mem>>) src(%arg20 : memref<128x16xf32, #tpu.memory_space<vmem>>) dst(%dma_wait3A_244 : memref<10240x16xf32, #tpu.memory_space<vmem_shared>>)
      } else {
      }
      %add3A_218 = arith.constant 2 : i32
      %add3A_219 = arith.addi %add3A_207, %add3A_218 : i32
      %lt3A_220 = arith.constant 80 : i32
      %lt3A_221 = arith.cmpi slt, %add3A_219, %lt3A_220 : i32
      %convert_element_type3A_222 = arith.extui %lt3A_221 : i1 to i32
      %cond3A_223 = arith.constant 0 : i32
      %cond3A_224 = arith.cmpi ne, %convert_element_type3A_222, %cond3A_223 : i32
      scf.if %cond3A_224 {
        %add3A_238 = arith.constant 2 : i32
        %add3A_239 = arith.addi %add3A_207, %add3A_238 : i32
        %dma_start3A_240 = arith.constant 0 : i32
        %dma_start3A_241 = tpu.memref_slice %arg10[%add3A_239, %dma_start3A_240] : memref<80x128xi32, #tpu.memory_space<vmem>> -> memref<1x128xi32, #tpu.memory_space<vmem>>
        %dma_start3A_242 = tpu.memref_squeeze %dma_start3A_241 : memref<1x128xi32, #tpu.memory_space<vmem>> -> memref<128xi32, #tpu.memory_space<vmem>>
        %dma_start3A_243 = arith.constant 0 : i32
        %dma_start3A_244 = arith.constant 0 : i32
        %dma_start3A_245 = tpu.memref_slice %arg17[%dma_start3A_243, %dma_start3A_244] : memref<10240x16xf32, #tpu.memory_space<vmem_shared>> -> memref<10240x16xf32, #tpu.memory_space<vmem_shared>>
        tpu.enqueue_indirect_dma source(%dma_start3A_245 : memref<10240x16xf32, #tpu.memory_space<vmem_shared>>) target(%arg20 : memref<128x16xf32, #tpu.memory_space<vmem>>) offsets(%dma_start3A_242 : memref<128xi32, #tpu.memory_space<vmem>>) semaphore(%arg24 : memref<!tpu.dma_semaphore, #tpu.memory_space<semaphore_mem>>)
      } else {
      }
      %dma_wait3A_225 = arith.constant 0 : i32
      %dma_wait3A_226 = arith.constant 0 : i32
      %dma_wait3A_227 = tpu.memref_slice %arg10[%dma_wait3A_225, %dma_wait3A_226] : memref<80x128xi32, #tpu.memory_space<vmem>> -> memref<1x128xi32, #tpu.memory_space<vmem>>
      %dma_wait3A_228 = tpu.memref_squeeze %dma_wait3A_227 : memref<1x128xi32, #tpu.memory_space<vmem>> -> memref<128xi32, #tpu.memory_space<vmem>>
      %dma_wait3A_229 = arith.constant 0 : i32
      %dma_wait3A_230 = arith.constant 0 : i32
      %dma_wait3A_231 = tpu.memref_slice %arg17[%dma_wait3A_229, %dma_wait3A_230] : memref<10240x16xf32, #tpu.memory_space<vmem_shared>> -> memref<10240x16xf32, #tpu.memory_space<vmem_shared>>
      tpu.wait_indirect_dma semaphore(%arg26 : memref<!tpu.dma_semaphore, #tpu.memory_space<semaphore_mem>>) src(%dma_wait3A_231 : memref<10240x16xf32, #tpu.memory_space<vmem_shared>>) dst(%arg22 : memref<128x16xf32, #tpu.memory_space<vmem>>)
      %dma_start3A_232 = arith.constant 0 : i32
      %dma_start3A_233 = tpu.memref_slice %arg11[%add3A_207, %dma_start3A_232] : memref<80x128xi32, #tpu.memory_space<vmem>> -> memref<1x128xi32, #tpu.memory_space<vmem>>
      %dma_start3A_234 = tpu.memref_squeeze %dma_start3A_233 : memref<1x128xi32, #tpu.memory_space<vmem>> -> memref<128xi32, #tpu.memory_space<vmem>>
      %dma_start3A_235 = arith.constant 0 : i32
      %dma_start3A_236 = arith.constant 0 : i32
      %dma_start3A_237 = tpu.memref_slice %arg18[%dma_start3A_235, %dma_start3A_236] : memref<10240x16xf32, #tpu.memory_space<vmem_shared>> -> memref<10240x16xf32, #tpu.memory_space<vmem_shared>>
      tpu.enqueue_indirect_dma source(%arg22 : memref<128x16xf32, #tpu.memory_space<vmem>>) target(%dma_start3A_237 : memref<10240x16xf32, #tpu.memory_space<vmem_shared>>) offsets(%dma_start3A_234 : memref<128xi32, #tpu.memory_space<vmem>>) semaphore(%arg30 : memref<!tpu.dma_semaphore, #tpu.memory_space<semaphore_mem>>) {add = true}
    }
    %scan3A_80 = arith.constant 20 : i32
    %dma_wait3A_81 = arith.constant 0 : i32
    %dma_wait3A_82 = arith.constant 0 : i32
    %dma_wait3A_83 = tpu.memref_slice %arg11[%dma_wait3A_81, %dma_wait3A_82] : memref<80x128xi32, #tpu.memory_space<vmem>> -> memref<1x128xi32, #tpu.memory_space<vmem>>
    %dma_wait3A_84 = tpu.memref_squeeze %dma_wait3A_83 : memref<1x128xi32, #tpu.memory_space<vmem>> -> memref<128xi32, #tpu.memory_space<vmem>>
    %dma_wait3A_85 = arith.constant 0 : i32
    %dma_wait3A_86 = arith.constant 0 : i32
    %dma_wait3A_87 = tpu.memref_slice %arg18[%dma_wait3A_85, %dma_wait3A_86] : memref<10240x16xf32, #tpu.memory_space<vmem_shared>> -> memref<10240x16xf32, #tpu.memory_space<vmem_shared>>
    tpu.wait_indirect_dma semaphore(%arg27 : memref<!tpu.dma_semaphore, #tpu.memory_space<semaphore_mem>>) src(%arg19 : memref<128x16xf32, #tpu.memory_space<vmem>>) dst(%dma_wait3A_87 : memref<10240x16xf32, #tpu.memory_space<vmem_shared>>)
    %dma_wait3A_88 = arith.constant 0 : i32
    %dma_wait3A_89 = arith.constant 0 : i32
    %dma_wait3A_90 = tpu.memref_slice %arg11[%dma_wait3A_88, %dma_wait3A_89] : memref<80x128xi32, #tpu.memory_space<vmem>> -> memref<1x128xi32, #tpu.memory_space<vmem>>
    %dma_wait3A_91 = tpu.memref_squeeze %dma_wait3A_90 : memref<1x128xi32, #tpu.memory_space<vmem>> -> memref<128xi32, #tpu.memory_space<vmem>>
    %dma_wait3A_92 = arith.constant 0 : i32
    %dma_wait3A_93 = arith.constant 0 : i32
    %dma_wait3A_94 = tpu.memref_slice %arg18[%dma_wait3A_92, %dma_wait3A_93] : memref<10240x16xf32, #tpu.memory_space<vmem_shared>> -> memref<10240x16xf32, #tpu.memory_space<vmem_shared>>
    tpu.wait_indirect_dma semaphore(%arg28 : memref<!tpu.dma_semaphore, #tpu.memory_space<semaphore_mem>>) src(%arg20 : memref<128x16xf32, #tpu.memory_space<vmem>>) dst(%dma_wait3A_94 : memref<10240x16xf32, #tpu.memory_space<vmem_shared>>)
    %dma_wait3A_95 = arith.constant 0 : i32
    %dma_wait3A_96 = arith.constant 0 : i32
    %dma_wait3A_97 = tpu.memref_slice %arg11[%dma_wait3A_95, %dma_wait3A_96] : memref<80x128xi32, #tpu.memory_space<vmem>> -> memref<1x128xi32, #tpu.memory_space<vmem>>
    %dma_wait3A_98 = tpu.memref_squeeze %dma_wait3A_97 : memref<1x128xi32, #tpu.memory_space<vmem>> -> memref<128xi32, #tpu.memory_space<vmem>>
    %dma_wait3A_99 = arith.constant 0 : i32
    %dma_wait3A_100 = arith.constant 0 : i32
    %dma_wait3A_101 = tpu.memref_slice %arg18[%dma_wait3A_99, %dma_wait3A_100] : memref<10240x16xf32, #tpu.memory_space<vmem_shared>> -> memref<10240x16xf32, #tpu.memory_space<vmem_shared>>
    tpu.wait_indirect_dma semaphore(%arg29 : memref<!tpu.dma_semaphore, #tpu.memory_space<semaphore_mem>>) src(%arg21 : memref<128x16xf32, #tpu.memory_space<vmem>>) dst(%dma_wait3A_101 : memref<10240x16xf32, #tpu.memory_space<vmem_shared>>)
    %dma_wait3A_102 = arith.constant 0 : i32
    %dma_wait3A_103 = arith.constant 0 : i32
    %dma_wait3A_104 = tpu.memref_slice %arg11[%dma_wait3A_102, %dma_wait3A_103] : memref<80x128xi32, #tpu.memory_space<vmem>> -> memref<1x128xi32, #tpu.memory_space<vmem>>
    %dma_wait3A_105 = tpu.memref_squeeze %dma_wait3A_104 : memref<1x128xi32, #tpu.memory_space<vmem>> -> memref<128xi32, #tpu.memory_space<vmem>>
    %dma_wait3A_106 = arith.constant 0 : i32
    %dma_wait3A_107 = arith.constant 0 : i32
    %dma_wait3A_108 = tpu.memref_slice %arg18[%dma_wait3A_106, %dma_wait3A_107] : memref<10240x16xf32, #tpu.memory_space<vmem_shared>> -> memref<10240x16xf32, #tpu.memory_space<vmem_shared>>
    tpu.wait_indirect_dma semaphore(%arg30 : memref<!tpu.dma_semaphore, #tpu.memory_space<semaphore_mem>>) src(%arg22 : memref<128x16xf32, #tpu.memory_space<vmem>>) dst(%dma_wait3A_108 : memref<10240x16xf32, #tpu.memory_space<vmem_shared>>)
    %barrier3A_109 = arith.constant 0 : index
    tpu.barrier barrier_id(%barrier3A_109)
    "tpu.region"() ({
      %run_scoped3A_110 = tpu.sem_alloc : memref<!tpu.dma_semaphore, #tpu.memory_space<semaphore_mem>>
      %dma_start3A_111 = arith.constant 0 : i32
      %dma_start3A_112 = tpu.memref_slice %arg8[%arg0, %mul3A_2, %dma_start3A_111] : memref<2x10240x16xf32, #tpu.memory_space<hbm>> -> memref<1x640x16xf32, #tpu.memory_space<hbm>>
      %dma_start3A_113 = tpu.memref_squeeze %dma_start3A_112 : memref<1x640x16xf32, #tpu.memory_space<hbm>> -> memref<640x16xf32, #tpu.memory_space<hbm>>
      %dma_start3A_114 = arith.constant 0 : i32
      %dma_start3A_115 = tpu.memref_slice %arg18[%mul3A_2, %dma_start3A_114] : memref<10240x16xf32, #tpu.memory_space<vmem_shared>> -> memref<640x16xf32, #tpu.memory_space<vmem_shared>>
      tpu.enqueue_dma source(%dma_start3A_115 : memref<640x16xf32, #tpu.memory_space<vmem_shared>>) target(%dma_start3A_113 : memref<640x16xf32, #tpu.memory_space<hbm>>) target_semaphore(%run_scoped3A_110 : memref<!tpu.dma_semaphore, #tpu.memory_space<semaphore_mem>>)
      %dma_wait3A_116 = arith.constant 0 : i32
      %dma_wait3A_117 = tpu.memref_slice %arg8[%arg0, %mul3A_2, %dma_wait3A_116] : memref<2x10240x16xf32, #tpu.memory_space<hbm>> -> memref<1x640x16xf32, #tpu.memory_space<hbm>>
      %dma_wait3A_118 = tpu.memref_squeeze %dma_wait3A_117 : memref<1x640x16xf32, #tpu.memory_space<hbm>> -> memref<640x16xf32, #tpu.memory_space<hbm>>
      %dma_wait3A_119 = arith.constant 0 : i32
      %dma_wait3A_120 = tpu.memref_slice %arg18[%mul3A_2, %dma_wait3A_119] : memref<10240x16xf32, #tpu.memory_space<vmem_shared>> -> memref<640x16xf32, #tpu.memory_space<vmem_shared>>
      tpu.wait_dma2 semaphore(%run_scoped3A_110 : memref<!tpu.dma_semaphore, #tpu.memory_space<semaphore_mem>>) src(%dma_wait3A_120 : memref<640x16xf32, #tpu.memory_space<vmem_shared>>) dst(%dma_wait3A_118 : memref<640x16xf32, #tpu.memory_space<hbm>>)
      tpu.yield
    }) : () -> ()
    return
  }
}

#map = affine_map<(d0, d1) -> (0, 0)>
#map1 = affine_map<(d0, d1) -> (0, 0, 0)>
#map2 = affine_map<(d0, d1) -> (0, 0, 0, 0)>
module attributes {stable_mosaic.version = 14 : i64} {
  func.func @_agg1_body(%arg0: i32, %arg1: i32, %arg2: memref<10240x16xf32, #tpu.memory_space<hbm>>, %arg3: memref<2x10240x16xf32, #tpu.memory_space<hbm>>, %arg4: memref<2x32x80x128xi32, #tpu.memory_space<hbm>>, %arg5: memref<640x16xf32, #tpu.memory_space<hbm>>, %arg6: memref<2x10240x16xf32, #tpu.memory_space<hbm>>, %arg7: memref<10240x16xf32, #tpu.memory_space<hbm>>, %arg8: memref<10240x16xf32, #tpu.memory_space<hbm>>, %arg9: memref<80x128xi32, #tpu.memory_space<vmem>>, %arg10: memref<80x128xi32, #tpu.memory_space<vmem>>, %arg11: memref<640x16xf32, #tpu.memory_space<vmem>>, %arg12: memref<640x16xf32, #tpu.memory_space<vmem>>, %arg13: memref<640x16xf32, #tpu.memory_space<vmem>>, %arg14: memref<10240x16xf32, #tpu.memory_space<vmem_shared>>, %arg15: memref<10240x16xf32, #tpu.memory_space<vmem_shared>>, %arg16: memref<128x16xf32, #tpu.memory_space<vmem>>, %arg17: memref<128x16xf32, #tpu.memory_space<vmem>>, %arg18: memref<128x16xf32, #tpu.memory_space<vmem>>, %arg19: memref<128x16xf32, #tpu.memory_space<vmem>>, %arg20: memref<!tpu.dma_semaphore, #tpu.memory_space<semaphore_mem>>, %arg21: memref<!tpu.dma_semaphore, #tpu.memory_space<semaphore_mem>>, %arg22: memref<!tpu.dma_semaphore, #tpu.memory_space<semaphore_mem>>, %arg23: memref<!tpu.dma_semaphore, #tpu.memory_space<semaphore_mem>>, %arg24: memref<!tpu.dma_semaphore, #tpu.memory_space<semaphore_mem>>, %arg25: memref<!tpu.dma_semaphore, #tpu.memory_space<semaphore_mem>>, %arg26: memref<!tpu.dma_semaphore, #tpu.memory_space<semaphore_mem>>, %arg27: memref<!tpu.dma_semaphore, #tpu.memory_space<semaphore_mem>>) attributes {dimension_semantics = [#tpu.dimension_semantics<core_parallel>, #tpu.dimension_semantics<subcore_parallel>], iteration_bounds = array<i64: 2, 16>, scalar_prefetch = 0 : i64, scratch_operands = 19 : i64, tpu.core_type = #tpu.core_type<sc_vector_subcore>, window_params = [{transform_indices = #map}, {transform_indices = #map1}, {transform_indices = #map2}, {transform_indices = #map}, {transform_indices = #map1}, {transform_indices = #map}, {transform_indices = #map}]} {
    %mul3A = arith.constant 16 : i32
    %mul3A_0 = arith.muli %arg0, %mul3A : i32
    %add3A = arith.addi %mul3A_0, %arg1 : i32
    %mul3A_1 = arith.constant 640 : i32
    %mul3A_2 = arith.muli %arg1, %mul3A_1 : i32
    %dma_start3A = arith.constant 0 : i32
    %dma_start3A_3 = tpu.memref_slice %arg2[%mul3A_2, %dma_start3A] : memref<10240x16xf32, #tpu.memory_space<hbm>> -> memref<640x16xf32, #tpu.memory_space<hbm>>
    %dma_start3A_4 = arith.constant 0 : i32
    %dma_start3A_5 = tpu.memref_slice %arg2[%mul3A_2, %dma_start3A_4] : memref<10240x16xf32, #tpu.memory_space<hbm>> -> memref<640x16xf32, #tpu.memory_space<hbm>>
    tpu.enqueue_dma source(%dma_start3A_5 : memref<640x16xf32, #tpu.memory_space<hbm>>) target(%arg11 : memref<640x16xf32, #tpu.memory_space<vmem>>) target_semaphore(%arg20 : memref<!tpu.dma_semaphore, #tpu.memory_space<semaphore_mem>>)
    %dma_start3A_6 = arith.constant 0 : i32
    %dma_start3A_7 = arith.constant 0 : i32
    %dma_start3A_8 = tpu.memref_slice %arg3[%dma_start3A_6, %mul3A_2, %dma_start3A_7] : memref<2x10240x16xf32, #tpu.memory_space<hbm>> -> memref<1x640x16xf32, #tpu.memory_space<hbm>>
    %dma_start3A_9 = tpu.memref_squeeze %dma_start3A_8 : memref<1x640x16xf32, #tpu.memory_space<hbm>> -> memref<640x16xf32, #tpu.memory_space<hbm>>
    %dma_start3A_10 = arith.constant 0 : i32
    %dma_start3A_11 = tpu.memref_slice %arg3[%dma_start3A_6, %mul3A_2, %dma_start3A_10] : memref<2x10240x16xf32, #tpu.memory_space<hbm>> -> memref<1x640x16xf32, #tpu.memory_space<hbm>>
    %dma_start3A_12 = tpu.memref_squeeze %dma_start3A_11 : memref<1x640x16xf32, #tpu.memory_space<hbm>> -> memref<640x16xf32, #tpu.memory_space<hbm>>
    tpu.enqueue_dma source(%dma_start3A_12 : memref<640x16xf32, #tpu.memory_space<hbm>>) target(%arg12 : memref<640x16xf32, #tpu.memory_space<vmem>>) target_semaphore(%arg21 : memref<!tpu.dma_semaphore, #tpu.memory_space<semaphore_mem>>)
    %dma_start3A_13 = arith.constant 1 : i32
    %dma_start3A_14 = arith.constant 0 : i32
    %dma_start3A_15 = tpu.memref_slice %arg3[%dma_start3A_13, %mul3A_2, %dma_start3A_14] : memref<2x10240x16xf32, #tpu.memory_space<hbm>> -> memref<1x640x16xf32, #tpu.memory_space<hbm>>
    %dma_start3A_16 = tpu.memref_squeeze %dma_start3A_15 : memref<1x640x16xf32, #tpu.memory_space<hbm>> -> memref<640x16xf32, #tpu.memory_space<hbm>>
    %dma_start3A_17 = arith.constant 0 : i32
    %dma_start3A_18 = tpu.memref_slice %arg3[%dma_start3A_13, %mul3A_2, %dma_start3A_17] : memref<2x10240x16xf32, #tpu.memory_space<hbm>> -> memref<1x640x16xf32, #tpu.memory_space<hbm>>
    %dma_start3A_19 = tpu.memref_squeeze %dma_start3A_18 : memref<1x640x16xf32, #tpu.memory_space<hbm>> -> memref<640x16xf32, #tpu.memory_space<hbm>>
    tpu.enqueue_dma source(%dma_start3A_19 : memref<640x16xf32, #tpu.memory_space<hbm>>) target(%arg13 : memref<640x16xf32, #tpu.memory_space<vmem>>) target_semaphore(%arg22 : memref<!tpu.dma_semaphore, #tpu.memory_space<semaphore_mem>>)
    "tpu.region"() ({
      %run_scoped3A_108 = tpu.sem_alloc : memref<!tpu.dma_semaphore, #tpu.memory_space<semaphore_mem>>
      %dma_start3A_109 = arith.constant 0 : i32
      %dma_start3A_110 = tpu.memref_slice %arg15[%mul3A_2, %dma_start3A_109] : memref<10240x16xf32, #tpu.memory_space<vmem_shared>> -> memref<640x16xf32, #tpu.memory_space<vmem_shared>>
      tpu.enqueue_dma source(%arg5 : memref<640x16xf32, #tpu.memory_space<hbm>>) target(%dma_start3A_110 : memref<640x16xf32, #tpu.memory_space<vmem_shared>>) target_semaphore(%run_scoped3A_108 : memref<!tpu.dma_semaphore, #tpu.memory_space<semaphore_mem>>)
      %dma_wait3A_111 = arith.constant 0 : i32
      %dma_wait3A_112 = tpu.memref_slice %arg15[%mul3A_2, %dma_wait3A_111] : memref<10240x16xf32, #tpu.memory_space<vmem_shared>> -> memref<640x16xf32, #tpu.memory_space<vmem_shared>>
      tpu.wait_dma2 semaphore(%run_scoped3A_108 : memref<!tpu.dma_semaphore, #tpu.memory_space<semaphore_mem>>) src(%arg5 : memref<640x16xf32, #tpu.memory_space<hbm>>) dst(%dma_wait3A_112 : memref<640x16xf32, #tpu.memory_space<vmem_shared>>)
      tpu.yield
    }) : () -> ()
    %run_scoped3A = arith.constant 0 : i32
    "tpu.region"() ({
      %run_scoped3A_108 = tpu.sem_alloc : memref<!tpu.dma_semaphore, #tpu.memory_space<semaphore_mem>>
      %dma_start3A_109 = arith.constant 0 : i32
      %dma_start3A_110 = arith.constant 0 : i32
      %dma_start3A_111 = tpu.memref_slice %arg4[%run_scoped3A, %add3A, %dma_start3A_109, %dma_start3A_110] : memref<2x32x80x128xi32, #tpu.memory_space<hbm>> -> memref<1x1x80x128xi32, #tpu.memory_space<hbm>>
      %dma_start3A_112 = tpu.memref_squeeze %dma_start3A_111 : memref<1x1x80x128xi32, #tpu.memory_space<hbm>> -> memref<80x128xi32, #tpu.memory_space<hbm>>
      %dma_start3A_113 = arith.constant 0 : i32
      %dma_start3A_114 = arith.constant 0 : i32
      %dma_start3A_115 = tpu.memref_slice %arg4[%run_scoped3A, %add3A, %dma_start3A_113, %dma_start3A_114] : memref<2x32x80x128xi32, #tpu.memory_space<hbm>> -> memref<1x1x80x128xi32, #tpu.memory_space<hbm>>
      %dma_start3A_116 = tpu.memref_squeeze %dma_start3A_115 : memref<1x1x80x128xi32, #tpu.memory_space<hbm>> -> memref<80x128xi32, #tpu.memory_space<hbm>>
      tpu.enqueue_dma source(%dma_start3A_116 : memref<80x128xi32, #tpu.memory_space<hbm>>) target(%arg9 : memref<80x128xi32, #tpu.memory_space<vmem>>) target_semaphore(%run_scoped3A_108 : memref<!tpu.dma_semaphore, #tpu.memory_space<semaphore_mem>>)
      %dma_wait3A_117 = arith.constant 0 : i32
      %dma_wait3A_118 = arith.constant 0 : i32
      %dma_wait3A_119 = tpu.memref_slice %arg4[%run_scoped3A, %add3A, %dma_wait3A_117, %dma_wait3A_118] : memref<2x32x80x128xi32, #tpu.memory_space<hbm>> -> memref<1x1x80x128xi32, #tpu.memory_space<hbm>>
      %dma_wait3A_120 = tpu.memref_squeeze %dma_wait3A_119 : memref<1x1x80x128xi32, #tpu.memory_space<hbm>> -> memref<80x128xi32, #tpu.memory_space<hbm>>
      %dma_wait3A_121 = arith.constant 0 : i32
      %dma_wait3A_122 = arith.constant 0 : i32
      %dma_wait3A_123 = tpu.memref_slice %arg4[%run_scoped3A, %add3A, %dma_wait3A_121, %dma_wait3A_122] : memref<2x32x80x128xi32, #tpu.memory_space<hbm>> -> memref<1x1x80x128xi32, #tpu.memory_space<hbm>>
      %dma_wait3A_124 = tpu.memref_squeeze %dma_wait3A_123 : memref<1x1x80x128xi32, #tpu.memory_space<hbm>> -> memref<80x128xi32, #tpu.memory_space<hbm>>
      tpu.wait_dma2 semaphore(%run_scoped3A_108 : memref<!tpu.dma_semaphore, #tpu.memory_space<semaphore_mem>>) src(%dma_wait3A_124 : memref<80x128xi32, #tpu.memory_space<hbm>>) dst(%arg9 : memref<80x128xi32, #tpu.memory_space<vmem>>)
      tpu.yield
    }) : () -> ()
    %run_scoped3A_20 = arith.constant 1 : i32
    "tpu.region"() ({
      %run_scoped3A_108 = tpu.sem_alloc : memref<!tpu.dma_semaphore, #tpu.memory_space<semaphore_mem>>
      %dma_start3A_109 = arith.constant 0 : i32
      %dma_start3A_110 = arith.constant 0 : i32
      %dma_start3A_111 = tpu.memref_slice %arg4[%run_scoped3A_20, %add3A, %dma_start3A_109, %dma_start3A_110] : memref<2x32x80x128xi32, #tpu.memory_space<hbm>> -> memref<1x1x80x128xi32, #tpu.memory_space<hbm>>
      %dma_start3A_112 = tpu.memref_squeeze %dma_start3A_111 : memref<1x1x80x128xi32, #tpu.memory_space<hbm>> -> memref<80x128xi32, #tpu.memory_space<hbm>>
      %dma_start3A_113 = arith.constant 0 : i32
      %dma_start3A_114 = arith.constant 0 : i32
      %dma_start3A_115 = tpu.memref_slice %arg4[%run_scoped3A_20, %add3A, %dma_start3A_113, %dma_start3A_114] : memref<2x32x80x128xi32, #tpu.memory_space<hbm>> -> memref<1x1x80x128xi32, #tpu.memory_space<hbm>>
      %dma_start3A_116 = tpu.memref_squeeze %dma_start3A_115 : memref<1x1x80x128xi32, #tpu.memory_space<hbm>> -> memref<80x128xi32, #tpu.memory_space<hbm>>
      tpu.enqueue_dma source(%dma_start3A_116 : memref<80x128xi32, #tpu.memory_space<hbm>>) target(%arg10 : memref<80x128xi32, #tpu.memory_space<vmem>>) target_semaphore(%run_scoped3A_108 : memref<!tpu.dma_semaphore, #tpu.memory_space<semaphore_mem>>)
      %dma_wait3A_117 = arith.constant 0 : i32
      %dma_wait3A_118 = arith.constant 0 : i32
      %dma_wait3A_119 = tpu.memref_slice %arg4[%run_scoped3A_20, %add3A, %dma_wait3A_117, %dma_wait3A_118] : memref<2x32x80x128xi32, #tpu.memory_space<hbm>> -> memref<1x1x80x128xi32, #tpu.memory_space<hbm>>
      %dma_wait3A_120 = tpu.memref_squeeze %dma_wait3A_119 : memref<1x1x80x128xi32, #tpu.memory_space<hbm>> -> memref<80x128xi32, #tpu.memory_space<hbm>>
      %dma_wait3A_121 = arith.constant 0 : i32
      %dma_wait3A_122 = arith.constant 0 : i32
      %dma_wait3A_123 = tpu.memref_slice %arg4[%run_scoped3A_20, %add3A, %dma_wait3A_121, %dma_wait3A_122] : memref<2x32x80x128xi32, #tpu.memory_space<hbm>> -> memref<1x1x80x128xi32, #tpu.memory_space<hbm>>
      %dma_wait3A_124 = tpu.memref_squeeze %dma_wait3A_123 : memref<1x1x80x128xi32, #tpu.memory_space<hbm>> -> memref<80x128xi32, #tpu.memory_space<hbm>>
      tpu.wait_dma2 semaphore(%run_scoped3A_108 : memref<!tpu.dma_semaphore, #tpu.memory_space<semaphore_mem>>) src(%dma_wait3A_124 : memref<80x128xi32, #tpu.memory_space<hbm>>) dst(%arg10 : memref<80x128xi32, #tpu.memory_space<vmem>>)
      tpu.yield
    }) : () -> ()
    %dma_wait3A = arith.constant 0 : i32
    %dma_wait3A_21 = tpu.memref_slice %arg2[%mul3A_2, %dma_wait3A] : memref<10240x16xf32, #tpu.memory_space<hbm>> -> memref<640x16xf32, #tpu.memory_space<hbm>>
    %dma_wait3A_22 = arith.constant 0 : i32
    %dma_wait3A_23 = tpu.memref_slice %arg2[%mul3A_2, %dma_wait3A_22] : memref<10240x16xf32, #tpu.memory_space<hbm>> -> memref<640x16xf32, #tpu.memory_space<hbm>>
    tpu.wait_dma2 semaphore(%arg20 : memref<!tpu.dma_semaphore, #tpu.memory_space<semaphore_mem>>) src(%dma_wait3A_23 : memref<640x16xf32, #tpu.memory_space<hbm>>) dst(%arg11 : memref<640x16xf32, #tpu.memory_space<vmem>>)
    %dma_wait3A_24 = arith.constant 0 : i32
    %dma_wait3A_25 = arith.constant 0 : i32
    %dma_wait3A_26 = tpu.memref_slice %arg3[%dma_wait3A_24, %mul3A_2, %dma_wait3A_25] : memref<2x10240x16xf32, #tpu.memory_space<hbm>> -> memref<1x640x16xf32, #tpu.memory_space<hbm>>
    %dma_wait3A_27 = tpu.memref_squeeze %dma_wait3A_26 : memref<1x640x16xf32, #tpu.memory_space<hbm>> -> memref<640x16xf32, #tpu.memory_space<hbm>>
    %dma_wait3A_28 = arith.constant 0 : i32
    %dma_wait3A_29 = tpu.memref_slice %arg3[%dma_wait3A_24, %mul3A_2, %dma_wait3A_28] : memref<2x10240x16xf32, #tpu.memory_space<hbm>> -> memref<1x640x16xf32, #tpu.memory_space<hbm>>
    %dma_wait3A_30 = tpu.memref_squeeze %dma_wait3A_29 : memref<1x640x16xf32, #tpu.memory_space<hbm>> -> memref<640x16xf32, #tpu.memory_space<hbm>>
    tpu.wait_dma2 semaphore(%arg21 : memref<!tpu.dma_semaphore, #tpu.memory_space<semaphore_mem>>) src(%dma_wait3A_30 : memref<640x16xf32, #tpu.memory_space<hbm>>) dst(%arg12 : memref<640x16xf32, #tpu.memory_space<vmem>>)
    %dma_wait3A_31 = arith.constant 1 : i32
    %dma_wait3A_32 = arith.constant 0 : i32
    %dma_wait3A_33 = tpu.memref_slice %arg3[%dma_wait3A_31, %mul3A_2, %dma_wait3A_32] : memref<2x10240x16xf32, #tpu.memory_space<hbm>> -> memref<1x640x16xf32, #tpu.memory_space<hbm>>
    %dma_wait3A_34 = tpu.memref_squeeze %dma_wait3A_33 : memref<1x640x16xf32, #tpu.memory_space<hbm>> -> memref<640x16xf32, #tpu.memory_space<hbm>>
    %dma_wait3A_35 = arith.constant 0 : i32
    %dma_wait3A_36 = tpu.memref_slice %arg3[%dma_wait3A_31, %mul3A_2, %dma_wait3A_35] : memref<2x10240x16xf32, #tpu.memory_space<hbm>> -> memref<1x640x16xf32, #tpu.memory_space<hbm>>
    %dma_wait3A_37 = tpu.memref_squeeze %dma_wait3A_36 : memref<1x640x16xf32, #tpu.memory_space<hbm>> -> memref<640x16xf32, #tpu.memory_space<hbm>>
    tpu.wait_dma2 semaphore(%arg22 : memref<!tpu.dma_semaphore, #tpu.memory_space<semaphore_mem>>) src(%dma_wait3A_37 : memref<640x16xf32, #tpu.memory_space<hbm>>) dst(%arg13 : memref<640x16xf32, #tpu.memory_space<vmem>>)
    %scan3A = arith.constant 0 : i32
    %scan3A_38 = arith.constant 0 : i32
    %scan3A_39 = arith.constant 640 : i32
    %scan3A_40 = arith.addi %scan3A_38, %scan3A_39 : i32
    %scan3A_41 = arith.constant 8 : i32
    %scan3A_42 = scf.for %scan3A_108 = %scan3A_38 to %scan3A_40 step %scan3A_41 iter_args(%scan3A_109 = %scan3A) -> (i32)  : i32 {
      %get3A = arith.index_cast %scan3A_108 : i32 to index
      %get3A_110 = arith.constant 0 : index
      %get3A_111 = tpu.vector_load %arg12[%get3A, %get3A_110] {strides = array<i32>} : memref<640x16xf32, #tpu.memory_space<vmem>>, vector<1x16xf32>,
      %get3A_112 = vector.shape_cast %get3A_111 : vector<1x16xf32> to vector<16xf32>
      %add3A_113 = arith.constant 1.000000e+00 : f32
      %add3A_114 = vector.broadcast %add3A_113 : f32 to vector<16xf32>
      %add3A_115 = arith.addf %add3A_114, %get3A_112 : vector<16xf32>
      %get3A_116 = arith.index_cast %scan3A_108 : i32 to index
      %get3A_117 = arith.constant 0 : index
      %get3A_118 = tpu.vector_load %arg13[%get3A_116, %get3A_117] {strides = array<i32>} : memref<640x16xf32, #tpu.memory_space<vmem>>, vector<1x16xf32>,
      %get3A_119 = vector.shape_cast %get3A_118 : vector<1x16xf32> to vector<16xf32>
      %add3A_120 = arith.addf %add3A_115, %get3A_119 : vector<16xf32>
      %bitcast_convert_type3A = tpu.bitcast %add3A_120 : vector<16xf32> -> vector<16xi32>
      %shift_right_arithmetic3A = arith.constant 1 : i32
      %shift_right_arithmetic3A_121 = vector.broadcast %shift_right_arithmetic3A : i32 to vector<16xi32>
      %shift_right_arithmetic3A_122 = arith.shrsi %bitcast_convert_type3A, %shift_right_arithmetic3A_121 : vector<16xi32>
      %sub3A = arith.constant 1597463007 : i32
      %sub3A_123 = vector.broadcast %sub3A : i32 to vector<16xi32>
      %sub3A_124 = arith.subi %sub3A_123, %shift_right_arithmetic3A_122 : vector<16xi32>
      %bitcast_convert_type3A_125 = tpu.bitcast %sub3A_124 : vector<16xi32> -> vector<16xf32>
      %mul3A_126 = arith.constant 5.000000e-01 : f32
      %mul3A_127 = vector.broadcast %mul3A_126 : f32 to vector<16xf32>
      %mul3A_128 = arith.mulf %mul3A_127, %add3A_120 : vector<16xf32>
      %mul3A_129 = arith.mulf %mul3A_128, %bitcast_convert_type3A_125 : vector<16xf32>
      %mul3A_130 = arith.mulf %mul3A_129, %bitcast_convert_type3A_125 : vector<16xf32>
      %sub3A_131 = arith.constant 1.500000e+00 : f32
      %sub3A_132 = vector.broadcast %sub3A_131 : f32 to vector<16xf32>
      %sub3A_133 = arith.subf %sub3A_132, %mul3A_130 : vector<16xf32>
      %mul3A_134 = arith.mulf %bitcast_convert_type3A_125, %sub3A_133 : vector<16xf32>
      %mul3A_135 = arith.constant 5.000000e-01 : f32
      %mul3A_136 = vector.broadcast %mul3A_135 : f32 to vector<16xf32>
      %mul3A_137 = arith.mulf %mul3A_136, %add3A_120 : vector<16xf32>
      %mul3A_138 = arith.mulf %mul3A_137, %mul3A_134 : vector<16xf32>
      %mul3A_139 = arith.mulf %mul3A_138, %mul3A_134 : vector<16xf32>
      %sub3A_140 = arith.constant 1.500000e+00 : f32
      %sub3A_141 = vector.broadcast %sub3A_140 : f32 to vector<16xf32>
      %sub3A_142 = arith.subf %sub3A_141, %mul3A_139 : vector<16xf32>
      %mul3A_143 = arith.mulf %mul3A_134, %sub3A_142 : vector<16xf32>
      %mul3A_144 = arith.constant 5.000000e-01 : f32
      %mul3A_145 = vector.broadcast %mul3A_144 : f32 to vector<16xf32>
      %mul3A_146 = arith.mulf %mul3A_145, %add3A_120 : vector<16xf32>
      %mul3A_147 = arith.mulf %mul3A_146, %mul3A_143 : vector<16xf32>
      %mul3A_148 = arith.mulf %mul3A_147, %mul3A_143 : vector<16xf32>
      %sub3A_149 = arith.constant 1.500000e+00 : f32
      %sub3A_150 = vector.broadcast %sub3A_149 : f32 to vector<16xf32>
      %sub3A_151 = arith.subf %sub3A_150, %mul3A_148 : vector<16xf32>
      %mul3A_152 = arith.mulf %mul3A_143, %sub3A_151 : vector<16xf32>
      %get3A_153 = arith.index_cast %scan3A_108 : i32 to index
      %get3A_154 = arith.constant 0 : index
      %get3A_155 = tpu.vector_load %arg11[%get3A_153, %get3A_154] {strides = array<i32>} : memref<640x16xf32, #tpu.memory_space<vmem>>, vector<1x16xf32>,
      %get3A_156 = vector.shape_cast %get3A_155 : vector<1x16xf32> to vector<16xf32>
      %mul3A_157 = arith.mulf %get3A_156, %mul3A_152 : vector<16xf32>
      %swap3A = arith.index_cast %scan3A_108 : i32 to index
      %swap3A_158 = arith.constant 0 : index
      %swap3A_159 = tpu.vector_load %arg11[%swap3A, %swap3A_158] {strides = array<i32>} : memref<640x16xf32, #tpu.memory_space<vmem>>, vector<1x16xf32>,
      %swap3A_160 = vector.shape_cast %swap3A_159 : vector<1x16xf32> to vector<16xf32>
      %swap3A_161 = vector.shape_cast %mul3A_157 : vector<16xf32> to vector<1x16xf32>
      tpu.vector_store %arg11[%swap3A, %swap3A_158], %swap3A_161 {strides = array<i32>} : memref<640x16xf32, #tpu.memory_space<vmem>>, vector<1x16xf32>,
      %swap3A_162 = arith.index_cast %scan3A_108 : i32 to index
      %swap3A_163 = arith.constant 0 : index
      %swap3A_164 = tpu.vector_load %arg13[%swap3A_162, %swap3A_163] {strides = array<i32>} : memref<640x16xf32, #tpu.memory_space<vmem>>, vector<1x16xf32>,
      %swap3A_165 = vector.shape_cast %swap3A_164 : vector<1x16xf32> to vector<16xf32>
      %swap3A_166 = vector.shape_cast %mul3A_152 : vector<16xf32> to vector<1x16xf32>
      tpu.vector_store %arg13[%swap3A_162, %swap3A_163], %swap3A_166 {strides = array<i32>} : memref<640x16xf32, #tpu.memory_space<vmem>>, vector<1x16xf32>,
      %scan3A_167 = arith.constant 0 : i32
      %scan3A_168 = arith.constant 1 : i32
      %scan3A_169 = arith.addi %scan3A_108, %scan3A_168 : i32
      %get3A_170 = arith.index_cast %scan3A_169 : i32 to index
      %get3A_171 = arith.constant 0 : index
      %get3A_172 = tpu.vector_load %arg12[%get3A_170, %get3A_171] {strides = array<i32>} : memref<640x16xf32, #tpu.memory_space<vmem>>, vector<1x16xf32>,
      %get3A_173 = vector.shape_cast %get3A_172 : vector<1x16xf32> to vector<16xf32>
      %add3A_174 = arith.constant 1.000000e+00 : f32
      %add3A_175 = vector.broadcast %add3A_174 : f32 to vector<16xf32>
      %add3A_176 = arith.addf %add3A_175, %get3A_173 : vector<16xf32>
      %get3A_177 = arith.index_cast %scan3A_169 : i32 to index
      %get3A_178 = arith.constant 0 : index
      %get3A_179 = tpu.vector_load %arg13[%get3A_177, %get3A_178] {strides = array<i32>} : memref<640x16xf32, #tpu.memory_space<vmem>>, vector<1x16xf32>,
      %get3A_180 = vector.shape_cast %get3A_179 : vector<1x16xf32> to vector<16xf32>
      %add3A_181 = arith.addf %add3A_176, %get3A_180 : vector<16xf32>
      %bitcast_convert_type3A_182 = tpu.bitcast %add3A_181 : vector<16xf32> -> vector<16xi32>
      %shift_right_arithmetic3A_183 = arith.constant 1 : i32
      %shift_right_arithmetic3A_184 = vector.broadcast %shift_right_arithmetic3A_183 : i32 to vector<16xi32>
      %shift_right_arithmetic3A_185 = arith.shrsi %bitcast_convert_type3A_182, %shift_right_arithmetic3A_184 : vector<16xi32>
      %sub3A_186 = arith.constant 1597463007 : i32
      %sub3A_187 = vector.broadcast %sub3A_186 : i32 to vector<16xi32>
      %sub3A_188 = arith.subi %sub3A_187, %shift_right_arithmetic3A_185 : vector<16xi32>
      %bitcast_convert_type3A_189 = tpu.bitcast %sub3A_188 : vector<16xi32> -> vector<16xf32>
      %mul3A_190 = arith.constant 5.000000e-01 : f32
      %mul3A_191 = vector.broadcast %mul3A_190 : f32 to vector<16xf32>
      %mul3A_192 = arith.mulf %mul3A_191, %add3A_181 : vector<16xf32>
      %mul3A_193 = arith.mulf %mul3A_192, %bitcast_convert_type3A_189 : vector<16xf32>
      %mul3A_194 = arith.mulf %mul3A_193, %bitcast_convert_type3A_189 : vector<16xf32>
      %sub3A_195 = arith.constant 1.500000e+00 : f32
      %sub3A_196 = vector.broadcast %sub3A_195 : f32 to vector<16xf32>
      %sub3A_197 = arith.subf %sub3A_196, %mul3A_194 : vector<16xf32>
      %mul3A_198 = arith.mulf %bitcast_convert_type3A_189, %sub3A_197 : vector<16xf32>
      %mul3A_199 = arith.constant 5.000000e-01 : f32
      %mul3A_200 = vector.broadcast %mul3A_199 : f32 to vector<16xf32>
      %mul3A_201 = arith.mulf %mul3A_200, %add3A_181 : vector<16xf32>
      %mul3A_202 = arith.mulf %mul3A_201, %mul3A_198 : vector<16xf32>
      %mul3A_203 = arith.mulf %mul3A_202, %mul3A_198 : vector<16xf32>
      %sub3A_204 = arith.constant 1.500000e+00 : f32
      %sub3A_205 = vector.broadcast %sub3A_204 : f32 to vector<16xf32>
      %sub3A_206 = arith.subf %sub3A_205, %mul3A_203 : vector<16xf32>
      %mul3A_207 = arith.mulf %mul3A_198, %sub3A_206 : vector<16xf32>
      %mul3A_208 = arith.constant 5.000000e-01 : f32
      %mul3A_209 = vector.broadcast %mul3A_208 : f32 to vector<16xf32>
      %mul3A_210 = arith.mulf %mul3A_209, %add3A_181 : vector<16xf32>
      %mul3A_211 = arith.mulf %mul3A_210, %mul3A_207 : vector<16xf32>
      %mul3A_212 = arith.mulf %mul3A_211, %mul3A_207 : vector<16xf32>
      %sub3A_213 = arith.constant 1.500000e+00 : f32
      %sub3A_214 = vector.broadcast %sub3A_213 : f32 to vector<16xf32>
      %sub3A_215 = arith.subf %sub3A_214, %mul3A_212 : vector<16xf32>
      %mul3A_216 = arith.mulf %mul3A_207, %sub3A_215 : vector<16xf32>
      %get3A_217 = arith.index_cast %scan3A_169 : i32 to index
      %get3A_218 = arith.constant 0 : index
      %get3A_219 = tpu.vector_load %arg11[%get3A_217, %get3A_218] {strides = array<i32>} : memref<640x16xf32, #tpu.memory_space<vmem>>, vector<1x16xf32>,
      %get3A_220 = vector.shape_cast %get3A_219 : vector<1x16xf32> to vector<16xf32>
      %mul3A_221 = arith.mulf %get3A_220, %mul3A_216 : vector<16xf32>
      %swap3A_222 = arith.index_cast %scan3A_169 : i32 to index
      %swap3A_223 = arith.constant 0 : index
      %swap3A_224 = tpu.vector_load %arg11[%swap3A_222, %swap3A_223] {strides = array<i32>} : memref<640x16xf32, #tpu.memory_space<vmem>>, vector<1x16xf32>,
      %swap3A_225 = vector.shape_cast %swap3A_224 : vector<1x16xf32> to vector<16xf32>
      %swap3A_226 = vector.shape_cast %mul3A_221 : vector<16xf32> to vector<1x16xf32>
      tpu.vector_store %arg11[%swap3A_222, %swap3A_223], %swap3A_226 {strides = array<i32>} : memref<640x16xf32, #tpu.memory_space<vmem>>, vector<1x16xf32>,
      %swap3A_227 = arith.index_cast %scan3A_169 : i32 to index
      %swap3A_228 = arith.constant 0 : index
      %swap3A_229 = tpu.vector_load %arg13[%swap3A_227, %swap3A_228] {strides = array<i32>} : memref<640x16xf32, #tpu.memory_space<vmem>>, vector<1x16xf32>,
      %swap3A_230 = vector.shape_cast %swap3A_229 : vector<1x16xf32> to vector<16xf32>
      %swap3A_231 = vector.shape_cast %mul3A_216 : vector<16xf32> to vector<1x16xf32>
      tpu.vector_store %arg13[%swap3A_227, %swap3A_228], %swap3A_231 {strides = array<i32>} : memref<640x16xf32, #tpu.memory_space<vmem>>, vector<1x16xf32>,
      %scan3A_232 = arith.constant 0 : i32
      %scan3A_233 = arith.constant 2 : i32
      %scan3A_234 = arith.addi %scan3A_108, %scan3A_233 : i32
      %get3A_235 = arith.index_cast %scan3A_234 : i32 to index
      %get3A_236 = arith.constant 0 : index
      %get3A_237 = tpu.vector_load %arg12[%get3A_235, %get3A_236] {strides = array<i32>} : memref<640x16xf32, #tpu.memory_space<vmem>>, vector<1x16xf32>,
      %get3A_238 = vector.shape_cast %get3A_237 : vector<1x16xf32> to vector<16xf32>
      %add3A_239 = arith.constant 1.000000e+00 : f32
      %add3A_240 = vector.broadcast %add3A_239 : f32 to vector<16xf32>
      %add3A_241 = arith.addf %add3A_240, %get3A_238 : vector<16xf32>
      %get3A_242 = arith.index_cast %scan3A_234 : i32 to index
      %get3A_243 = arith.constant 0 : index
      %get3A_244 = tpu.vector_load %arg13[%get3A_242, %get3A_243] {strides = array<i32>} : memref<640x16xf32, #tpu.memory_space<vmem>>, vector<1x16xf32>,
      %get3A_245 = vector.shape_cast %get3A_244 : vector<1x16xf32> to vector<16xf32>
      %add3A_246 = arith.addf %add3A_241, %get3A_245 : vector<16xf32>
      %bitcast_convert_type3A_247 = tpu.bitcast %add3A_246 : vector<16xf32> -> vector<16xi32>
      %shift_right_arithmetic3A_248 = arith.constant 1 : i32
      %shift_right_arithmetic3A_249 = vector.broadcast %shift_right_arithmetic3A_248 : i32 to vector<16xi32>
      %shift_right_arithmetic3A_250 = arith.shrsi %bitcast_convert_type3A_247, %shift_right_arithmetic3A_249 : vector<16xi32>
      %sub3A_251 = arith.constant 1597463007 : i32
      %sub3A_252 = vector.broadcast %sub3A_251 : i32 to vector<16xi32>
      %sub3A_253 = arith.subi %sub3A_252, %shift_right_arithmetic3A_250 : vector<16xi32>
      %bitcast_convert_type3A_254 = tpu.bitcast %sub3A_253 : vector<16xi32> -> vector<16xf32>
      %mul3A_255 = arith.constant 5.000000e-01 : f32
      %mul3A_256 = vector.broadcast %mul3A_255 : f32 to vector<16xf32>
      %mul3A_257 = arith.mulf %mul3A_256, %add3A_246 : vector<16xf32>
      %mul3A_258 = arith.mulf %mul3A_257, %bitcast_convert_type3A_254 : vector<16xf32>
      %mul3A_259 = arith.mulf %mul3A_258, %bitcast_convert_type3A_254 : vector<16xf32>
      %sub3A_260 = arith.constant 1.500000e+00 : f32
      %sub3A_261 = vector.broadcast %sub3A_260 : f32 to vector<16xf32>
      %sub3A_262 = arith.subf %sub3A_261, %mul3A_259 : vector<16xf32>
      %mul3A_263 = arith.mulf %bitcast_convert_type3A_254, %sub3A_262 : vector<16xf32>
      %mul3A_264 = arith.constant 5.000000e-01 : f32
      %mul3A_265 = vector.broadcast %mul3A_264 : f32 to vector<16xf32>
      %mul3A_266 = arith.mulf %mul3A_265, %add3A_246 : vector<16xf32>
      %mul3A_267 = arith.mulf %mul3A_266, %mul3A_263 : vector<16xf32>
      %mul3A_268 = arith.mulf %mul3A_267, %mul3A_263 : vector<16xf32>
      %sub3A_269 = arith.constant 1.500000e+00 : f32
      %sub3A_270 = vector.broadcast %sub3A_269 : f32 to vector<16xf32>
      %sub3A_271 = arith.subf %sub3A_270, %mul3A_268 : vector<16xf32>
      %mul3A_272 = arith.mulf %mul3A_263, %sub3A_271 : vector<16xf32>
      %mul3A_273 = arith.constant 5.000000e-01 : f32
      %mul3A_274 = vector.broadcast %mul3A_273 : f32 to vector<16xf32>
      %mul3A_275 = arith.mulf %mul3A_274, %add3A_246 : vector<16xf32>
      %mul3A_276 = arith.mulf %mul3A_275, %mul3A_272 : vector<16xf32>
      %mul3A_277 = arith.mulf %mul3A_276, %mul3A_272 : vector<16xf32>
      %sub3A_278 = arith.constant 1.500000e+00 : f32
      %sub3A_279 = vector.broadcast %sub3A_278 : f32 to vector<16xf32>
      %sub3A_280 = arith.subf %sub3A_279, %mul3A_277 : vector<16xf32>
      %mul3A_281 = arith.mulf %mul3A_272, %sub3A_280 : vector<16xf32>
      %get3A_282 = arith.index_cast %scan3A_234 : i32 to index
      %get3A_283 = arith.constant 0 : index
      %get3A_284 = tpu.vector_load %arg11[%get3A_282, %get3A_283] {strides = array<i32>} : memref<640x16xf32, #tpu.memory_space<vmem>>, vector<1x16xf32>,
      %get3A_285 = vector.shape_cast %get3A_284 : vector<1x16xf32> to vector<16xf32>
      %mul3A_286 = arith.mulf %get3A_285, %mul3A_281 : vector<16xf32>
      %swap3A_287 = arith.index_cast %scan3A_234 : i32 to index
      %swap3A_288 = arith.constant 0 : index
      %swap3A_289 = tpu.vector_load %arg11[%swap3A_287, %swap3A_288] {strides = array<i32>} : memref<640x16xf32, #tpu.memory_space<vmem>>, vector<1x16xf32>,
      %swap3A_290 = vector.shape_cast %swap3A_289 : vector<1x16xf32> to vector<16xf32>
      %swap3A_291 = vector.shape_cast %mul3A_286 : vector<16xf32> to vector<1x16xf32>
      tpu.vector_store %arg11[%swap3A_287, %swap3A_288], %swap3A_291 {strides = array<i32>} : memref<640x16xf32, #tpu.memory_space<vmem>>, vector<1x16xf32>,
      %swap3A_292 = arith.index_cast %scan3A_234 : i32 to index
      %swap3A_293 = arith.constant 0 : index
      %swap3A_294 = tpu.vector_load %arg13[%swap3A_292, %swap3A_293] {strides = array<i32>} : memref<640x16xf32, #tpu.memory_space<vmem>>, vector<1x16xf32>,
      %swap3A_295 = vector.shape_cast %swap3A_294 : vector<1x16xf32> to vector<16xf32>
      %swap3A_296 = vector.shape_cast %mul3A_281 : vector<16xf32> to vector<1x16xf32>
      tpu.vector_store %arg13[%swap3A_292, %swap3A_293], %swap3A_296 {strides = array<i32>} : memref<640x16xf32, #tpu.memory_space<vmem>>, vector<1x16xf32>,
      %scan3A_297 = arith.constant 0 : i32
      %scan3A_298 = arith.constant 3 : i32
      %scan3A_299 = arith.addi %scan3A_108, %scan3A_298 : i32
      %get3A_300 = arith.index_cast %scan3A_299 : i32 to index
      %get3A_301 = arith.constant 0 : index
      %get3A_302 = tpu.vector_load %arg12[%get3A_300, %get3A_301] {strides = array<i32>} : memref<640x16xf32, #tpu.memory_space<vmem>>, vector<1x16xf32>,
      %get3A_303 = vector.shape_cast %get3A_302 : vector<1x16xf32> to vector<16xf32>
      %add3A_304 = arith.constant 1.000000e+00 : f32
      %add3A_305 = vector.broadcast %add3A_304 : f32 to vector<16xf32>
      %add3A_306 = arith.addf %add3A_305, %get3A_303 : vector<16xf32>
      %get3A_307 = arith.index_cast %scan3A_299 : i32 to index
      %get3A_308 = arith.constant 0 : index
      %get3A_309 = tpu.vector_load %arg13[%get3A_307, %get3A_308] {strides = array<i32>} : memref<640x16xf32, #tpu.memory_space<vmem>>, vector<1x16xf32>,
      %get3A_310 = vector.shape_cast %get3A_309 : vector<1x16xf32> to vector<16xf32>
      %add3A_311 = arith.addf %add3A_306, %get3A_310 : vector<16xf32>
      %bitcast_convert_type3A_312 = tpu.bitcast %add3A_311 : vector<16xf32> -> vector<16xi32>
      %shift_right_arithmetic3A_313 = arith.constant 1 : i32
      %shift_right_arithmetic3A_314 = vector.broadcast %shift_right_arithmetic3A_313 : i32 to vector<16xi32>
      %shift_right_arithmetic3A_315 = arith.shrsi %bitcast_convert_type3A_312, %shift_right_arithmetic3A_314 : vector<16xi32>
      %sub3A_316 = arith.constant 1597463007 : i32
      %sub3A_317 = vector.broadcast %sub3A_316 : i32 to vector<16xi32>
      %sub3A_318 = arith.subi %sub3A_317, %shift_right_arithmetic3A_315 : vector<16xi32>
      %bitcast_convert_type3A_319 = tpu.bitcast %sub3A_318 : vector<16xi32> -> vector<16xf32>
      %mul3A_320 = arith.constant 5.000000e-01 : f32
      %mul3A_321 = vector.broadcast %mul3A_320 : f32 to vector<16xf32>
      %mul3A_322 = arith.mulf %mul3A_321, %add3A_311 : vector<16xf32>
      %mul3A_323 = arith.mulf %mul3A_322, %bitcast_convert_type3A_319 : vector<16xf32>
      %mul3A_324 = arith.mulf %mul3A_323, %bitcast_convert_type3A_319 : vector<16xf32>
      %sub3A_325 = arith.constant 1.500000e+00 : f32
      %sub3A_326 = vector.broadcast %sub3A_325 : f32 to vector<16xf32>
      %sub3A_327 = arith.subf %sub3A_326, %mul3A_324 : vector<16xf32>
      %mul3A_328 = arith.mulf %bitcast_convert_type3A_319, %sub3A_327 : vector<16xf32>
      %mul3A_329 = arith.constant 5.000000e-01 : f32
      %mul3A_330 = vector.broadcast %mul3A_329 : f32 to vector<16xf32>
      %mul3A_331 = arith.mulf %mul3A_330, %add3A_311 : vector<16xf32>
      %mul3A_332 = arith.mulf %mul3A_331, %mul3A_328 : vector<16xf32>
      %mul3A_333 = arith.mulf %mul3A_332, %mul3A_328 : vector<16xf32>
      %sub3A_334 = arith.constant 1.500000e+00 : f32
      %sub3A_335 = vector.broadcast %sub3A_334 : f32 to vector<16xf32>
      %sub3A_336 = arith.subf %sub3A_335, %mul3A_333 : vector<16xf32>
      %mul3A_337 = arith.mulf %mul3A_328, %sub3A_336 : vector<16xf32>
      %mul3A_338 = arith.constant 5.000000e-01 : f32
      %mul3A_339 = vector.broadcast %mul3A_338 : f32 to vector<16xf32>
      %mul3A_340 = arith.mulf %mul3A_339, %add3A_311 : vector<16xf32>
      %mul3A_341 = arith.mulf %mul3A_340, %mul3A_337 : vector<16xf32>
      %mul3A_342 = arith.mulf %mul3A_341, %mul3A_337 : vector<16xf32>
      %sub3A_343 = arith.constant 1.500000e+00 : f32
      %sub3A_344 = vector.broadcast %sub3A_343 : f32 to vector<16xf32>
      %sub3A_345 = arith.subf %sub3A_344, %mul3A_342 : vector<16xf32>
      %mul3A_346 = arith.mulf %mul3A_337, %sub3A_345 : vector<16xf32>
      %get3A_347 = arith.index_cast %scan3A_299 : i32 to index
      %get3A_348 = arith.constant 0 : index
      %get3A_349 = tpu.vector_load %arg11[%get3A_347, %get3A_348] {strides = array<i32>} : memref<640x16xf32, #tpu.memory_space<vmem>>, vector<1x16xf32>,
      %get3A_350 = vector.shape_cast %get3A_349 : vector<1x16xf32> to vector<16xf32>
      %mul3A_351 = arith.mulf %get3A_350, %mul3A_346 : vector<16xf32>
      %swap3A_352 = arith.index_cast %scan3A_299 : i32 to index
      %swap3A_353 = arith.constant 0 : index
      %swap3A_354 = tpu.vector_load %arg11[%swap3A_352, %swap3A_353] {strides = array<i32>} : memref<640x16xf32, #tpu.memory_space<vmem>>, vector<1x16xf32>,
      %swap3A_355 = vector.shape_cast %swap3A_354 : vector<1x16xf32> to vector<16xf32>
      %swap3A_356 = vector.shape_cast %mul3A_351 : vector<16xf32> to vector<1x16xf32>
      tpu.vector_store %arg11[%swap3A_352, %swap3A_353], %swap3A_356 {strides = array<i32>} : memref<640x16xf32, #tpu.memory_space<vmem>>, vector<1x16xf32>,
      %swap3A_357 = arith.index_cast %scan3A_299 : i32 to index
      %swap3A_358 = arith.constant 0 : index
      %swap3A_359 = tpu.vector_load %arg13[%swap3A_357, %swap3A_358] {strides = array<i32>} : memref<640x16xf32, #tpu.memory_space<vmem>>, vector<1x16xf32>,
      %swap3A_360 = vector.shape_cast %swap3A_359 : vector<1x16xf32> to vector<16xf32>
      %swap3A_361 = vector.shape_cast %mul3A_346 : vector<16xf32> to vector<1x16xf32>
      tpu.vector_store %arg13[%swap3A_357, %swap3A_358], %swap3A_361 {strides = array<i32>} : memref<640x16xf32, #tpu.memory_space<vmem>>, vector<1x16xf32>,
      %scan3A_362 = arith.constant 0 : i32
      %scan3A_363 = arith.constant 4 : i32
      %scan3A_364 = arith.addi %scan3A_108, %scan3A_363 : i32
      %get3A_365 = arith.index_cast %scan3A_364 : i32 to index
      %get3A_366 = arith.constant 0 : index
      %get3A_367 = tpu.vector_load %arg12[%get3A_365, %get3A_366] {strides = array<i32>} : memref<640x16xf32, #tpu.memory_space<vmem>>, vector<1x16xf32>,
      %get3A_368 = vector.shape_cast %get3A_367 : vector<1x16xf32> to vector<16xf32>
      %add3A_369 = arith.constant 1.000000e+00 : f32
      %add3A_370 = vector.broadcast %add3A_369 : f32 to vector<16xf32>
      %add3A_371 = arith.addf %add3A_370, %get3A_368 : vector<16xf32>
      %get3A_372 = arith.index_cast %scan3A_364 : i32 to index
      %get3A_373 = arith.constant 0 : index
      %get3A_374 = tpu.vector_load %arg13[%get3A_372, %get3A_373] {strides = array<i32>} : memref<640x16xf32, #tpu.memory_space<vmem>>, vector<1x16xf32>,
      %get3A_375 = vector.shape_cast %get3A_374 : vector<1x16xf32> to vector<16xf32>
      %add3A_376 = arith.addf %add3A_371, %get3A_375 : vector<16xf32>
      %bitcast_convert_type3A_377 = tpu.bitcast %add3A_376 : vector<16xf32> -> vector<16xi32>
      %shift_right_arithmetic3A_378 = arith.constant 1 : i32
      %shift_right_arithmetic3A_379 = vector.broadcast %shift_right_arithmetic3A_378 : i32 to vector<16xi32>
      %shift_right_arithmetic3A_380 = arith.shrsi %bitcast_convert_type3A_377, %shift_right_arithmetic3A_379 : vector<16xi32>
      %sub3A_381 = arith.constant 1597463007 : i32
      %sub3A_382 = vector.broadcast %sub3A_381 : i32 to vector<16xi32>
      %sub3A_383 = arith.subi %sub3A_382, %shift_right_arithmetic3A_380 : vector<16xi32>
      %bitcast_convert_type3A_384 = tpu.bitcast %sub3A_383 : vector<16xi32> -> vector<16xf32>
      %mul3A_385 = arith.constant 5.000000e-01 : f32
      %mul3A_386 = vector.broadcast %mul3A_385 : f32 to vector<16xf32>
      %mul3A_387 = arith.mulf %mul3A_386, %add3A_376 : vector<16xf32>
      %mul3A_388 = arith.mulf %mul3A_387, %bitcast_convert_type3A_384 : vector<16xf32>
      %mul3A_389 = arith.mulf %mul3A_388, %bitcast_convert_type3A_384 : vector<16xf32>
      %sub3A_390 = arith.constant 1.500000e+00 : f32
      %sub3A_391 = vector.broadcast %sub3A_390 : f32 to vector<16xf32>
      %sub3A_392 = arith.subf %sub3A_391, %mul3A_389 : vector<16xf32>
      %mul3A_393 = arith.mulf %bitcast_convert_type3A_384, %sub3A_392 : vector<16xf32>
      %mul3A_394 = arith.constant 5.000000e-01 : f32
      %mul3A_395 = vector.broadcast %mul3A_394 : f32 to vector<16xf32>
      %mul3A_396 = arith.mulf %mul3A_395, %add3A_376 : vector<16xf32>
      %mul3A_397 = arith.mulf %mul3A_396, %mul3A_393 : vector<16xf32>
      %mul3A_398 = arith.mulf %mul3A_397, %mul3A_393 : vector<16xf32>
      %sub3A_399 = arith.constant 1.500000e+00 : f32
      %sub3A_400 = vector.broadcast %sub3A_399 : f32 to vector<16xf32>
      %sub3A_401 = arith.subf %sub3A_400, %mul3A_398 : vector<16xf32>
      %mul3A_402 = arith.mulf %mul3A_393, %sub3A_401 : vector<16xf32>
      %mul3A_403 = arith.constant 5.000000e-01 : f32
      %mul3A_404 = vector.broadcast %mul3A_403 : f32 to vector<16xf32>
      %mul3A_405 = arith.mulf %mul3A_404, %add3A_376 : vector<16xf32>
      %mul3A_406 = arith.mulf %mul3A_405, %mul3A_402 : vector<16xf32>
      %mul3A_407 = arith.mulf %mul3A_406, %mul3A_402 : vector<16xf32>
      %sub3A_408 = arith.constant 1.500000e+00 : f32
      %sub3A_409 = vector.broadcast %sub3A_408 : f32 to vector<16xf32>
      %sub3A_410 = arith.subf %sub3A_409, %mul3A_407 : vector<16xf32>
      %mul3A_411 = arith.mulf %mul3A_402, %sub3A_410 : vector<16xf32>
      %get3A_412 = arith.index_cast %scan3A_364 : i32 to index
      %get3A_413 = arith.constant 0 : index
      %get3A_414 = tpu.vector_load %arg11[%get3A_412, %get3A_413] {strides = array<i32>} : memref<640x16xf32, #tpu.memory_space<vmem>>, vector<1x16xf32>,
      %get3A_415 = vector.shape_cast %get3A_414 : vector<1x16xf32> to vector<16xf32>
      %mul3A_416 = arith.mulf %get3A_415, %mul3A_411 : vector<16xf32>
      %swap3A_417 = arith.index_cast %scan3A_364 : i32 to index
      %swap3A_418 = arith.constant 0 : index
      %swap3A_419 = tpu.vector_load %arg11[%swap3A_417, %swap3A_418] {strides = array<i32>} : memref<640x16xf32, #tpu.memory_space<vmem>>, vector<1x16xf32>,
      %swap3A_420 = vector.shape_cast %swap3A_419 : vector<1x16xf32> to vector<16xf32>
      %swap3A_421 = vector.shape_cast %mul3A_416 : vector<16xf32> to vector<1x16xf32>
      tpu.vector_store %arg11[%swap3A_417, %swap3A_418], %swap3A_421 {strides = array<i32>} : memref<640x16xf32, #tpu.memory_space<vmem>>, vector<1x16xf32>,
      %swap3A_422 = arith.index_cast %scan3A_364 : i32 to index
      %swap3A_423 = arith.constant 0 : index
      %swap3A_424 = tpu.vector_load %arg13[%swap3A_422, %swap3A_423] {strides = array<i32>} : memref<640x16xf32, #tpu.memory_space<vmem>>, vector<1x16xf32>,
      %swap3A_425 = vector.shape_cast %swap3A_424 : vector<1x16xf32> to vector<16xf32>
      %swap3A_426 = vector.shape_cast %mul3A_411 : vector<16xf32> to vector<1x16xf32>
      tpu.vector_store %arg13[%swap3A_422, %swap3A_423], %swap3A_426 {strides = array<i32>} : memref<640x16xf32, #tpu.memory_space<vmem>>, vector<1x16xf32>,
      %scan3A_427 = arith.constant 0 : i32
      %scan3A_428 = arith.constant 5 : i32
      %scan3A_429 = arith.addi %scan3A_108, %scan3A_428 : i32
      %get3A_430 = arith.index_cast %scan3A_429 : i32 to index
      %get3A_431 = arith.constant 0 : index
      %get3A_432 = tpu.vector_load %arg12[%get3A_430, %get3A_431] {strides = array<i32>} : memref<640x16xf32, #tpu.memory_space<vmem>>, vector<1x16xf32>,
      %get3A_433 = vector.shape_cast %get3A_432 : vector<1x16xf32> to vector<16xf32>
      %add3A_434 = arith.constant 1.000000e+00 : f32
      %add3A_435 = vector.broadcast %add3A_434 : f32 to vector<16xf32>
      %add3A_436 = arith.addf %add3A_435, %get3A_433 : vector<16xf32>
      %get3A_437 = arith.index_cast %scan3A_429 : i32 to index
      %get3A_438 = arith.constant 0 : index
      %get3A_439 = tpu.vector_load %arg13[%get3A_437, %get3A_438] {strides = array<i32>} : memref<640x16xf32, #tpu.memory_space<vmem>>, vector<1x16xf32>,
      %get3A_440 = vector.shape_cast %get3A_439 : vector<1x16xf32> to vector<16xf32>
      %add3A_441 = arith.addf %add3A_436, %get3A_440 : vector<16xf32>
      %bitcast_convert_type3A_442 = tpu.bitcast %add3A_441 : vector<16xf32> -> vector<16xi32>
      %shift_right_arithmetic3A_443 = arith.constant 1 : i32
      %shift_right_arithmetic3A_444 = vector.broadcast %shift_right_arithmetic3A_443 : i32 to vector<16xi32>
      %shift_right_arithmetic3A_445 = arith.shrsi %bitcast_convert_type3A_442, %shift_right_arithmetic3A_444 : vector<16xi32>
      %sub3A_446 = arith.constant 1597463007 : i32
      %sub3A_447 = vector.broadcast %sub3A_446 : i32 to vector<16xi32>
      %sub3A_448 = arith.subi %sub3A_447, %shift_right_arithmetic3A_445 : vector<16xi32>
      %bitcast_convert_type3A_449 = tpu.bitcast %sub3A_448 : vector<16xi32> -> vector<16xf32>
      %mul3A_450 = arith.constant 5.000000e-01 : f32
      %mul3A_451 = vector.broadcast %mul3A_450 : f32 to vector<16xf32>
      %mul3A_452 = arith.mulf %mul3A_451, %add3A_441 : vector<16xf32>
      %mul3A_453 = arith.mulf %mul3A_452, %bitcast_convert_type3A_449 : vector<16xf32>
      %mul3A_454 = arith.mulf %mul3A_453, %bitcast_convert_type3A_449 : vector<16xf32>
      %sub3A_455 = arith.constant 1.500000e+00 : f32
      %sub3A_456 = vector.broadcast %sub3A_455 : f32 to vector<16xf32>
      %sub3A_457 = arith.subf %sub3A_456, %mul3A_454 : vector<16xf32>
      %mul3A_458 = arith.mulf %bitcast_convert_type3A_449, %sub3A_457 : vector<16xf32>
      %mul3A_459 = arith.constant 5.000000e-01 : f32
      %mul3A_460 = vector.broadcast %mul3A_459 : f32 to vector<16xf32>
      %mul3A_461 = arith.mulf %mul3A_460, %add3A_441 : vector<16xf32>
      %mul3A_462 = arith.mulf %mul3A_461, %mul3A_458 : vector<16xf32>
      %mul3A_463 = arith.mulf %mul3A_462, %mul3A_458 : vector<16xf32>
      %sub3A_464 = arith.constant 1.500000e+00 : f32
      %sub3A_465 = vector.broadcast %sub3A_464 : f32 to vector<16xf32>
      %sub3A_466 = arith.subf %sub3A_465, %mul3A_463 : vector<16xf32>
      %mul3A_467 = arith.mulf %mul3A_458, %sub3A_466 : vector<16xf32>
      %mul3A_468 = arith.constant 5.000000e-01 : f32
      %mul3A_469 = vector.broadcast %mul3A_468 : f32 to vector<16xf32>
      %mul3A_470 = arith.mulf %mul3A_469, %add3A_441 : vector<16xf32>
      %mul3A_471 = arith.mulf %mul3A_470, %mul3A_467 : vector<16xf32>
      %mul3A_472 = arith.mulf %mul3A_471, %mul3A_467 : vector<16xf32>
      %sub3A_473 = arith.constant 1.500000e+00 : f32
      %sub3A_474 = vector.broadcast %sub3A_473 : f32 to vector<16xf32>
      %sub3A_475 = arith.subf %sub3A_474, %mul3A_472 : vector<16xf32>
      %mul3A_476 = arith.mulf %mul3A_467, %sub3A_475 : vector<16xf32>
      %get3A_477 = arith.index_cast %scan3A_429 : i32 to index
      %get3A_478 = arith.constant 0 : index
      %get3A_479 = tpu.vector_load %arg11[%get3A_477, %get3A_478] {strides = array<i32>} : memref<640x16xf32, #tpu.memory_space<vmem>>, vector<1x16xf32>,
      %get3A_480 = vector.shape_cast %get3A_479 : vector<1x16xf32> to vector<16xf32>
      %mul3A_481 = arith.mulf %get3A_480, %mul3A_476 : vector<16xf32>
      %swap3A_482 = arith.index_cast %scan3A_429 : i32 to index
      %swap3A_483 = arith.constant 0 : index
      %swap3A_484 = tpu.vector_load %arg11[%swap3A_482, %swap3A_483] {strides = array<i32>} : memref<640x16xf32, #tpu.memory_space<vmem>>, vector<1x16xf32>,
      %swap3A_485 = vector.shape_cast %swap3A_484 : vector<1x16xf32> to vector<16xf32>
      %swap3A_486 = vector.shape_cast %mul3A_481 : vector<16xf32> to vector<1x16xf32>
      tpu.vector_store %arg11[%swap3A_482, %swap3A_483], %swap3A_486 {strides = array<i32>} : memref<640x16xf32, #tpu.memory_space<vmem>>, vector<1x16xf32>,
      %swap3A_487 = arith.index_cast %scan3A_429 : i32 to index
      %swap3A_488 = arith.constant 0 : index
      %swap3A_489 = tpu.vector_load %arg13[%swap3A_487, %swap3A_488] {strides = array<i32>} : memref<640x16xf32, #tpu.memory_space<vmem>>, vector<1x16xf32>,
      %swap3A_490 = vector.shape_cast %swap3A_489 : vector<1x16xf32> to vector<16xf32>
      %swap3A_491 = vector.shape_cast %mul3A_476 : vector<16xf32> to vector<1x16xf32>
      tpu.vector_store %arg13[%swap3A_487, %swap3A_488], %swap3A_491 {strides = array<i32>} : memref<640x16xf32, #tpu.memory_space<vmem>>, vector<1x16xf32>,
      %scan3A_492 = arith.constant 0 : i32
      %scan3A_493 = arith.constant 6 : i32
      %scan3A_494 = arith.addi %scan3A_108, %scan3A_493 : i32
      %get3A_495 = arith.index_cast %scan3A_494 : i32 to index
      %get3A_496 = arith.constant 0 : index
      %get3A_497 = tpu.vector_load %arg12[%get3A_495, %get3A_496] {strides = array<i32>} : memref<640x16xf32, #tpu.memory_space<vmem>>, vector<1x16xf32>,
      %get3A_498 = vector.shape_cast %get3A_497 : vector<1x16xf32> to vector<16xf32>
      %add3A_499 = arith.constant 1.000000e+00 : f32
      %add3A_500 = vector.broadcast %add3A_499 : f32 to vector<16xf32>
      %add3A_501 = arith.addf %add3A_500, %get3A_498 : vector<16xf32>
      %get3A_502 = arith.index_cast %scan3A_494 : i32 to index
      %get3A_503 = arith.constant 0 : index
      %get3A_504 = tpu.vector_load %arg13[%get3A_502, %get3A_503] {strides = array<i32>} : memref<640x16xf32, #tpu.memory_space<vmem>>, vector<1x16xf32>,
      %get3A_505 = vector.shape_cast %get3A_504 : vector<1x16xf32> to vector<16xf32>
      %add3A_506 = arith.addf %add3A_501, %get3A_505 : vector<16xf32>
      %bitcast_convert_type3A_507 = tpu.bitcast %add3A_506 : vector<16xf32> -> vector<16xi32>
      %shift_right_arithmetic3A_508 = arith.constant 1 : i32
      %shift_right_arithmetic3A_509 = vector.broadcast %shift_right_arithmetic3A_508 : i32 to vector<16xi32>
      %shift_right_arithmetic3A_510 = arith.shrsi %bitcast_convert_type3A_507, %shift_right_arithmetic3A_509 : vector<16xi32>
      %sub3A_511 = arith.constant 1597463007 : i32
      %sub3A_512 = vector.broadcast %sub3A_511 : i32 to vector<16xi32>
      %sub3A_513 = arith.subi %sub3A_512, %shift_right_arithmetic3A_510 : vector<16xi32>
      %bitcast_convert_type3A_514 = tpu.bitcast %sub3A_513 : vector<16xi32> -> vector<16xf32>
      %mul3A_515 = arith.constant 5.000000e-01 : f32
      %mul3A_516 = vector.broadcast %mul3A_515 : f32 to vector<16xf32>
      %mul3A_517 = arith.mulf %mul3A_516, %add3A_506 : vector<16xf32>
      %mul3A_518 = arith.mulf %mul3A_517, %bitcast_convert_type3A_514 : vector<16xf32>
      %mul3A_519 = arith.mulf %mul3A_518, %bitcast_convert_type3A_514 : vector<16xf32>
      %sub3A_520 = arith.constant 1.500000e+00 : f32
      %sub3A_521 = vector.broadcast %sub3A_520 : f32 to vector<16xf32>
      %sub3A_522 = arith.subf %sub3A_521, %mul3A_519 : vector<16xf32>
      %mul3A_523 = arith.mulf %bitcast_convert_type3A_514, %sub3A_522 : vector<16xf32>
      %mul3A_524 = arith.constant 5.000000e-01 : f32
      %mul3A_525 = vector.broadcast %mul3A_524 : f32 to vector<16xf32>
      %mul3A_526 = arith.mulf %mul3A_525, %add3A_506 : vector<16xf32>
      %mul3A_527 = arith.mulf %mul3A_526, %mul3A_523 : vector<16xf32>
      %mul3A_528 = arith.mulf %mul3A_527, %mul3A_523 : vector<16xf32>
      %sub3A_529 = arith.constant 1.500000e+00 : f32
      %sub3A_530 = vector.broadcast %sub3A_529 : f32 to vector<16xf32>
      %sub3A_531 = arith.subf %sub3A_530, %mul3A_528 : vector<16xf32>
      %mul3A_532 = arith.mulf %mul3A_523, %sub3A_531 : vector<16xf32>
      %mul3A_533 = arith.constant 5.000000e-01 : f32
      %mul3A_534 = vector.broadcast %mul3A_533 : f32 to vector<16xf32>
      %mul3A_535 = arith.mulf %mul3A_534, %add3A_506 : vector<16xf32>
      %mul3A_536 = arith.mulf %mul3A_535, %mul3A_532 : vector<16xf32>
      %mul3A_537 = arith.mulf %mul3A_536, %mul3A_532 : vector<16xf32>
      %sub3A_538 = arith.constant 1.500000e+00 : f32
      %sub3A_539 = vector.broadcast %sub3A_538 : f32 to vector<16xf32>
      %sub3A_540 = arith.subf %sub3A_539, %mul3A_537 : vector<16xf32>
      %mul3A_541 = arith.mulf %mul3A_532, %sub3A_540 : vector<16xf32>
      %get3A_542 = arith.index_cast %scan3A_494 : i32 to index
      %get3A_543 = arith.constant 0 : index
      %get3A_544 = tpu.vector_load %arg11[%get3A_542, %get3A_543] {strides = array<i32>} : memref<640x16xf32, #tpu.memory_space<vmem>>, vector<1x16xf32>,
      %get3A_545 = vector.shape_cast %get3A_544 : vector<1x16xf32> to vector<16xf32>
      %mul3A_546 = arith.mulf %get3A_545, %mul3A_541 : vector<16xf32>
      %swap3A_547 = arith.index_cast %scan3A_494 : i32 to index
      %swap3A_548 = arith.constant 0 : index
      %swap3A_549 = tpu.vector_load %arg11[%swap3A_547, %swap3A_548] {strides = array<i32>} : memref<640x16xf32, #tpu.memory_space<vmem>>, vector<1x16xf32>,
      %swap3A_550 = vector.shape_cast %swap3A_549 : vector<1x16xf32> to vector<16xf32>
      %swap3A_551 = vector.shape_cast %mul3A_546 : vector<16xf32> to vector<1x16xf32>
      tpu.vector_store %arg11[%swap3A_547, %swap3A_548], %swap3A_551 {strides = array<i32>} : memref<640x16xf32, #tpu.memory_space<vmem>>, vector<1x16xf32>,
      %swap3A_552 = arith.index_cast %scan3A_494 : i32 to index
      %swap3A_553 = arith.constant 0 : index
      %swap3A_554 = tpu.vector_load %arg13[%swap3A_552, %swap3A_553] {strides = array<i32>} : memref<640x16xf32, #tpu.memory_space<vmem>>, vector<1x16xf32>,
      %swap3A_555 = vector.shape_cast %swap3A_554 : vector<1x16xf32> to vector<16xf32>
      %swap3A_556 = vector.shape_cast %mul3A_541 : vector<16xf32> to vector<1x16xf32>
      tpu.vector_store %arg13[%swap3A_552, %swap3A_553], %swap3A_556 {strides = array<i32>} : memref<640x16xf32, #tpu.memory_space<vmem>>, vector<1x16xf32>,
      %scan3A_557 = arith.constant 0 : i32
      %scan3A_558 = arith.constant 7 : i32
      %scan3A_559 = arith.addi %scan3A_108, %scan3A_558 : i32
      %get3A_560 = arith.index_cast %scan3A_559 : i32 to index
      %get3A_561 = arith.constant 0 : index
      %get3A_562 = tpu.vector_load %arg12[%get3A_560, %get3A_561] {strides = array<i32>} : memref<640x16xf32, #tpu.memory_space<vmem>>, vector<1x16xf32>,
      %get3A_563 = vector.shape_cast %get3A_562 : vector<1x16xf32> to vector<16xf32>
      %add3A_564 = arith.constant 1.000000e+00 : f32
      %add3A_565 = vector.broadcast %add3A_564 : f32 to vector<16xf32>
      %add3A_566 = arith.addf %add3A_565, %get3A_563 : vector<16xf32>
      %get3A_567 = arith.index_cast %scan3A_559 : i32 to index
      %get3A_568 = arith.constant 0 : index
      %get3A_569 = tpu.vector_load %arg13[%get3A_567, %get3A_568] {strides = array<i32>} : memref<640x16xf32, #tpu.memory_space<vmem>>, vector<1x16xf32>,
      %get3A_570 = vector.shape_cast %get3A_569 : vector<1x16xf32> to vector<16xf32>
      %add3A_571 = arith.addf %add3A_566, %get3A_570 : vector<16xf32>
      %bitcast_convert_type3A_572 = tpu.bitcast %add3A_571 : vector<16xf32> -> vector<16xi32>
      %shift_right_arithmetic3A_573 = arith.constant 1 : i32
      %shift_right_arithmetic3A_574 = vector.broadcast %shift_right_arithmetic3A_573 : i32 to vector<16xi32>
      %shift_right_arithmetic3A_575 = arith.shrsi %bitcast_convert_type3A_572, %shift_right_arithmetic3A_574 : vector<16xi32>
      %sub3A_576 = arith.constant 1597463007 : i32
      %sub3A_577 = vector.broadcast %sub3A_576 : i32 to vector<16xi32>
      %sub3A_578 = arith.subi %sub3A_577, %shift_right_arithmetic3A_575 : vector<16xi32>
      %bitcast_convert_type3A_579 = tpu.bitcast %sub3A_578 : vector<16xi32> -> vector<16xf32>
      %mul3A_580 = arith.constant 5.000000e-01 : f32
      %mul3A_581 = vector.broadcast %mul3A_580 : f32 to vector<16xf32>
      %mul3A_582 = arith.mulf %mul3A_581, %add3A_571 : vector<16xf32>
      %mul3A_583 = arith.mulf %mul3A_582, %bitcast_convert_type3A_579 : vector<16xf32>
      %mul3A_584 = arith.mulf %mul3A_583, %bitcast_convert_type3A_579 : vector<16xf32>
      %sub3A_585 = arith.constant 1.500000e+00 : f32
      %sub3A_586 = vector.broadcast %sub3A_585 : f32 to vector<16xf32>
      %sub3A_587 = arith.subf %sub3A_586, %mul3A_584 : vector<16xf32>
      %mul3A_588 = arith.mulf %bitcast_convert_type3A_579, %sub3A_587 : vector<16xf32>
      %mul3A_589 = arith.constant 5.000000e-01 : f32
      %mul3A_590 = vector.broadcast %mul3A_589 : f32 to vector<16xf32>
      %mul3A_591 = arith.mulf %mul3A_590, %add3A_571 : vector<16xf32>
      %mul3A_592 = arith.mulf %mul3A_591, %mul3A_588 : vector<16xf32>
      %mul3A_593 = arith.mulf %mul3A_592, %mul3A_588 : vector<16xf32>
      %sub3A_594 = arith.constant 1.500000e+00 : f32
      %sub3A_595 = vector.broadcast %sub3A_594 : f32 to vector<16xf32>
      %sub3A_596 = arith.subf %sub3A_595, %mul3A_593 : vector<16xf32>
      %mul3A_597 = arith.mulf %mul3A_588, %sub3A_596 : vector<16xf32>
      %mul3A_598 = arith.constant 5.000000e-01 : f32
      %mul3A_599 = vector.broadcast %mul3A_598 : f32 to vector<16xf32>
      %mul3A_600 = arith.mulf %mul3A_599, %add3A_571 : vector<16xf32>
      %mul3A_601 = arith.mulf %mul3A_600, %mul3A_597 : vector<16xf32>
      %mul3A_602 = arith.mulf %mul3A_601, %mul3A_597 : vector<16xf32>
      %sub3A_603 = arith.constant 1.500000e+00 : f32
      %sub3A_604 = vector.broadcast %sub3A_603 : f32 to vector<16xf32>
      %sub3A_605 = arith.subf %sub3A_604, %mul3A_602 : vector<16xf32>
      %mul3A_606 = arith.mulf %mul3A_597, %sub3A_605 : vector<16xf32>
      %get3A_607 = arith.index_cast %scan3A_559 : i32 to index
      %get3A_608 = arith.constant 0 : index
      %get3A_609 = tpu.vector_load %arg11[%get3A_607, %get3A_608] {strides = array<i32>} : memref<640x16xf32, #tpu.memory_space<vmem>>, vector<1x16xf32>,
      %get3A_610 = vector.shape_cast %get3A_609 : vector<1x16xf32> to vector<16xf32>
      %mul3A_611 = arith.mulf %get3A_610, %mul3A_606 : vector<16xf32>
      %swap3A_612 = arith.index_cast %scan3A_559 : i32 to index
      %swap3A_613 = arith.constant 0 : index
      %swap3A_614 = tpu.vector_load %arg11[%swap3A_612, %swap3A_613] {strides = array<i32>} : memref<640x16xf32, #tpu.memory_space<vmem>>, vector<1x16xf32>,
      %swap3A_615 = vector.shape_cast %swap3A_614 : vector<1x16xf32> to vector<16xf32>
      %swap3A_616 = vector.shape_cast %mul3A_611 : vector<16xf32> to vector<1x16xf32>
      tpu.vector_store %arg11[%swap3A_612, %swap3A_613], %swap3A_616 {strides = array<i32>} : memref<640x16xf32, #tpu.memory_space<vmem>>, vector<1x16xf32>,
      %swap3A_617 = arith.index_cast %scan3A_559 : i32 to index
      %swap3A_618 = arith.constant 0 : index
      %swap3A_619 = tpu.vector_load %arg13[%swap3A_617, %swap3A_618] {strides = array<i32>} : memref<640x16xf32, #tpu.memory_space<vmem>>, vector<1x16xf32>,
      %swap3A_620 = vector.shape_cast %swap3A_619 : vector<1x16xf32> to vector<16xf32>
      %swap3A_621 = vector.shape_cast %mul3A_606 : vector<16xf32> to vector<1x16xf32>
      tpu.vector_store %arg13[%swap3A_617, %swap3A_618], %swap3A_621 {strides = array<i32>} : memref<640x16xf32, #tpu.memory_space<vmem>>, vector<1x16xf32>,
      %scan3A_622 = arith.constant 0 : i32
      scf.yield %scan3A_622 : i32
    }
    %scan3A_43 = arith.constant 640 : i32
    %dma_start3A_44 = arith.constant 0 : i32
    %dma_start3A_45 = tpu.memref_slice %arg7[%mul3A_2, %dma_start3A_44] : memref<10240x16xf32, #tpu.memory_space<hbm>> -> memref<640x16xf32, #tpu.memory_space<hbm>>
    %dma_start3A_46 = arith.constant 0 : i32
    %dma_start3A_47 = tpu.memref_slice %arg7[%mul3A_2, %dma_start3A_46] : memref<10240x16xf32, #tpu.memory_space<hbm>> -> memref<640x16xf32, #tpu.memory_space<hbm>>
    tpu.enqueue_dma source(%arg11 : memref<640x16xf32, #tpu.memory_space<vmem>>) target(%dma_start3A_47 : memref<640x16xf32, #tpu.memory_space<hbm>>) target_semaphore(%arg27 : memref<!tpu.dma_semaphore, #tpu.memory_space<semaphore_mem>>)
    %dma_start3A_48 = arith.constant 0 : i32
    %dma_start3A_49 = tpu.memref_slice %arg8[%mul3A_2, %dma_start3A_48] : memref<10240x16xf32, #tpu.memory_space<hbm>> -> memref<640x16xf32, #tpu.memory_space<hbm>>
    %dma_start3A_50 = arith.constant 0 : i32
    %dma_start3A_51 = tpu.memref_slice %arg8[%mul3A_2, %dma_start3A_50] : memref<10240x16xf32, #tpu.memory_space<hbm>> -> memref<640x16xf32, #tpu.memory_space<hbm>>
    tpu.enqueue_dma source(%arg13 : memref<640x16xf32, #tpu.memory_space<vmem>>) target(%dma_start3A_51 : memref<640x16xf32, #tpu.memory_space<hbm>>) target_semaphore(%arg27 : memref<!tpu.dma_semaphore, #tpu.memory_space<semaphore_mem>>)
    "tpu.region"() ({
      %run_scoped3A_108 = tpu.sem_alloc : memref<!tpu.dma_semaphore, #tpu.memory_space<semaphore_mem>>
      %dma_start3A_109 = arith.constant 0 : i32
      %dma_start3A_110 = tpu.memref_slice %arg14[%mul3A_2, %dma_start3A_109] : memref<10240x16xf32, #tpu.memory_space<vmem_shared>> -> memref<640x16xf32, #tpu.memory_space<vmem_shared>>
      %dma_start3A_111 = arith.constant 0 : i32
      %dma_start3A_112 = tpu.memref_slice %arg14[%mul3A_2, %dma_start3A_111] : memref<10240x16xf32, #tpu.memory_space<vmem_shared>> -> memref<640x16xf32, #tpu.memory_space<vmem_shared>>
      tpu.enqueue_dma source(%arg11 : memref<640x16xf32, #tpu.memory_space<vmem>>) target(%dma_start3A_112 : memref<640x16xf32, #tpu.memory_space<vmem_shared>>) target_semaphore(%run_scoped3A_108 : memref<!tpu.dma_semaphore, #tpu.memory_space<semaphore_mem>>)
      %dma_wait3A_113 = arith.constant 0 : i32
      %dma_wait3A_114 = tpu.memref_slice %arg14[%mul3A_2, %dma_wait3A_113] : memref<10240x16xf32, #tpu.memory_space<vmem_shared>> -> memref<640x16xf32, #tpu.memory_space<vmem_shared>>
      %dma_wait3A_115 = arith.constant 0 : i32
      %dma_wait3A_116 = tpu.memref_slice %arg14[%mul3A_2, %dma_wait3A_115] : memref<10240x16xf32, #tpu.memory_space<vmem_shared>> -> memref<640x16xf32, #tpu.memory_space<vmem_shared>>
      tpu.wait_dma2 semaphore(%run_scoped3A_108 : memref<!tpu.dma_semaphore, #tpu.memory_space<semaphore_mem>>) src(%arg11 : memref<640x16xf32, #tpu.memory_space<vmem>>) dst(%dma_wait3A_116 : memref<640x16xf32, #tpu.memory_space<vmem_shared>>)
      tpu.yield
    }) : () -> ()
    %barrier3A = arith.constant 0 : index
    tpu.barrier barrier_id(%barrier3A)
    %dma_wait3A_52 = arith.constant 0 : i32
    %dma_wait3A_53 = tpu.memref_slice %arg7[%mul3A_2, %dma_wait3A_52] : memref<10240x16xf32, #tpu.memory_space<hbm>> -> memref<640x16xf32, #tpu.memory_space<hbm>>
    %dma_wait3A_54 = arith.constant 0 : i32
    %dma_wait3A_55 = tpu.memref_slice %arg7[%mul3A_2, %dma_wait3A_54] : memref<10240x16xf32, #tpu.memory_space<hbm>> -> memref<640x16xf32, #tpu.memory_space<hbm>>
    tpu.wait_dma2 semaphore(%arg27 : memref<!tpu.dma_semaphore, #tpu.memory_space<semaphore_mem>>) src(%arg11 : memref<640x16xf32, #tpu.memory_space<vmem>>) dst(%dma_wait3A_55 : memref<640x16xf32, #tpu.memory_space<hbm>>)
    %dma_wait3A_56 = arith.constant 0 : i32
    %dma_wait3A_57 = tpu.memref_slice %arg8[%mul3A_2, %dma_wait3A_56] : memref<10240x16xf32, #tpu.memory_space<hbm>> -> memref<640x16xf32, #tpu.memory_space<hbm>>
    %dma_wait3A_58 = arith.constant 0 : i32
    %dma_wait3A_59 = tpu.memref_slice %arg8[%mul3A_2, %dma_wait3A_58] : memref<10240x16xf32, #tpu.memory_space<hbm>> -> memref<640x16xf32, #tpu.memory_space<hbm>>
    tpu.wait_dma2 semaphore(%arg27 : memref<!tpu.dma_semaphore, #tpu.memory_space<semaphore_mem>>) src(%arg13 : memref<640x16xf32, #tpu.memory_space<vmem>>) dst(%dma_wait3A_59 : memref<640x16xf32, #tpu.memory_space<hbm>>)
    %dma_start3A_60 = arith.constant 0 : i32
    %dma_start3A_61 = arith.constant 0 : i32
    %dma_start3A_62 = tpu.memref_slice %arg9[%dma_start3A_60, %dma_start3A_61] : memref<80x128xi32, #tpu.memory_space<vmem>> -> memref<1x128xi32, #tpu.memory_space<vmem>>
    %dma_start3A_63 = tpu.memref_squeeze %dma_start3A_62 : memref<1x128xi32, #tpu.memory_space<vmem>> -> memref<128xi32, #tpu.memory_space<vmem>>
    %dma_start3A_64 = arith.constant 0 : i32
    %dma_start3A_65 = arith.constant 0 : i32
    %dma_start3A_66 = tpu.memref_slice %arg14[%dma_start3A_64, %dma_start3A_65] : memref<10240x16xf32, #tpu.memory_space<vmem_shared>> -> memref<10240x16xf32, #tpu.memory_space<vmem_shared>>
    tpu.enqueue_indirect_dma source(%dma_start3A_66 : memref<10240x16xf32, #tpu.memory_space<vmem_shared>>) target(%arg16 : memref<128x16xf32, #tpu.memory_space<vmem>>) offsets(%dma_start3A_63 : memref<128xi32, #tpu.memory_space<vmem>>) semaphore(%arg20 : memref<!tpu.dma_semaphore, #tpu.memory_space<semaphore_mem>>)
    %dma_start3A_67 = arith.constant 1 : i32
    %dma_start3A_68 = arith.constant 0 : i32
    %dma_start3A_69 = tpu.memref_slice %arg9[%dma_start3A_67, %dma_start3A_68] : memref<80x128xi32, #tpu.memory_space<vmem>> -> memref<1x128xi32, #tpu.memory_space<vmem>>
    %dma_start3A_70 = tpu.memref_squeeze %dma_start3A_69 : memref<1x128xi32, #tpu.memory_space<vmem>> -> memref<128xi32, #tpu.memory_space<vmem>>
    %dma_start3A_71 = arith.constant 0 : i32
    %dma_start3A_72 = arith.constant 0 : i32
    %dma_start3A_73 = tpu.memref_slice %arg14[%dma_start3A_71, %dma_start3A_72] : memref<10240x16xf32, #tpu.memory_space<vmem_shared>> -> memref<10240x16xf32, #tpu.memory_space<vmem_shared>>
    tpu.enqueue_indirect_dma source(%dma_start3A_73 : memref<10240x16xf32, #tpu.memory_space<vmem_shared>>) target(%arg17 : memref<128x16xf32, #tpu.memory_space<vmem>>) offsets(%dma_start3A_70 : memref<128xi32, #tpu.memory_space<vmem>>) semaphore(%arg21 : memref<!tpu.dma_semaphore, #tpu.memory_space<semaphore_mem>>)
    %scan3A_74 = arith.constant 0 : i32
    %scan3A_75 = arith.constant 20 : i32
    %scan3A_76 = arith.addi %scan3A_74, %scan3A_75 : i32
    %scan3A_77 = arith.constant 1 : i32
    scf.for %scan3A_108 = %scan3A_74 to %scan3A_76 step %scan3A_77  : i32 {
      %mul3A_109 = arith.constant 4 : i32
      %mul3A_110 = arith.muli %scan3A_108, %mul3A_109 : i32
      %add3A_111 = arith.constant 0 : i32
      %add3A_112 = arith.addi %add3A_111, %mul3A_110 : i32
      %add3A_113 = arith.constant 0 : i32
      %add3A_114 = arith.addi %add3A_112, %add3A_113 : i32
      %add3A_115 = arith.constant 2 : i32
      %add3A_116 = arith.addi %add3A_114, %add3A_115 : i32
      %lt3A = arith.constant 80 : i32
      %lt3A_117 = arith.cmpi slt, %add3A_116, %lt3A : i32
      %ge3A = arith.constant 2 : i32
      %ge3A_118 = arith.cmpi sge, %add3A_114, %ge3A : i32
      %and3A = arith.andi %lt3A_117, %ge3A_118 : i1
      %convert_element_type3A = arith.extui %and3A : i1 to i32
      %cond3A = arith.constant 0 : i32
      %cond3A_119 = arith.cmpi ne, %convert_element_type3A, %cond3A : i32
      scf.if %cond3A_119 {
        %dma_wait3A_236 = arith.constant 0 : i32
        %dma_wait3A_237 = arith.constant 0 : i32
        %dma_wait3A_238 = tpu.memref_slice %arg10[%dma_wait3A_236, %dma_wait3A_237] : memref<80x128xi32, #tpu.memory_space<vmem>> -> memref<1x128xi32, #tpu.memory_space<vmem>>
        %dma_wait3A_239 = tpu.memref_squeeze %dma_wait3A_238 : memref<1x128xi32, #tpu.memory_space<vmem>> -> memref<128xi32, #tpu.memory_space<vmem>>
        %dma_wait3A_240 = arith.constant 0 : i32
        %dma_wait3A_241 = arith.constant 0 : i32
        %dma_wait3A_242 = tpu.memref_slice %arg15[%dma_wait3A_240, %dma_wait3A_241] : memref<10240x16xf32, #tpu.memory_space<vmem_shared>> -> memref<10240x16xf32, #tpu.memory_space<vmem_shared>>
        tpu.wait_indirect_dma semaphore(%arg26 : memref<!tpu.dma_semaphore, #tpu.memory_space<semaphore_mem>>) src(%arg18 : memref<128x16xf32, #tpu.memory_space<vmem>>) dst(%dma_wait3A_242 : memref<10240x16xf32, #tpu.memory_space<vmem_shared>>)
      } else {
      }
      %add3A_120 = arith.constant 2 : i32
      %add3A_121 = arith.addi %add3A_114, %add3A_120 : i32
      %lt3A_122 = arith.constant 80 : i32
      %lt3A_123 = arith.cmpi slt, %add3A_121, %lt3A_122 : i32
      %convert_element_type3A_124 = arith.extui %lt3A_123 : i1 to i32
      %cond3A_125 = arith.constant 0 : i32
      %cond3A_126 = arith.cmpi ne, %convert_element_type3A_124, %cond3A_125 : i32
      scf.if %cond3A_126 {
        %add3A_236 = arith.constant 2 : i32
        %add3A_237 = arith.addi %add3A_114, %add3A_236 : i32
        %dma_start3A_238 = arith.constant 0 : i32
        %dma_start3A_239 = tpu.memref_slice %arg9[%add3A_237, %dma_start3A_238] : memref<80x128xi32, #tpu.memory_space<vmem>> -> memref<1x128xi32, #tpu.memory_space<vmem>>
        %dma_start3A_240 = tpu.memref_squeeze %dma_start3A_239 : memref<1x128xi32, #tpu.memory_space<vmem>> -> memref<128xi32, #tpu.memory_space<vmem>>
        %dma_start3A_241 = arith.constant 0 : i32
        %dma_start3A_242 = arith.constant 0 : i32
        %dma_start3A_243 = tpu.memref_slice %arg14[%dma_start3A_241, %dma_start3A_242] : memref<10240x16xf32, #tpu.memory_space<vmem_shared>> -> memref<10240x16xf32, #tpu.memory_space<vmem_shared>>
        tpu.enqueue_indirect_dma source(%dma_start3A_243 : memref<10240x16xf32, #tpu.memory_space<vmem_shared>>) target(%arg18 : memref<128x16xf32, #tpu.memory_space<vmem>>) offsets(%dma_start3A_240 : memref<128xi32, #tpu.memory_space<vmem>>) semaphore(%arg22 : memref<!tpu.dma_semaphore, #tpu.memory_space<semaphore_mem>>)
      } else {
      }
      %dma_wait3A_127 = arith.constant 0 : i32
      %dma_wait3A_128 = arith.constant 0 : i32
      %dma_wait3A_129 = tpu.memref_slice %arg9[%dma_wait3A_127, %dma_wait3A_128] : memref<80x128xi32, #tpu.memory_space<vmem>> -> memref<1x128xi32, #tpu.memory_space<vmem>>
      %dma_wait3A_130 = tpu.memref_squeeze %dma_wait3A_129 : memref<1x128xi32, #tpu.memory_space<vmem>> -> memref<128xi32, #tpu.memory_space<vmem>>
      %dma_wait3A_131 = arith.constant 0 : i32
      %dma_wait3A_132 = arith.constant 0 : i32
      %dma_wait3A_133 = tpu.memref_slice %arg14[%dma_wait3A_131, %dma_wait3A_132] : memref<10240x16xf32, #tpu.memory_space<vmem_shared>> -> memref<10240x16xf32, #tpu.memory_space<vmem_shared>>
      tpu.wait_indirect_dma semaphore(%arg20 : memref<!tpu.dma_semaphore, #tpu.memory_space<semaphore_mem>>) src(%dma_wait3A_133 : memref<10240x16xf32, #tpu.memory_space<vmem_shared>>) dst(%arg16 : memref<128x16xf32, #tpu.memory_space<vmem>>)
      %dma_start3A_134 = arith.constant 0 : i32
      %dma_start3A_135 = tpu.memref_slice %arg10[%add3A_114, %dma_start3A_134] : memref<80x128xi32, #tpu.memory_space<vmem>> -> memref<1x128xi32, #tpu.memory_space<vmem>>
      %dma_start3A_136 = tpu.memref_squeeze %dma_start3A_135 : memref<1x128xi32, #tpu.memory_space<vmem>> -> memref<128xi32, #tpu.memory_space<vmem>>
      %dma_start3A_137 = arith.constant 0 : i32
      %dma_start3A_138 = arith.constant 0 : i32
      %dma_start3A_139 = tpu.memref_slice %arg15[%dma_start3A_137, %dma_start3A_138] : memref<10240x16xf32, #tpu.memory_space<vmem_shared>> -> memref<10240x16xf32, #tpu.memory_space<vmem_shared>>
      tpu.enqueue_indirect_dma source(%arg16 : memref<128x16xf32, #tpu.memory_space<vmem>>) target(%dma_start3A_139 : memref<10240x16xf32, #tpu.memory_space<vmem_shared>>) offsets(%dma_start3A_136 : memref<128xi32, #tpu.memory_space<vmem>>) semaphore(%arg24 : memref<!tpu.dma_semaphore, #tpu.memory_space<semaphore_mem>>) {add = true}
      %add3A_140 = arith.constant 1 : i32
      %add3A_141 = arith.addi %add3A_112, %add3A_140 : i32
      %add3A_142 = arith.constant 2 : i32
      %add3A_143 = arith.addi %add3A_141, %add3A_142 : i32
      %lt3A_144 = arith.constant 80 : i32
      %lt3A_145 = arith.cmpi slt, %add3A_143, %lt3A_144 : i32
      %ge3A_146 = arith.constant 2 : i32
      %ge3A_147 = arith.cmpi sge, %add3A_141, %ge3A_146 : i32
      %and3A_148 = arith.andi %lt3A_145, %ge3A_147 : i1
      %convert_element_type3A_149 = arith.extui %and3A_148 : i1 to i32
      %cond3A_150 = arith.constant 0 : i32
      %cond3A_151 = arith.cmpi ne, %convert_element_type3A_149, %cond3A_150 : i32
      scf.if %cond3A_151 {
        %dma_wait3A_236 = arith.constant 0 : i32
        %dma_wait3A_237 = arith.constant 0 : i32
        %dma_wait3A_238 = tpu.memref_slice %arg10[%dma_wait3A_236, %dma_wait3A_237] : memref<80x128xi32, #tpu.memory_space<vmem>> -> memref<1x128xi32, #tpu.memory_space<vmem>>
        %dma_wait3A_239 = tpu.memref_squeeze %dma_wait3A_238 : memref<1x128xi32, #tpu.memory_space<vmem>> -> memref<128xi32, #tpu.memory_space<vmem>>
        %dma_wait3A_240 = arith.constant 0 : i32
        %dma_wait3A_241 = arith.constant 0 : i32
        %dma_wait3A_242 = tpu.memref_slice %arg15[%dma_wait3A_240, %dma_wait3A_241] : memref<10240x16xf32, #tpu.memory_space<vmem_shared>> -> memref<10240x16xf32, #tpu.memory_space<vmem_shared>>
        tpu.wait_indirect_dma semaphore(%arg27 : memref<!tpu.dma_semaphore, #tpu.memory_space<semaphore_mem>>) src(%arg19 : memref<128x16xf32, #tpu.memory_space<vmem>>) dst(%dma_wait3A_242 : memref<10240x16xf32, #tpu.memory_space<vmem_shared>>)
      } else {
      }
      %add3A_152 = arith.constant 2 : i32
      %add3A_153 = arith.addi %add3A_141, %add3A_152 : i32
      %lt3A_154 = arith.constant 80 : i32
      %lt3A_155 = arith.cmpi slt, %add3A_153, %lt3A_154 : i32
      %convert_element_type3A_156 = arith.extui %lt3A_155 : i1 to i32
      %cond3A_157 = arith.constant 0 : i32
      %cond3A_158 = arith.cmpi ne, %convert_element_type3A_156, %cond3A_157 : i32
      scf.if %cond3A_158 {
        %add3A_236 = arith.constant 2 : i32
        %add3A_237 = arith.addi %add3A_141, %add3A_236 : i32
        %dma_start3A_238 = arith.constant 0 : i32
        %dma_start3A_239 = tpu.memref_slice %arg9[%add3A_237, %dma_start3A_238] : memref<80x128xi32, #tpu.memory_space<vmem>> -> memref<1x128xi32, #tpu.memory_space<vmem>>
        %dma_start3A_240 = tpu.memref_squeeze %dma_start3A_239 : memref<1x128xi32, #tpu.memory_space<vmem>> -> memref<128xi32, #tpu.memory_space<vmem>>
        %dma_start3A_241 = arith.constant 0 : i32
        %dma_start3A_242 = arith.constant 0 : i32
        %dma_start3A_243 = tpu.memref_slice %arg14[%dma_start3A_241, %dma_start3A_242] : memref<10240x16xf32, #tpu.memory_space<vmem_shared>> -> memref<10240x16xf32, #tpu.memory_space<vmem_shared>>
        tpu.enqueue_indirect_dma source(%dma_start3A_243 : memref<10240x16xf32, #tpu.memory_space<vmem_shared>>) target(%arg19 : memref<128x16xf32, #tpu.memory_space<vmem>>) offsets(%dma_start3A_240 : memref<128xi32, #tpu.memory_space<vmem>>) semaphore(%arg23 : memref<!tpu.dma_semaphore, #tpu.memory_space<semaphore_mem>>)
      } else {
      }
      %dma_wait3A_159 = arith.constant 0 : i32
      %dma_wait3A_160 = arith.constant 0 : i32
      %dma_wait3A_161 = tpu.memref_slice %arg9[%dma_wait3A_159, %dma_wait3A_160] : memref<80x128xi32, #tpu.memory_space<vmem>> -> memref<1x128xi32, #tpu.memory_space<vmem>>
      %dma_wait3A_162 = tpu.memref_squeeze %dma_wait3A_161 : memref<1x128xi32, #tpu.memory_space<vmem>> -> memref<128xi32, #tpu.memory_space<vmem>>
      %dma_wait3A_163 = arith.constant 0 : i32
      %dma_wait3A_164 = arith.constant 0 : i32
      %dma_wait3A_165 = tpu.memref_slice %arg14[%dma_wait3A_163, %dma_wait3A_164] : memref<10240x16xf32, #tpu.memory_space<vmem_shared>> -> memref<10240x16xf32, #tpu.memory_space<vmem_shared>>
      tpu.wait_indirect_dma semaphore(%arg21 : memref<!tpu.dma_semaphore, #tpu.memory_space<semaphore_mem>>) src(%dma_wait3A_165 : memref<10240x16xf32, #tpu.memory_space<vmem_shared>>) dst(%arg17 : memref<128x16xf32, #tpu.memory_space<vmem>>)
      %dma_start3A_166 = arith.constant 0 : i32
      %dma_start3A_167 = tpu.memref_slice %arg10[%add3A_141, %dma_start3A_166] : memref<80x128xi32, #tpu.memory_space<vmem>> -> memref<1x128xi32, #tpu.memory_space<vmem>>
      %dma_start3A_168 = tpu.memref_squeeze %dma_start3A_167 : memref<1x128xi32, #tpu.memory_space<vmem>> -> memref<128xi32, #tpu.memory_space<vmem>>
      %dma_start3A_169 = arith.constant 0 : i32
      %dma_start3A_170 = arith.constant 0 : i32
      %dma_start3A_171 = tpu.memref_slice %arg15[%dma_start3A_169, %dma_start3A_170] : memref<10240x16xf32, #tpu.memory_space<vmem_shared>> -> memref<10240x16xf32, #tpu.memory_space<vmem_shared>>
      tpu.enqueue_indirect_dma source(%arg17 : memref<128x16xf32, #tpu.memory_space<vmem>>) target(%dma_start3A_171 : memref<10240x16xf32, #tpu.memory_space<vmem_shared>>) offsets(%dma_start3A_168 : memref<128xi32, #tpu.memory_space<vmem>>) semaphore(%arg25 : memref<!tpu.dma_semaphore, #tpu.memory_space<semaphore_mem>>) {add = true}
      %add3A_172 = arith.constant 2 : i32
      %add3A_173 = arith.addi %add3A_112, %add3A_172 : i32
      %add3A_174 = arith.constant 2 : i32
      %add3A_175 = arith.addi %add3A_173, %add3A_174 : i32
      %lt3A_176 = arith.constant 80 : i32
      %lt3A_177 = arith.cmpi slt, %add3A_175, %lt3A_176 : i32
      %ge3A_178 = arith.constant 2 : i32
      %ge3A_179 = arith.cmpi sge, %add3A_173, %ge3A_178 : i32
      %and3A_180 = arith.andi %lt3A_177, %ge3A_179 : i1
      %convert_element_type3A_181 = arith.extui %and3A_180 : i1 to i32
      %cond3A_182 = arith.constant 0 : i32
      %cond3A_183 = arith.cmpi ne, %convert_element_type3A_181, %cond3A_182 : i32
      scf.if %cond3A_183 {
        %dma_wait3A_236 = arith.constant 0 : i32
        %dma_wait3A_237 = arith.constant 0 : i32
        %dma_wait3A_238 = tpu.memref_slice %arg10[%dma_wait3A_236, %dma_wait3A_237] : memref<80x128xi32, #tpu.memory_space<vmem>> -> memref<1x128xi32, #tpu.memory_space<vmem>>
        %dma_wait3A_239 = tpu.memref_squeeze %dma_wait3A_238 : memref<1x128xi32, #tpu.memory_space<vmem>> -> memref<128xi32, #tpu.memory_space<vmem>>
        %dma_wait3A_240 = arith.constant 0 : i32
        %dma_wait3A_241 = arith.constant 0 : i32
        %dma_wait3A_242 = tpu.memref_slice %arg15[%dma_wait3A_240, %dma_wait3A_241] : memref<10240x16xf32, #tpu.memory_space<vmem_shared>> -> memref<10240x16xf32, #tpu.memory_space<vmem_shared>>
        tpu.wait_indirect_dma semaphore(%arg24 : memref<!tpu.dma_semaphore, #tpu.memory_space<semaphore_mem>>) src(%arg16 : memref<128x16xf32, #tpu.memory_space<vmem>>) dst(%dma_wait3A_242 : memref<10240x16xf32, #tpu.memory_space<vmem_shared>>)
      } else {
      }
      %add3A_184 = arith.constant 2 : i32
      %add3A_185 = arith.addi %add3A_173, %add3A_184 : i32
      %lt3A_186 = arith.constant 80 : i32
      %lt3A_187 = arith.cmpi slt, %add3A_185, %lt3A_186 : i32
      %convert_element_type3A_188 = arith.extui %lt3A_187 : i1 to i32
      %cond3A_189 = arith.constant 0 : i32
      %cond3A_190 = arith.cmpi ne, %convert_element_type3A_188, %cond3A_189 : i32
      scf.if %cond3A_190 {
        %add3A_236 = arith.constant 2 : i32
        %add3A_237 = arith.addi %add3A_173, %add3A_236 : i32
        %dma_start3A_238 = arith.constant 0 : i32
        %dma_start3A_239 = tpu.memref_slice %arg9[%add3A_237, %dma_start3A_238] : memref<80x128xi32, #tpu.memory_space<vmem>> -> memref<1x128xi32, #tpu.memory_space<vmem>>
        %dma_start3A_240 = tpu.memref_squeeze %dma_start3A_239 : memref<1x128xi32, #tpu.memory_space<vmem>> -> memref<128xi32, #tpu.memory_space<vmem>>
        %dma_start3A_241 = arith.constant 0 : i32
        %dma_start3A_242 = arith.constant 0 : i32
        %dma_start3A_243 = tpu.memref_slice %arg14[%dma_start3A_241, %dma_start3A_242] : memref<10240x16xf32, #tpu.memory_space<vmem_shared>> -> memref<10240x16xf32, #tpu.memory_space<vmem_shared>>
        tpu.enqueue_indirect_dma source(%dma_start3A_243 : memref<10240x16xf32, #tpu.memory_space<vmem_shared>>) target(%arg16 : memref<128x16xf32, #tpu.memory_space<vmem>>) offsets(%dma_start3A_240 : memref<128xi32, #tpu.memory_space<vmem>>) semaphore(%arg20 : memref<!tpu.dma_semaphore, #tpu.memory_space<semaphore_mem>>)
      } else {
      }
      %dma_wait3A_191 = arith.constant 0 : i32
      %dma_wait3A_192 = arith.constant 0 : i32
      %dma_wait3A_193 = tpu.memref_slice %arg9[%dma_wait3A_191, %dma_wait3A_192] : memref<80x128xi32, #tpu.memory_space<vmem>> -> memref<1x128xi32, #tpu.memory_space<vmem>>
      %dma_wait3A_194 = tpu.memref_squeeze %dma_wait3A_193 : memref<1x128xi32, #tpu.memory_space<vmem>> -> memref<128xi32, #tpu.memory_space<vmem>>
      %dma_wait3A_195 = arith.constant 0 : i32
      %dma_wait3A_196 = arith.constant 0 : i32
      %dma_wait3A_197 = tpu.memref_slice %arg14[%dma_wait3A_195, %dma_wait3A_196] : memref<10240x16xf32, #tpu.memory_space<vmem_shared>> -> memref<10240x16xf32, #tpu.memory_space<vmem_shared>>
      tpu.wait_indirect_dma semaphore(%arg22 : memref<!tpu.dma_semaphore, #tpu.memory_space<semaphore_mem>>) src(%dma_wait3A_197 : memref<10240x16xf32, #tpu.memory_space<vmem_shared>>) dst(%arg18 : memref<128x16xf32, #tpu.memory_space<vmem>>)
      %dma_start3A_198 = arith.constant 0 : i32
      %dma_start3A_199 = tpu.memref_slice %arg10[%add3A_173, %dma_start3A_198] : memref<80x128xi32, #tpu.memory_space<vmem>> -> memref<1x128xi32, #tpu.memory_space<vmem>>
      %dma_start3A_200 = tpu.memref_squeeze %dma_start3A_199 : memref<1x128xi32, #tpu.memory_space<vmem>> -> memref<128xi32, #tpu.memory_space<vmem>>
      %dma_start3A_201 = arith.constant 0 : i32
      %dma_start3A_202 = arith.constant 0 : i32
      %dma_start3A_203 = tpu.memref_slice %arg15[%dma_start3A_201, %dma_start3A_202] : memref<10240x16xf32, #tpu.memory_space<vmem_shared>> -> memref<10240x16xf32, #tpu.memory_space<vmem_shared>>
      tpu.enqueue_indirect_dma source(%arg18 : memref<128x16xf32, #tpu.memory_space<vmem>>) target(%dma_start3A_203 : memref<10240x16xf32, #tpu.memory_space<vmem_shared>>) offsets(%dma_start3A_200 : memref<128xi32, #tpu.memory_space<vmem>>) semaphore(%arg26 : memref<!tpu.dma_semaphore, #tpu.memory_space<semaphore_mem>>) {add = true}
      %add3A_204 = arith.constant 3 : i32
      %add3A_205 = arith.addi %add3A_112, %add3A_204 : i32
      %add3A_206 = arith.constant 2 : i32
      %add3A_207 = arith.addi %add3A_205, %add3A_206 : i32
      %lt3A_208 = arith.constant 80 : i32
      %lt3A_209 = arith.cmpi slt, %add3A_207, %lt3A_208 : i32
      %ge3A_210 = arith.constant 2 : i32
      %ge3A_211 = arith.cmpi sge, %add3A_205, %ge3A_210 : i32
      %and3A_212 = arith.andi %lt3A_209, %ge3A_211 : i1
      %convert_element_type3A_213 = arith.extui %and3A_212 : i1 to i32
      %cond3A_214 = arith.constant 0 : i32
      %cond3A_215 = arith.cmpi ne, %convert_element_type3A_213, %cond3A_214 : i32
      scf.if %cond3A_215 {
        %dma_wait3A_236 = arith.constant 0 : i32
        %dma_wait3A_237 = arith.constant 0 : i32
        %dma_wait3A_238 = tpu.memref_slice %arg10[%dma_wait3A_236, %dma_wait3A_237] : memref<80x128xi32, #tpu.memory_space<vmem>> -> memref<1x128xi32, #tpu.memory_space<vmem>>
        %dma_wait3A_239 = tpu.memref_squeeze %dma_wait3A_238 : memref<1x128xi32, #tpu.memory_space<vmem>> -> memref<128xi32, #tpu.memory_space<vmem>>
        %dma_wait3A_240 = arith.constant 0 : i32
        %dma_wait3A_241 = arith.constant 0 : i32
        %dma_wait3A_242 = tpu.memref_slice %arg15[%dma_wait3A_240, %dma_wait3A_241] : memref<10240x16xf32, #tpu.memory_space<vmem_shared>> -> memref<10240x16xf32, #tpu.memory_space<vmem_shared>>
        tpu.wait_indirect_dma semaphore(%arg25 : memref<!tpu.dma_semaphore, #tpu.memory_space<semaphore_mem>>) src(%arg17 : memref<128x16xf32, #tpu.memory_space<vmem>>) dst(%dma_wait3A_242 : memref<10240x16xf32, #tpu.memory_space<vmem_shared>>)
      } else {
      }
      %add3A_216 = arith.constant 2 : i32
      %add3A_217 = arith.addi %add3A_205, %add3A_216 : i32
      %lt3A_218 = arith.constant 80 : i32
      %lt3A_219 = arith.cmpi slt, %add3A_217, %lt3A_218 : i32
      %convert_element_type3A_220 = arith.extui %lt3A_219 : i1 to i32
      %cond3A_221 = arith.constant 0 : i32
      %cond3A_222 = arith.cmpi ne, %convert_element_type3A_220, %cond3A_221 : i32
      scf.if %cond3A_222 {
        %add3A_236 = arith.constant 2 : i32
        %add3A_237 = arith.addi %add3A_205, %add3A_236 : i32
        %dma_start3A_238 = arith.constant 0 : i32
        %dma_start3A_239 = tpu.memref_slice %arg9[%add3A_237, %dma_start3A_238] : memref<80x128xi32, #tpu.memory_space<vmem>> -> memref<1x128xi32, #tpu.memory_space<vmem>>
        %dma_start3A_240 = tpu.memref_squeeze %dma_start3A_239 : memref<1x128xi32, #tpu.memory_space<vmem>> -> memref<128xi32, #tpu.memory_space<vmem>>
        %dma_start3A_241 = arith.constant 0 : i32
        %dma_start3A_242 = arith.constant 0 : i32
        %dma_start3A_243 = tpu.memref_slice %arg14[%dma_start3A_241, %dma_start3A_242] : memref<10240x16xf32, #tpu.memory_space<vmem_shared>> -> memref<10240x16xf32, #tpu.memory_space<vmem_shared>>
        tpu.enqueue_indirect_dma source(%dma_start3A_243 : memref<10240x16xf32, #tpu.memory_space<vmem_shared>>) target(%arg17 : memref<128x16xf32, #tpu.memory_space<vmem>>) offsets(%dma_start3A_240 : memref<128xi32, #tpu.memory_space<vmem>>) semaphore(%arg21 : memref<!tpu.dma_semaphore, #tpu.memory_space<semaphore_mem>>)
      } else {
      }
      %dma_wait3A_223 = arith.constant 0 : i32
      %dma_wait3A_224 = arith.constant 0 : i32
      %dma_wait3A_225 = tpu.memref_slice %arg9[%dma_wait3A_223, %dma_wait3A_224] : memref<80x128xi32, #tpu.memory_space<vmem>> -> memref<1x128xi32, #tpu.memory_space<vmem>>
      %dma_wait3A_226 = tpu.memref_squeeze %dma_wait3A_225 : memref<1x128xi32, #tpu.memory_space<vmem>> -> memref<128xi32, #tpu.memory_space<vmem>>
      %dma_wait3A_227 = arith.constant 0 : i32
      %dma_wait3A_228 = arith.constant 0 : i32
      %dma_wait3A_229 = tpu.memref_slice %arg14[%dma_wait3A_227, %dma_wait3A_228] : memref<10240x16xf32, #tpu.memory_space<vmem_shared>> -> memref<10240x16xf32, #tpu.memory_space<vmem_shared>>
      tpu.wait_indirect_dma semaphore(%arg23 : memref<!tpu.dma_semaphore, #tpu.memory_space<semaphore_mem>>) src(%dma_wait3A_229 : memref<10240x16xf32, #tpu.memory_space<vmem_shared>>) dst(%arg19 : memref<128x16xf32, #tpu.memory_space<vmem>>)
      %dma_start3A_230 = arith.constant 0 : i32
      %dma_start3A_231 = tpu.memref_slice %arg10[%add3A_205, %dma_start3A_230] : memref<80x128xi32, #tpu.memory_space<vmem>> -> memref<1x128xi32, #tpu.memory_space<vmem>>
      %dma_start3A_232 = tpu.memref_squeeze %dma_start3A_231 : memref<1x128xi32, #tpu.memory_space<vmem>> -> memref<128xi32, #tpu.memory_space<vmem>>
      %dma_start3A_233 = arith.constant 0 : i32
      %dma_start3A_234 = arith.constant 0 : i32
      %dma_start3A_235 = tpu.memref_slice %arg15[%dma_start3A_233, %dma_start3A_234] : memref<10240x16xf32, #tpu.memory_space<vmem_shared>> -> memref<10240x16xf32, #tpu.memory_space<vmem_shared>>
      tpu.enqueue_indirect_dma source(%arg19 : memref<128x16xf32, #tpu.memory_space<vmem>>) target(%dma_start3A_235 : memref<10240x16xf32, #tpu.memory_space<vmem_shared>>) offsets(%dma_start3A_232 : memref<128xi32, #tpu.memory_space<vmem>>) semaphore(%arg27 : memref<!tpu.dma_semaphore, #tpu.memory_space<semaphore_mem>>) {add = true}
    }
    %scan3A_78 = arith.constant 20 : i32
    %dma_wait3A_79 = arith.constant 0 : i32
    %dma_wait3A_80 = arith.constant 0 : i32
    %dma_wait3A_81 = tpu.memref_slice %arg10[%dma_wait3A_79, %dma_wait3A_80] : memref<80x128xi32, #tpu.memory_space<vmem>> -> memref<1x128xi32, #tpu.memory_space<vmem>>
    %dma_wait3A_82 = tpu.memref_squeeze %dma_wait3A_81 : memref<1x128xi32, #tpu.memory_space<vmem>> -> memref<128xi32, #tpu.memory_space<vmem>>
    %dma_wait3A_83 = arith.constant 0 : i32
    %dma_wait3A_84 = arith.constant 0 : i32
    %dma_wait3A_85 = tpu.memref_slice %arg15[%dma_wait3A_83, %dma_wait3A_84] : memref<10240x16xf32, #tpu.memory_space<vmem_shared>> -> memref<10240x16xf32, #tpu.memory_space<vmem_shared>>
    tpu.wait_indirect_dma semaphore(%arg24 : memref<!tpu.dma_semaphore, #tpu.memory_space<semaphore_mem>>) src(%arg16 : memref<128x16xf32, #tpu.memory_space<vmem>>) dst(%dma_wait3A_85 : memref<10240x16xf32, #tpu.memory_space<vmem_shared>>)
    %dma_wait3A_86 = arith.constant 0 : i32
    %dma_wait3A_87 = arith.constant 0 : i32
    %dma_wait3A_88 = tpu.memref_slice %arg10[%dma_wait3A_86, %dma_wait3A_87] : memref<80x128xi32, #tpu.memory_space<vmem>> -> memref<1x128xi32, #tpu.memory_space<vmem>>
    %dma_wait3A_89 = tpu.memref_squeeze %dma_wait3A_88 : memref<1x128xi32, #tpu.memory_space<vmem>> -> memref<128xi32, #tpu.memory_space<vmem>>
    %dma_wait3A_90 = arith.constant 0 : i32
    %dma_wait3A_91 = arith.constant 0 : i32
    %dma_wait3A_92 = tpu.memref_slice %arg15[%dma_wait3A_90, %dma_wait3A_91] : memref<10240x16xf32, #tpu.memory_space<vmem_shared>> -> memref<10240x16xf32, #tpu.memory_space<vmem_shared>>
    tpu.wait_indirect_dma semaphore(%arg25 : memref<!tpu.dma_semaphore, #tpu.memory_space<semaphore_mem>>) src(%arg17 : memref<128x16xf32, #tpu.memory_space<vmem>>) dst(%dma_wait3A_92 : memref<10240x16xf32, #tpu.memory_space<vmem_shared>>)
    %dma_wait3A_93 = arith.constant 0 : i32
    %dma_wait3A_94 = arith.constant 0 : i32
    %dma_wait3A_95 = tpu.memref_slice %arg10[%dma_wait3A_93, %dma_wait3A_94] : memref<80x128xi32, #tpu.memory_space<vmem>> -> memref<1x128xi32, #tpu.memory_space<vmem>>
    %dma_wait3A_96 = tpu.memref_squeeze %dma_wait3A_95 : memref<1x128xi32, #tpu.memory_space<vmem>> -> memref<128xi32, #tpu.memory_space<vmem>>
    %dma_wait3A_97 = arith.constant 0 : i32
    %dma_wait3A_98 = arith.constant 0 : i32
    %dma_wait3A_99 = tpu.memref_slice %arg15[%dma_wait3A_97, %dma_wait3A_98] : memref<10240x16xf32, #tpu.memory_space<vmem_shared>> -> memref<10240x16xf32, #tpu.memory_space<vmem_shared>>
    tpu.wait_indirect_dma semaphore(%arg26 : memref<!tpu.dma_semaphore, #tpu.memory_space<semaphore_mem>>) src(%arg18 : memref<128x16xf32, #tpu.memory_space<vmem>>) dst(%dma_wait3A_99 : memref<10240x16xf32, #tpu.memory_space<vmem_shared>>)
    %dma_wait3A_100 = arith.constant 0 : i32
    %dma_wait3A_101 = arith.constant 0 : i32
    %dma_wait3A_102 = tpu.memref_slice %arg10[%dma_wait3A_100, %dma_wait3A_101] : memref<80x128xi32, #tpu.memory_space<vmem>> -> memref<1x128xi32, #tpu.memory_space<vmem>>
    %dma_wait3A_103 = tpu.memref_squeeze %dma_wait3A_102 : memref<1x128xi32, #tpu.memory_space<vmem>> -> memref<128xi32, #tpu.memory_space<vmem>>
    %dma_wait3A_104 = arith.constant 0 : i32
    %dma_wait3A_105 = arith.constant 0 : i32
    %dma_wait3A_106 = tpu.memref_slice %arg15[%dma_wait3A_104, %dma_wait3A_105] : memref<10240x16xf32, #tpu.memory_space<vmem_shared>> -> memref<10240x16xf32, #tpu.memory_space<vmem_shared>>
    tpu.wait_indirect_dma semaphore(%arg27 : memref<!tpu.dma_semaphore, #tpu.memory_space<semaphore_mem>>) src(%arg19 : memref<128x16xf32, #tpu.memory_space<vmem>>) dst(%dma_wait3A_106 : memref<10240x16xf32, #tpu.memory_space<vmem_shared>>)
    %barrier3A_107 = arith.constant 0 : index
    tpu.barrier barrier_id(%barrier3A_107)
    "tpu.region"() ({
      %run_scoped3A_108 = tpu.sem_alloc : memref<!tpu.dma_semaphore, #tpu.memory_space<semaphore_mem>>
      %dma_start3A_109 = arith.constant 0 : i32
      %dma_start3A_110 = tpu.memref_slice %arg6[%arg0, %mul3A_2, %dma_start3A_109] : memref<2x10240x16xf32, #tpu.memory_space<hbm>> -> memref<1x640x16xf32, #tpu.memory_space<hbm>>
      %dma_start3A_111 = tpu.memref_squeeze %dma_start3A_110 : memref<1x640x16xf32, #tpu.memory_space<hbm>> -> memref<640x16xf32, #tpu.memory_space<hbm>>
      %dma_start3A_112 = arith.constant 0 : i32
      %dma_start3A_113 = tpu.memref_slice %arg15[%mul3A_2, %dma_start3A_112] : memref<10240x16xf32, #tpu.memory_space<vmem_shared>> -> memref<640x16xf32, #tpu.memory_space<vmem_shared>>
      tpu.enqueue_dma source(%dma_start3A_113 : memref<640x16xf32, #tpu.memory_space<vmem_shared>>) target(%dma_start3A_111 : memref<640x16xf32, #tpu.memory_space<hbm>>) target_semaphore(%run_scoped3A_108 : memref<!tpu.dma_semaphore, #tpu.memory_space<semaphore_mem>>)
      %dma_wait3A_114 = arith.constant 0 : i32
      %dma_wait3A_115 = tpu.memref_slice %arg6[%arg0, %mul3A_2, %dma_wait3A_114] : memref<2x10240x16xf32, #tpu.memory_space<hbm>> -> memref<1x640x16xf32, #tpu.memory_space<hbm>>
      %dma_wait3A_116 = tpu.memref_squeeze %dma_wait3A_115 : memref<1x640x16xf32, #tpu.memory_space<hbm>> -> memref<640x16xf32, #tpu.memory_space<hbm>>
      %dma_wait3A_117 = arith.constant 0 : i32
      %dma_wait3A_118 = tpu.memref_slice %arg15[%mul3A_2, %dma_wait3A_117] : memref<10240x16xf32, #tpu.memory_space<vmem_shared>> -> memref<640x16xf32, #tpu.memory_space<vmem_shared>>
      tpu.wait_dma2 semaphore(%run_scoped3A_108 : memref<!tpu.dma_semaphore, #tpu.memory_space<semaphore_mem>>) src(%dma_wait3A_118 : memref<640x16xf32, #tpu.memory_space<vmem_shared>>) dst(%dma_wait3A_116 : memref<640x16xf32, #tpu.memory_space<hbm>>)
      tpu.yield
    }) : () -> ()
    return
  }
}

module attributes {stable_mosaic.version = 14 : i64} {
  func.func @_tc_a_body(%arg0: i32, %arg1: memref<2048x128xf32, #tpu.memory_space<vmem>>, %arg2: memref<128x16xf32, #tpu.memory_space<vmem>>, %arg3: memref<2048x16xf32, #tpu.memory_space<vmem>>) attributes {dimension_semantics = [#tpu.dimension_semantics<arbitrary>], iteration_bounds = array<i64: 5>, scalar_prefetch = 0 : i64, scratch_operands = 0 : i64, tpu.core_type = #tpu.core_type<tc>, window_params = [{transform_indices = @transform_0, window_bounds = array<i64: 2048, 128>}, {pipeline_mode = #tpu.pipeline_mode<synchronous>, transform_indices = @transform_1, window_bounds = array<i64: 128, 16>}, {transform_indices = @transform_2, window_bounds = array<i64: 2048, 16>}]} {
    %get3A = arith.constant 0 : index
    %get3A_0 = arith.constant 0 : index
    %get3A_1 = vector.load %arg1[%get3A, %get3A_0] : memref<2048x128xf32, #tpu.memory_space<vmem>>, vector<2048x128xf32>
    %get3A_2 = arith.constant 0 : index
    %get3A_3 = arith.constant 0 : index
    %get3A_4 = vector.load %arg2[%get3A_2, %get3A_3] : memref<128x16xf32, #tpu.memory_space<vmem>>, vector<128x16xf32>
    %dot_general3A = arith.constant dense<0.000000e+00> : vector<2048x16xf32>
    %dot_general3A_5 = tpu.matmul %get3A_1, %get3A_4, %dot_general3A {dimension_numbers = #tpu.dot_dimension_numbers<[1], [0], [0], [1], [0, 0, 1, 1], [], []>, transpose_lhs_hint = false} : vector<2048x128xf32>, vector<128x16xf32>, vector<2048x16xf32> -> vector<2048x16xf32>
    %swap3A = arith.constant 0 : index
    %swap3A_6 = arith.constant 0 : index
    %swap3A_7 = vector.load %arg3[%swap3A, %swap3A_6] : memref<2048x16xf32, #tpu.memory_space<vmem>>, vector<2048x16xf32>
    tpu.vector_store %arg3[%swap3A, %swap3A_6], %dot_general3A_5 {strides = array<i32>} : memref<2048x16xf32, #tpu.memory_space<vmem>>, vector<2048x16xf32>,
    return
  }
  func.func @transform_0(%arg0: i32) -> (i32, i32) {
    %c0_i32 = arith.constant 0 : i32
    %c0_i32_0 = arith.constant 0 : i32
    return %arg0, %c0_i32 : i32, i32
  }
  func.func @transform_1(%arg0: i32) -> (i32, i32) {
    %c0_i32 = arith.constant 0 : i32
    %c0_i32_0 = arith.constant 0 : i32
    %c0_i32_1 = arith.constant 0 : i32
    return %c0_i32, %c0_i32_0 : i32, i32
  }
  func.func @transform_2(%arg0: i32) -> (i32, i32) {
    %c0_i32 = arith.constant 0 : i32
    %c0_i32_0 = arith.constant 0 : i32
    return %arg0, %c0_i32 : i32, i32
  }
}

module attributes {stable_mosaic.version = 14 : i64} {
  func.func @_tc_c_body(%arg0: i32, %arg1: memref<2048x16xf32, #tpu.memory_space<vmem>>, %arg2: memref<16x128xf32, #tpu.memory_space<vmem>>, %arg3: memref<1x128xf32, #tpu.memory_space<vmem>>, %arg4: memref<2048x128xf32, #tpu.memory_space<vmem>>) attributes {dimension_semantics = [#tpu.dimension_semantics<arbitrary>], iteration_bounds = array<i64: 5>, scalar_prefetch = 0 : i64, scratch_operands = 0 : i64, tpu.core_type = #tpu.core_type<tc>, window_params = [{transform_indices = @transform_0, window_bounds = array<i64: 2048, 16>}, {pipeline_mode = #tpu.pipeline_mode<synchronous>, transform_indices = @transform_1, window_bounds = array<i64: 16, 128>}, {pipeline_mode = #tpu.pipeline_mode<synchronous>, transform_indices = @transform_2, window_bounds = array<i64: 1, 128>}, {transform_indices = @transform_3, window_bounds = array<i64: 2048, 128>}]} {
    %get3A = arith.constant 0 : index
    %get3A_0 = arith.constant 0 : index
    %get3A_1 = vector.load %arg1[%get3A, %get3A_0] : memref<2048x16xf32, #tpu.memory_space<vmem>>, vector<2048x16xf32>
    %get3A_2 = arith.constant 0 : index
    %get3A_3 = arith.constant 0 : index
    %get3A_4 = vector.load %arg2[%get3A_2, %get3A_3] : memref<16x128xf32, #tpu.memory_space<vmem>>, vector<16x128xf32>
    %dot_general3A = arith.constant dense<0.000000e+00> : vector<2048x128xf32>
    %dot_general3A_5 = tpu.matmul %get3A_1, %get3A_4, %dot_general3A {dimension_numbers = #tpu.dot_dimension_numbers<[1], [0], [0], [1], [0, 0, 1, 1], [], []>, transpose_lhs_hint = false} : vector<2048x16xf32>, vector<16x128xf32>, vector<2048x128xf32> -> vector<2048x128xf32>
    %get3A_6 = arith.constant 0 : index
    %get3A_7 = arith.constant 0 : index
    %get3A_8 = vector.load %arg3[%get3A_6, %get3A_7] : memref<1x128xf32, #tpu.memory_space<vmem>>, vector<1x128xf32>
    %add3A = vector.broadcast %get3A_8 : vector<1x128xf32> to vector<2048x128xf32>
    %add3A_9 = arith.addf %dot_general3A_5, %add3A : vector<2048x128xf32>
    %swap3A = arith.constant 0 : index
    %swap3A_10 = arith.constant 0 : index
    %swap3A_11 = vector.load %arg4[%swap3A, %swap3A_10] : memref<2048x128xf32, #tpu.memory_space<vmem>>, vector<2048x128xf32>
    tpu.vector_store %arg4[%swap3A, %swap3A_10], %add3A_9 {strides = array<i32>} : memref<2048x128xf32, #tpu.memory_space<vmem>>, vector<2048x128xf32>,
    return
  }
  func.func @transform_0(%arg0: i32) -> (i32, i32) {
    %c0_i32 = arith.constant 0 : i32
    %c0_i32_0 = arith.constant 0 : i32
    return %arg0, %c0_i32 : i32, i32
  }
  func.func @transform_1(%arg0: i32) -> (i32, i32) {
    %c0_i32 = arith.constant 0 : i32
    %c0_i32_0 = arith.constant 0 : i32
    %c0_i32_1 = arith.constant 0 : i32
    return %c0_i32, %c0_i32_0 : i32, i32
  }
  func.func @transform_2(%arg0: i32) -> (i32, i32) {
    %c0_i32 = arith.constant 0 : i32
    %c0_i32_0 = arith.constant 0 : i32
    %c0_i32_1 = arith.constant 0 : i32
    return %c0_i32, %c0_i32_0 : i32, i32
  }
  func.func @transform_3(%arg0: i32) -> (i32, i32) {
    %c0_i32 = arith.constant 0 : i32
    %c0_i32_0 = arith.constant 0 : i32
    return %arg0, %c0_i32 : i32, i32
  }
}

</mosaic_0001>

<sc_bundles>
// kernel: kernel.11.cloned.1.call-start
scs
__scs_entry_jumppad:
0x0: {  	(pc) =	sbr.rel $0x88, $3  }
0x1: {  	(tag) =	ssettag $0x0;
	lr =	simm.s32 $0x1  }
0x2: {  	[smem:$0x3F9B] =	sst lr;
	_ =	strace $0xD0000000  }
0x3: {  	_ = 	snop  }
0x4: {  	_ = 	snop  }
0x5: {  	_ = 	snop  }
0x6: {  	_ = 	snop  }
0x7: {  	_ = 	snop  }
__scs_overlays_trampoline_lowered:
0x8: {  	[smem:$0x3FAA] =	sst s0  }
0x9: {  	[smem:$0x3FAB] =	sst s1  }
0xa: {  	[smem:$0x3FAC] =	sst s2  }
0xb: {  	[smem:$0x3FAD] =	sst s3  }
0xc: {  	[smem:$0x3FAE] =	sst s4  }
0xd: {  	[smem:$0x3FAF] =	sst s5  }
0xe: {  	[smem:$0x3FB0] =	sst s6  }
0xf: {  	[smem:$0x3FB1] =	sst s7  }
0x10: {  	[smem:$0x3FB2] =	sst s8  }
0x11: {  	[smem:$0x3FB3] =	sst s9;
	s0 =	simm.s32 @!p0 $0x0  }
0x12: {  	s1 =	sld [smem:$0x3F99];
	s0 =	simm.s32 @p0 $0x1  }
0x13: {  	[smem:$0x3FB4] =	sst s0;
	s0 =	simm.s32 @!p1 $0x0  }
0x14: {  	s2 =	sld [smem:$0x3F98];
	s0 =	simm.s32 @p1 $0x1  }
0x15: {  	[smem:$0x3FB5] =	sst s0;
	s0 =	simm.s32 @!p2 $0x0  }
0x16: {  	s3 =	sld [smem:$0x3FDB];
	s0 =	simm.s32 @p2 $0x1  }
0x17: {  	s4 =	simm.s32 $0x1BF5;
	[smem:$0x3FB7] =	sst s0  }
0x18: {  	s0 =	sld [smem:$0x3F9A];
	_ =	swait.ge [sflag:s4], $0x0  }
0x19: {  	s7 =	sld [smem:$0x3F9B]  }
0x1a: {  	s8 =	sadd.s32 $0xFFFFE003, lr  }
0x1b: {  	s9 =	sadd.s32 $0xFFFFFEF7, lr;
	s5 =	simm.s32 $0xFFFFFFFF;
	p2 =	slt.u32 s8, $0xFFFFF086  }
0x1c: {  	p1 =	slt.u32 s9, $0xF7A;
	s5 =	simm.s32 @!p2 $0x0  }
0x1d: {  	s5 =	simm.s32 @p1 $0x1;
	p0 =	seq.s32 s7, s2  }
0x1e: {  	s7 =	smul.u32 @!p0 $0xF7A, s2;
	p2 =	seq.s32 @!p0 s5, $0x0  }
0x1f: {  	s9 =	smul.u32 $0xF7A, s1;
	s8 =	simm.s32 @!p0 $0x1BF5;
	p2 =	por !p2, p0  }
0x20: {  	[sflag:s8] =	ssyncset.s32 @!p0 $0xFFFFF086;
	s6 =	sadd.s32 @!p0 s3, s7;
	s7 =	simm.s32 @!p0 $0x108  }
0x21: {  	s3 =	sadd.s32 s3, s9;
	s6 =	sadd.s32 @!p0 $0x88, s6;
	s7 =	simm.s32 @p2 $0x1082  }
0x22: {  	[simem:s7], [sflag:s8] =	dma.local @!p0 [hbm:s6], $0xF7A  }
0x23: {  	s9 =	sor.u32 $0xD0000000, s2;
	s6 =	simm.s32 $0x108;
	_ =	swait.ge @!p0 [sflag:s8], $0x0  }
0x24: {  	s3 =	sadd.s32 $0x88, s3;
	s6 =	simm.s32 @!p1 $0x1082;
	[sflag:s4] =	ssyncset.s32 $0xFFFFF086  }
0x25: {  	[simem:s6], [sflag:s4] =	dma.local [hbm:s3], $0xF7A  }
0x26: {  	[smem:$0x3F9B] =	sst s1;
	(tag) =	ssettag s2;
	_ =	strace s9  }
0x27: {  	s1 =	sld [smem:$0x3FAB]  }
0x28: {  	s2 =	sld [smem:$0x3FAC]  }
0x29: {  	s4 =	sld [smem:$0x3FAE]  }
0x2a: {  	p0 =	seq.s32 s5, $0x0;
	s5 =	sld [smem:$0x3FAF]  }
0x2b: {  	s6 =	sld [smem:$0x3FB0]  }
0x2c: {  	s7 =	sld [smem:$0x3FB1]  }
0x2d: {  	s3 =	simm.s32 $0x108;
	s8 =	sld [smem:$0x3FB2]  }
0x2e: {  	s3 =	simm.s32 @!p0 $0x1082;
	s9 =	sld [smem:$0x3FB3]  }
0x2f: {  	lr =	sadd.s32 s0, s3;
	s0 =	sld [smem:$0x3FAA]  }
0x30: {  	s3 =	sld [smem:$0x3FAD]  }
0x31: {  	[smem:$0x3FB6] =	sst s10  }
0x32: {  	s10 =	sld [smem:$0x3FB4];
	_ =	sdelay $0x3  }
0x33: {  	p0 =	seq.s32 s10, $0x1;
	s10 =	sld [smem:$0x3FB6];
	_ =	sdelay $0x3  }
0x34: {  	[smem:$0x3FB6] =	sst s10  }
0x35: {  	s10 =	sld [smem:$0x3FB5];
	_ =	sdelay $0x3  }
0x36: {  	p1 =	seq.s32 s10, $0x1;
	s10 =	sld [smem:$0x3FB6];
	_ =	sdelay $0x3  }
0x37: {  	[smem:$0x3FB6] =	sst s10  }
0x38: {  	s10 =	sld [smem:$0x3FB7]  }
0x39: {  	_ = 	snop;
	(pc) =	sbr.ind lr, $3  }
0x3a: {  	_ = 	snop  }
0x3b: {  	_ = 	snop  }
0x3c: {  	p2 =	seq.s32 s10, $0x1;
	s10 =	sld [smem:$0x3FB6]  }
0x3d: {  	_ =	shalt  }
0x3e: {  	_ =	shalt  }
0x3f: {  	_ =	shalt  }
0x40: {  	_ =	shalt  }
0x41: {  	_ =	shalt  }
0x42: {  	_ =	shalt  }
0x43: {  	_ =	shalt  }
0x44: {  	_ =	shalt  }
0x45: {  	_ =	shalt  }
0x46: {  	_ =	shalt  }
0x47: {  	_ =	shalt  }
0x48: {  	_ =	shalt  }
0x49: {  	_ =	shalt  }
0x4a: {  	_ =	shalt  }
0x4b: {  	_ =	shalt  }
0x4c: {  	_ =	shalt  }
0x4d: {  	_ =	shalt  }
0x4e: {  	_ =	shalt  }
0x4f: {  	_ =	shalt  }
0x50: {  	_ =	shalt  }
0x51: {  	_ =	shalt  }
0x52: {  	_ =	shalt  }
0x53: {  	_ =	shalt  }
0x54: {  	_ =	shalt  }
0x55: {  	_ =	shalt  }
0x56: {  	_ =	shalt  }
0x57: {  	_ =	shalt  }
0x58: {  	_ =	shalt  }
0x59: {  	_ =	shalt  }
0x5a: {  	_ =	shalt  }
0x5b: {  	_ =	shalt  }
0x5c: {  	_ =	shalt  }
0x5d: {  	_ =	shalt  }
0x5e: {  	_ =	shalt  }
0x5f: {  	_ =	shalt  }
0x60: {  	_ =	shalt  }
0x61: {  	_ =	shalt  }
0x62: {  	_ =	shalt  }
0x63: {  	_ =	shalt  }
0x64: {  	_ =	shalt  }
0x65: {  	_ =	shalt  }
0x66: {  	_ =	shalt  }
0x67: {  	_ =	shalt  }
0x68: {  	_ =	shalt  }
0x69: {  	_ =	shalt  }
0x6a: {  	_ =	shalt  }
0x6b: {  	_ =	shalt  }
0x6c: {  	_ =	shalt  }
0x6d: {  	_ =	shalt  }
0x6e: {  	_ =	shalt  }
0x6f: {  	_ =	shalt  }
0x70: {  	_ =	shalt  }
0x71: {  	_ =	shalt  }
0x72: {  	_ =	shalt  }
0x73: {  	_ =	shalt  }
0x74: {  	_ =	shalt  }
0x75: {  	_ =	shalt  }
0x76: {  	_ =	shalt  }
0x77: {  	_ =	shalt  }
0x78: {  	_ =	shalt  }
0x79: {  	_ =	shalt  }
0x7a: {  	_ =	shalt  }
0x7b: {  	_ =	shalt  }
0x7c: {  	_ =	shalt  }
0x7d: {  	_ =	shalt  }
0x7e: {  	_ =	shalt  }
0x7f: {  	_ =	shalt  }
0x80: {  	_ =	shalt  }
0x81: {  	_ =	shalt  }
0x82: {  	_ =	shalt  }
0x83: {  	_ =	shalt  }
0x84: {  	_ =	shalt  }
0x85: {  	_ =	shalt  }
0x86: {  	_ =	shalt  }
0x87: {  	_ =	shalt  }
.Lfunc_end0:
.L_simem_size_0:
called_computation.1_lowered:
.L_overlay_start_0:
0x88: {  	s2 =	sld [smem:$0x3FD9]  }
0x89: {  	s3 =	sld [smem:$0x3FFE];
	_ =	sdelay $0x1  }
0x8a: {  	s1 =	srdreg.scid  }
0x8b: {  	s0 =	sand.u32 $0x1, s1  }
0x8c: {  	s17 =	sshll.u32 s0, $0xA;
	s2 =	sadd.s32 s3, s2  }
0x8d: {  	s2 =	sadd.s32 s2, s17  }
0x8e: {  	[smem:$0x3FC2] =	sst s2  }
0x8f: {  	_ = 	snop  }
0x90: {  	s2 =	sld [smem:$0x3FD0];
	(tm) =	ssettm $0x1  }
0x91: {  	s18 =	sld [smem:$0x3FFB];
	_ =	sdelay $0x3  }
0x92: {  	_ =	strace s18  }
0x93: {  	s3 =	sld [smem:$0x3FFC];
	_ =	sdelay $0x3  }
0x94: {  	_ =	strace s3  }
0x95: {  	s3 =	sld [smem:$0x3FFD];
	_ =	sdelay $0x3  }
0x96: {  	_ =	strace s3  }
0x97: {  	_ =	strace $0x8FFFFFFF  }
0x98: {  	s19 =	sld [smem:$0x3FDB];
	_ =	sdelay $0x1  }
0x99: {  	s4 =	simm.s32 $_scs_section_size  }
0x9a: {  	s5 =	simm.s32 $_size__tile_overlayer_lowered;
	s6 =	simm.s32 $_tile_overlayer_lowered  }
0x9b: {  	s22 =	simm.s32 $0x1BFF;
	s21 =	sshll.u32 s6, $0x1;
	s3 =	sadd.s32 s4, s19  }
0x9c: {  	s7 =	simm.s32 $0x0;
	s20 =	sshll.u32 s5, $0x1;
	s5 =	sadd.s32 s21, s3  }
0x9d: {  	[timem:s7], [sflag:s22] =	dma.local [hbm:s5], s20  }
0x9e: {  	_ =	swait.ge [sflag:s22], s20  }
0x9f: {  	s4 =	ssub.s32 $0x0, s20;
	[sflag:s22] =	ssyncset.done $0x0  }
0xa0: {  	[sflag:s22] =	ssyncadd.s32 s4;
	_ =	sdelay $0x1  }
0xa1: {  	s23 =	simm.s32 $0x1B8B  }
0xa2: {  	_ =	swait.ge [sflag:s23], $0x1  }
0xa3: {  	[sflag:s23] =	ssyncset.done $0x0  }
0xa4: {  	s25 =	simm.s32 $0x1B8E;
	s24 =	sld [smem:$0x3FFE];
	[sflag:s23] =	ssyncadd.s32 $0xFFFFFFFF  }
0xa5: {  	s26 =	simm.s32 $execute0_lowered;
	[smem:$0x3FD2] =	sst s25  }
0xa6: {  	s5 =	sshll.u32 s26, $0x1;
	_ =	strace $0x80000049;
	[dreg:$0x1] =	wrdreg $0xFFFFFFFF  }
0xa7: {  	s28 =	simm.s32 $_size_execute0_lowered;
	s3 =	sadd.s32 s3, s5;
	[dreg:$0x0] =	wrdreg $0x0  }
0xa8: {  	s5 =	sshll.u32 s28, $0x1;
	[dreg:$0x2] =	wrdreg s3  }
0xa9: {  	[dreg:$0x3] =	wrdreg s5  }
0xaa: {  	[dreg:$0x4] =	wrdreg $0xC0  }
0xab: {  	_ =	task [dreg:s7], $0x5FFFF  }
0xac: {  	[dreg:$0x1] =	wrdreg $0xFFFFFFFF  }
0xad: {  	[dreg:$0x0] =	wrdreg $0x60  }
0xae: {  	[dreg:$0x2] =	wrdreg s24  }
0xaf: {  	[dreg:$0x3] =	wrdreg s2  }
0xb0: {  	[dreg:$0x4] =	wrdreg $0xF0000  }
0xb1: {  	[dreg:$0x5] =	wrdreg $0xC8000  }
0xb2: {  	[dreg:$0x6] =	wrdreg $0x9  }
0xb3: {  	_ =	task.clear_ibuf [dreg:s7], $0x7FFFF;
	_ =	strace $0x90000049  }
0xb4: {  	s29 =	simm.s32 $0x9;
	_ =	strace $0x8000004B  }
0xb5: {  	_ =	swait.ge [sflag:s29], $0x1  }
0xb6: {  	[sflag:s29] =	ssyncadd.s32 $0xFFFFFFFF  }
0xb7: {  	_ =	strace $0x9000004B  }
0xb8: {  	_ =	sfence  }
0xb9: {  	s30 =	sld [smem:$0x0];
	_ =	sdelay $0x2  }
0xba: {  	s31 =	sshll.u32 s1, $0xD;
	s1 =	sshrl.u32 s1, $0x2  }
0xbb: {  	s3 =	sand.u32 $0x4000, s31;
	s1 =	sadd.s32 s1, s30  }
0xbc: {  	s0 =	sor.u32 s3, s0;
	s1 =	sshll.u32 s1, $0x11  }
0xbd: {  	s0 =	sor.u32 s1, s0  }
0xbe: {  	s0 =	sadd.s32 $0x8F2B, s0  }
0xbf: {  	[sflag:s0] =	ssyncadd.remote.s32 $0x1  }
0xc0: {  	_ =	sfence.sel $0xFFFF  }
0xc1: {  	[dreg:$0x0] =	wrdreg $0xFFFFFFFF;
	(pc) =	sbr.abs _section_cstart, $3  }
0xc2: {  	[dreg:$0x1] =	wrdreg $0xFFFFFFFF  }
0xc3: {  	_ =	task.clear_ibuf [dreg:s7], $0x2FFFF;
	_ =	strace $0x9FFFFFFF  }
0xc4: {  	(tm) =	ssettm $0x7FFFFFFF  }
0xc5: {  	_ =	shalt  }
tec
execute0_lowered:
.L_overlay_start_1:
0x0: {  	(tag) =	ssettag $0x1  }
0x1: {  	s0 =	rddreg [dreg:$0x0]  }
0x2: {  	s1 =	rddreg [dreg:$0x1];
	s3 =	srdreg.scid  }
0x3: {  	s10 =	stileid.u32;
	s2 =	rddreg [dreg:$0x2];
	s4 =	simm.s32 $0x0  }
0x4: {  	s17 =	simm.s32 $0x5000;
	s19 =	simm.s32 $0xA000;
	s28 =	simm.s32 $0x80  }
0x5: {  	s29 =	simm.s32 $0x11800;
	s30 =	simm.s32 $0x12000;
	s18 =	simm.s32 $0x13000  }
0x6: {  	s31 =	simm.s32 $0x6;
	s5 =	sand.u32 $0x1, s3;
	s3 =	rddreg [dreg:$0x3]  }
0x7: {  	s6 =	smul.u32 $0x2800, s10;
	[smem:$0x7FF] =	sst s4;
	s8 =	sadd.s32 $0x2800, s0  }
0x8: {  	s25 =	sshll.u32 s10, $0x6;
	s7 =	smul.u32 $0x28000, s5;
	_ =	strace $0x8000004A  }
0x9: {  	[dreg:$0x5] =	wrdreg s8;
	s20 =	sshll.u32 s5, $0x4;
	s5 =	ssub.s32 $0x2, s5  }
0xa: {  	s9 =	sshrl.u32 s6, $0x3;
	s8 =	sor.u32 s10, s20;
	s21 =	sshrl.u32 s5, $0x1  }
0xb: {  	s11 =	sadd.s32 s6, s2;
	s14 =	sadd.s32 s6, s3;
	s7 =	sadd.s32 s6, s7  }
0xc: {  	s8 =	smul.u32 $0x2800, s8;
	s5 =	ssub.s32 s5, s21;
	s20 =	sshrl.u32 s11, $0x3  }
0xd: {  	s21 =	simm.s32 $0x9;
	s6 =	simm.s32 $0x7;
	s7 =	sshrl.u32 s7, $0x3  }
0xe: {  	s16 =	smax.u32 s5, $0x1;
	s5 =	simm.s32 $0x4;
	s7 =	sadd.s32 s7, s0  }
0xf: {  	s0 =	sadd.s32 s9, s0;
	s8 =	sshrl.u32 s8, $0x3;
	s9 =	sor.u32 $0x1C09, s25  }
0x10: {  	s25 =	simm.s32 $0x3;
	s22 =	sadd.s32 $0xCE00, s0;
	s23 =	sadd.s32 $0x2E00, s0  }
0x11: {  	s24 =	sadd.s32 $0x7E00, s0;
	s10 =	sadd.s32 s1, s8;
	[dreg:$0x6] =	wrdreg s22  }
0x12: {  	s26 =	sadd.s32 $0x1BE00, s0;
	s13 =	sadd.s32 $0x20E00, s0;
	[dreg:$0x7] =	wrdreg s23  }
0x13: {  	s15 =	sadd.s32 $0x11E00, s7;
	s0 =	simm.s32 $0x5;
	[dreg:$0x8] =	wrdreg s24  }
0x14: {  	s7 =	simm.s32 $0x0;
	s1 =	sadd.s32 $0xA000, s10;
	[dreg:$0xa] =	wrdreg s26  }
0x15: {  	s22 =	simm.s32 $0x2800;
	s23 =	simm.s32 $0x1;
	s24 =	simm.s32 $0x2  }
0x16: {  	s26 =	simm.s32 $0x8;
	[dreg:$0x9] =	wrdreg s1;
	s1 =	simm.s32 $0x12800  }
.LBB2_1:
0x17: {  	s8 =	rddreg [dreg:$0x6]  }
0x18: {  	[tilespmem:s17], [sflag:$0x1] =	stream.linear.gather [hbm4b:s8+s4], $0x2800, $0x38;
	[tilespmem:$0x13800] =	vst v63  }
0x19: {  	s12 =	rddreg [dreg:$0x7];
	s11 =	simm.s32 $0x7800  }
0x1a: {  	[tilespmem:s11], [sflag:$0x2] =	stream.linear.gather [hbm4b:s12+s4], $0x2800, $0x38;
	[tilespmem:$0x13800] =	vst v63  }
0x1b: {  	s11 =	rddreg [dreg:$0x8]  }
0x1c: {  	s12 =	rddreg [dreg:$0x5]  }
0x1d: {  	[tilespmem:s19], [sflag:$0x3] =	stream.linear.gather [hbm4b:s11+s4], $0x2800, $0x38;
	[tilespmem:$0x13800] =	vst v63  }
0x1e: {  	[spmem:s20], [sflag:s9] =	dma.local [hbm:s12], $0x500  }
0x1f: {  	_ =	swait.ge [sflag:s21], $0x500  }
0x20: {  	[sflag:s21] =	ssyncset.done $0x0  }
0x21: {  	[sflag:s21] =	ssyncadd.s32 $0xFFFFFB00  }
0x22: {  	[tilespmem:s4], [sflag:$0x9] =	stream.linear.gather [hbm4b:s10+s4], $0x2800, $0x38;
	[tilespmem:$0x13800] =	vst v63  }
0x23: {  	_ =	swait.ge [sflag:s21], $0x2800  }
0x24: {  	[sflag:s21] =	ssyncset.done $0x0  }
0x25: {  	s19 =	rddreg [dreg:$0x9];
	[sflag:s21] =	ssyncadd.s32 $0xFFFFD800  }
0x26: {  	[tilespmem:s22], [sflag:$0x9] =	stream.linear.gather [hbm4b:s19+s4], $0x2800, $0x38;
	[tilespmem:$0x13800] =	vst v63  }
0x27: {  	_ =	swait.ge [sflag:s21], $0x2800  }
0x28: {  	[sflag:s21] =	ssyncset.done $0x0  }
0x29: {  	[sflag:s21] =	ssyncadd.s32 $0xFFFFD800  }
0x2a: {  	_ =	swait.ge [sflag:s23], $0x2800  }
0x2b: {  	[sflag:s23] =	ssyncset.done $0x0  }
0x2c: {  	[sflag:s23] =	ssyncadd.s32 $0xFFFFD800  }
0x2d: {  	_ =	swait.ge [sflag:s24], $0x2800  }
0x2e: {  	[sflag:s24] =	ssyncset.done $0x0  }
0x2f: {  	[sflag:s24] =	ssyncadd.s32 $0xFFFFD800  }
0x30: {  	_ =	swait.ge [sflag:s25], $0x2800  }
0x31: {  	s8 =	simm.s32 $0xFFFFFFF8;
	s11 =	simm.s32 $0x5040;
	[sflag:s25] =	ssyncset.done $0x0  }
0x32: {  	s12 =	simm.s32 $0x7840;
	s19 =	simm.s32 $0xA040;
	[sflag:s25] =	ssyncadd.s32 $0xFFFFD800  }
.LBB2_2:
0x33: {  	v0 =	vld [tilespmem:s12+$0xFFFFFFC0];
	_ =	sdelay $0x1  }
0x34: {  	v1 =	vld [tilespmem:s19+$0xFFFFFFC0];
	_ =	sdelay $0x2  }
0x35: {  	v0 =	vadd.f32 $1.000000000e+00, v0;
	_ =	sdelay $0x1  }
0x36: {  	v0 =	vadd.f32 v1, v0;
	_ =	sdelay $0x1  }
0x37: {  	v1 =	vshra.s32 v0, $0x1;
	v0 =	vmul.f32 $5.000000000e-01, v0  }
0x38: {  	v1 =	vsub.s32 $0x5F3759DF, v1  }
0x39: {  	v2 =	vmul.f32 v1, v0;
	_ =	sdelay $0x1  }
0x3a: {  	v2 =	vmul.f32 v1, v2;
	_ =	sdelay $0x1  }
0x3b: {  	v2 =	vsub.f32 $1.500000000e+00, v2;
	_ =	sdelay $0x1  }
0x3c: {  	v1 =	vmul.f32 v1, v2;
	_ =	sdelay $0x1  }
0x3d: {  	v2 =	vmul.f32 v1, v0;
	_ =	sdelay $0x1  }
0x3e: {  	v2 =	vmul.f32 v2, v1;
	_ =	sdelay $0x1  }
0x3f: {  	v2 =	vsub.f32 $1.500000000e+00, v2;
	_ =	sdelay $0x1  }
0x40: {  	v1 =	vmul.f32 v2, v1;
	_ =	sdelay $0x1  }
0x41: {  	v0 =	vmul.f32 v1, v0;
	_ =	sdelay $0x1  }
0x42: {  	v0 =	vmul.f32 v0, v1  }
0x43: {  	v49 =	vld [tilespmem:s11+$0xFFFFFFC0]  }
0x44: {  	v0 =	vsub.f32 $1.500000000e+00, v0;
	_ =	sdelay $0x1  }
0x45: {  	v0 =	vmul.f32 v0, v1;
	_ =	sdelay $0x1  }
0x46: {  	v1 =	vmul.f32 v0, v49;
	_ =	sdelay $0x1  }
0x47: {  	[tilespmem:s11+$0xFFFFFFC0] =	vst v1  }
0x48: {  	[tilespmem:s19+$0xFFFFFFC0] =	vst v0  }
0x49: {  	v0 =	vld [tilespmem:s12+$0xFFFFFFD0];
	_ =	sdelay $0x1  }
0x4a: {  	v1 =	vld [tilespmem:s19+$0xFFFFFFD0];
	_ =	sdelay $0x2  }
0x4b: {  	v0 =	vadd.f32 $1.000000000e+00, v0;
	_ =	sdelay $0x1  }
0x4c: {  	v0 =	vadd.f32 v1, v0;
	_ =	sdelay $0x1  }
0x4d: {  	v1 =	vshra.s32 v0, $0x1;
	v0 =	vmul.f32 $5.000000000e-01, v0  }
0x4e: {  	v1 =	vsub.s32 $0x5F3759DF, v1  }
0x4f: {  	v50 =	vmul.f32 v1, v0;
	_ =	sdelay $0x1  }
0x50: {  	v2 =	vmul.f32 v1, v50;
	_ =	sdelay $0x1  }
0x51: {  	v2 =	vsub.f32 $1.500000000e+00, v2;
	_ =	sdelay $0x1  }
0x52: {  	v1 =	vmul.f32 v1, v2;
	_ =	sdelay $0x1  }
0x53: {  	v2 =	vmul.f32 v1, v0;
	_ =	sdelay $0x1  }
0x54: {  	v2 =	vmul.f32 v2, v1;
	_ =	sdelay $0x1  }
0x55: {  	v2 =	vsub.f32 $1.500000000e+00, v2;
	_ =	sdelay $0x1  }
0x56: {  	v1 =	vmul.f32 v2, v1;
	_ =	sdelay $0x1  }
0x57: {  	v0 =	vmul.f32 v1, v0;
	_ =	sdelay $0x1  }
0x58: {  	v0 =	vmul.f32 v0, v1  }
0x59: {  	v51 =	vld [tilespmem:s11+$0xFFFFFFD0]  }
0x5a: {  	v0 =	vsub.f32 $1.500000000e+00, v0;
	_ =	sdelay $0x1  }
0x5b: {  	v0 =	vmul.f32 v0, v1;
	_ =	sdelay $0x1  }
0x5c: {  	v1 =	vmul.f32 v0, v51;
	_ =	sdelay $0x1  }
0x5d: {  	[tilespmem:s11+$0xFFFFFFD0] =	vst v1  }
0x5e: {  	[tilespmem:s19+$0xFFFFFFD0] =	vst v0  }
0x5f: {  	v0 =	vld [tilespmem:s12+$0xFFFFFFE0];
	_ =	sdelay $0x1  }
0x60: {  	v1 =	vld [tilespmem:s19+$0xFFFFFFE0];
	_ =	sdelay $0x2  }
0x61: {  	v0 =	vadd.f32 $1.000000000e+00, v0;
	_ =	sdelay $0x1  }
0x62: {  	v0 =	vadd.f32 v1, v0;
	_ =	sdelay $0x1  }
0x63: {  	v1 =	vshra.s32 v0, $0x1;
	v0 =	vmul.f32 $5.000000000e-01, v0  }
0x64: {  	v1 =	vsub.s32 $0x5F3759DF, v1  }
0x65: {  	v52 =	vmul.f32 v1, v0;
	_ =	sdelay $0x1  }
0x66: {  	v2 =	vmul.f32 v1, v52;
	_ =	sdelay $0x1  }
0x67: {  	v2 =	vsub.f32 $1.500000000e+00, v2;
	_ =	sdelay $0x1  }
0x68: {  	v1 =	vmul.f32 v1, v2;
	_ =	sdelay $0x1  }
0x69: {  	v2 =	vmul.f32 v1, v0;
	_ =	sdelay $0x1  }
0x6a: {  	v2 =	vmul.f32 v2, v1;
	_ =	sdelay $0x1  }
0x6b: {  	v2 =	vsub.f32 $1.500000000e+00, v2;
	_ =	sdelay $0x1  }
0x6c: {  	v1 =	vmul.f32 v2, v1;
	_ =	sdelay $0x1  }
0x6d: {  	v0 =	vmul.f32 v1, v0;
	_ =	sdelay $0x1  }
0x6e: {  	v0 =	vmul.f32 v0, v1  }
0x6f: {  	v53 =	vld [tilespmem:s11+$0xFFFFFFE0]  }
0x70: {  	v0 =	vsub.f32 $1.500000000e+00, v0;
	_ =	sdelay $0x1  }
0x71: {  	v0 =	vmul.f32 v0, v1;
	_ =	sdelay $0x1  }
0x72: {  	v1 =	vmul.f32 v0, v53;
	_ =	sdelay $0x1  }
0x73: {  	[tilespmem:s11+$0xFFFFFFE0] =	vst v1  }
0x74: {  	[tilespmem:s19+$0xFFFFFFE0] =	vst v0  }
0x75: {  	v0 =	vld [tilespmem:s12+$0xFFFFFFF0];
	_ =	sdelay $0x1  }
0x76: {  	v1 =	vld [tilespmem:s19+$0xFFFFFFF0];
	_ =	sdelay $0x2  }
0x77: {  	v0 =	vadd.f32 $1.000000000e+00, v0;
	_ =	sdelay $0x1  }
0x78: {  	v0 =	vadd.f32 v1, v0;
	_ =	sdelay $0x1  }
0x79: {  	v1 =	vshra.s32 v0, $0x1;
	v0 =	vmul.f32 $5.000000000e-01, v0  }
0x7a: {  	v1 =	vsub.s32 $0x5F3759DF, v1  }
0x7b: {  	v54 =	vmul.f32 v1, v0;
	_ =	sdelay $0x1  }
0x7c: {  	v2 =	vmul.f32 v1, v54;
	_ =	sdelay $0x1  }
0x7d: {  	v2 =	vsub.f32 $1.500000000e+00, v2;
	_ =	sdelay $0x1  }
0x7e: {  	v1 =	vmul.f32 v1, v2;
	_ =	sdelay $0x1  }
0x7f: {  	v2 =	vmul.f32 v1, v0;
	_ =	sdelay $0x1  }
0x80: {  	v2 =	vmul.f32 v2, v1;
	_ =	sdelay $0x1  }
0x81: {  	v2 =	vsub.f32 $1.500000000e+00, v2;
	_ =	sdelay $0x1  }
0x82: {  	v1 =	vmul.f32 v2, v1;
	_ =	sdelay $0x1  }
0x83: {  	v0 =	vmul.f32 v1, v0;
	_ =	sdelay $0x1  }
0x84: {  	v0 =	vmul.f32 v0, v1  }
0x85: {  	v55 =	vld [tilespmem:s11+$0xFFFFFFF0]  }
0x86: {  	v0 =	vsub.f32 $1.500000000e+00, v0;
	_ =	sdelay $0x1  }
0x87: {  	v0 =	vmul.f32 v0, v1;
	_ =	sdelay $0x1  }
0x88: {  	v1 =	vmul.f32 v0, v55;
	_ =	sdelay $0x1  }
0x89: {  	[tilespmem:s11+$0xFFFFFFF0] =	vst v1  }
0x8a: {  	[tilespmem:s19+$0xFFFFFFF0] =	vst v0  }
0x8b: {  	v0 =	vld [tilespmem:s12+$0x0];
	_ =	sdelay $0x1  }
0x8c: {  	v1 =	vld [tilespmem:s19+$0x0];
	_ =	sdelay $0x2  }
0x8d: {  	v0 =	vadd.f32 $1.000000000e+00, v0;
	_ =	sdelay $0x1  }
0x8e: {  	v0 =	vadd.f32 v1, v0;
	_ =	sdelay $0x1  }
0x8f: {  	v1 =	vshra.s32 v0, $0x1;
	v0 =	vmul.f32 $5.000000000e-01, v0  }
0x90: {  	v1 =	vsub.s32 $0x5F3759DF, v1  }
0x91: {  	v56 =	vmul.f32 v1, v0;
	_ =	sdelay $0x1  }
0x92: {  	v2 =	vmul.f32 v1, v56;
	_ =	sdelay $0x1  }
0x93: {  	v2 =	vsub.f32 $1.500000000e+00, v2;
	_ =	sdelay $0x1  }
0x94: {  	v1 =	vmul.f32 v1, v2;
	_ =	sdelay $0x1  }
0x95: {  	v2 =	vmul.f32 v1, v0;
	_ =	sdelay $0x1  }
0x96: {  	v2 =	vmul.f32 v2, v1;
	_ =	sdelay $0x1  }
0x97: {  	v2 =	vsub.f32 $1.500000000e+00, v2;
	_ =	sdelay $0x1  }
0x98: {  	v1 =	vmul.f32 v2, v1;
	_ =	sdelay $0x1  }
0x99: {  	v0 =	vmul.f32 v1, v0;
	_ =	sdelay $0x1  }
0x9a: {  	v0 =	vmul.f32 v0, v1  }
0x9b: {  	v57 =	vld [tilespmem:s11+$0x0]  }
0x9c: {  	v0 =	vsub.f32 $1.500000000e+00, v0;
	_ =	sdelay $0x1  }
0x9d: {  	v0 =	vmul.f32 v0, v1;
	_ =	sdelay $0x1  }
0x9e: {  	v1 =	vmul.f32 v0, v57;
	_ =	sdelay $0x1  }
0x9f: {  	[tilespmem:s11+$0x0] =	vst v1  }
0xa0: {  	[tilespmem:s19+$0x0] =	vst v0  }
0xa1: {  	v0 =	vld [tilespmem:s12+$0x10];
	_ =	sdelay $0x1  }
0xa2: {  	v1 =	vld [tilespmem:s19+$0x10];
	_ =	sdelay $0x2  }
0xa3: {  	v0 =	vadd.f32 $1.000000000e+00, v0;
	_ =	sdelay $0x1  }
0xa4: {  	v0 =	vadd.f32 v1, v0;
	_ =	sdelay $0x1  }
0xa5: {  	v1 =	vshra.s32 v0, $0x1;
	v0 =	vmul.f32 $5.000000000e-01, v0  }
0xa6: {  	v1 =	vsub.s32 $0x5F3759DF, v1  }
0xa7: {  	v58 =	vmul.f32 v1, v0;
	_ =	sdelay $0x1  }
0xa8: {  	v2 =	vmul.f32 v1, v58;
	_ =	sdelay $0x1  }
0xa9: {  	v2 =	vsub.f32 $1.500000000e+00, v2;
	_ =	sdelay $0x1  }
0xaa: {  	v1 =	vmul.f32 v1, v2;
	_ =	sdelay $0x1  }
0xab: {  	v2 =	vmul.f32 v1, v0;
	_ =	sdelay $0x1  }
0xac: {  	v2 =	vmul.f32 v2, v1;
	_ =	sdelay $0x1  }
0xad: {  	v2 =	vsub.f32 $1.500000000e+00, v2;
	_ =	sdelay $0x1  }
0xae: {  	v1 =	vmul.f32 v2, v1;
	_ =	sdelay $0x1  }
0xaf: {  	v0 =	vmul.f32 v1, v0;
	_ =	sdelay $0x1  }
0xb0: {  	v0 =	vmul.f32 v0, v1  }
0xb1: {  	v59 =	vld [tilespmem:s11+$0x10]  }
0xb2: {  	v0 =	vsub.f32 $1.500000000e+00, v0;
	_ =	sdelay $0x1  }
0xb3: {  	v0 =	vmul.f32 v0, v1;
	_ =	sdelay $0x1  }
0xb4: {  	v1 =	vmul.f32 v0, v59;
	_ =	sdelay $0x1  }
0xb5: {  	[tilespmem:s11+$0x10] =	vst v1  }
0xb6: {  	[tilespmem:s19+$0x10] =	vst v0  }
0xb7: {  	v0 =	vld [tilespmem:s12+$0x20];
	_ =	sdelay $0x1  }
0xb8: {  	v1 =	vld [tilespmem:s19+$0x20];
	_ =	sdelay $0x2  }
0xb9: {  	v0 =	vadd.f32 $1.000000000e+00, v0;
	_ =	sdelay $0x1  }
0xba: {  	v0 =	vadd.f32 v1, v0;
	_ =	sdelay $0x1  }
0xbb: {  	v1 =	vshra.s32 v0, $0x1;
	v0 =	vmul.f32 $5.000000000e-01, v0  }
0xbc: {  	v1 =	vsub.s32 $0x5F3759DF, v1  }
0xbd: {  	v60 =	vmul.f32 v1, v0;
	_ =	sdelay $0x1  }
0xbe: {  	v2 =	vmul.f32 v1, v60;
	_ =	sdelay $0x1  }
0xbf: {  	v2 =	vsub.f32 $1.500000000e+00, v2;
	_ =	sdelay $0x1  }
0xc0: {  	v1 =	vmul.f32 v1, v2;
	_ =	sdelay $0x1  }
0xc1: {  	v2 =	vmul.f32 v1, v0;
	_ =	sdelay $0x1  }
0xc2: {  	v2 =	vmul.f32 v2, v1;
	_ =	sdelay $0x1  }
0xc3: {  	v2 =	vsub.f32 $1.500000000e+00, v2;
	_ =	sdelay $0x1  }
0xc4: {  	v1 =	vmul.f32 v2, v1;
	_ =	sdelay $0x1  }
0xc5: {  	v0 =	vmul.f32 v1, v0;
	_ =	sdelay $0x1  }
0xc6: {  	v0 =	vmul.f32 v0, v1  }
0xc7: {  	v61 =	vld [tilespmem:s11+$0x20]  }
0xc8: {  	v0 =	vsub.f32 $1.500000000e+00, v0;
	_ =	sdelay $0x1  }
0xc9: {  	v0 =	vmul.f32 v0, v1;
	_ =	sdelay $0x1  }
0xca: {  	v1 =	vmul.f32 v0, v61;
	_ =	sdelay $0x1  }
0xcb: {  	[tilespmem:s11+$0x20] =	vst v1  }
0xcc: {  	[tilespmem:s19+$0x20] =	vst v0  }
0xcd: {  	v0 =	vld [tilespmem:s12+$0x30];
	_ =	sdelay $0x1  }
0xce: {  	v1 =	vld [tilespmem:s19+$0x30];
	_ =	sdelay $0x2  }
0xcf: {  	v0 =	vadd.f32 $1.000000000e+00, v0;
	_ =	sdelay $0x1  }
0xd0: {  	v0 =	vadd.f32 v1, v0;
	_ =	sdelay $0x1  }
0xd1: {  	v1 =	vshra.s32 v0, $0x1;
	v0 =	vmul.f32 $5.000000000e-01, v0  }
0xd2: {  	v1 =	vsub.s32 $0x5F3759DF, v1  }
0xd3: {  	v62 =	vmul.f32 v1, v0;
	_ =	sdelay $0x1  }
0xd4: {  	v2 =	vmul.f32 v1, v62;
	_ =	sdelay $0x1  }
0xd5: {  	v2 =	vsub.f32 $1.500000000e+00, v2;
	_ =	sdelay $0x1  }
0xd6: {  	v1 =	vmul.f32 v1, v2;
	_ =	sdelay $0x1  }
0xd7: {  	v2 =	vmul.f32 v1, v0;
	_ =	sdelay $0x1  }
0xd8: {  	v2 =	vmul.f32 v2, v1;
	_ =	sdelay $0x1  }
0xd9: {  	v2 =	vsub.f32 $1.500000000e+00, v2;
	_ =	sdelay $0x1  }
0xda: {  	v1 =	vmul.f32 v2, v1;
	_ =	sdelay $0x1  }
0xdb: {  	v0 =	vmul.f32 v1, v0;
	_ =	sdelay $0x1  }
0xdc: {  	v0 =	vmul.f32 v0, v1  }
0xdd: {  	v63 =	vld [tilespmem:s11+$0x30]  }
0xde: {  	v0 =	vsub.f32 $1.500000000e+00, v0  }
0xdf: {  	s8 =	sadd.s32 $0x8, s8  }
0xe0: {  	p0 =	slt.u32 s8, $0x278;
	v0 =	vmul.f32 v0, v1  }
.Ltmp0:
0xe1: {  	_ = 	snop;
	(pc) =	sbr.rel @p0 .LBB2_2-.Ltmp0, $3  }
0xe2: {  	v1 =	vmul.f32 v0, v63;
	_ =	sdelay $0x1  }
0xe3: {  	[tilespmem:s11+$0x30] =	vst v1  }
0xe4: {  	s12 =	sadd.s32 $0x80, s12;
	s11 =	sadd.s32 $0x80, s11;
	[tilespmem:s19+$0x30] =	vst v0;
	s19 =	sadd.s32 $0x80, s19  }
0xe5: {  	s8 =	simm.s32 $0x0;
	s11 =	rddreg [dreg:$0xa]  }
0xe6: {  	[hbm4b:s11+s8] =	stream.linear.scatter [tilespmem:s17], [sflag:$0x8], $0x2800, $0x38;
	[tilespmem:$0x13800] =	vst v63  }
0xe7: {  	s19 =	simm.s32 $0xA000  }
0xe8: {  	[hbm4b:s13+s8] =	stream.linear.scatter [tilespmem:s19], [sflag:$0x8], $0x2800, $0x38;
	[tilespmem:$0x13800] =	vst v63  }
0xe9: {  	_ = 	snop  }
0xea: {  	[spmem:s14] =	stream.linear.scatter [tilespmem:s17], [sflag:$0x9], $0x2800, $0x38;
	[tilespmem:$0x13800] =	vst v63  }
0xeb: {  	_ =	swait.ge [sflag:s21], $0x2800  }
0xec: {  	[sflag:s21] =	ssyncset.done $0x0  }
0xed: {  	[sflag:s21] =	ssyncadd.s32 $0xFFFFD800  }
0xee: {  	[bflag:$0x0] =	sbarrier.arrive $0xFFFF  }
0xef: {  	_ =	swait.ge [sflag:s26], $0x2800  }
0xf0: {  	[sflag:s26] =	ssyncset.done $0x0  }
0xf1: {  	[sflag:s26] =	ssyncadd.s32 $0xFFFFD800  }
0xf2: {  	_ =	swait.ge [sflag:s26], $0x2800  }
0xf3: {  	[sflag:s26] =	ssyncset.done $0x0  }
0xf4: {  	[sflag:s26] =	ssyncadd.s32 $0xFFFFD800  }
0xf5: {  	[tilespmem:s29], [sflag:$0x1] =	stream.indirect.gather [spmem:s3], $0x10, s8, s28, $0xb8;
	[tilespmem:$0x13800] =	vst v63  }
0xf6: {  	_ = 	snop  }
0xf7: {  	[tilespmem:s30], [sflag:$0x2] =	stream.indirect.gather [spmem:s3], $0x10, s28, s28, $0xb8;
	[tilespmem:$0x13800] =	vst v63  }
0xf8: {  	s11 =	simm.s32 $0x100  }
0xf9: {  	[tilespmem:s1], [sflag:$0x3] =	stream.indirect.gather [spmem:s3], $0x10, s11, s28, $0xb8;
	[tilespmem:$0x13800] =	vst v63  }
0xfa: {  	_ =	swait.ge [sflag:s23], $0x800  }
0xfb: {  	[sflag:s23] =	ssyncset.done $0x0  }
0xfc: {  	[sflag:s23] =	ssyncadd.s32 $0xFFFFF800  }
0xfd: {  	[spmem:s2] =	stream.indirect.scatter.add.f32 [tilespmem:s29], [sflag:$0x5], $0x10, s22, s28, $0xb8;
	[tilespmem:$0x13800] =	vst v63  }
0xfe: {  	s12 =	simm.s32 $0x180  }
0xff: {  	[tilespmem:s18], [sflag:$0x4] =	stream.indirect.gather [spmem:s3], $0x10, s12, s28, $0xb8;
	[tilespmem:$0x13800] =	vst v63  }
0x100: {  	_ =	swait.ge [sflag:s24], $0x800  }
0x101: {  	[sflag:s24] =	ssyncset.done $0x0  }
0x102: {  	s11 =	simm.s32 $0x2880;
	[sflag:s24] =	ssyncadd.s32 $0xFFFFF800  }
0x103: {  	[spmem:s2] =	stream.indirect.scatter.add.f32 [tilespmem:s30], [sflag:$0x6], $0x10, s11, s28, $0xb8;
	[tilespmem:$0x13800] =	vst v63  }
0x104: {  	_ =	swait.ge [sflag:s0], $0x800  }
0x105: {  	[sflag:s0] =	ssyncset.done $0x0  }
0x106: {  	s12 =	simm.s32 $0x200;
	[sflag:s0] =	ssyncadd.s32 $0xFFFFF800  }
0x107: {  	[tilespmem:s29], [sflag:$0x1] =	stream.indirect.gather [spmem:s3], $0x10, s12, s28, $0xb8;
	[tilespmem:$0x13800] =	vst v63  }
0x108: {  	_ =	swait.ge [sflag:s25], $0x800  }
0x109: {  	[sflag:s25] =	ssyncset.done $0x0  }
0x10a: {  	s11 =	simm.s32 $0x2900;
	[sflag:s25] =	ssyncadd.s32 $0xFFFFF800  }
0x10b: {  	[spmem:s2] =	stream.indirect.scatter.add.f32 [tilespmem:s1], [sflag:$0x7], $0x10, s11, s28, $0xb8;
	[tilespmem:$0x13800] =	vst v63  }
0x10c: {  	_ =	swait.ge [sflag:s31], $0x800  }
0x10d: {  	[sflag:s31] =	ssyncset.done $0x0  }
0x10e: {  	s12 =	simm.s32 $0x280;
	[sflag:s31] =	ssyncadd.s32 $0xFFFFF800  }
0x10f: {  	[tilespmem:s30], [sflag:$0x2] =	stream.indirect.gather [spmem:s3], $0x10, s12, s28, $0xb8;
	[tilespmem:$0x13800] =	vst v63  }
0x110: {  	_ =	swait.ge [sflag:s5], $0x800  }
0x111: {  	[sflag:s5] =	ssyncset.done $0x0  }
0x112: {  	s11 =	simm.s32 $0x2980;
	[sflag:s5] =	ssyncadd.s32 $0xFFFFF800  }
0x113: {  	[spmem:s2] =	stream.indirect.scatter.add.f32 [tilespmem:s18], [sflag:$0x8], $0x10, s11, s28, $0xb8;
	[tilespmem:$0x13800] =	vst v63  }
0x114: {  	_ =	swait.ge [sflag:s6], $0x800  }
0x115: {  	[sflag:s6] =	ssyncset.done $0x0  }
0x116: {  	s12 =	simm.s32 $0x300;
	[sflag:s6] =	ssyncadd.s32 $0xFFFFF800  }
0x117: {  	[tilespmem:s1], [sflag:$0x3] =	stream.indirect.gather [spmem:s3], $0x10, s12, s28, $0xb8;
	[tilespmem:$0x13800] =	vst v63  }
0x118: {  	_ =	swait.ge [sflag:s23], $0x800  }
0x119: {  	[sflag:s23] =	ssyncset.done $0x0  }
0x11a: {  	s11 =	simm.s32 $0x2A00;
	[sflag:s23] =	ssyncadd.s32 $0xFFFFF800  }
0x11b: {  	[spmem:s2] =	stream.indirect.scatter.add.f32 [tilespmem:s29], [sflag:$0x5], $0x10, s11, s28, $0xb8;
	[tilespmem:$0x13800] =	vst v63  }
0x11c: {  	_ =	swait.ge [sflag:s26], $0x800  }
0x11d: {  	[sflag:s26] =	ssyncset.done $0x0  }
0x11e: {  	s12 =	simm.s32 $0x380;
	[sflag:s26] =	ssyncadd.s32 $0xFFFFF800  }
0x11f: {  	[tilespmem:s18], [sflag:$0x4] =	stream.indirect.gather [spmem:s3], $0x10, s12, s28, $0xb8;
	[tilespmem:$0x13800] =	vst v63  }
0x120: {  	_ =	swait.ge [sflag:s24], $0x800  }
0x121: {  	[sflag:s24] =	ssyncset.done $0x0  }
0x122: {  	s11 =	simm.s32 $0x2A80;
	[sflag:s24] =	ssyncadd.s32 $0xFFFFF800  }
0x123: {  	[spmem:s2] =	stream.indirect.scatter.add.f32 [tilespmem:s30], [sflag:$0x6], $0x10, s11, s28, $0xb8;
	[tilespmem:$0x13800] =	vst v63  }
0x124: {  	_ =	swait.ge [sflag:s0], $0x800  }
0x125: {  	[sflag:s0] =	ssyncset.done $0x0  }
0x126: {  	s12 =	simm.s32 $0x400;
	[sflag:s0] =	ssyncadd.s32 $0xFFFFF800  }
0x127: {  	[tilespmem:s29], [sflag:$0x1] =	stream.indirect.gather [spmem:s3], $0x10, s12, s28, $0xb8;
	[tilespmem:$0x13800] =	vst v63  }
0x128: {  	_ =	swait.ge [sflag:s25], $0x800  }
0x129: {  	[sflag:s25] =	ssyncset.done $0x0  }
0x12a: {  	s11 =	simm.s32 $0x2B00;
	[sflag:s25] =	ssyncadd.s32 $0xFFFFF800  }
0x12b: {  	[spmem:s2] =	stream.indirect.scatter.add.f32 [tilespmem:s1], [sflag:$0x7], $0x10, s11, s28, $0xb8;
	[tilespmem:$0x13800] =	vst v63  }
0x12c: {  	_ =	swait.ge [sflag:s31], $0x800  }
0x12d: {  	[sflag:s31] =	ssyncset.done $0x0  }
0x12e: {  	s12 =	simm.s32 $0x480;
	[sflag:s31] =	ssyncadd.s32 $0xFFFFF800  }
0x12f: {  	[tilespmem:s30], [sflag:$0x2] =	stream.indirect.gather [spmem:s3], $0x10, s12, s28, $0xb8;
	[tilespmem:$0x13800] =	vst v63  }
0x130: {  	_ =	swait.ge [sflag:s5], $0x800  }
0x131: {  	[sflag:s5] =	ssyncset.done $0x0  }
0x132: {  	s8 =	simm.s32 $0x800;
	s11 =	simm.s32 $0x2B80;
	[sflag:s5] =	ssyncadd.s32 $0xFFFFF800  }
.LBB2_4:
0x133: {  	[spmem:s2] =	stream.indirect.scatter.add.f32 [tilespmem:s18], [sflag:$0x8], $0x10, s11, s28, $0xb8;
	[tilespmem:$0x13800] =	vst v63  }
0x134: {  	s11 =	smov.u32 s8  }
0x135: {  	p0 =	sne.s32 s8, $0x8800;
	s8 =	sadd.s32 $0x800, s8;
	_ =	swait.ge [sflag:s6], $0x800  }
0x136: {  	s11 =	sshra.s32 s11, $0x2;
	[sflag:s6] =	ssyncset.done $0x0  }
0x137: {  	s12 =	sadd.s32 $0x300, s11;
	[sflag:s6] =	ssyncadd.s32 $0xFFFFF800  }
0x138: {  	[tilespmem:s1], [sflag:$0x3] =	stream.indirect.gather [spmem:s3], $0x10, s12, s28, $0xb8;
	[tilespmem:$0x13800] =	vst v63  }
0x139: {  	_ =	swait.ge [sflag:s23], $0x800  }
0x13a: {  	[sflag:s23] =	ssyncset.done $0x0  }
0x13b: {  	s12 =	sadd.s32 $0x2A00, s11;
	[sflag:s23] =	ssyncadd.s32 $0xFFFFF800  }
0x13c: {  	[spmem:s2] =	stream.indirect.scatter.add.f32 [tilespmem:s29], [sflag:$0x5], $0x10, s12, s28, $0xb8;
	[tilespmem:$0x13800] =	vst v63  }
0x13d: {  	_ =	swait.ge [sflag:s26], $0x800  }
0x13e: {  	[sflag:s26] =	ssyncset.done $0x0  }
0x13f: {  	s12 =	sadd.s32 $0x380, s11;
	[sflag:s26] =	ssyncadd.s32 $0xFFFFF800  }
0x140: {  	[tilespmem:s18], [sflag:$0x4] =	stream.indirect.gather [spmem:s3], $0x10, s12, s28, $0xb8;
	[tilespmem:$0x13800] =	vst v63  }
0x141: {  	_ =	swait.ge [sflag:s24], $0x800  }
0x142: {  	[sflag:s24] =	ssyncset.done $0x0  }
0x143: {  	s12 =	sadd.s32 $0x2A80, s11;
	[sflag:s24] =	ssyncadd.s32 $0xFFFFF800  }
0x144: {  	[spmem:s2] =	stream.indirect.scatter.add.f32 [tilespmem:s30], [sflag:$0x6], $0x10, s12, s28, $0xb8;
	[tilespmem:$0x13800] =	vst v63  }
0x145: {  	_ =	swait.ge [sflag:s0], $0x800  }
0x146: {  	[sflag:s0] =	ssyncset.done $0x0  }
0x147: {  	s12 =	sadd.s32 $0x400, s11;
	[sflag:s0] =	ssyncadd.s32 $0xFFFFF800  }
0x148: {  	[tilespmem:s29], [sflag:$0x1] =	stream.indirect.gather [spmem:s3], $0x10, s12, s28, $0xb8;
	[tilespmem:$0x13800] =	vst v63  }
0x149: {  	_ =	swait.ge [sflag:s25], $0x800  }
0x14a: {  	[sflag:s25] =	ssyncset.done $0x0  }
0x14b: {  	s12 =	sadd.s32 $0x2B00, s11;
	[sflag:s25] =	ssyncadd.s32 $0xFFFFF800  }
0x14c: {  	[spmem:s2] =	stream.indirect.scatter.add.f32 [tilespmem:s1], [sflag:$0x7], $0x10, s12, s28, $0xb8;
	[tilespmem:$0x13800] =	vst v63  }
0x14d: {  	_ =	swait.ge [sflag:s31], $0x800  }
0x14e: {  	[sflag:s31] =	ssyncset.done $0x0  }
.Ltmp1:
0x14f: {  	s12 =	sadd.s32 $0x480, s11;
	[sflag:s31] =	ssyncadd.s32 $0xFFFFF800;
	(pc) =	sbr.rel @p0 .LBB2_4-.Ltmp1, $4  }
0x150: {  	[tilespmem:s30], [sflag:$0x2] =	stream.indirect.gather [spmem:s3], $0x10, s12, s28, $0xb8;
	[tilespmem:$0x13800] =	vst v63  }
0x151: {  	_ =	swait.ge [sflag:s5], $0x800  }
0x152: {  	[sflag:s5] =	ssyncset.done $0x0  }
0x153: {  	s11 =	sadd.s32 $0x2B80, s11;
	[sflag:s5] =	ssyncadd.s32 $0xFFFFF800  }
0x154: {  	[spmem:s2] =	stream.indirect.scatter.add.f32 [tilespmem:s18], [sflag:$0x8], $0x10, s11, s28, $0xb8;
	[tilespmem:$0x13800] =	vst v63  }
0x155: {  	_ =	swait.ge [sflag:s6], $0x800  }
0x156: {  	[sflag:s6] =	ssyncset.done $0x0  }
0x157: {  	s8 =	simm.s32 $0x2700;
	[sflag:s6] =	ssyncadd.s32 $0xFFFFF800  }
0x158: {  	[tilespmem:s1], [sflag:$0x3] =	stream.indirect.gather [spmem:s3], $0x10, s8, s28, $0xb8;
	[tilespmem:$0x13800] =	vst v63  }
0x159: {  	_ =	swait.ge [sflag:s23], $0x800  }
0x15a: {  	[sflag:s23] =	ssyncset.done $0x0  }
0x15b: {  	s12 =	simm.s32 $0x4E00;
	[sflag:s23] =	ssyncadd.s32 $0xFFFFF800  }
0x15c: {  	[spmem:s2] =	stream.indirect.scatter.add.f32 [tilespmem:s29], [sflag:$0x5], $0x10, s12, s28, $0xb8;
	[tilespmem:$0x13800] =	vst v63  }
0x15d: {  	_ =	swait.ge [sflag:s26], $0x800  }
0x15e: {  	[sflag:s26] =	ssyncset.done $0x0  }
0x15f: {  	s11 =	simm.s32 $0x2780;
	[sflag:s26] =	ssyncadd.s32 $0xFFFFF800  }
0x160: {  	[tilespmem:s18], [sflag:$0x4] =	stream.indirect.gather [spmem:s3], $0x10, s11, s28, $0xb8;
	[tilespmem:$0x13800] =	vst v63  }
0x161: {  	_ =	swait.ge [sflag:s24], $0x800  }
0x162: {  	[sflag:s24] =	ssyncset.done $0x0  }
0x163: {  	s12 =	simm.s32 $0x4E80;
	[sflag:s24] =	ssyncadd.s32 $0xFFFFF800  }
0x164: {  	[spmem:s2] =	stream.indirect.scatter.add.f32 [tilespmem:s30], [sflag:$0x6], $0x10, s12, s28, $0xb8;
	[tilespmem:$0x13800] =	vst v63  }
0x165: {  	_ =	swait.ge [sflag:s25], $0x800  }
0x166: {  	[sflag:s25] =	ssyncset.done $0x0  }
0x167: {  	s11 =	simm.s32 $0x4F00;
	[sflag:s25] =	ssyncadd.s32 $0xFFFFF800  }
0x168: {  	[spmem:s2] =	stream.indirect.scatter.add.f32 [tilespmem:s1], [sflag:$0x7], $0x10, s11, s28, $0xb8;
	[tilespmem:$0x13800] =	vst v63  }
0x169: {  	_ =	swait.ge [sflag:s5], $0x800  }
0x16a: {  	[sflag:s5] =	ssyncset.done $0x0  }
0x16b: {  	s12 =	simm.s32 $0x4F80;
	[sflag:s5] =	ssyncadd.s32 $0xFFFFF800  }
0x16c: {  	[spmem:s2] =	stream.indirect.scatter.add.f32 [tilespmem:s18], [sflag:$0x8], $0x10, s12, s28, $0xb8;
	[tilespmem:$0x13800] =	vst v63  }
0x16d: {  	_ =	swait.ge [sflag:s0], $0x800  }
0x16e: {  	[sflag:s0] =	ssyncset.done $0x0  }
0x16f: {  	[sflag:s0] =	ssyncadd.s32 $0xFFFFF800  }
0x170: {  	_ =	swait.ge [sflag:s31], $0x800  }
0x171: {  	[sflag:s31] =	ssyncset.done $0x0  }
0x172: {  	[sflag:s31] =	ssyncadd.s32 $0xFFFFF800  }
0x173: {  	_ =	swait.ge [sflag:s6], $0x800  }
0x174: {  	[sflag:s6] =	ssyncset.done $0x0  }
0x175: {  	[sflag:s6] =	ssyncadd.s32 $0xFFFFF800  }
0x176: {  	_ =	swait.ge [sflag:s26], $0x800  }
0x177: {  	s7 =	sadd.s32 $0x1, s7;
	[sflag:s26] =	ssyncset.done $0x0  }
0x178: {  	p0 =	sne.s32 s7, s16;
	[sflag:s26] =	ssyncadd.s32 $0xFFFFF800  }
.Ltmp2:
0x179: {  	[bflag:$0x0] =	sbarrier.arrive $0xFFFF;
	(pc) =	sbr.rel @p0 .LBB2_1-.Ltmp2, $4  }
0x17a: {  	[hbm:s15], [sflag:s9] =	dma.local [spmem:s20], $0x500  }
0x17b: {  	_ =	swait.ge [sflag:s21], $0x500  }
0x17c: {  	[sflag:s21] =	ssyncset.done $0x0  }
0x17d: {  	[sflag:s21] =	ssyncadd.s32 $0xFFFFFB00  }
0x17e: {  	_ =	sfence.sel $0x180000  }
0x17f: {  	[bflag:$0x0] =	sbarrier.arrive $0xFFFF  }
0x180: {  	_ =	strace $0x9000004A  }
0x181: {  	s0 =	stileid.u32;
	[bflag:$0x2] =	sbarrier.arrive $0xFFFF  }
0x182: {  	p0 =	sne.s32 s0, $0x0;
	s0 =	rddreg [dreg:$0x4]  }
0x183: {  	s0 =	sadd.s32 @!p0 $0x100000, s0  }
0x184: {  	[sflag:s0] =	ssyncadd.tile.s32 @!p0 $0x1;
	_ =	shalt  }
.Lfunc_end2:
_tile_overlayer_lowered:
.L_overlay_start_2:
0x185: {  	(tag) =	ssettag $0x2  }
0x186: {  	s0 =	rddreg [dreg:$0x0];
	s2 =	stileid.u32  }
0x187: {  	s1 =	rddreg [dreg:$0x1];
	p0 =	sne.s32 s2, $0x0  }
0x188: {  	s3 =	rddreg [dreg:$0x2];
	[bflag:$0x3] =	sbarrier.arrive $0xFFFF;
	s2 =	simm.s32 @!p0 $0x1C09  }
0x189: {  	[timem:s3], [sflag:s2] =	dma.local @!p0 [hbm:s0], s1  }
0x18a: {  	s0 =	simm.s32 @!p0 $0x9  }
0x18b: {  	_ =	swait.ge @!p0 [sflag:s0], s1  }
0x18c: {  	s1 =	ssub.s32 @!p0 $0x0, s1;
	[sflag:s0] =	ssyncset.done @!p0 $0x0  }
0x18d: {  	[sflag:s0] =	ssyncadd.s32 @!p0 s1  }
0x18e: {  	[bflag:$0x3] =	sbarrier.arrive $0xFFFF  }
0x18f: {  	_ =	shalt  }

// kernel: kernel.14.cloned.1.call-start
scs
__scs_entry_jumppad:
0x0: {  	(pc) =	sbr.rel $0x88, $3  }
0x1: {  	(tag) =	ssettag $0x0;
	lr =	simm.s32 $0x1  }
0x2: {  	[smem:$0x3F9B] =	sst lr;
	_ =	strace $0xD0000000  }
0x3: {  	_ = 	snop  }
0x4: {  	_ = 	snop  }
0x5: {  	_ = 	snop  }
0x6: {  	_ = 	snop  }
0x7: {  	_ = 	snop  }
__scs_overlays_trampoline_lowered:
0x8: {  	[smem:$0x3FAA] =	sst s0  }
0x9: {  	[smem:$0x3FAB] =	sst s1  }
0xa: {  	[smem:$0x3FAC] =	sst s2  }
0xb: {  	[smem:$0x3FAD] =	sst s3  }
0xc: {  	[smem:$0x3FAE] =	sst s4  }
0xd: {  	[smem:$0x3FAF] =	sst s5  }
0xe: {  	[smem:$0x3FB0] =	sst s6  }
0xf: {  	[smem:$0x3FB1] =	sst s7  }
0x10: {  	[smem:$0x3FB2] =	sst s8  }
0x11: {  	[smem:$0x3FB3] =	sst s9;
	s0 =	simm.s32 @!p0 $0x0  }
0x12: {  	s1 =	sld [smem:$0x3F99];
	s0 =	simm.s32 @p0 $0x1  }
0x13: {  	[smem:$0x3FB4] =	sst s0;
	s0 =	simm.s32 @!p1 $0x0  }
0x14: {  	s2 =	sld [smem:$0x3F98];
	s0 =	simm.s32 @p1 $0x1  }
0x15: {  	[smem:$0x3FB5] =	sst s0;
	s0 =	simm.s32 @!p2 $0x0  }
0x16: {  	s3 =	sld [smem:$0x3FDB];
	s0 =	simm.s32 @p2 $0x1  }
0x17: {  	s4 =	simm.s32 $0x1BF5;
	[smem:$0x3FB7] =	sst s0  }
0x18: {  	s0 =	sld [smem:$0x3F9A];
	_ =	swait.ge [sflag:s4], $0x0  }
0x19: {  	s7 =	sld [smem:$0x3F9B]  }
0x1a: {  	s8 =	sadd.s32 $0xFFFFE003, lr  }
0x1b: {  	s9 =	sadd.s32 $0xFFFFFEF7, lr;
	s5 =	simm.s32 $0xFFFFFFFF;
	p2 =	slt.u32 s8, $0xFFFFF086  }
0x1c: {  	p1 =	slt.u32 s9, $0xF7A;
	s5 =	simm.s32 @!p2 $0x0  }
0x1d: {  	s5 =	simm.s32 @p1 $0x1;
	p0 =	seq.s32 s7, s2  }
0x1e: {  	s7 =	smul.u32 @!p0 $0xF7A, s2;
	p2 =	seq.s32 @!p0 s5, $0x0  }
0x1f: {  	s9 =	smul.u32 $0xF7A, s1;
	s8 =	simm.s32 @!p0 $0x1BF5;
	p2 =	por !p2, p0  }
0x20: {  	[sflag:s8] =	ssyncset.s32 @!p0 $0xFFFFF086;
	s6 =	sadd.s32 @!p0 s3, s7;
	s7 =	simm.s32 @!p0 $0x108  }
0x21: {  	s3 =	sadd.s32 s3, s9;
	s6 =	sadd.s32 @!p0 $0x88, s6;
	s7 =	simm.s32 @p2 $0x1082  }
0x22: {  	[simem:s7], [sflag:s8] =	dma.local @!p0 [hbm:s6], $0xF7A  }
0x23: {  	s9 =	sor.u32 $0xD0000000, s2;
	s6 =	simm.s32 $0x108;
	_ =	swait.ge @!p0 [sflag:s8], $0x0  }
0x24: {  	s3 =	sadd.s32 $0x88, s3;
	s6 =	simm.s32 @!p1 $0x1082;
	[sflag:s4] =	ssyncset.s32 $0xFFFFF086  }
0x25: {  	[simem:s6], [sflag:s4] =	dma.local [hbm:s3], $0xF7A  }
0x26: {  	[smem:$0x3F9B] =	sst s1;
	(tag) =	ssettag s2;
	_ =	strace s9  }
0x27: {  	s1 =	sld [smem:$0x3FAB]  }
0x28: {  	s2 =	sld [smem:$0x3FAC]  }
0x29: {  	s4 =	sld [smem:$0x3FAE]  }
0x2a: {  	p0 =	seq.s32 s5, $0x0;
	s5 =	sld [smem:$0x3FAF]  }
0x2b: {  	s6 =	sld [smem:$0x3FB0]  }
0x2c: {  	s7 =	sld [smem:$0x3FB1]  }
0x2d: {  	s3 =	simm.s32 $0x108;
	s8 =	sld [smem:$0x3FB2]  }
0x2e: {  	s3 =	simm.s32 @!p0 $0x1082;
	s9 =	sld [smem:$0x3FB3]  }
0x2f: {  	lr =	sadd.s32 s0, s3;
	s0 =	sld [smem:$0x3FAA]  }
0x30: {  	s3 =	sld [smem:$0x3FAD]  }
0x31: {  	[smem:$0x3FB6] =	sst s10  }
0x32: {  	s10 =	sld [smem:$0x3FB4];
	_ =	sdelay $0x3  }
0x33: {  	p0 =	seq.s32 s10, $0x1;
	s10 =	sld [smem:$0x3FB6];
	_ =	sdelay $0x3  }
0x34: {  	[smem:$0x3FB6] =	sst s10  }
0x35: {  	s10 =	sld [smem:$0x3FB5];
	_ =	sdelay $0x3  }
0x36: {  	p1 =	seq.s32 s10, $0x1;
	s10 =	sld [smem:$0x3FB6];
	_ =	sdelay $0x3  }
0x37: {  	[smem:$0x3FB6] =	sst s10  }
0x38: {  	s10 =	sld [smem:$0x3FB7]  }
0x39: {  	_ = 	snop;
	(pc) =	sbr.ind lr, $3  }
0x3a: {  	_ = 	snop  }
0x3b: {  	_ = 	snop  }
0x3c: {  	p2 =	seq.s32 s10, $0x1;
	s10 =	sld [smem:$0x3FB6]  }
0x3d: {  	_ =	shalt  }
0x3e: {  	_ =	shalt  }
0x3f: {  	_ =	shalt  }
0x40: {  	_ =	shalt  }
0x41: {  	_ =	shalt  }
0x42: {  	_ =	shalt  }
0x43: {  	_ =	shalt  }
0x44: {  	_ =	shalt  }
0x45: {  	_ =	shalt  }
0x46: {  	_ =	shalt  }
0x47: {  	_ =	shalt  }
0x48: {  	_ =	shalt  }
0x49: {  	_ =	shalt  }
0x4a: {  	_ =	shalt  }
0x4b: {  	_ =	shalt  }
0x4c: {  	_ =	shalt  }
0x4d: {  	_ =	shalt  }
0x4e: {  	_ =	shalt  }
0x4f: {  	_ =	shalt  }
0x50: {  	_ =	shalt  }
0x51: {  	_ =	shalt  }
0x52: {  	_ =	shalt  }
0x53: {  	_ =	shalt  }
0x54: {  	_ =	shalt  }
0x55: {  	_ =	shalt  }
0x56: {  	_ =	shalt  }
0x57: {  	_ =	shalt  }
0x58: {  	_ =	shalt  }
0x59: {  	_ =	shalt  }
0x5a: {  	_ =	shalt  }
0x5b: {  	_ =	shalt  }
0x5c: {  	_ =	shalt  }
0x5d: {  	_ =	shalt  }
0x5e: {  	_ =	shalt  }
0x5f: {  	_ =	shalt  }
0x60: {  	_ =	shalt  }
0x61: {  	_ =	shalt  }
0x62: {  	_ =	shalt  }
0x63: {  	_ =	shalt  }
0x64: {  	_ =	shalt  }
0x65: {  	_ =	shalt  }
0x66: {  	_ =	shalt  }
0x67: {  	_ =	shalt  }
0x68: {  	_ =	shalt  }
0x69: {  	_ =	shalt  }
0x6a: {  	_ =	shalt  }
0x6b: {  	_ =	shalt  }
0x6c: {  	_ =	shalt  }
0x6d: {  	_ =	shalt  }
0x6e: {  	_ =	shalt  }
0x6f: {  	_ =	shalt  }
0x70: {  	_ =	shalt  }
0x71: {  	_ =	shalt  }
0x72: {  	_ =	shalt  }
0x73: {  	_ =	shalt  }
0x74: {  	_ =	shalt  }
0x75: {  	_ =	shalt  }
0x76: {  	_ =	shalt  }
0x77: {  	_ =	shalt  }
0x78: {  	_ =	shalt  }
0x79: {  	_ =	shalt  }
0x7a: {  	_ =	shalt  }
0x7b: {  	_ =	shalt  }
0x7c: {  	_ =	shalt  }
0x7d: {  	_ =	shalt  }
0x7e: {  	_ =	shalt  }
0x7f: {  	_ =	shalt  }
0x80: {  	_ =	shalt  }
0x81: {  	_ =	shalt  }
0x82: {  	_ =	shalt  }
0x83: {  	_ =	shalt  }
0x84: {  	_ =	shalt  }
0x85: {  	_ =	shalt  }
0x86: {  	_ =	shalt  }
0x87: {  	_ =	shalt  }
.Lfunc_end0:
.L_simem_size_0:
called_computation.2_lowered:
.L_overlay_start_0:
0x88: {  	s2 =	sld [smem:$0x3FD9]  }
0x89: {  	s3 =	sld [smem:$0x3FFE];
	_ =	sdelay $0x1  }
0x8a: {  	s1 =	srdreg.scid  }
0x8b: {  	s0 =	sand.u32 $0x1, s1  }
0x8c: {  	s17 =	sshll.u32 s0, $0xA;
	s2 =	sadd.s32 s3, s2  }
0x8d: {  	s2 =	sadd.s32 s2, s17  }
0x8e: {  	[smem:$0x3FC2] =	sst s2  }
0x8f: {  	_ = 	snop  }
0x90: {  	s2 =	sld [smem:$0x3FC6]  }
0x91: {  	s18 =	sld [smem:$0x3FD0];
	(tm) =	ssettm $0x1  }
0x92: {  	s4 =	sld [smem:$0x3FFB];
	_ =	sdelay $0x3  }
0x93: {  	_ =	strace s4  }
0x94: {  	s4 =	sld [smem:$0x3FFC];
	_ =	sdelay $0x3  }
0x95: {  	_ =	strace s4  }
0x96: {  	s4 =	sld [smem:$0x3FFD];
	_ =	sdelay $0x3  }
0x97: {  	_ =	strace s4  }
0x98: {  	_ =	strace $0x8FFFFFFF  }
0x99: {  	s19 =	sld [smem:$0x3FDB];
	_ =	sdelay $0x1  }
0x9a: {  	s5 =	simm.s32 $_scs_section_size  }
0x9b: {  	s6 =	simm.s32 $_size__tile_overlayer_lowered;
	s7 =	simm.s32 $_tile_overlayer_lowered  }
0x9c: {  	s22 =	simm.s32 $0x1BFF;
	s21 =	sshll.u32 s7, $0x1;
	s4 =	sadd.s32 s5, s19  }
0x9d: {  	s8 =	simm.s32 $0x0;
	s20 =	sshll.u32 s6, $0x1;
	s6 =	sadd.s32 s21, s4  }
0x9e: {  	[timem:s8], [sflag:s22] =	dma.local [hbm:s6], s20  }
0x9f: {  	_ =	swait.ge [sflag:s22], s20  }
0xa0: {  	s5 =	ssub.s32 $0x0, s20;
	[sflag:s22] =	ssyncset.done $0x0  }
0xa1: {  	[sflag:s22] =	ssyncadd.s32 s5;
	_ =	sdelay $0x1  }
0xa2: {  	s23 =	simm.s32 $0x1B8B  }
0xa3: {  	_ =	swait.ge [sflag:s23], $0x1  }
0xa4: {  	[sflag:s23] =	ssyncset.done $0x0  }
0xa5: {  	s25 =	simm.s32 $0x1B8E;
	s24 =	sld [smem:$0x3FFE];
	[sflag:s23] =	ssyncadd.s32 $0xFFFFFFFF  }
0xa6: {  	s26 =	simm.s32 $execute0_lowered;
	[smem:$0x3FD2] =	sst s25  }
0xa7: {  	s6 =	sshll.u32 s26, $0x1;
	_ =	strace $0x8000004C;
	[dreg:$0x1] =	wrdreg $0xFFFFFFFF  }
0xa8: {  	s28 =	simm.s32 $_size_execute0_lowered;
	s4 =	sadd.s32 s4, s6;
	[dreg:$0x0] =	wrdreg $0x0  }
0xa9: {  	s6 =	sshll.u32 s28, $0x1;
	[dreg:$0x2] =	wrdreg s4  }
0xaa: {  	[dreg:$0x3] =	wrdreg s6  }
0xab: {  	[dreg:$0x4] =	wrdreg $0xC0  }
0xac: {  	_ =	task [dreg:s8], $0x5FFFF  }
0xad: {  	[dreg:$0x1] =	wrdreg $0xFFFFFFFF  }
0xae: {  	[dreg:$0x0] =	wrdreg $0x60  }
0xaf: {  	[dreg:$0x2] =	wrdreg s24  }
0xb0: {  	[dreg:$0x3] =	wrdreg s2  }
0xb1: {  	[dreg:$0x4] =	wrdreg s18  }
0xb2: {  	[dreg:$0x5] =	wrdreg $0x118100  }
0xb3: {  	[dreg:$0x6] =	wrdreg $0xF0100  }
0xb4: {  	[dreg:$0x7] =	wrdreg $0x9  }
0xb5: {  	_ =	task.clear_ibuf [dreg:s8], $0x8FFFF;
	_ =	strace $0x9000004C  }
0xb6: {  	s29 =	simm.s32 $0x9;
	_ =	strace $0x8000004E  }
0xb7: {  	_ =	swait.ge [sflag:s29], $0x1  }
0xb8: {  	[sflag:s29] =	ssyncadd.s32 $0xFFFFFFFF  }
0xb9: {  	_ =	strace $0x9000004E  }
0xba: {  	_ =	sfence  }
0xbb: {  	s30 =	sld [smem:$0x0];
	_ =	sdelay $0x2  }
0xbc: {  	s31 =	sshll.u32 s1, $0xD;
	s1 =	sshrl.u32 s1, $0x2  }
0xbd: {  	s3 =	sand.u32 $0x4000, s31;
	s1 =	sadd.s32 s1, s30  }
0xbe: {  	s0 =	sor.u32 s3, s0;
	s1 =	sshll.u32 s1, $0x11  }
0xbf: {  	s0 =	sor.u32 s1, s0  }
0xc0: {  	s0 =	sadd.s32 $0x8F2B, s0  }
0xc1: {  	[sflag:s0] =	ssyncadd.remote.s32 $0x1  }
0xc2: {  	_ =	sfence.sel $0xFFFF  }
0xc3: {  	[dreg:$0x0] =	wrdreg $0xFFFFFFFF;
	(pc) =	sbr.abs _section_cstart, $3  }
0xc4: {  	[dreg:$0x1] =	wrdreg $0xFFFFFFFF  }
0xc5: {  	_ =	task.clear_ibuf [dreg:s8], $0x2FFFF;
	_ =	strace $0x9FFFFFFF  }
0xc6: {  	(tm) =	ssettm $0x7FFFFFFF  }
0xc7: {  	_ =	shalt  }
tec
execute0_lowered:
.L_overlay_start_1:
0x0: {  	(tag) =	ssettag $0x1  }
0x1: {  	s0 =	rddreg [dreg:$0x0]  }
0x2: {  	s1 =	rddreg [dreg:$0x2]  }
0x3: {  	s3 =	rddreg [dreg:$0x3];
	s2 =	srdreg.scid  }
0x4: {  	s11 =	stileid.u32;
	s4 =	rddreg [dreg:$0x4]  }
0x5: {  	s5 =	simm.s32 $0x0;
	s13 =	simm.s32 $0x2800;
	s28 =	simm.s32 $0x2  }
0x6: {  	s29 =	simm.s32 $0x3;
	s30 =	simm.s32 $0x4;
	s31 =	simm.s32 $0x8  }
0x7: {  	s2 =	sand.u32 $0x1, s2;
	s6 =	smul.u32 $0x2800, s11;
	[smem:$0x7FF] =	sst s5  }
0x8: {  	s8 =	sadd.s32 $0x2800, s0;
	s24 =	sshll.u32 s11, $0x6;
	s7 =	smul.u32 $0x28000, s2  }
0x9: {  	_ =	strace $0x8000004D;
	[dreg:$0x6] =	wrdreg s8;
	s18 =	sshll.u32 s2, $0x4  }
0xa: {  	s2 =	ssub.s32 $0x2, s2;
	s12 =	sor.u32 $0x1C09, s24;
	s9 =	sshrl.u32 s6, $0x3  }
0xb: {  	s8 =	sor.u32 s11, s18;
	s10 =	sshrl.u32 s2, $0x1;
	s25 =	sadd.s32 s6, s3  }
0xc: {  	s15 =	sadd.s32 s6, s4;
	s18 =	simm.s32 $0x5000;
	s7 =	sadd.s32 s6, s7  }
0xd: {  	s9 =	sadd.s32 s9, s0;
	s8 =	smul.u32 $0x2800, s8;
	s2 =	ssub.s32 s2, s10  }
0xe: {  	s6 =	simm.s32 $0x7;
	s7 =	sshrl.u32 s7, $0x3;
	s19 =	sadd.s32 $0x1BE00, s9  }
0xf: {  	s20 =	sadd.s32 $0x11E00, s9;
	s21 =	sadd.s32 $0x16E00, s9;
	[dreg:$0x7] =	wrdreg s19  }
0x10: {  	s23 =	sadd.s32 $0x20E00, s9;
	s26 =	sadd.s32 $0xCE00, s9;
	[dreg:$0x8] =	wrdreg s20  }
0x11: {  	s17 =	smax.u32 s2, $0x1;
	s2 =	simm.s32 $0x80;
	[dreg:$0x9] =	wrdreg s21  }
0x12: {  	s0 =	sadd.s32 s7, s0;
	s22 =	sshrl.u32 s8, $0x3;
	[dreg:$0xa] =	wrdreg s23  }
0x13: {  	[dreg:$0xc] =	wrdreg s26;
	s23 =	simm.s32 $0x9;
	s26 =	simm.s32 $0x1  }
0x14: {  	s20 =	simm.s32 $0x15010;
	s21 =	simm.s32 $0x5;
	s19 =	simm.s32 $0x6  }
0x15: {  	s11 =	sadd.s32 s1, s22;
	s16 =	sadd.s32 $0x2E00, s0;
	s22 =	sshrl.u32 s25, $0x3  }
0x16: {  	s0 =	simm.s32 $0x14010;
	s1 =	simm.s32 $0x14810;
	s7 =	sadd.s32 $0xA000, s11  }
0x17: {  	s25 =	simm.s32 $0x15810;
	[dreg:$0xb] =	wrdreg s7;
	s7 =	simm.s32 $0x0  }
.LBB2_1:
0x18: {  	s8 =	rddreg [dreg:$0x7]  }
0x19: {  	s24 =	rddreg [dreg:$0x8]  }
0x1a: {  	[tilespmem:s18], [sflag:$0x1] =	stream.linear.gather [hbm4b:s8+s5], $0x2800, $0x38;
	[tilespmem:$0x16010] =	vst v63  }
0x1b: {  	s9 =	simm.s32 $0x7800;
	s14 =	rddreg [dreg:$0xa]  }
0x1c: {  	[tilespmem:s9], [sflag:$0x2] =	stream.linear.gather [hbm4b:s24+s5], $0x2800, $0x38;
	[tilespmem:$0x16010] =	vst v63  }
0x1d: {  	s10 =	simm.s32 $0xA000;
	s9 =	rddreg [dreg:$0x9]  }
0x1e: {  	[tilespmem:s10], [sflag:$0x3] =	stream.linear.gather [hbm4b:s9+s5], $0x2800, $0x38;
	[tilespmem:$0x16010] =	vst v63  }
0x1f: {  	s24 =	simm.s32 $0xC800;
	s9 =	rddreg [dreg:$0x6]  }
0x20: {  	[tilespmem:s24], [sflag:$0x4] =	stream.linear.gather [hbm4b:s14+s5], $0x2800, $0x38;
	[tilespmem:$0x16010] =	vst v63  }
0x21: {  	[spmem:s22], [sflag:s12] =	dma.local [hbm:s9], $0x500  }
0x22: {  	_ =	swait.ge [sflag:s23], $0x500  }
0x23: {  	[sflag:s23] =	ssyncset.done $0x0  }
0x24: {  	[sflag:s23] =	ssyncadd.s32 $0xFFFFFB00  }
0x25: {  	[tilespmem:s5], [sflag:$0x9] =	stream.linear.gather [hbm4b:s11+s5], $0x2800, $0x38;
	[tilespmem:$0x16010] =	vst v63  }
0x26: {  	_ =	swait.ge [sflag:s23], $0x2800  }
0x27: {  	[sflag:s23] =	ssyncset.done $0x0  }
0x28: {  	s10 =	rddreg [dreg:$0xb];
	[sflag:s23] =	ssyncadd.s32 $0xFFFFD800  }
0x29: {  	[tilespmem:s13], [sflag:$0x9] =	stream.linear.gather [hbm4b:s10+s5], $0x2800, $0x38;
	[tilespmem:$0x16010] =	vst v63  }
0x2a: {  	_ =	swait.ge [sflag:s23], $0x2800  }
0x2b: {  	[sflag:s23] =	ssyncset.done $0x0  }
0x2c: {  	[sflag:s23] =	ssyncadd.s32 $0xFFFFD800  }
0x2d: {  	s14 =	simm.s32 $0xF000;
	s13 =	rddreg [dreg:$0x1]  }
0x2e: {  	[tilespmem:s14], [sflag:$0x9] =	stream.linear.gather [hbm4b:s13+s5], $0x10, $0x38;
	[tilespmem:$0x16010] =	vst v63  }
0x2f: {  	_ =	swait.ge [sflag:s23], $0x10  }
0x30: {  	[sflag:s23] =	ssyncset.done $0x0  }
0x31: {  	[sflag:s23] =	ssyncadd.s32 $0xFFFFFFF0  }
0x32: {  	v0 =	vld [tilespmem:$0xF000];
	_ =	swait.ge [sflag:s26], $0x2800  }
0x33: {  	[sflag:s26] =	ssyncset.done $0x0  }
0x34: {  	[sflag:s26] =	ssyncadd.s32 $0xFFFFD800  }
0x35: {  	_ =	swait.ge [sflag:s28], $0x2800  }
0x36: {  	[sflag:s28] =	ssyncset.done $0x0  }
0x37: {  	[sflag:s28] =	ssyncadd.s32 $0xFFFFD800  }
0x38: {  	_ =	swait.ge [sflag:s29], $0x2800  }
0x39: {  	[sflag:s29] =	ssyncset.done $0x0  }
0x3a: {  	[sflag:s29] =	ssyncadd.s32 $0xFFFFD800  }
0x3b: {  	_ =	swait.ge [sflag:s30], $0x2800  }
0x3c: {  	[sflag:s30] =	ssyncset.done $0x0  }
0x3d: {  	s10 =	simm.s32 $0x7840;
	[sflag:s30] =	ssyncadd.s32 $0xFFFFD800  }
0x3e: {  	s8 =	simm.s32 $0xA040;
	v1 =	vld [tilespmem:s10+$0xFFFFFFC0]  }
0x3f: {  	v2 =	vld [tilespmem:s8+$0xFFFFFFC0]  }
0x40: {  	s9 =	simm.s32 $0x5040  }
0x41: {  	v3 =	vld [tilespmem:s9+$0xFFFFFFC0]  }
0x42: {  	s24 =	simm.s32 $0xC840  }
0x43: {  	v4 =	vld [tilespmem:s24+$0xFFFFFFC0]  }
0x44: {  	v1 =	vadd.f32 v2, v1;
	_ =	sdelay $0x1  }
0x45: {  	v1 =	vadd.f32 v3, v1;
	_ =	sdelay $0x1  }
0x46: {  	v1 =	vmul.f32 v1, v4;
	_ =	sdelay $0x1  }
0x47: {  	v1 =	vadd.f32 v1, v0;
	_ =	sdelay $0x1  }
0x48: {  	v1 =	vmax.f32 v1, $0.0e+00  }
0x49: {  	v1 =	vmul.f32 v1, v4;
	_ =	sdelay $0x1  }
0x4a: {  	[tilespmem:s9+$0xFFFFFFC0] =	vst v1  }
0x4b: {  	v1 =	vld [tilespmem:s10+$0xFFFFFFD0]  }
0x4c: {  	v2 =	vld [tilespmem:s8+$0xFFFFFFD0];
	_ =	sdelay $0x1  }
0x4d: {  	v3 =	vld [tilespmem:s9+$0xFFFFFFD0];
	_ =	sdelay $0x1  }
0x4e: {  	v58 =	vld [tilespmem:s24+$0xFFFFFFD0]  }
0x4f: {  	v1 =	vadd.f32 v2, v1;
	_ =	sdelay $0x1  }
0x50: {  	v1 =	vadd.f32 v3, v1;
	_ =	sdelay $0x1  }
0x51: {  	v1 =	vmul.f32 v1, v58;
	_ =	sdelay $0x1  }
0x52: {  	v1 =	vadd.f32 v1, v0;
	_ =	sdelay $0x1  }
0x53: {  	v1 =	vmax.f32 v1, $0.0e+00  }
0x54: {  	v1 =	vmul.f32 v1, v58;
	_ =	sdelay $0x1  }
0x55: {  	[tilespmem:s9+$0xFFFFFFD0] =	vst v1  }
0x56: {  	v1 =	vld [tilespmem:s10+$0xFFFFFFE0]  }
0x57: {  	v2 =	vld [tilespmem:s8+$0xFFFFFFE0];
	_ =	sdelay $0x1  }
0x58: {  	v3 =	vld [tilespmem:s9+$0xFFFFFFE0];
	_ =	sdelay $0x1  }
0x59: {  	v59 =	vld [tilespmem:s24+$0xFFFFFFE0]  }
0x5a: {  	v1 =	vadd.f32 v2, v1;
	_ =	sdelay $0x1  }
0x5b: {  	v1 =	vadd.f32 v3, v1;
	_ =	sdelay $0x1  }
0x5c: {  	v1 =	vmul.f32 v1, v59;
	_ =	sdelay $0x1  }
0x5d: {  	v1 =	vadd.f32 v1, v0;
	_ =	sdelay $0x1  }
0x5e: {  	v1 =	vmax.f32 v1, $0.0e+00  }
0x5f: {  	v1 =	vmul.f32 v1, v59;
	_ =	sdelay $0x1  }
0x60: {  	[tilespmem:s9+$0xFFFFFFE0] =	vst v1  }
0x61: {  	v1 =	vld [tilespmem:s10+$0xFFFFFFF0]  }
0x62: {  	v2 =	vld [tilespmem:s8+$0xFFFFFFF0];
	_ =	sdelay $0x1  }
0x63: {  	v3 =	vld [tilespmem:s9+$0xFFFFFFF0];
	_ =	sdelay $0x1  }
0x64: {  	v60 =	vld [tilespmem:s24+$0xFFFFFFF0]  }
0x65: {  	v1 =	vadd.f32 v2, v1;
	_ =	sdelay $0x1  }
0x66: {  	v1 =	vadd.f32 v3, v1;
	_ =	sdelay $0x1  }
0x67: {  	v1 =	vmul.f32 v1, v60;
	_ =	sdelay $0x1  }
0x68: {  	v1 =	vadd.f32 v1, v0;
	_ =	sdelay $0x1  }
0x69: {  	v1 =	vmax.f32 v1, $0.0e+00  }
0x6a: {  	v1 =	vmul.f32 v1, v60;
	_ =	sdelay $0x1  }
0x6b: {  	[tilespmem:s9+$0xFFFFFFF0] =	vst v1  }
0x6c: {  	v1 =	vld [tilespmem:s10+$0x0]  }
0x6d: {  	v2 =	vld [tilespmem:s8+$0x0];
	_ =	sdelay $0x1  }
0x6e: {  	v3 =	vld [tilespmem:s9+$0x0];
	_ =	sdelay $0x1  }
0x6f: {  	v61 =	vld [tilespmem:s24+$0x0]  }
0x70: {  	v1 =	vadd.f32 v2, v1;
	_ =	sdelay $0x1  }
0x71: {  	v1 =	vadd.f32 v3, v1;
	_ =	sdelay $0x1  }
0x72: {  	v1 =	vmul.f32 v1, v61;
	_ =	sdelay $0x1  }
0x73: {  	v1 =	vadd.f32 v1, v0;
	_ =	sdelay $0x1  }
0x74: {  	v1 =	vmax.f32 v1, $0.0e+00  }
0x75: {  	v1 =	vmul.f32 v1, v61;
	_ =	sdelay $0x1  }
0x76: {  	[tilespmem:s9+$0x0] =	vst v1  }
0x77: {  	v1 =	vld [tilespmem:s10+$0x10]  }
0x78: {  	v2 =	vld [tilespmem:s8+$0x10];
	_ =	sdelay $0x1  }
0x79: {  	v3 =	vld [tilespmem:s9+$0x10];
	_ =	sdelay $0x1  }
0x7a: {  	v62 =	vld [tilespmem:s24+$0x10]  }
0x7b: {  	v1 =	vadd.f32 v2, v1;
	_ =	sdelay $0x1  }
0x7c: {  	v1 =	vadd.f32 v3, v1;
	_ =	sdelay $0x1  }
0x7d: {  	v1 =	vmul.f32 v1, v62;
	_ =	sdelay $0x1  }
0x7e: {  	v1 =	vadd.f32 v1, v0;
	_ =	sdelay $0x1  }
0x7f: {  	v1 =	vmax.f32 v1, $0.0e+00  }
0x80: {  	v1 =	vmul.f32 v1, v62;
	_ =	sdelay $0x1  }
0x81: {  	[tilespmem:s9+$0x10] =	vst v1  }
0x82: {  	v1 =	vld [tilespmem:s8+$0x20]  }
0x83: {  	v2 =	vld [tilespmem:s10+$0x20];
	_ =	sdelay $0x1  }
0x84: {  	v3 =	vld [tilespmem:s9+$0x20];
	_ =	sdelay $0x1  }
0x85: {  	v63 =	vld [tilespmem:s24+$0x20]  }
0x86: {  	v1 =	vadd.f32 v1, v2;
	_ =	sdelay $0x1  }
0x87: {  	v1 =	vadd.f32 v3, v1;
	_ =	sdelay $0x1  }
0x88: {  	v1 =	vmul.f32 v1, v63;
	_ =	sdelay $0x1  }
0x89: {  	v1 =	vadd.f32 v1, v0;
	_ =	sdelay $0x1  }
0x8a: {  	v1 =	vmax.f32 v1, $0.0e+00  }
0x8b: {  	v1 =	vmul.f32 v1, v63;
	_ =	sdelay $0x1  }
0x8c: {  	[tilespmem:s9+$0x20] =	vst v1  }
0x8d: {  	v1 =	vld [tilespmem:s10+$0x30]  }
0x8e: {  	v2 =	vld [tilespmem:s8+$0x30];
	_ =	sdelay $0x2  }
0x8f: {  	v3 =	vld [tilespmem:s9+$0x30];
	_ =	sdelay $0x1  }
0x90: {  	v2 =	vadd.f32 v2, v1;
	v1 =	vld [tilespmem:s24+$0x30];
	_ =	sdelay $0x1  }
0x91: {  	s14 =	simm.s32 $0x78C0  }
0x92: {  	s13 =	simm.s32 $0x5040;
	s10 =	simm.s32 $0x0;
	s24 =	simm.s32 $0xC8C0;
	v2 =	vadd.f32 v3, v2  }
.LBB2_2:
0x93: {  	s10 =	sadd.s32 $0x8, s10;
	s9 =	sadd.s32 $0x80, s9;
	s8 =	sadd.s32 $0x80, s8  }
0x94: {  	p0 =	slt.u32 s10, $0x278;
	v2 =	vmul.f32 v2, v1;
	_ =	sdelay $0x1  }
0x95: {  	v2 =	vadd.f32 v2, v0;
	_ =	sdelay $0x1  }
0x96: {  	v2 =	vmax.f32 v2, $0.0e+00  }
0x97: {  	v1 =	vmul.f32 v2, v1;
	_ =	sdelay $0x1  }
0x98: {  	[tilespmem:s13+$0x30] =	vst v1;
	s13 =	smov.u32 s9  }
0x99: {  	v1 =	vld [tilespmem:s14+$0xFFFFFFC0]  }
0x9a: {  	v2 =	vld [tilespmem:s8+$0xFFFFFFC0];
	_ =	sdelay $0x1  }
0x9b: {  	v3 =	vld [tilespmem:s9+$0xFFFFFFC0];
	_ =	sdelay $0x1  }
0x9c: {  	v4 =	vld [tilespmem:s24+$0xFFFFFFC0]  }
0x9d: {  	v1 =	vadd.f32 v2, v1;
	_ =	sdelay $0x1  }
0x9e: {  	v1 =	vadd.f32 v3, v1;
	_ =	sdelay $0x1  }
0x9f: {  	v1 =	vmul.f32 v1, v4;
	_ =	sdelay $0x1  }
0xa0: {  	v1 =	vadd.f32 v1, v0;
	_ =	sdelay $0x1  }
0xa1: {  	v1 =	vmax.f32 v1, $0.0e+00  }
0xa2: {  	v1 =	vmul.f32 v1, v4;
	_ =	sdelay $0x1  }
0xa3: {  	[tilespmem:s9+$0xFFFFFFC0] =	vst v1  }
0xa4: {  	v1 =	vld [tilespmem:s14+$0xFFFFFFD0]  }
0xa5: {  	v2 =	vld [tilespmem:s8+$0xFFFFFFD0];
	_ =	sdelay $0x1  }
0xa6: {  	v3 =	vld [tilespmem:s9+$0xFFFFFFD0];
	_ =	sdelay $0x1  }
0xa7: {  	v4 =	vld [tilespmem:s24+$0xFFFFFFD0]  }
0xa8: {  	v1 =	vadd.f32 v2, v1;
	_ =	sdelay $0x1  }
0xa9: {  	v1 =	vadd.f32 v3, v1;
	_ =	sdelay $0x1  }
0xaa: {  	v1 =	vmul.f32 v1, v4;
	_ =	sdelay $0x1  }
0xab: {  	v1 =	vadd.f32 v1, v0;
	_ =	sdelay $0x1  }
0xac: {  	v1 =	vmax.f32 v1, $0.0e+00  }
0xad: {  	v1 =	vmul.f32 v1, v4;
	_ =	sdelay $0x1  }
0xae: {  	[tilespmem:s9+$0xFFFFFFD0] =	vst v1  }
0xaf: {  	v1 =	vld [tilespmem:s14+$0xFFFFFFE0]  }
0xb0: {  	v2 =	vld [tilespmem:s8+$0xFFFFFFE0];
	_ =	sdelay $0x1  }
0xb1: {  	v3 =	vld [tilespmem:s9+$0xFFFFFFE0];
	_ =	sdelay $0x1  }
0xb2: {  	v4 =	vld [tilespmem:s24+$0xFFFFFFE0]  }
0xb3: {  	v1 =	vadd.f32 v2, v1;
	_ =	sdelay $0x1  }
0xb4: {  	v1 =	vadd.f32 v3, v1;
	_ =	sdelay $0x1  }
0xb5: {  	v1 =	vmul.f32 v1, v4;
	_ =	sdelay $0x1  }
0xb6: {  	v1 =	vadd.f32 v1, v0;
	_ =	sdelay $0x1  }
0xb7: {  	v1 =	vmax.f32 v1, $0.0e+00  }
0xb8: {  	v1 =	vmul.f32 v1, v4;
	_ =	sdelay $0x1  }
0xb9: {  	[tilespmem:s9+$0xFFFFFFE0] =	vst v1  }
0xba: {  	v1 =	vld [tilespmem:s14+$0xFFFFFFF0]  }
0xbb: {  	v2 =	vld [tilespmem:s8+$0xFFFFFFF0];
	_ =	sdelay $0x1  }
0xbc: {  	v3 =	vld [tilespmem:s9+$0xFFFFFFF0];
	_ =	sdelay $0x1  }
0xbd: {  	v4 =	vld [tilespmem:s24+$0xFFFFFFF0]  }
0xbe: {  	v1 =	vadd.f32 v2, v1;
	_ =	sdelay $0x1  }
0xbf: {  	v1 =	vadd.f32 v3, v1;
	_ =	sdelay $0x1  }
0xc0: {  	v1 =	vmul.f32 v1, v4;
	_ =	sdelay $0x1  }
0xc1: {  	v1 =	vadd.f32 v1, v0;
	_ =	sdelay $0x1  }
0xc2: {  	v1 =	vmax.f32 v1, $0.0e+00  }
0xc3: {  	v1 =	vmul.f32 v1, v4;
	_ =	sdelay $0x1  }
0xc4: {  	[tilespmem:s9+$0xFFFFFFF0] =	vst v1  }
0xc5: {  	v1 =	vld [tilespmem:s14+$0x0]  }
0xc6: {  	v2 =	vld [tilespmem:s8+$0x0];
	_ =	sdelay $0x1  }
0xc7: {  	v3 =	vld [tilespmem:s9+$0x0];
	_ =	sdelay $0x1  }
0xc8: {  	v4 =	vld [tilespmem:s24+$0x0]  }
0xc9: {  	v1 =	vadd.f32 v2, v1;
	_ =	sdelay $0x1  }
0xca: {  	v1 =	vadd.f32 v3, v1;
	_ =	sdelay $0x1  }
0xcb: {  	v1 =	vmul.f32 v1, v4;
	_ =	sdelay $0x1  }
0xcc: {  	v1 =	vadd.f32 v1, v0;
	_ =	sdelay $0x1  }
0xcd: {  	v1 =	vmax.f32 v1, $0.0e+00  }
0xce: {  	v1 =	vmul.f32 v1, v4;
	_ =	sdelay $0x1  }
0xcf: {  	[tilespmem:s9+$0x0] =	vst v1  }
0xd0: {  	v1 =	vld [tilespmem:s14+$0x10]  }
0xd1: {  	v2 =	vld [tilespmem:s8+$0x10];
	_ =	sdelay $0x1  }
0xd2: {  	v3 =	vld [tilespmem:s9+$0x10];
	_ =	sdelay $0x1  }
0xd3: {  	v4 =	vld [tilespmem:s24+$0x10]  }
0xd4: {  	v1 =	vadd.f32 v2, v1;
	_ =	sdelay $0x1  }
0xd5: {  	v1 =	vadd.f32 v3, v1;
	_ =	sdelay $0x1  }
0xd6: {  	v1 =	vmul.f32 v1, v4;
	_ =	sdelay $0x1  }
0xd7: {  	v1 =	vadd.f32 v1, v0;
	_ =	sdelay $0x1  }
0xd8: {  	v1 =	vmax.f32 v1, $0.0e+00  }
0xd9: {  	v1 =	vmul.f32 v1, v4;
	_ =	sdelay $0x1  }
0xda: {  	[tilespmem:s9+$0x10] =	vst v1  }
0xdb: {  	v1 =	vld [tilespmem:s8+$0x20]  }
0xdc: {  	v2 =	vld [tilespmem:s14+$0x20]  }
0xdd: {  	v3 =	vld [tilespmem:s24+$0x20]  }
0xde: {  	v4 =	vld [tilespmem:s9+$0x20];
	_ =	sdelay $0x2  }
0xdf: {  	v1 =	vadd.f32 v1, v2;
	_ =	sdelay $0x1  }
0xe0: {  	v1 =	vadd.f32 v4, v1;
	_ =	sdelay $0x1  }
0xe1: {  	v1 =	vmul.f32 v1, v3;
	_ =	sdelay $0x1  }
0xe2: {  	v1 =	vadd.f32 v1, v0;
	_ =	sdelay $0x1  }
0xe3: {  	v1 =	vmax.f32 v1, $0.0e+00  }
0xe4: {  	v1 =	vmul.f32 v1, v3;
	_ =	sdelay $0x1  }
0xe5: {  	[tilespmem:s9+$0x20] =	vst v1;
	v2 =	vld [tilespmem:s9+$0x30]  }
0xe6: {  	v3 =	vld [tilespmem:s14+$0x30]  }
0xe7: {  	v4 =	vld [tilespmem:s8+$0x30]  }
0xe8: {  	v1 =	vld [tilespmem:s24+$0x30];
	_ =	sdelay $0x1  }
.Ltmp0:
0xe9: {  	(pc) =	sbr.rel @p0 .LBB2_2-.Ltmp0, $3  }
0xea: {  	_ = 	snop  }
0xeb: {  	v3 =	vadd.f32 v4, v3;
	_ =	sdelay $0x1  }
0xec: {  	s14 =	sadd.s32 $0x80, s14;
	s24 =	sadd.s32 $0x80, s24;
	v2 =	vadd.f32 v2, v3  }
0xed: {  	_ = 	snop  }
0xee: {  	v2 =	vmul.f32 v2, v1;
	_ =	sdelay $0x1  }
0xef: {  	v0 =	vadd.f32 v2, v0;
	_ =	sdelay $0x1  }
0xf0: {  	v0 =	vmax.f32 v0, $0.0e+00  }
0xf1: {  	v0 =	vmul.f32 v0, v1;
	_ =	sdelay $0x1  }
0xf2: {  	s8 =	simm.s32 $0x0;
	s9 =	rddreg [dreg:$0xc];
	[tilespmem:s13+$0x30] =	vst v0  }
0xf3: {  	[hbm4b:s9+s8] =	stream.linear.scatter [tilespmem:s18], [sflag:$0x8], $0x2800, $0x38;
	[tilespmem:$0x16010] =	vst v63  }
0xf4: {  	_ = 	snop  }
0xf5: {  	[spmem:s15] =	stream.linear.scatter [tilespmem:s18], [sflag:$0x9], $0x2800, $0x38;
	[tilespmem:$0x16010] =	vst v63  }
0xf6: {  	_ =	swait.ge [sflag:s23], $0x2800  }
0xf7: {  	[sflag:s23] =	ssyncset.done $0x0  }
0xf8: {  	[sflag:s23] =	ssyncadd.s32 $0xFFFFD800  }
0xf9: {  	[bflag:$0x0] =	sbarrier.arrive $0xFFFF  }
0xfa: {  	_ =	swait.ge [sflag:s31], $0x2800  }
0xfb: {  	[sflag:s31] =	ssyncset.done $0x0  }
0xfc: {  	[sflag:s31] =	ssyncadd.s32 $0xFFFFD800  }
0xfd: {  	[tilespmem:s0], [sflag:$0x1] =	stream.indirect.gather [spmem:s4], $0x10, s8, s2, $0xb8;
	[tilespmem:$0x16010] =	vst v63  }
0xfe: {  	_ = 	snop  }
0xff: {  	[tilespmem:s1], [sflag:$0x2] =	stream.indirect.gather [spmem:s4], $0x10, s2, s2, $0xb8;
	[tilespmem:$0x16010] =	vst v63  }
0x100: {  	s14 =	simm.s32 $0x100  }
0x101: {  	[tilespmem:s20], [sflag:$0x3] =	stream.indirect.gather [spmem:s4], $0x10, s14, s2, $0xb8;
	[tilespmem:$0x16010] =	vst v63  }
0x102: {  	_ =	swait.ge [sflag:s26], $0x800  }
0x103: {  	[sflag:s26] =	ssyncset.done $0x0  }
0x104: {  	s13 =	simm.s32 $0x2800;
	[sflag:s26] =	ssyncadd.s32 $0xFFFFF800  }
0x105: {  	[spmem:s3] =	stream.indirect.scatter.add.f32 [tilespmem:s0], [sflag:$0x5], $0x10, s13, s2, $0xb8;
	[tilespmem:$0x16010] =	vst v63  }
0x106: {  	s24 =	simm.s32 $0x180  }
0x107: {  	[tilespmem:s25], [sflag:$0x4] =	stream.indirect.gather [spmem:s4], $0x10, s24, s2, $0xb8;
	[tilespmem:$0x16010] =	vst v63  }
0x108: {  	_ =	swait.ge [sflag:s28], $0x800  }
0x109: {  	[sflag:s28] =	ssyncset.done $0x0  }
0x10a: {  	s9 =	simm.s32 $0x2880;
	[sflag:s28] =	ssyncadd.s32 $0xFFFFF800  }
0x10b: {  	[spmem:s3] =	stream.indirect.scatter.add.f32 [tilespmem:s1], [sflag:$0x6], $0x10, s9, s2, $0xb8;
	[tilespmem:$0x16010] =	vst v63  }
0x10c: {  	_ =	swait.ge [sflag:s21], $0x800  }
0x10d: {  	[sflag:s21] =	ssyncset.done $0x0  }
0x10e: {  	s10 =	simm.s32 $0x200;
	[sflag:s21] =	ssyncadd.s32 $0xFFFFF800  }
0x10f: {  	[tilespmem:s0], [sflag:$0x1] =	stream.indirect.gather [spmem:s4], $0x10, s10, s2, $0xb8;
	[tilespmem:$0x16010] =	vst v63  }
0x110: {  	_ =	swait.ge [sflag:s29], $0x800  }
0x111: {  	[sflag:s29] =	ssyncset.done $0x0  }
0x112: {  	s14 =	simm.s32 $0x2900;
	[sflag:s29] =	ssyncadd.s32 $0xFFFFF800  }
0x113: {  	[spmem:s3] =	stream.indirect.scatter.add.f32 [tilespmem:s20], [sflag:$0x7], $0x10, s14, s2, $0xb8;
	[tilespmem:$0x16010] =	vst v63  }
0x114: {  	_ =	swait.ge [sflag:s19], $0x800  }
0x115: {  	[sflag:s19] =	ssyncset.done $0x0  }
0x116: {  	s24 =	simm.s32 $0x280;
	[sflag:s19] =	ssyncadd.s32 $0xFFFFF800  }
0x117: {  	[tilespmem:s1], [sflag:$0x2] =	stream.indirect.gather [spmem:s4], $0x10, s24, s2, $0xb8;
	[tilespmem:$0x16010] =	vst v63  }
0x118: {  	_ =	swait.ge [sflag:s30], $0x800  }
0x119: {  	[sflag:s30] =	ssyncset.done $0x0  }
0x11a: {  	s9 =	simm.s32 $0x2980;
	[sflag:s30] =	ssyncadd.s32 $0xFFFFF800  }
0x11b: {  	[spmem:s3] =	stream.indirect.scatter.add.f32 [tilespmem:s25], [sflag:$0x8], $0x10, s9, s2, $0xb8;
	[tilespmem:$0x16010] =	vst v63  }
0x11c: {  	_ =	swait.ge [sflag:s6], $0x800  }
0x11d: {  	[sflag:s6] =	ssyncset.done $0x0  }
0x11e: {  	s10 =	simm.s32 $0x300;
	[sflag:s6] =	ssyncadd.s32 $0xFFFFF800  }
0x11f: {  	[tilespmem:s20], [sflag:$0x3] =	stream.indirect.gather [spmem:s4], $0x10, s10, s2, $0xb8;
	[tilespmem:$0x16010] =	vst v63  }
0x120: {  	_ =	swait.ge [sflag:s26], $0x800  }
0x121: {  	[sflag:s26] =	ssyncset.done $0x0  }
0x122: {  	s14 =	simm.s32 $0x2A00;
	[sflag:s26] =	ssyncadd.s32 $0xFFFFF800  }
0x123: {  	[spmem:s3] =	stream.indirect.scatter.add.f32 [tilespmem:s0], [sflag:$0x5], $0x10, s14, s2, $0xb8;
	[tilespmem:$0x16010] =	vst v63  }
0x124: {  	_ =	swait.ge [sflag:s31], $0x800  }
0x125: {  	[sflag:s31] =	ssyncset.done $0x0  }
0x126: {  	s24 =	simm.s32 $0x380;
	[sflag:s31] =	ssyncadd.s32 $0xFFFFF800  }
0x127: {  	[tilespmem:s25], [sflag:$0x4] =	stream.indirect.gather [spmem:s4], $0x10, s24, s2, $0xb8;
	[tilespmem:$0x16010] =	vst v63  }
0x128: {  	_ =	swait.ge [sflag:s28], $0x800  }
0x129: {  	[sflag:s28] =	ssyncset.done $0x0  }
0x12a: {  	s9 =	simm.s32 $0x2A80;
	[sflag:s28] =	ssyncadd.s32 $0xFFFFF800  }
0x12b: {  	[spmem:s3] =	stream.indirect.scatter.add.f32 [tilespmem:s1], [sflag:$0x6], $0x10, s9, s2, $0xb8;
	[tilespmem:$0x16010] =	vst v63  }
0x12c: {  	_ =	swait.ge [sflag:s21], $0x800  }
0x12d: {  	[sflag:s21] =	ssyncset.done $0x0  }
0x12e: {  	s10 =	simm.s32 $0x400;
	[sflag:s21] =	ssyncadd.s32 $0xFFFFF800  }
0x12f: {  	[tilespmem:s0], [sflag:$0x1] =	stream.indirect.gather [spmem:s4], $0x10, s10, s2, $0xb8;
	[tilespmem:$0x16010] =	vst v63  }
0x130: {  	_ =	swait.ge [sflag:s29], $0x800  }
0x131: {  	[sflag:s29] =	ssyncset.done $0x0  }
0x132: {  	s14 =	simm.s32 $0x2B00;
	[sflag:s29] =	ssyncadd.s32 $0xFFFFF800  }
0x133: {  	[spmem:s3] =	stream.indirect.scatter.add.f32 [tilespmem:s20], [sflag:$0x7], $0x10, s14, s2, $0xb8;
	[tilespmem:$0x16010] =	vst v63  }
0x134: {  	_ =	swait.ge [sflag:s19], $0x800  }
0x135: {  	[sflag:s19] =	ssyncset.done $0x0  }
0x136: {  	s24 =	simm.s32 $0x480;
	[sflag:s19] =	ssyncadd.s32 $0xFFFFF800  }
0x137: {  	[tilespmem:s1], [sflag:$0x2] =	stream.indirect.gather [spmem:s4], $0x10, s24, s2, $0xb8;
	[tilespmem:$0x16010] =	vst v63  }
0x138: {  	_ =	swait.ge [sflag:s30], $0x800  }
0x139: {  	[sflag:s30] =	ssyncset.done $0x0  }
0x13a: {  	s8 =	simm.s32 $0x800;
	s9 =	simm.s32 $0x2B80;
	[sflag:s30] =	ssyncadd.s32 $0xFFFFF800  }
.LBB2_4:
0x13b: {  	[spmem:s3] =	stream.indirect.scatter.add.f32 [tilespmem:s25], [sflag:$0x8], $0x10, s9, s2, $0xb8;
	[tilespmem:$0x16010] =	vst v63  }
0x13c: {  	s9 =	smov.u32 s8  }
0x13d: {  	p0 =	sne.s32 s8, $0x8800;
	s8 =	sadd.s32 $0x800, s8;
	_ =	swait.ge [sflag:s6], $0x800  }
0x13e: {  	s9 =	sshra.s32 s9, $0x2;
	[sflag:s6] =	ssyncset.done $0x0  }
0x13f: {  	s10 =	sadd.s32 $0x300, s9;
	[sflag:s6] =	ssyncadd.s32 $0xFFFFF800  }
0x140: {  	[tilespmem:s20], [sflag:$0x3] =	stream.indirect.gather [spmem:s4], $0x10, s10, s2, $0xb8;
	[tilespmem:$0x16010] =	vst v63  }
0x141: {  	_ =	swait.ge [sflag:s26], $0x800  }
0x142: {  	[sflag:s26] =	ssyncset.done $0x0  }
0x143: {  	s10 =	sadd.s32 $0x2A00, s9;
	[sflag:s26] =	ssyncadd.s32 $0xFFFFF800  }
0x144: {  	[spmem:s3] =	stream.indirect.scatter.add.f32 [tilespmem:s0], [sflag:$0x5], $0x10, s10, s2, $0xb8;
	[tilespmem:$0x16010] =	vst v63  }
0x145: {  	_ =	swait.ge [sflag:s31], $0x800  }
0x146: {  	[sflag:s31] =	ssyncset.done $0x0  }
0x147: {  	s10 =	sadd.s32 $0x380, s9;
	[sflag:s31] =	ssyncadd.s32 $0xFFFFF800  }
0x148: {  	[tilespmem:s25], [sflag:$0x4] =	stream.indirect.gather [spmem:s4], $0x10, s10, s2, $0xb8;
	[tilespmem:$0x16010] =	vst v63  }
0x149: {  	_ =	swait.ge [sflag:s28], $0x800  }
0x14a: {  	[sflag:s28] =	ssyncset.done $0x0  }
0x14b: {  	s10 =	sadd.s32 $0x2A80, s9;
	[sflag:s28] =	ssyncadd.s32 $0xFFFFF800  }
0x14c: {  	[spmem:s3] =	stream.indirect.scatter.add.f32 [tilespmem:s1], [sflag:$0x6], $0x10, s10, s2, $0xb8;
	[tilespmem:$0x16010] =	vst v63  }
0x14d: {  	_ =	swait.ge [sflag:s21], $0x800  }
0x14e: {  	[sflag:s21] =	ssyncset.done $0x0  }
0x14f: {  	s10 =	sadd.s32 $0x400, s9;
	[sflag:s21] =	ssyncadd.s32 $0xFFFFF800  }
0x150: {  	[tilespmem:s0], [sflag:$0x1] =	stream.indirect.gather [spmem:s4], $0x10, s10, s2, $0xb8;
	[tilespmem:$0x16010] =	vst v63  }
0x151: {  	_ =	swait.ge [sflag:s29], $0x800  }
0x152: {  	[sflag:s29] =	ssyncset.done $0x0  }
0x153: {  	s10 =	sadd.s32 $0x2B00, s9;
	[sflag:s29] =	ssyncadd.s32 $0xFFFFF800  }
0x154: {  	[spmem:s3] =	stream.indirect.scatter.add.f32 [tilespmem:s20], [sflag:$0x7], $0x10, s10, s2, $0xb8;
	[tilespmem:$0x16010] =	vst v63  }
0x155: {  	_ =	swait.ge [sflag:s19], $0x800  }
0x156: {  	[sflag:s19] =	ssyncset.done $0x0  }
.Ltmp1:
0x157: {  	s10 =	sadd.s32 $0x480, s9;
	[sflag:s19] =	ssyncadd.s32 $0xFFFFF800;
	(pc) =	sbr.rel @p0 .LBB2_4-.Ltmp1, $4  }
0x158: {  	[tilespmem:s1], [sflag:$0x2] =	stream.indirect.gather [spmem:s4], $0x10, s10, s2, $0xb8;
	[tilespmem:$0x16010] =	vst v63  }
0x159: {  	_ =	swait.ge [sflag:s30], $0x800  }
0x15a: {  	[sflag:s30] =	ssyncset.done $0x0  }
0x15b: {  	s9 =	sadd.s32 $0x2B80, s9;
	[sflag:s30] =	ssyncadd.s32 $0xFFFFF800  }
0x15c: {  	[spmem:s3] =	stream.indirect.scatter.add.f32 [tilespmem:s25], [sflag:$0x8], $0x10, s9, s2, $0xb8;
	[tilespmem:$0x16010] =	vst v63  }
0x15d: {  	_ =	swait.ge [sflag:s6], $0x800  }
0x15e: {  	[sflag:s6] =	ssyncset.done $0x0  }
0x15f: {  	s8 =	simm.s32 $0x2700;
	[sflag:s6] =	ssyncadd.s32 $0xFFFFF800  }
0x160: {  	[tilespmem:s20], [sflag:$0x3] =	stream.indirect.gather [spmem:s4], $0x10, s8, s2, $0xb8;
	[tilespmem:$0x16010] =	vst v63  }
0x161: {  	_ =	swait.ge [sflag:s26], $0x800  }
0x162: {  	[sflag:s26] =	ssyncset.done $0x0  }
0x163: {  	s24 =	simm.s32 $0x4E00;
	[sflag:s26] =	ssyncadd.s32 $0xFFFFF800  }
0x164: {  	[spmem:s3] =	stream.indirect.scatter.add.f32 [tilespmem:s0], [sflag:$0x5], $0x10, s24, s2, $0xb8;
	[tilespmem:$0x16010] =	vst v63  }
0x165: {  	_ =	swait.ge [sflag:s31], $0x800  }
0x166: {  	[sflag:s31] =	ssyncset.done $0x0  }
0x167: {  	s9 =	simm.s32 $0x2780;
	[sflag:s31] =	ssyncadd.s32 $0xFFFFF800  }
0x168: {  	[tilespmem:s25], [sflag:$0x4] =	stream.indirect.gather [spmem:s4], $0x10, s9, s2, $0xb8;
	[tilespmem:$0x16010] =	vst v63  }
0x169: {  	_ =	swait.ge [sflag:s28], $0x800  }
0x16a: {  	[sflag:s28] =	ssyncset.done $0x0  }
0x16b: {  	s10 =	simm.s32 $0x4E80;
	[sflag:s28] =	ssyncadd.s32 $0xFFFFF800  }
0x16c: {  	[spmem:s3] =	stream.indirect.scatter.add.f32 [tilespmem:s1], [sflag:$0x6], $0x10, s10, s2, $0xb8;
	[tilespmem:$0x16010] =	vst v63  }
0x16d: {  	_ =	swait.ge [sflag:s29], $0x800  }
0x16e: {  	[sflag:s29] =	ssyncset.done $0x0  }
0x16f: {  	s14 =	simm.s32 $0x4F00;
	[sflag:s29] =	ssyncadd.s32 $0xFFFFF800  }
0x170: {  	[spmem:s3] =	stream.indirect.scatter.add.f32 [tilespmem:s20], [sflag:$0x7], $0x10, s14, s2, $0xb8;
	[tilespmem:$0x16010] =	vst v63  }
0x171: {  	_ =	swait.ge [sflag:s30], $0x800  }
0x172: {  	[sflag:s30] =	ssyncset.done $0x0  }
0x173: {  	s24 =	simm.s32 $0x4F80;
	[sflag:s30] =	ssyncadd.s32 $0xFFFFF800  }
0x174: {  	[spmem:s3] =	stream.indirect.scatter.add.f32 [tilespmem:s25], [sflag:$0x8], $0x10, s24, s2, $0xb8;
	[tilespmem:$0x16010] =	vst v63  }
0x175: {  	_ =	swait.ge [sflag:s21], $0x800  }
0x176: {  	[sflag:s21] =	ssyncset.done $0x0  }
0x177: {  	[sflag:s21] =	ssyncadd.s32 $0xFFFFF800  }
0x178: {  	_ =	swait.ge [sflag:s19], $0x800  }
0x179: {  	[sflag:s19] =	ssyncset.done $0x0  }
0x17a: {  	[sflag:s19] =	ssyncadd.s32 $0xFFFFF800  }
0x17b: {  	_ =	swait.ge [sflag:s6], $0x800  }
0x17c: {  	[sflag:s6] =	ssyncset.done $0x0  }
0x17d: {  	[sflag:s6] =	ssyncadd.s32 $0xFFFFF800  }
0x17e: {  	_ =	swait.ge [sflag:s31], $0x800  }
0x17f: {  	s7 =	sadd.s32 $0x1, s7;
	[sflag:s31] =	ssyncset.done $0x0  }
0x180: {  	p0 =	sne.s32 s7, s17;
	[sflag:s31] =	ssyncadd.s32 $0xFFFFF800  }
.Ltmp2:
0x181: {  	[bflag:$0x0] =	sbarrier.arrive $0xFFFF;
	(pc) =	sbr.rel @p0 .LBB2_1-.Ltmp2, $4  }
0x182: {  	[hbm:s16], [sflag:s12] =	dma.local [spmem:s22], $0x500  }
0x183: {  	_ =	swait.ge [sflag:s23], $0x500  }
0x184: {  	[sflag:s23] =	ssyncset.done $0x0  }
0x185: {  	[sflag:s23] =	ssyncadd.s32 $0xFFFFFB00  }
0x186: {  	_ =	sfence.sel $0x180000  }
0x187: {  	[bflag:$0x0] =	sbarrier.arrive $0xFFFF  }
0x188: {  	_ =	strace $0x9000004D  }
0x189: {  	s0 =	stileid.u32;
	[bflag:$0x2] =	sbarrier.arrive $0xFFFF  }
0x18a: {  	p0 =	sne.s32 s0, $0x0;
	s0 =	rddreg [dreg:$0x5]  }
0x18b: {  	s0 =	sadd.s32 @!p0 $0x100000, s0  }
0x18c: {  	[sflag:s0] =	ssyncadd.tile.s32 @!p0 $0x1;
	_ =	shalt  }
.Lfunc_end2:
_tile_overlayer_lowered:
.L_overlay_start_2:
0x18d: {  	(tag) =	ssettag $0x2  }
0x18e: {  	s0 =	rddreg [dreg:$0x0];
	s2 =	stileid.u32  }
0x18f: {  	s1 =	rddreg [dreg:$0x1];
	p0 =	sne.s32 s2, $0x0  }
0x190: {  	s3 =	rddreg [dreg:$0x2];
	[bflag:$0x3] =	sbarrier.arrive $0xFFFF;
	s2 =	simm.s32 @!p0 $0x1C09  }
0x191: {  	[timem:s3], [sflag:s2] =	dma.local @!p0 [hbm:s0], s1  }
0x192: {  	s0 =	simm.s32 @!p0 $0x9  }
0x193: {  	_ =	swait.ge @!p0 [sflag:s0], s1  }
0x194: {  	s1 =	ssub.s32 @!p0 $0x0, s1;
	[sflag:s0] =	ssyncset.done @!p0 $0x0  }
0x195: {  	[sflag:s0] =	ssyncadd.s32 @!p0 s1  }
0x196: {  	[bflag:$0x3] =	sbarrier.arrive $0xFFFF  }
0x197: {  	_ =	shalt  }

// kernel: kernel.17.cloned.1.call-start
scs
__scs_entry_jumppad:
0x0: {  	(pc) =	sbr.rel $0x88, $3  }
0x1: {  	(tag) =	ssettag $0x0;
	lr =	simm.s32 $0x1  }
0x2: {  	[smem:$0x3F9B] =	sst lr;
	_ =	strace $0xD0000000  }
0x3: {  	_ = 	snop  }
0x4: {  	_ = 	snop  }
0x5: {  	_ = 	snop  }
0x6: {  	_ = 	snop  }
0x7: {  	_ = 	snop  }
__scs_overlays_trampoline_lowered:
0x8: {  	[smem:$0x3FAA] =	sst s0  }
0x9: {  	[smem:$0x3FAB] =	sst s1  }
0xa: {  	[smem:$0x3FAC] =	sst s2  }
0xb: {  	[smem:$0x3FAD] =	sst s3  }
0xc: {  	[smem:$0x3FAE] =	sst s4  }
0xd: {  	[smem:$0x3FAF] =	sst s5  }
0xe: {  	[smem:$0x3FB0] =	sst s6  }
0xf: {  	[smem:$0x3FB1] =	sst s7  }
0x10: {  	[smem:$0x3FB2] =	sst s8  }
0x11: {  	[smem:$0x3FB3] =	sst s9;
	s0 =	simm.s32 @!p0 $0x0  }
0x12: {  	s1 =	sld [smem:$0x3F99];
	s0 =	simm.s32 @p0 $0x1  }
0x13: {  	[smem:$0x3FB4] =	sst s0;
	s0 =	simm.s32 @!p1 $0x0  }
0x14: {  	s2 =	sld [smem:$0x3F98];
	s0 =	simm.s32 @p1 $0x1  }
0x15: {  	[smem:$0x3FB5] =	sst s0;
	s0 =	simm.s32 @!p2 $0x0  }
0x16: {  	s3 =	sld [smem:$0x3FDB];
	s0 =	simm.s32 @p2 $0x1  }
0x17: {  	s4 =	simm.s32 $0x1BF5;
	[smem:$0x3FB7] =	sst s0  }
0x18: {  	s0 =	sld [smem:$0x3F9A];
	_ =	swait.ge [sflag:s4], $0x0  }
0x19: {  	s7 =	sld [smem:$0x3F9B]  }
0x1a: {  	s8 =	sadd.s32 $0xFFFFE003, lr  }
0x1b: {  	s9 =	sadd.s32 $0xFFFFFEF7, lr;
	s5 =	simm.s32 $0xFFFFFFFF;
	p2 =	slt.u32 s8, $0xFFFFF086  }
0x1c: {  	p1 =	slt.u32 s9, $0xF7A;
	s5 =	simm.s32 @!p2 $0x0  }
0x1d: {  	s5 =	simm.s32 @p1 $0x1;
	p0 =	seq.s32 s7, s2  }
0x1e: {  	s7 =	smul.u32 @!p0 $0xF7A, s2;
	p2 =	seq.s32 @!p0 s5, $0x0  }
0x1f: {  	s9 =	smul.u32 $0xF7A, s1;
	s8 =	simm.s32 @!p0 $0x1BF5;
	p2 =	por !p2, p0  }
0x20: {  	[sflag:s8] =	ssyncset.s32 @!p0 $0xFFFFF086;
	s6 =	sadd.s32 @!p0 s3, s7;
	s7 =	simm.s32 @!p0 $0x108  }
0x21: {  	s3 =	sadd.s32 s3, s9;
	s6 =	sadd.s32 @!p0 $0x88, s6;
	s7 =	simm.s32 @p2 $0x1082  }
0x22: {  	[simem:s7], [sflag:s8] =	dma.local @!p0 [hbm:s6], $0xF7A  }
0x23: {  	s9 =	sor.u32 $0xD0000000, s2;
	s6 =	simm.s32 $0x108;
	_ =	swait.ge @!p0 [sflag:s8], $0x0  }
0x24: {  	s3 =	sadd.s32 $0x88, s3;
	s6 =	simm.s32 @!p1 $0x1082;
	[sflag:s4] =	ssyncset.s32 $0xFFFFF086  }
0x25: {  	[simem:s6], [sflag:s4] =	dma.local [hbm:s3], $0xF7A  }
0x26: {  	[smem:$0x3F9B] =	sst s1;
	(tag) =	ssettag s2;
	_ =	strace s9  }
0x27: {  	s1 =	sld [smem:$0x3FAB]  }
0x28: {  	s2 =	sld [smem:$0x3FAC]  }
0x29: {  	s4 =	sld [smem:$0x3FAE]  }
0x2a: {  	p0 =	seq.s32 s5, $0x0;
	s5 =	sld [smem:$0x3FAF]  }
0x2b: {  	s6 =	sld [smem:$0x3FB0]  }
0x2c: {  	s7 =	sld [smem:$0x3FB1]  }
0x2d: {  	s3 =	simm.s32 $0x108;
	s8 =	sld [smem:$0x3FB2]  }
0x2e: {  	s3 =	simm.s32 @!p0 $0x1082;
	s9 =	sld [smem:$0x3FB3]  }
0x2f: {  	lr =	sadd.s32 s0, s3;
	s0 =	sld [smem:$0x3FAA]  }
0x30: {  	s3 =	sld [smem:$0x3FAD]  }
0x31: {  	[smem:$0x3FB6] =	sst s10  }
0x32: {  	s10 =	sld [smem:$0x3FB4];
	_ =	sdelay $0x3  }
0x33: {  	p0 =	seq.s32 s10, $0x1;
	s10 =	sld [smem:$0x3FB6];
	_ =	sdelay $0x3  }
0x34: {  	[smem:$0x3FB6] =	sst s10  }
0x35: {  	s10 =	sld [smem:$0x3FB5];
	_ =	sdelay $0x3  }
0x36: {  	p1 =	seq.s32 s10, $0x1;
	s10 =	sld [smem:$0x3FB6];
	_ =	sdelay $0x3  }
0x37: {  	[smem:$0x3FB6] =	sst s10  }
0x38: {  	s10 =	sld [smem:$0x3FB7]  }
0x39: {  	_ = 	snop;
	(pc) =	sbr.ind lr, $3  }
0x3a: {  	_ = 	snop  }
0x3b: {  	_ = 	snop  }
0x3c: {  	p2 =	seq.s32 s10, $0x1;
	s10 =	sld [smem:$0x3FB6]  }
0x3d: {  	_ =	shalt  }
0x3e: {  	_ =	shalt  }
0x3f: {  	_ =	shalt  }
0x40: {  	_ =	shalt  }
0x41: {  	_ =	shalt  }
0x42: {  	_ =	shalt  }
0x43: {  	_ =	shalt  }
0x44: {  	_ =	shalt  }
0x45: {  	_ =	shalt  }
0x46: {  	_ =	shalt  }
0x47: {  	_ =	shalt  }
0x48: {  	_ =	shalt  }
0x49: {  	_ =	shalt  }
0x4a: {  	_ =	shalt  }
0x4b: {  	_ =	shalt  }
0x4c: {  	_ =	shalt  }
0x4d: {  	_ =	shalt  }
0x4e: {  	_ =	shalt  }
0x4f: {  	_ =	shalt  }
0x50: {  	_ =	shalt  }
0x51: {  	_ =	shalt  }
0x52: {  	_ =	shalt  }
0x53: {  	_ =	shalt  }
0x54: {  	_ =	shalt  }
0x55: {  	_ =	shalt  }
0x56: {  	_ =	shalt  }
0x57: {  	_ =	shalt  }
0x58: {  	_ =	shalt  }
0x59: {  	_ =	shalt  }
0x5a: {  	_ =	shalt  }
0x5b: {  	_ =	shalt  }
0x5c: {  	_ =	shalt  }
0x5d: {  	_ =	shalt  }
0x5e: {  	_ =	shalt  }
0x5f: {  	_ =	shalt  }
0x60: {  	_ =	shalt  }
0x61: {  	_ =	shalt  }
0x62: {  	_ =	shalt  }
0x63: {  	_ =	shalt  }
0x64: {  	_ =	shalt  }
0x65: {  	_ =	shalt  }
0x66: {  	_ =	shalt  }
0x67: {  	_ =	shalt  }
0x68: {  	_ =	shalt  }
0x69: {  	_ =	shalt  }
0x6a: {  	_ =	shalt  }
0x6b: {  	_ =	shalt  }
0x6c: {  	_ =	shalt  }
0x6d: {  	_ =	shalt  }
0x6e: {  	_ =	shalt  }
0x6f: {  	_ =	shalt  }
0x70: {  	_ =	shalt  }
0x71: {  	_ =	shalt  }
0x72: {  	_ =	shalt  }
0x73: {  	_ =	shalt  }
0x74: {  	_ =	shalt  }
0x75: {  	_ =	shalt  }
0x76: {  	_ =	shalt  }
0x77: {  	_ =	shalt  }
0x78: {  	_ =	shalt  }
0x79: {  	_ =	shalt  }
0x7a: {  	_ =	shalt  }
0x7b: {  	_ =	shalt  }
0x7c: {  	_ =	shalt  }
0x7d: {  	_ =	shalt  }
0x7e: {  	_ =	shalt  }
0x7f: {  	_ =	shalt  }
0x80: {  	_ =	shalt  }
0x81: {  	_ =	shalt  }
0x82: {  	_ =	shalt  }
0x83: {  	_ =	shalt  }
0x84: {  	_ =	shalt  }
0x85: {  	_ =	shalt  }
0x86: {  	_ =	shalt  }
0x87: {  	_ =	shalt  }
.Lfunc_end0:
.L_simem_size_0:
called_computation.3_lowered:
.L_overlay_start_0:
0x88: {  	s2 =	sld [smem:$0x3FD9]  }
0x89: {  	s3 =	sld [smem:$0x3FFE];
	_ =	sdelay $0x1  }
0x8a: {  	s1 =	srdreg.scid  }
0x8b: {  	s0 =	sand.u32 $0x1, s1  }
0x8c: {  	s17 =	sshll.u32 s0, $0xA;
	s2 =	sadd.s32 s3, s2  }
0x8d: {  	s2 =	sadd.s32 s2, s17  }
0x8e: {  	[smem:$0x3FC2] =	sst s2  }
0x8f: {  	_ = 	snop  }
0x90: {  	s2 =	sld [smem:$0x3FD0];
	(tm) =	ssettm $0x1  }
0x91: {  	s18 =	sld [smem:$0x3FFB];
	_ =	sdelay $0x3  }
0x92: {  	_ =	strace s18  }
0x93: {  	s3 =	sld [smem:$0x3FFC];
	_ =	sdelay $0x3  }
0x94: {  	_ =	strace s3  }
0x95: {  	s3 =	sld [smem:$0x3FFD];
	_ =	sdelay $0x3  }
0x96: {  	_ =	strace s3  }
0x97: {  	_ =	strace $0x8FFFFFFF  }
0x98: {  	s19 =	sld [smem:$0x3FDB];
	_ =	sdelay $0x1  }
0x99: {  	s4 =	simm.s32 $_scs_section_size  }
0x9a: {  	s5 =	simm.s32 $_size__tile_overlayer_lowered;
	s6 =	simm.s32 $_tile_overlayer_lowered  }
0x9b: {  	s22 =	simm.s32 $0x1BFF;
	s21 =	sshll.u32 s6, $0x1;
	s3 =	sadd.s32 s4, s19  }
0x9c: {  	s7 =	simm.s32 $0x0;
	s20 =	sshll.u32 s5, $0x1;
	s5 =	sadd.s32 s21, s3  }
0x9d: {  	[timem:s7], [sflag:s22] =	dma.local [hbm:s5], s20  }
0x9e: {  	_ =	swait.ge [sflag:s22], s20  }
0x9f: {  	s4 =	ssub.s32 $0x0, s20;
	[sflag:s22] =	ssyncset.done $0x0  }
0xa0: {  	[sflag:s22] =	ssyncadd.s32 s4;
	_ =	sdelay $0x1  }
0xa1: {  	s23 =	simm.s32 $0x1B8B  }
0xa2: {  	_ =	swait.ge [sflag:s23], $0x1  }
0xa3: {  	[sflag:s23] =	ssyncset.done $0x0  }
0xa4: {  	s25 =	simm.s32 $0x1B8E;
	s24 =	sld [smem:$0x3FFE];
	[sflag:s23] =	ssyncadd.s32 $0xFFFFFFFF  }
0xa5: {  	s26 =	simm.s32 $execute0_lowered;
	[smem:$0x3FD2] =	sst s25  }
0xa6: {  	s5 =	sshll.u32 s26, $0x1;
	_ =	strace $0x8000004F;
	[dreg:$0x1] =	wrdreg $0xFFFFFFFF  }
0xa7: {  	s28 =	simm.s32 $_size_execute0_lowered;
	s3 =	sadd.s32 s3, s5;
	[dreg:$0x0] =	wrdreg $0x0  }
0xa8: {  	s5 =	sshll.u32 s28, $0x1;
	[dreg:$0x2] =	wrdreg s3  }
0xa9: {  	[dreg:$0x3] =	wrdreg s5  }
0xaa: {  	[dreg:$0x4] =	wrdreg $0xC0  }
0xab: {  	_ =	task [dreg:s7], $0x5FFFF  }
0xac: {  	[dreg:$0x1] =	wrdreg $0xFFFFFFFF  }
0xad: {  	[dreg:$0x0] =	wrdreg $0x60  }
0xae: {  	[dreg:$0x2] =	wrdreg s24  }
0xaf: {  	[dreg:$0x3] =	wrdreg s2  }
0xb0: {  	[dreg:$0x4] =	wrdreg $0x9  }
0xb1: {  	_ =	task.clear_ibuf [dreg:s7], $0x5FFFF;
	_ =	strace $0x9000004F  }
0xb2: {  	s29 =	simm.s32 $0x9;
	_ =	strace $0x80000051  }
0xb3: {  	_ =	swait.ge [sflag:s29], $0x1  }
0xb4: {  	[sflag:s29] =	ssyncadd.s32 $0xFFFFFFFF  }
0xb5: {  	_ =	strace $0x90000051  }
0xb6: {  	_ =	sfence  }
0xb7: {  	s30 =	sld [smem:$0x0];
	_ =	sdelay $0x2  }
0xb8: {  	s31 =	sshll.u32 s1, $0xD;
	s1 =	sshrl.u32 s1, $0x2  }
0xb9: {  	s3 =	sand.u32 $0x4000, s31;
	s1 =	sadd.s32 s1, s30  }
0xba: {  	s0 =	sor.u32 s3, s0;
	s1 =	sshll.u32 s1, $0x11  }
0xbb: {  	s0 =	sor.u32 s1, s0  }
0xbc: {  	s0 =	sadd.s32 $0x8F2B, s0  }
0xbd: {  	[sflag:s0] =	ssyncadd.remote.s32 $0x1  }
0xbe: {  	_ =	sfence.sel $0xFFFF  }
0xbf: {  	[dreg:$0x0] =	wrdreg $0xFFFFFFFF;
	(pc) =	sbr.abs _section_cstart, $3  }
0xc0: {  	[dreg:$0x1] =	wrdreg $0xFFFFFFFF  }
0xc1: {  	_ =	task.clear_ibuf [dreg:s7], $0x2FFFF;
	_ =	strace $0x9FFFFFFF  }
0xc2: {  	(tm) =	ssettm $0x7FFFFFFF  }
0xc3: {  	_ =	shalt  }
tec
execute0_lowered:
.L_overlay_start_1:
0x0: {  	(tag) =	ssettag $0x1  }
0x1: {  	s1 =	srdreg.scid;
	s4 =	rddreg [dreg:$0x0]  }
0x2: {  	s0 =	stileid.u32;
	s7 =	rddreg [dreg:$0x1];
	s2 =	simm.s32 $0x0  }
0x3: {  	s10 =	simm.s32 $0x2800;
	s11 =	simm.s32 $0x3C00;
	s12 =	simm.s32 $0x1  }
0x4: {  	s13 =	simm.s32 $0x2;
	s3 =	sand.u32 $0x1, s1;
	s30 =	sshll.u32 s0, $0x1  }
0x5: {  	s14 =	simm.s32 $0x3;
	s15 =	simm.s32 $0x4;
	s1 =	sor.u32 s3, s30  }
0x6: {  	s16 =	simm.s32 $0x5;
	[smem:$0x7FF] =	sst s2;
	s5 =	smul.u32 $0x1400, s1  }
0x7: {  	s17 =	simm.s32 $0x0;
	s3 =	ssub.s32 $0x2, s3;
	s1 =	rddreg [dreg:$0x2]  }
0x8: {  	s31 =	sshrl.u32 s3, $0x1;
	_ =	strace $0x80000050;
	s8 =	sshrl.u32 s5, $0x3  }
0x9: {  	s9 =	ssub.s32 s3, s31;
	s6 =	sadd.s32 s8, s4;
	s7 =	sadd.s32 s7, s8  }
0xa: {  	s8 =	smax.u32 s9, $0x1;
	s9 =	simm.s32 $0x1400;
	s3 =	sadd.s32 $0x2E00, s6  }
0xb: {  	s4 =	sadd.s32 $0x7E00, s6;
	s5 =	sadd.s32 $0xCE00, s6;
	s6 =	sadd.s32 $0x20E00, s6  }
.LBB2_1:
0xc: {  	[tilespmem:s2], [sflag:$0x1] =	stream.linear.gather [hbm4b:s3+s2], $0x1400, $0x38;
	[tilespmem:$0x5000] =	vst v63  }
0xd: {  	_ = 	snop  }
0xe: {  	[tilespmem:s9], [sflag:$0x2] =	stream.linear.gather [hbm4b:s4+s2], $0x1400, $0x38;
	[tilespmem:$0x5000] =	vst v63  }
0xf: {  	_ = 	snop  }
0x10: {  	[tilespmem:s10], [sflag:$0x3] =	stream.linear.gather [hbm4b:s5+s2], $0x1400, $0x38;
	[tilespmem:$0x5000] =	vst v63  }
0x11: {  	_ = 	snop  }
0x12: {  	[tilespmem:s11], [sflag:$0x4] =	stream.linear.gather [hbm4b:s6+s2], $0x1400, $0x38;
	[tilespmem:$0x5000] =	vst v63  }
0x13: {  	_ =	swait.ge [sflag:s12], $0x1400  }
0x14: {  	[sflag:s12] =	ssyncset.done $0x0  }
0x15: {  	[sflag:s12] =	ssyncadd.s32 $0xFFFFEC00  }
0x16: {  	_ =	swait.ge [sflag:s13], $0x1400  }
0x17: {  	[sflag:s13] =	ssyncset.done $0x0  }
0x18: {  	[sflag:s13] =	ssyncadd.s32 $0xFFFFEC00  }
0x19: {  	_ =	swait.ge [sflag:s14], $0x1400  }
0x1a: {  	[sflag:s14] =	ssyncset.done $0x0  }
0x1b: {  	[sflag:s14] =	ssyncadd.s32 $0xFFFFEC00  }
0x1c: {  	_ =	swait.ge [sflag:s15], $0x1400  }
0x1d: {  	[sflag:s15] =	ssyncset.done $0x0  }
0x1e: {  	s20 =	simm.s32 $0x40;
	[sflag:s15] =	ssyncadd.s32 $0xFFFFEC00  }
0x1f: {  	s18 =	simm.s32 $0x1440;
	v0 =	vld [tilespmem:s20+$0xFFFFFFC0]  }
0x20: {  	v1 =	vld [tilespmem:s18+$0xFFFFFFC0]  }
0x21: {  	s19 =	simm.s32 $0x2840  }
0x22: {  	v2 =	vld [tilespmem:s19+$0xFFFFFFC0]  }
0x23: {  	s21 =	simm.s32 $0x3C40  }
0x24: {  	v3 =	vld [tilespmem:s21+$0xFFFFFFC0]  }
0x25: {  	v0 =	vadd.f32 v1, v0;
	_ =	sdelay $0x1  }
0x26: {  	v0 =	vadd.f32 v2, v0;
	_ =	sdelay $0x1  }
0x27: {  	v0 =	vmul.f32 v0, v3;
	_ =	sdelay $0x1  }
0x28: {  	[tilespmem:s19+$0xFFFFFFC0] =	vst v0  }
0x29: {  	v0 =	vld [tilespmem:s20+$0xFFFFFFD0]  }
0x2a: {  	v1 =	vld [tilespmem:s18+$0xFFFFFFD0];
	_ =	sdelay $0x1  }
0x2b: {  	v2 =	vld [tilespmem:s19+$0xFFFFFFD0];
	_ =	sdelay $0x1  }
0x2c: {  	v3 =	vld [tilespmem:s21+$0xFFFFFFD0]  }
0x2d: {  	v0 =	vadd.f32 v1, v0;
	_ =	sdelay $0x1  }
0x2e: {  	v0 =	vadd.f32 v2, v0;
	_ =	sdelay $0x1  }
0x2f: {  	v0 =	vmul.f32 v0, v3;
	_ =	sdelay $0x1  }
0x30: {  	[tilespmem:s19+$0xFFFFFFD0] =	vst v0  }
0x31: {  	v0 =	vld [tilespmem:s20+$0xFFFFFFE0]  }
0x32: {  	v1 =	vld [tilespmem:s18+$0xFFFFFFE0];
	_ =	sdelay $0x1  }
0x33: {  	v2 =	vld [tilespmem:s19+$0xFFFFFFE0];
	_ =	sdelay $0x1  }
0x34: {  	v3 =	vld [tilespmem:s21+$0xFFFFFFE0]  }
0x35: {  	v0 =	vadd.f32 v1, v0;
	_ =	sdelay $0x1  }
0x36: {  	v0 =	vadd.f32 v2, v0;
	_ =	sdelay $0x1  }
0x37: {  	v0 =	vmul.f32 v0, v3;
	_ =	sdelay $0x1  }
0x38: {  	[tilespmem:s19+$0xFFFFFFE0] =	vst v0  }
0x39: {  	v0 =	vld [tilespmem:s20+$0xFFFFFFF0]  }
0x3a: {  	v1 =	vld [tilespmem:s18+$0xFFFFFFF0];
	_ =	sdelay $0x1  }
0x3b: {  	v2 =	vld [tilespmem:s19+$0xFFFFFFF0];
	_ =	sdelay $0x1  }
0x3c: {  	v3 =	vld [tilespmem:s21+$0xFFFFFFF0]  }
0x3d: {  	v0 =	vadd.f32 v1, v0;
	_ =	sdelay $0x1  }
0x3e: {  	v0 =	vadd.f32 v2, v0;
	_ =	sdelay $0x1  }
0x3f: {  	v0 =	vmul.f32 v0, v3;
	_ =	sdelay $0x1  }
0x40: {  	[tilespmem:s19+$0xFFFFFFF0] =	vst v0  }
0x41: {  	v0 =	vld [tilespmem:s20+$0x0]  }
0x42: {  	v1 =	vld [tilespmem:s18+$0x0];
	_ =	sdelay $0x1  }
0x43: {  	v2 =	vld [tilespmem:s19+$0x0];
	_ =	sdelay $0x1  }
0x44: {  	v3 =	vld [tilespmem:s21+$0x0]  }
0x45: {  	v0 =	vadd.f32 v1, v0;
	_ =	sdelay $0x1  }
0x46: {  	v0 =	vadd.f32 v2, v0;
	_ =	sdelay $0x1  }
0x47: {  	v0 =	vmul.f32 v0, v3;
	_ =	sdelay $0x1  }
0x48: {  	[tilespmem:s19+$0x0] =	vst v0  }
0x49: {  	v0 =	vld [tilespmem:s20+$0x10]  }
0x4a: {  	v1 =	vld [tilespmem:s18+$0x10];
	_ =	sdelay $0x1  }
0x4b: {  	v2 =	vld [tilespmem:s19+$0x10];
	_ =	sdelay $0x1  }
0x4c: {  	v3 =	vld [tilespmem:s21+$0x10]  }
0x4d: {  	v0 =	vadd.f32 v1, v0;
	_ =	sdelay $0x1  }
0x4e: {  	v0 =	vadd.f32 v2, v0;
	_ =	sdelay $0x1  }
0x4f: {  	v0 =	vmul.f32 v0, v3;
	_ =	sdelay $0x1  }
0x50: {  	[tilespmem:s19+$0x10] =	vst v0  }
0x51: {  	v0 =	vld [tilespmem:s20+$0x20]  }
0x52: {  	v1 =	vld [tilespmem:s18+$0x20];
	_ =	sdelay $0x1  }
0x53: {  	v2 =	vld [tilespmem:s19+$0x20];
	_ =	sdelay $0x1  }
0x54: {  	v3 =	vld [tilespmem:s21+$0x20]  }
0x55: {  	v0 =	vadd.f32 v1, v0;
	_ =	sdelay $0x1  }
0x56: {  	v0 =	vadd.f32 v2, v0;
	_ =	sdelay $0x1  }
0x57: {  	v0 =	vmul.f32 v0, v3;
	_ =	sdelay $0x1  }
0x58: {  	[tilespmem:s19+$0x20] =	vst v0;
	v0 =	vld [tilespmem:s19+$0x30]  }
0x59: {  	v2 =	vld [tilespmem:s20+$0x30]  }
0x5a: {  	s22 =	simm.s32 $0xC0;
	v3 =	vld [tilespmem:s18+$0x30]  }
0x5b: {  	s23 =	simm.s32 $0x3CC0;
	s20 =	simm.s32 $0x0;
	v1 =	vld [tilespmem:s21+$0x30];
	s21 =	simm.s32 $0x2840  }
.LBB2_2:
0x5c: {  	s20 =	sadd.s32 $0x8, s20;
	s19 =	sadd.s32 $0x80, s19;
	s18 =	sadd.s32 $0x80, s18  }
0x5d: {  	p0 =	slt.u32 s20, $0x138;
	_ =	sdelay $0x1  }
0x5e: {  	v2 =	vadd.f32 v3, v2;
	_ =	sdelay $0x1  }
0x5f: {  	v0 =	vadd.f32 v0, v2;
	_ =	sdelay $0x1  }
0x60: {  	v0 =	vmul.f32 v0, v1;
	_ =	sdelay $0x1  }
0x61: {  	[tilespmem:s21+$0x30] =	vst v0;
	s21 =	smov.u32 s19  }
0x62: {  	v0 =	vld [tilespmem:s22+$0xFFFFFFC0]  }
0x63: {  	v1 =	vld [tilespmem:s18+$0xFFFFFFC0];
	_ =	sdelay $0x1  }
0x64: {  	v2 =	vld [tilespmem:s19+$0xFFFFFFC0]  }
0x65: {  	v3 =	vld [tilespmem:s23+$0xFFFFFFC0];
	_ =	sdelay $0x1  }
0x66: {  	v0 =	vadd.f32 v1, v0;
	_ =	sdelay $0x1  }
0x67: {  	v0 =	vadd.f32 v2, v0;
	_ =	sdelay $0x1  }
0x68: {  	v0 =	vmul.f32 v0, v3;
	_ =	sdelay $0x1  }
0x69: {  	[tilespmem:s19+$0xFFFFFFC0] =	vst v0  }
0x6a: {  	v0 =	vld [tilespmem:s22+$0xFFFFFFD0]  }
0x6b: {  	v1 =	vld [tilespmem:s18+$0xFFFFFFD0];
	_ =	sdelay $0x1  }
0x6c: {  	v2 =	vld [tilespmem:s19+$0xFFFFFFD0];
	_ =	sdelay $0x1  }
0x6d: {  	v3 =	vld [tilespmem:s23+$0xFFFFFFD0]  }
0x6e: {  	v0 =	vadd.f32 v1, v0;
	_ =	sdelay $0x1  }
0x6f: {  	v0 =	vadd.f32 v2, v0;
	_ =	sdelay $0x1  }
0x70: {  	v0 =	vmul.f32 v0, v3;
	_ =	sdelay $0x1  }
0x71: {  	[tilespmem:s19+$0xFFFFFFD0] =	vst v0  }
0x72: {  	v0 =	vld [tilespmem:s22+$0xFFFFFFE0]  }
0x73: {  	v1 =	vld [tilespmem:s18+$0xFFFFFFE0];
	_ =	sdelay $0x1  }
0x74: {  	v2 =	vld [tilespmem:s19+$0xFFFFFFE0];
	_ =	sdelay $0x1  }
0x75: {  	v3 =	vld [tilespmem:s23+$0xFFFFFFE0]  }
0x76: {  	v0 =	vadd.f32 v1, v0;
	_ =	sdelay $0x1  }
0x77: {  	v0 =	vadd.f32 v2, v0;
	_ =	sdelay $0x1  }
0x78: {  	v0 =	vmul.f32 v0, v3;
	_ =	sdelay $0x1  }
0x79: {  	[tilespmem:s19+$0xFFFFFFE0] =	vst v0  }
0x7a: {  	v0 =	vld [tilespmem:s22+$0xFFFFFFF0]  }
0x7b: {  	v1 =	vld [tilespmem:s18+$0xFFFFFFF0];
	_ =	sdelay $0x1  }
0x7c: {  	v2 =	vld [tilespmem:s19+$0xFFFFFFF0];
	_ =	sdelay $0x1  }
0x7d: {  	v3 =	vld [tilespmem:s23+$0xFFFFFFF0]  }
0x7e: {  	v0 =	vadd.f32 v1, v0;
	_ =	sdelay $0x1  }
0x7f: {  	v0 =	vadd.f32 v2, v0;
	_ =	sdelay $0x1  }
0x80: {  	v0 =	vmul.f32 v0, v3;
	_ =	sdelay $0x1  }
0x81: {  	[tilespmem:s19+$0xFFFFFFF0] =	vst v0  }
0x82: {  	v0 =	vld [tilespmem:s22+$0x0]  }
0x83: {  	v1 =	vld [tilespmem:s18+$0x0];
	_ =	sdelay $0x1  }
0x84: {  	v2 =	vld [tilespmem:s19+$0x0];
	_ =	sdelay $0x1  }
0x85: {  	v3 =	vld [tilespmem:s23+$0x0]  }
0x86: {  	v0 =	vadd.f32 v1, v0;
	_ =	sdelay $0x1  }
0x87: {  	v0 =	vadd.f32 v2, v0;
	_ =	sdelay $0x1  }
0x88: {  	v0 =	vmul.f32 v0, v3;
	_ =	sdelay $0x1  }
0x89: {  	[tilespmem:s19+$0x0] =	vst v0  }
0x8a: {  	v0 =	vld [tilespmem:s22+$0x10]  }
0x8b: {  	v1 =	vld [tilespmem:s18+$0x10]  }
0x8c: {  	v2 =	vld [tilespmem:s23+$0x10]  }
0x8d: {  	v3 =	vld [tilespmem:s19+$0x10];
	_ =	sdelay $0x2  }
0x8e: {  	v0 =	vadd.f32 v1, v0;
	_ =	sdelay $0x1  }
0x8f: {  	v0 =	vadd.f32 v3, v0;
	_ =	sdelay $0x1  }
0x90: {  	v0 =	vmul.f32 v0, v2;
	_ =	sdelay $0x1  }
0x91: {  	[tilespmem:s19+$0x10] =	vst v0  }
0x92: {  	v0 =	vld [tilespmem:s22+$0x20]  }
0x93: {  	v1 =	vld [tilespmem:s18+$0x20]  }
0x94: {  	v2 =	vld [tilespmem:s23+$0x20]  }
0x95: {  	v3 =	vld [tilespmem:s19+$0x20];
	_ =	sdelay $0x2  }
0x96: {  	v0 =	vadd.f32 v1, v0;
	_ =	sdelay $0x1  }
0x97: {  	v0 =	vadd.f32 v3, v0;
	_ =	sdelay $0x1  }
0x98: {  	v0 =	vmul.f32 v0, v2  }
.Ltmp0:
0x99: {  	(pc) =	sbr.rel @p0 .LBB2_2-.Ltmp0, $4  }
0x9a: {  	[tilespmem:s19+$0x20] =	vst v0;
	v0 =	vld [tilespmem:s19+$0x30]  }
0x9b: {  	v2 =	vld [tilespmem:s22+$0x30]  }
0x9c: {  	v3 =	vld [tilespmem:s18+$0x30]  }
0x9d: {  	s22 =	sadd.s32 $0x80, s22;
	v1 =	vld [tilespmem:s23+$0x30];
	s23 =	sadd.s32 $0x80, s23  }
0x9e: {  	_ =	sdelay $0x2  }
0x9f: {  	v2 =	vadd.f32 v3, v2;
	_ =	sdelay $0x1  }
0xa0: {  	v0 =	vadd.f32 v0, v2;
	_ =	sdelay $0x1  }
0xa1: {  	s17 =	sadd.s32 $0x1, s17;
	v0 =	vmul.f32 v0, v1  }
0xa2: {  	p0 =	sne.s32 s17, s8  }
.Ltmp1:
0xa3: {  	[tilespmem:s21+$0x30] =	vst v0;
	(pc) =	sbr.rel @p0 .LBB2_1-.Ltmp1, $4  }
0xa4: {  	[hbm4b:s7+s2] =	stream.linear.scatter [tilespmem:s10], [sflag:$0x5], $0x1400, $0x38;
	[tilespmem:$0x5000] =	vst v63  }
0xa5: {  	_ =	swait.ge [sflag:s16], $0x1400  }
0xa6: {  	[sflag:s16] =	ssyncset.done $0x0  }
0xa7: {  	[sflag:s16] =	ssyncadd.s32 $0xFFFFEC00  }
0xa8: {  	_ =	sfence.sel $0x180000  }
0xa9: {  	[bflag:$0x0] =	sbarrier.arrive $0xFFFF  }
0xaa: {  	p0 =	sne.s32 s0, $0x0;
	_ =	strace $0x90000050  }
0xab: {  	s0 =	sadd.s32 @!p0 $0x100000, s1;
	[bflag:$0x2] =	sbarrier.arrive $0xFFFF  }
0xac: {  	[sflag:s0] =	ssyncadd.tile.s32 @!p0 $0x1;
	_ =	shalt  }
.Lfunc_end2:
_tile_overlayer_lowered:
.L_overlay_start_2:
0xad: {  	(tag) =	ssettag $0x2  }
0xae: {  	s0 =	rddreg [dreg:$0x0];
	s2 =	stileid.u32  }
0xaf: {  	s1 =	rddreg [dreg:$0x1];
	p0 =	sne.s32 s2, $0x0  }
0xb0: {  	s3 =	rddreg [dreg:$0x2];
	[bflag:$0x3] =	sbarrier.arrive $0xFFFF;
	s2 =	simm.s32 @!p0 $0x1C05  }
0xb1: {  	[timem:s3], [sflag:s2] =	dma.local @!p0 [hbm:s0], s1  }
0xb2: {  	s0 =	simm.s32 @!p0 $0x5  }
0xb3: {  	_ =	swait.ge @!p0 [sflag:s0], s1  }
0xb4: {  	s1 =	ssub.s32 @!p0 $0x0, s1;
	[sflag:s0] =	ssyncset.done @!p0 $0x0  }
0xb5: {  	[sflag:s0] =	ssyncadd.s32 @!p0 s1  }
0xb6: {  	[bflag:$0x3] =	sbarrier.arrive $0xFFFF  }
0xb7: {  	_ =	shalt  }

// kernel: kernel.8.cloned.1.call-start
scs
__scs_entry_jumppad:
0x0: {  	(pc) =	sbr.rel $0x88, $3  }
0x1: {  	(tag) =	ssettag $0x0;
	lr =	simm.s32 $0x1  }
0x2: {  	[smem:$0x3F9B] =	sst lr;
	_ =	strace $0xD0000000  }
0x3: {  	_ = 	snop  }
0x4: {  	_ = 	snop  }
0x5: {  	_ = 	snop  }
0x6: {  	_ = 	snop  }
0x7: {  	_ = 	snop  }
__scs_overlays_trampoline_lowered:
0x8: {  	[smem:$0x3FAA] =	sst s0  }
0x9: {  	[smem:$0x3FAB] =	sst s1  }
0xa: {  	[smem:$0x3FAC] =	sst s2  }
0xb: {  	[smem:$0x3FAD] =	sst s3  }
0xc: {  	[smem:$0x3FAE] =	sst s4  }
0xd: {  	[smem:$0x3FAF] =	sst s5  }
0xe: {  	[smem:$0x3FB0] =	sst s6  }
0xf: {  	[smem:$0x3FB1] =	sst s7  }
0x10: {  	[smem:$0x3FB2] =	sst s8  }
0x11: {  	[smem:$0x3FB3] =	sst s9;
	s0 =	simm.s32 @!p0 $0x0  }
0x12: {  	s1 =	sld [smem:$0x3F99];
	s0 =	simm.s32 @p0 $0x1  }
0x13: {  	[smem:$0x3FB4] =	sst s0;
	s0 =	simm.s32 @!p1 $0x0  }
0x14: {  	s2 =	sld [smem:$0x3F98];
	s0 =	simm.s32 @p1 $0x1  }
0x15: {  	[smem:$0x3FB5] =	sst s0;
	s0 =	simm.s32 @!p2 $0x0  }
0x16: {  	s3 =	sld [smem:$0x3FDB];
	s0 =	simm.s32 @p2 $0x1  }
0x17: {  	s4 =	simm.s32 $0x1BF5;
	[smem:$0x3FB7] =	sst s0  }
0x18: {  	s0 =	sld [smem:$0x3F9A];
	_ =	swait.ge [sflag:s4], $0x0  }
0x19: {  	s7 =	sld [smem:$0x3F9B]  }
0x1a: {  	s8 =	sadd.s32 $0xFFFFE003, lr  }
0x1b: {  	s9 =	sadd.s32 $0xFFFFFEF7, lr;
	s5 =	simm.s32 $0xFFFFFFFF;
	p2 =	slt.u32 s8, $0xFFFFF086  }
0x1c: {  	p1 =	slt.u32 s9, $0xF7A;
	s5 =	simm.s32 @!p2 $0x0  }
0x1d: {  	s5 =	simm.s32 @p1 $0x1;
	p0 =	seq.s32 s7, s2  }
0x1e: {  	s7 =	smul.u32 @!p0 $0xF7A, s2;
	p2 =	seq.s32 @!p0 s5, $0x0  }
0x1f: {  	s9 =	smul.u32 $0xF7A, s1;
	s8 =	simm.s32 @!p0 $0x1BF5;
	p2 =	por !p2, p0  }
0x20: {  	[sflag:s8] =	ssyncset.s32 @!p0 $0xFFFFF086;
	s6 =	sadd.s32 @!p0 s3, s7;
	s7 =	simm.s32 @!p0 $0x108  }
0x21: {  	s3 =	sadd.s32 s3, s9;
	s6 =	sadd.s32 @!p0 $0x88, s6;
	s7 =	simm.s32 @p2 $0x1082  }
0x22: {  	[simem:s7], [sflag:s8] =	dma.local @!p0 [hbm:s6], $0xF7A  }
0x23: {  	s9 =	sor.u32 $0xD0000000, s2;
	s6 =	simm.s32 $0x108;
	_ =	swait.ge @!p0 [sflag:s8], $0x0  }
0x24: {  	s3 =	sadd.s32 $0x88, s3;
	s6 =	simm.s32 @!p1 $0x1082;
	[sflag:s4] =	ssyncset.s32 $0xFFFFF086  }
0x25: {  	[simem:s6], [sflag:s4] =	dma.local [hbm:s3], $0xF7A  }
0x26: {  	[smem:$0x3F9B] =	sst s1;
	(tag) =	ssettag s2;
	_ =	strace s9  }
0x27: {  	s1 =	sld [smem:$0x3FAB]  }
0x28: {  	s2 =	sld [smem:$0x3FAC]  }
0x29: {  	s4 =	sld [smem:$0x3FAE]  }
0x2a: {  	p0 =	seq.s32 s5, $0x0;
	s5 =	sld [smem:$0x3FAF]  }
0x2b: {  	s6 =	sld [smem:$0x3FB0]  }
0x2c: {  	s7 =	sld [smem:$0x3FB1]  }
0x2d: {  	s3 =	simm.s32 $0x108;
	s8 =	sld [smem:$0x3FB2]  }
0x2e: {  	s3 =	simm.s32 @!p0 $0x1082;
	s9 =	sld [smem:$0x3FB3]  }
0x2f: {  	lr =	sadd.s32 s0, s3;
	s0 =	sld [smem:$0x3FAA]  }
0x30: {  	s3 =	sld [smem:$0x3FAD]  }
0x31: {  	[smem:$0x3FB6] =	sst s10  }
0x32: {  	s10 =	sld [smem:$0x3FB4];
	_ =	sdelay $0x3  }
0x33: {  	p0 =	seq.s32 s10, $0x1;
	s10 =	sld [smem:$0x3FB6];
	_ =	sdelay $0x3  }
0x34: {  	[smem:$0x3FB6] =	sst s10  }
0x35: {  	s10 =	sld [smem:$0x3FB5];
	_ =	sdelay $0x3  }
0x36: {  	p1 =	seq.s32 s10, $0x1;
	s10 =	sld [smem:$0x3FB6];
	_ =	sdelay $0x3  }
0x37: {  	[smem:$0x3FB6] =	sst s10  }
0x38: {  	s10 =	sld [smem:$0x3FB7]  }
0x39: {  	_ = 	snop;
	(pc) =	sbr.ind lr, $3  }
0x3a: {  	_ = 	snop  }
0x3b: {  	_ = 	snop  }
0x3c: {  	p2 =	seq.s32 s10, $0x1;
	s10 =	sld [smem:$0x3FB6]  }
0x3d: {  	_ =	shalt  }
0x3e: {  	_ =	shalt  }
0x3f: {  	_ =	shalt  }
0x40: {  	_ =	shalt  }
0x41: {  	_ =	shalt  }
0x42: {  	_ =	shalt  }
0x43: {  	_ =	shalt  }
0x44: {  	_ =	shalt  }
0x45: {  	_ =	shalt  }
0x46: {  	_ =	shalt  }
0x47: {  	_ =	shalt  }
0x48: {  	_ =	shalt  }
0x49: {  	_ =	shalt  }
0x4a: {  	_ =	shalt  }
0x4b: {  	_ =	shalt  }
0x4c: {  	_ =	shalt  }
0x4d: {  	_ =	shalt  }
0x4e: {  	_ =	shalt  }
0x4f: {  	_ =	shalt  }
0x50: {  	_ =	shalt  }
0x51: {  	_ =	shalt  }
0x52: {  	_ =	shalt  }
0x53: {  	_ =	shalt  }
0x54: {  	_ =	shalt  }
0x55: {  	_ =	shalt  }
0x56: {  	_ =	shalt  }
0x57: {  	_ =	shalt  }
0x58: {  	_ =	shalt  }
0x59: {  	_ =	shalt  }
0x5a: {  	_ =	shalt  }
0x5b: {  	_ =	shalt  }
0x5c: {  	_ =	shalt  }
0x5d: {  	_ =	shalt  }
0x5e: {  	_ =	shalt  }
0x5f: {  	_ =	shalt  }
0x60: {  	_ =	shalt  }
0x61: {  	_ =	shalt  }
0x62: {  	_ =	shalt  }
0x63: {  	_ =	shalt  }
0x64: {  	_ =	shalt  }
0x65: {  	_ =	shalt  }
0x66: {  	_ =	shalt  }
0x67: {  	_ =	shalt  }
0x68: {  	_ =	shalt  }
0x69: {  	_ =	shalt  }
0x6a: {  	_ =	shalt  }
0x6b: {  	_ =	shalt  }
0x6c: {  	_ =	shalt  }
0x6d: {  	_ =	shalt  }
0x6e: {  	_ =	shalt  }
0x6f: {  	_ =	shalt  }
0x70: {  	_ =	shalt  }
0x71: {  	_ =	shalt  }
0x72: {  	_ =	shalt  }
0x73: {  	_ =	shalt  }
0x74: {  	_ =	shalt  }
0x75: {  	_ =	shalt  }
0x76: {  	_ =	shalt  }
0x77: {  	_ =	shalt  }
0x78: {  	_ =	shalt  }
0x79: {  	_ =	shalt  }
0x7a: {  	_ =	shalt  }
0x7b: {  	_ =	shalt  }
0x7c: {  	_ =	shalt  }
0x7d: {  	_ =	shalt  }
0x7e: {  	_ =	shalt  }
0x7f: {  	_ =	shalt  }
0x80: {  	_ =	shalt  }
0x81: {  	_ =	shalt  }
0x82: {  	_ =	shalt  }
0x83: {  	_ =	shalt  }
0x84: {  	_ =	shalt  }
0x85: {  	_ =	shalt  }
0x86: {  	_ =	shalt  }
0x87: {  	_ =	shalt  }
.Lfunc_end0:
.L_simem_size_0:
called_computation_lowered:
.L_overlay_start_0:
0x88: {  	s2 =	sld [smem:$0x3FD9]  }
0x89: {  	s3 =	sld [smem:$0x3FFE];
	_ =	sdelay $0x1  }
0x8a: {  	s1 =	srdreg.scid  }
0x8b: {  	s0 =	sand.u32 $0x1, s1  }
0x8c: {  	s17 =	sshll.u32 s0, $0xA;
	s2 =	sadd.s32 s3, s2  }
0x8d: {  	s2 =	sadd.s32 s2, s17  }
0x8e: {  	[smem:$0x3FC2] =	sst s2  }
0x8f: {  	_ = 	snop  }
0x90: {  	s2 =	sld [smem:$0x3FD0];
	(tm) =	ssettm $0x1  }
0x91: {  	s18 =	sld [smem:$0x3FFB];
	_ =	sdelay $0x3  }
0x92: {  	_ =	strace s18  }
0x93: {  	s3 =	sld [smem:$0x3FFC];
	_ =	sdelay $0x3  }
0x94: {  	_ =	strace s3  }
0x95: {  	s3 =	sld [smem:$0x3FFD];
	_ =	sdelay $0x3  }
0x96: {  	_ =	strace s3  }
0x97: {  	_ =	strace $0x8FFFFFFF  }
0x98: {  	s19 =	sld [smem:$0x3FDB];
	_ =	sdelay $0x1  }
0x99: {  	s4 =	simm.s32 $_scs_section_size  }
0x9a: {  	s5 =	simm.s32 $_size__tile_overlayer_lowered;
	s6 =	simm.s32 $_tile_overlayer_lowered  }
0x9b: {  	s22 =	simm.s32 $0x1BFF;
	s21 =	sshll.u32 s6, $0x1;
	s3 =	sadd.s32 s4, s19  }
0x9c: {  	s7 =	simm.s32 $0x0;
	s20 =	sshll.u32 s5, $0x1;
	s5 =	sadd.s32 s21, s3  }
0x9d: {  	[timem:s7], [sflag:s22] =	dma.local [hbm:s5], s20  }
0x9e: {  	_ =	swait.ge [sflag:s22], s20  }
0x9f: {  	s4 =	ssub.s32 $0x0, s20;
	[sflag:s22] =	ssyncset.done $0x0  }
0xa0: {  	[sflag:s22] =	ssyncadd.s32 s4;
	_ =	sdelay $0x1  }
0xa1: {  	s23 =	simm.s32 $0x1B8B  }
0xa2: {  	_ =	swait.ge [sflag:s23], $0x1  }
0xa3: {  	[sflag:s23] =	ssyncset.done $0x0  }
0xa4: {  	s25 =	simm.s32 $0x1B8E;
	s24 =	sld [smem:$0x3FFE];
	[sflag:s23] =	ssyncadd.s32 $0xFFFFFFFF  }
0xa5: {  	s26 =	simm.s32 $execute0_lowered;
	[smem:$0x3FD2] =	sst s25  }
0xa6: {  	s5 =	sshll.u32 s26, $0x1;
	_ =	strace $0x80000046;
	[dreg:$0x1] =	wrdreg $0xFFFFFFFF  }
0xa7: {  	s28 =	simm.s32 $_size_execute0_lowered;
	s3 =	sadd.s32 s3, s5;
	[dreg:$0x0] =	wrdreg $0x0  }
0xa8: {  	s5 =	sshll.u32 s28, $0x1;
	[dreg:$0x2] =	wrdreg s3  }
0xa9: {  	[dreg:$0x3] =	wrdreg s5  }
0xaa: {  	[dreg:$0x4] =	wrdreg $0xC0  }
0xab: {  	_ =	task [dreg:s7], $0x5FFFF  }
0xac: {  	[dreg:$0x1] =	wrdreg $0xFFFFFFFF  }
0xad: {  	[dreg:$0x0] =	wrdreg $0x60  }
0xae: {  	[dreg:$0x2] =	wrdreg s2  }
0xaf: {  	[dreg:$0x3] =	wrdreg s24  }
0xb0: {  	[dreg:$0x4] =	wrdreg $0x30000  }
0xb1: {  	[dreg:$0x5] =	wrdreg $0x9  }
0xb2: {  	_ =	task.clear_ibuf [dreg:s7], $0x6FFFF;
	_ =	strace $0x90000046  }
0xb3: {  	s29 =	simm.s32 $0x9;
	_ =	strace $0x80000048  }
0xb4: {  	_ =	swait.ge [sflag:s29], $0x1  }
0xb5: {  	[sflag:s29] =	ssyncadd.s32 $0xFFFFFFFF  }
0xb6: {  	_ =	strace $0x90000048  }
0xb7: {  	_ =	sfence  }
0xb8: {  	s30 =	sld [smem:$0x0];
	_ =	sdelay $0x2  }
0xb9: {  	s31 =	sshll.u32 s1, $0xD;
	s1 =	sshrl.u32 s1, $0x2  }
0xba: {  	s3 =	sand.u32 $0x4000, s31;
	s1 =	sadd.s32 s1, s30  }
0xbb: {  	s0 =	sor.u32 s3, s0;
	s1 =	sshll.u32 s1, $0x11  }
0xbc: {  	s0 =	sor.u32 s1, s0  }
0xbd: {  	s0 =	sadd.s32 $0x8F2B, s0  }
0xbe: {  	[sflag:s0] =	ssyncadd.remote.s32 $0x1  }
0xbf: {  	_ =	sfence.sel $0xFFFF  }
0xc0: {  	[dreg:$0x0] =	wrdreg $0xFFFFFFFF;
	(pc) =	sbr.abs _section_cstart, $3  }
0xc1: {  	[dreg:$0x1] =	wrdreg $0xFFFFFFFF  }
0xc2: {  	_ =	task.clear_ibuf [dreg:s7], $0x2FFFF;
	_ =	strace $0x9FFFFFFF  }
0xc3: {  	(tm) =	ssettm $0x7FFFFFFF  }
tec
execute0_lowered:
.L_overlay_start_1:
0x0: {  	(tag) =	ssettag $0x1  }
0x1: {  	s6 =	rddreg [dreg:$0x0]  }
0x2: {  	s7 =	rddreg [dreg:$0x1]  }
0x3: {  	s2 =	rddreg [dreg:$0x2]  }
0x4: {  	s0 =	rddreg [dreg:$0x3];
	s4 =	srdreg.scid  }
0x5: {  	s1 =	stileid.u32;
	s3 =	simm.s32 $0x0;
	s14 =	simm.s32 $0x80  }
0x6: {  	s15 =	simm.s32 $0x1;
	s16 =	simm.s32 $0x0;
	s8 =	sand.u32 $0x1, s4  }
0x7: {  	s9 =	smul.u32 $0x2800, s1;
	[smem:$0x7FF] =	sst s3;
	s30 =	sshll.u32 s1, $0x6  }
0x8: {  	s5 =	smul.u32 $0x28000, s8;
	s4 =	sshll.u32 s8, $0x4;
	_ =	strace $0x80000047  }
0x9: {  	s8 =	ssub.s32 $0x2, s8;
	s10 =	sor.u32 s1, s4;
	s4 =	sadd.s32 $0x2600, s7  }
0xa: {  	s29 =	sshrl.u32 s8, $0x1;
	s13 =	sadd.s32 s9, s2;
	s10 =	smul.u32 $0x2800, s10  }
0xb: {  	s11 =	sadd.s32 s9, s5;
	s5 =	sadd.s32 $0x2800, s7;
	s12 =	ssub.s32 s8, s29  }
0xc: {  	s11 =	sshrl.u32 s11, $0x3;
	s9 =	smax.u32 s12, $0x1;
	s10 =	sshrl.u32 s10, $0x3  }
0xd: {  	s12 =	simm.s32 $0x3;
	s11 =	sadd.s32 s11, s7;
	s31 =	sadd.s32 s6, s10  }
0xe: {  	s6 =	sor.u32 $0x1C03, s30;
	s8 =	sadd.s32 $0x2E00, s11;
	s10 =	simm.s32 $0x2800  }
0xf: {  	s11 =	sshrl.u32 s13, $0x3;
	s13 =	simm.s32 $0x2;
	s7 =	sadd.s32 $0xA000, s31  }
.LBB2_1:
0x10: {  	[tilespmem:s10], [sflag:$0x2] =	stream.linear.gather [hbm4b:s4+s3], $0x800, $0x38;
	[tilespmem:$0x5800] =	vst v63  }
0x11: {  	[spmem:s11], [sflag:s6] =	dma.local [hbm:s5], $0x500  }
0x12: {  	_ =	swait.ge [sflag:s12], $0x500  }
0x13: {  	[sflag:s12] =	ssyncset.done $0x0  }
0x14: {  	[sflag:s12] =	ssyncadd.s32 $0xFFFFFB00  }
0x15: {  	[tilespmem:s3], [sflag:$0x3] =	stream.linear.gather [hbm4b:s7+s3], $0x2800, $0x38;
	[tilespmem:$0x5800] =	vst v63  }
0x16: {  	_ =	swait.ge [sflag:s12], $0x2800  }
0x17: {  	[sflag:s12] =	ssyncset.done $0x0  }
0x18: {  	[sflag:s12] =	ssyncadd.s32 $0xFFFFD800  }
0x19: {  	_ =	swait.ge [sflag:s13], $0x800  }
0x1a: {  	[sflag:s13] =	ssyncset.done $0x0  }
0x1b: {  	[sflag:s13] =	ssyncadd.s32 $0xFFFFF800  }
0x1c: {  	s17 =	simm.s32 $0x0;
	[bflag:$0x0] =	sbarrier.arrive $0xFFFF  }
.LBB2_2:
0x1d: {  	p0 =	sne.s32 s17, $0x9E00  }
.Ltmp0:
0x1e: {  	_ = 	snop;
	(pc) =	sbr.rel @p0 .LBB2_2-.Ltmp0, $3  }
0x1f: {  	_ =	sdelay $0x1  }
0x20: {  	s18 =	sshra.s32 s17, $0x2;
	s17 =	sadd.s32 $0x200, s17  }
0x21: {  	[spmem:s2] =	stream.indirect.scatter.add.f32 [tilespmem:s10], [sflag:$0x1], $0x10, s18, s14, $0xb8;
	[tilespmem:$0x5800] =	vst v63  }
0x22: {  	_ =	swait.ge [sflag:s15], $0x800  }
0x23: {  	s17 =	simm.s32 $0x4F;
	[sflag:s15] =	ssyncset.done $0x0  }
.LBB2_4:
0x24: {  	p0 =	sne.s32 s17, $0x1;
	s17 =	sadd.s32 $0xFFFFFFFF, s17;
	[sflag:s15] =	ssyncadd.s32 $0xFFFFF800  }
.Ltmp1:
0x25: {  	(pc) =	sbr.rel @p0 .LBB2_4-.Ltmp1, $3  }
0x26: {  	_ =	sdelay $0x1  }
0x27: {  	_ =	swait.ge [sflag:s15], $0x800  }
0x28: {  	[sflag:s15] =	ssyncset.done $0x0  }
0x29: {  	s16 =	sadd.s32 $0x1, s16  }
0x2a: {  	[sflag:s15] =	ssyncadd.s32 $0xFFFFF800;
	p0 =	sne.s32 s16, s9  }
.Ltmp2:
0x2b: {  	[bflag:$0x0] =	sbarrier.arrive $0xFFFF;
	(pc) =	sbr.rel @p0 .LBB2_1-.Ltmp2, $4  }
0x2c: {  	[hbm:s8], [sflag:s6] =	dma.local [spmem:s11], $0x500  }
0x2d: {  	_ =	swait.ge [sflag:s12], $0x500  }
0x2e: {  	[sflag:s12] =	ssyncset.done $0x0  }
0x2f: {  	[sflag:s12] =	ssyncadd.s32 $0xFFFFFB00  }
0x30: {  	_ =	sfence.sel $0x180000  }
0x31: {  	[bflag:$0x0] =	sbarrier.arrive $0xFFFF  }
0x32: {  	p0 =	sne.s32 s1, $0x0;
	_ =	strace $0x90000047  }
0x33: {  	s0 =	sadd.s32 @!p0 $0x100000, s0;
	[bflag:$0x2] =	sbarrier.arrive $0xFFFF  }
0x34: {  	[sflag:s0] =	ssyncadd.tile.s32 @!p0 $0x1;
	_ =	shalt  }
.Lfunc_end2:
_tile_overlayer_lowered:
.L_overlay_start_2:
0x35: {  	(tag) =	ssettag $0x2  }
0x36: {  	s0 =	rddreg [dreg:$0x0];
	s2 =	stileid.u32  }
0x37: {  	s1 =	rddreg [dreg:$0x1];
	p0 =	sne.s32 s2, $0x0  }
0x38: {  	s3 =	rddreg [dreg:$0x2];
	[bflag:$0x3] =	sbarrier.arrive $0xFFFF;
	s2 =	simm.s32 @!p0 $0x1C03  }
0x39: {  	[timem:s3], [sflag:s2] =	dma.local @!p0 [hbm:s0], s1  }
0x3a: {  	s0 =	simm.s32 @!p0 $0x3  }
0x3b: {  	_ =	swait.ge @!p0 [sflag:s0], s1  }
0x3c: {  	s1 =	ssub.s32 @!p0 $0x0, s1;
	[sflag:s0] =	ssyncset.done @!p0 $0x0  }
0x3d: {  	[sflag:s0] =	ssyncadd.s32 @!p0 s1  }
0x3e: {  	[bflag:$0x3] =	sbarrier.arrive $0xFFFF  }
0x3f: {  	_ =	shalt  }

</sc_bundles>
